<compile_context>
chip_gen: v7x
topology: tpu7x:2x2x1
jax: 0.10.2.dev20260603
libtpu: 0.0.44.dev20260713+nightly
codegen_flags: <defaults>
</compile_context>

<pallas_src>
import functools

import jax
import jax.numpy as jnp
from jax import lax
from jax.experimental import pallas as pl
from jax.experimental.pallas import tpu as pltpu
from jax.experimental.pallas import tpu_sc as plsc

N = 10000
E = 320000
D = 128

NC = 2
NS = 16
NW = NC * NS
C = 128
TCH = 2560
FCH = 128
SCH = 32
TCH_PAD = 2624
HALF = 64
NB = 2
E_PAD = TCH * C
DUMP = N
RPT = 632
NROWS = NS * RPT
NCNT = 10048

_mesh = plsc.VectorSubcoreMesh(core_axis_name="c", subcore_axis_name="s")


def _make_agg(with_count):
  out_type = [jax.ShapeDtypeStruct((2 * NROWS, D), jnp.float32)]
  scratch = [
      pltpu.VMEM((HALF, C), jnp.int32),
      pltpu.VMEM((NB, C), jnp.int32),
      pltpu.VMEM((NB, C), jnp.int32),
      pltpu.VMEM((NB, C, D), jnp.float32),
      pltpu.VMEM_SHARED((NROWS, D), jnp.float32),
      pltpu.SemaphoreType.DMA,
  ]
  if with_count:
    out_type.append(jax.ShapeDtypeStruct((2 * NCNT,), jnp.float32))
    scratch += [
        pltpu.VMEM((C,), jnp.float32),
        pltpu.VMEM((640,), jnp.float32),
        pltpu.VMEM_SHARED((NCNT,), jnp.float32),
    ]

  def body(h_hbm, pk_hbm, *refs):
    if with_count:
      (out_hbm, cnt_hbm, pk_v, sidx_v, didx_v, rows_v, acc_sh, gsem,
       ones_v, z1_v, cnt_sh) = refs
    else:
      out_hbm, pk_v, sidx_v, didx_v, rows_v, acc_sh, gsem = refs

    c = lax.axis_index("c")
    s = lax.axis_index("s")
    r0 = s * RPT

    nch = jnp.where(c == 0, FCH, SCH)
    base = jnp.where(c == 0, s * FCH, NS * FCH + s * SCH)

    @pl.when(c == 0)
    def _():
      pltpu.sync_copy(pk_hbm.at[pl.ds(base, HALF)], pk_v)

    if SCH > 0:
      @pl.when(c == 1)
      def _():
        pltpu.sync_copy(pk_hbm.at[pl.ds(base, SCH)], pk_v.at[pl.ds(0, SCH)])

    cN = c * N

    def unpack(jj, b):
      for i in range(C // 16):
        p = pk_v[jj, pl.ds(16 * i, 16)]
        sidx_v[b, pl.ds(16 * i, 16)] = lax.bitwise_and(p, 0xFFFF) + cN
        didx_v[b, pl.ds(16 * i, 16)] = lax.shift_right_logical(p, 16)

    def zrow(i, _):
      for k in range(D // 16):
        rows_v[0, i, pl.ds(16 * k, 16)] = jnp.zeros((16,), jnp.float32)
      return 0
    lax.fori_loop(0, C, zrow, 0)
    for k in range(4):
      pltpu.sync_copy(rows_v.at[0], acc_sh.at[pl.ds(r0 + C * k, C)])
    pltpu.sync_copy(rows_v.at[0, pl.ds(0, RPT - 4 * C)],
                    acc_sh.at[pl.ds(r0 + 4 * C, RPT - 4 * C)])

    if with_count:
      def zinit(i, _):
        ones_v[pl.ds(16 * i, 16)] = jnp.ones((16,), jnp.float32)
        return 0
      lax.fori_loop(0, C // 16, zinit, 0)

      def zinit2(i, _):
        z1_v[pl.ds(16 * i, 16)] = jnp.zeros((16,), jnp.float32)
        return 0
      lax.fori_loop(0, 640 // 16, zinit2, 0)

      @pl.when(s < NS - 1)
      def _():
        pltpu.sync_copy(z1_v, cnt_sh.at[pl.ds(640 * s, 640)])

      @pl.when(s == NS - 1)
      def _():
        pltpu.sync_copy(z1_v.at[pl.ds(0, 448)],
                        cnt_sh.at[pl.ds(9600, 448)])

    plsc.subcore_barrier()

    def g_wait():
      pltpu.make_async_copy(h_hbm.at[pl.ds(0, C)], rows_v.at[0], gsem).wait()

    @pl.when(nch > 0)
    def _():
      unpack(0, 0)
      pltpu.async_copy(h_hbm.at[sidx_v.at[0]], rows_v.at[0], gsem)

    def step(j, _):
      b = lax.rem(j, NB)
      b1 = lax.rem(j + 1, NB)

      @pl.when((lax.rem(j + 1, HALF) == 0) & (j + 1 < nch))
      def _():
        off = pl.multiple_of(base + j + 1, 8)
        pltpu.sync_copy(pk_hbm.at[pl.ds(off, HALF)], pk_v)

      @pl.when(j + 1 < nch)
      def _():
        unpack(lax.rem(j + 1, HALF), b1)
        pltpu.async_copy(h_hbm.at[sidx_v.at[b1]], rows_v.at[b1], gsem)

      g_wait()
      pltpu.sync_copy(rows_v.at[b], acc_sh.at[didx_v.at[b]], add=True)
      if with_count:
        pltpu.sync_copy(ones_v, cnt_sh.at[didx_v.at[b]], add=True)
      return 0
    lax.fori_loop(0, nch, step, 0)

    plsc.subcore_barrier()

    pltpu.sync_copy(acc_sh.at[pl.ds(r0, RPT)],
                    out_hbm.at[pl.ds(c * NROWS + r0, RPT)])
    if with_count:
      @pl.when(s < NS - 1)
      def _():
        pltpu.sync_copy(cnt_sh.at[pl.ds(640 * s, 640)], z1_v)
        pltpu.sync_copy(z1_v, cnt_hbm.at[pl.ds(c * NCNT + 640 * s, 640)])

      @pl.when(s == NS - 1)
      def _():
        pltpu.sync_copy(cnt_sh.at[pl.ds(9600, 448)], z1_v.at[pl.ds(0, 448)])
        pltpu.sync_copy(z1_v.at[pl.ds(0, 448)],
                        cnt_hbm.at[pl.ds(c * NCNT + 9600, 448)])

  return pl.kernel(body, out_type=out_type, mesh=_mesh,
                   scratch_types=scratch)


_agg_cnt = _make_agg(True)
_agg = _make_agg(False)


BN = 400


def _combine_body(relu, dup, p_ref, cnt_ref, h_ref, wl_ref, wr_ref, b_ref,
                  o_ref):
  cnt = cnt_ref[0, :, 0] + cnt_ref[1, :, 0]
  cnt = jnp.maximum(cnt, 1.0)
  agg = (p_ref[0] + p_ref[1]) / cnt[:, None]
  z = (lax.dot_general(agg, wl_ref[...], (((1,), (0,)), ((), ())),
                       precision=lax.Precision.HIGHEST,
                       preferred_element_type=jnp.float32)
       + lax.dot_general(h_ref[...], wr_ref[...], (((1,), (0,)), ((), ())),
                         precision=lax.Precision.HIGHEST,
                         preferred_element_type=jnp.float32)
       + b_ref[...])
  z = jnp.maximum(z, 0.0) if relu else z
  if dup:
    o_ref[...] = jnp.broadcast_to(z[None], (2, z.shape[0], z.shape[1]))
  else:
    o_ref[...] = z


def _combine(p, cnt, h, wl, wr, b, relu, dup=True):
  if dup:
    out_spec = pl.BlockSpec((2, BN, D), lambda i: (0, i, 0))
    out_shape = jax.ShapeDtypeStruct((2, N, D), jnp.float32)
  else:
    out_spec = pl.BlockSpec((BN, D), lambda i: (i, 0))
    out_shape = jax.ShapeDtypeStruct((N, D), jnp.float32)
  f = pl.pallas_call(
      functools.partial(_combine_body, relu, dup),
      grid=(N // BN,),
      in_specs=[
          pl.BlockSpec((2, BN, D), lambda i: (0, i, 0)),
          pl.BlockSpec((2, BN, 1), lambda i: (0, i, 0)),
          pl.BlockSpec((BN, D), lambda i: (i, 0)),
          pl.BlockSpec((D, D), lambda i: (0, 0)),
          pl.BlockSpec((D, D), lambda i: (0, 0)),
          pl.BlockSpec((1, D), lambda i: (0, 0)),
      ],
      out_specs=out_spec,
      out_shape=out_shape,
  )
  return f(p, cnt, h, wl, wr, b)


def kernel(x, edge_index, W_l0, b_l0, W_r0, W_l1, b_l1, W_r1,
           W_l2, b_l2, W_r2):
  src = edge_index[0]
  dst = edge_index[1]
  pad = E_PAD - E
  packed = jnp.bitwise_or(jnp.left_shift(dst, 16), src)
  packed = jnp.concatenate(
      [packed, jnp.full((pad,), DUMP << 16, jnp.int32)]).reshape(TCH, C)
  packed = jnp.pad(packed, ((0, TCH_PAD - TCH), (0, 0)))

  xdup = jnp.concatenate([x, x], axis=0)
  p0, cflat = _agg_cnt(xdup, packed)
  cnt = cflat.reshape(2, NCNT, 1)
  h1 = _combine(p0.reshape(2, NROWS, D), cnt, x, W_l0, W_r0,
                b_l0.reshape(1, D), relu=True)
  h1f = h1.reshape(2 * N, D)
  (p1,) = _agg(h1f, packed)
  h2 = _combine(p1.reshape(2, NROWS, D), cnt, h1f, W_l1, W_r1,
                b_l1.reshape(1, D), relu=True)
  h2f = h2.reshape(2 * N, D)
  (p2,) = _agg(h2f, packed)
  out = _combine(p2.reshape(2, NROWS, D), cnt, h2f, W_l2, W_r2,
                 b_l2.reshape(1, D), relu=False, dup=False)
  return out

# --- scband reference (transcript-rebuilt; emitter-appended) ---
"""Pipeline reference for scband-graph-sage-29798483100072 (READ-ONLY COPY).

The authoritative reference and input builder live on the scoring server;
editing this copy changes nothing except your own understanding.
"""

import jax, jax.numpy as jnp
import numpy as np

N = 10000
E = 320000
D = 128


def setup_inputs(seed: int = 0) -> dict:
    key = jax.random.key(seed)
    ks = jax.random.split(key, 12)
    scale = 1.0 / np.sqrt(D)
    inp = {
        "x": jax.random.normal(ks[0], (N, D), dtype=jnp.float32),
        "edge_index": jax.random.randint(ks[1], (2, E), 0, N, dtype=jnp.int32),
    }
    for i in range(3):
        inp[f"W_l{i}"] = jax.random.normal(ks[2 + 3 * i], (D, D), dtype=jnp.float32) * scale
        inp[f"b_l{i}"] = jnp.zeros((D,), dtype=jnp.float32)
        inp[f"W_r{i}"] = jax.random.normal(ks[3 + 3 * i], (D, D), dtype=jnp.float32) * scale
    return inp


def _sage_conv(x, edge_index, W_l, b_l, W_r):
    # PyG SAGEConv (aggr='mean'): out = lin_l(mean_{j in N(i)} x_j) + lin_r(x_i)
    src = edge_index[0]
    dst = edge_index[1]
    msg = jnp.take(x, src, axis=0)
    agg_sum = jax.ops.segment_sum(msg, dst, num_segments=N)
    cnt = jax.ops.segment_sum(jnp.ones((edge_index.shape[1],), x.dtype), dst, num_segments=N)
    agg_mean = agg_sum / jnp.clip(cnt, 1.0)[:, None]
    return agg_mean @ W_l + b_l + x @ W_r


def reference(x, edge_index, W_l0, b_l0, W_r0, W_l1, b_l1, W_r1, W_l2, b_l2, W_r2):
    # 3 SAGEConv layers (in->h0->h1->out); relu + dropout(eval: identity) between layers
    h = _sage_conv(x, edge_index, W_l0, b_l0, W_r0)
    h = jax.nn.relu(h)
    h = _sage_conv(h, edge_index, W_l1, b_l1, W_r1)
    h = jax.nn.relu(h)
    h = _sage_conv(h, edge_index, W_l2, b_l2, W_r2)
    return h

if __name__ == "__main__":
    import jax
    _d = setup_inputs()
    print(jax.jit(kernel)(*tuple(_d.values())))

</pallas_src>

<mosaic_0001>
#map = affine_map<(d0, d1) -> (0, 0)>
#map1 = affine_map<(d0, d1) -> (0)>
module attributes {stable_mosaic.version = 14 : i64} {
  func.func @body(%arg0: i32, %arg1: i32, %arg2: memref<20000x128xf32, #tpu.memory_space<hbm>>, %arg3: memref<2624x128xi32, #tpu.memory_space<hbm>>, %arg4: memref<20224x128xf32, #tpu.memory_space<hbm>>, %arg5: memref<20096xf32, #tpu.memory_space<hbm>>, %arg6: memref<64x128xi32, #tpu.memory_space<vmem>>, %arg7: memref<2x128xi32, #tpu.memory_space<vmem>>, %arg8: memref<2x128xi32, #tpu.memory_space<vmem>>, %arg9: memref<2x128x128xf32, #tpu.memory_space<vmem>>, %arg10: memref<10112x128xf32, #tpu.memory_space<vmem_shared>>, %arg11: memref<!tpu.dma_semaphore, #tpu.memory_space<semaphore_mem>>, %arg12: memref<128xf32, #tpu.memory_space<vmem>>, %arg13: memref<640xf32, #tpu.memory_space<vmem>>, %arg14: memref<10048xf32, #tpu.memory_space<vmem_shared>>) attributes {dimension_semantics = [#tpu.dimension_semantics<core_parallel>, #tpu.dimension_semantics<subcore_parallel>], iteration_bounds = array<i64: 2, 16>, scalar_prefetch = 0 : i64, scratch_operands = 9 : i64, tpu.core_type = #tpu.core_type<sc_vector_subcore>, window_params = [{transform_indices = #map}, {transform_indices = #map}, {transform_indices = #map}, {transform_indices = #map1}]} {
    %mul3A = arith.constant 632 : i32
    %mul3A_0 = arith.muli %arg1, %mul3A : i32
    %eq3A = arith.constant 0 : i32
    %eq3A_1 = arith.cmpi eq, %arg0, %eq3A : i32
    %jit3A = arith.constant 128 : i32
    %jit3A_2 = arith.constant 32 : i32
    %select_n3A = arith.select %eq3A_1, %jit3A, %jit3A_2 : i32
    %eq3A_3 = arith.constant 0 : i32
    %eq3A_4 = arith.cmpi eq, %arg0, %eq3A_3 : i32
    %mul3A_5 = arith.constant 128 : i32
    %mul3A_6 = arith.muli %arg1, %mul3A_5 : i32
    %mul3A_7 = arith.constant 32 : i32
    %mul3A_8 = arith.muli %arg1, %mul3A_7 : i32
    %add3A = arith.constant 2048 : i32
    %add3A_9 = arith.addi %add3A, %mul3A_8 : i32
    %select_n3A_10 = arith.select %eq3A_4, %mul3A_6, %add3A_9 : i32
    %eq3A_11 = arith.constant 0 : i32
    %eq3A_12 = arith.cmpi eq, %arg0, %eq3A_11 : i32
    %convert_element_type3A = arith.extui %eq3A_12 : i1 to i32
    %cond3A = arith.constant 0 : i32
    %cond3A_13 = arith.cmpi ne, %convert_element_type3A, %cond3A : i32
    scf.if %cond3A_13 {
      "tpu.region"() ({
        %run_scoped3A_93 = tpu.sem_alloc : memref<!tpu.dma_semaphore, #tpu.memory_space<semaphore_mem>>
        %dma_start3A = arith.constant 0 : i32
        %dma_start3A_94 = tpu.memref_slice %arg3[%select_n3A_10, %dma_start3A] : memref<2624x128xi32, #tpu.memory_space<hbm>> -> memref<64x128xi32, #tpu.memory_space<hbm>>
        %dma_start3A_95 = arith.constant 0 : i32
        %dma_start3A_96 = tpu.memref_slice %arg3[%select_n3A_10, %dma_start3A_95] : memref<2624x128xi32, #tpu.memory_space<hbm>> -> memref<64x128xi32, #tpu.memory_space<hbm>>
        tpu.enqueue_dma source(%dma_start3A_96 : memref<64x128xi32, #tpu.memory_space<hbm>>) target(%arg6 : memref<64x128xi32, #tpu.memory_space<vmem>>) target_semaphore(%run_scoped3A_93 : memref<!tpu.dma_semaphore, #tpu.memory_space<semaphore_mem>>)
        %dma_wait3A = arith.constant 0 : i32
        %dma_wait3A_97 = tpu.memref_slice %arg3[%select_n3A_10, %dma_wait3A] : memref<2624x128xi32, #tpu.memory_space<hbm>> -> memref<64x128xi32, #tpu.memory_space<hbm>>
        %dma_wait3A_98 = arith.constant 0 : i32
        %dma_wait3A_99 = tpu.memref_slice %arg3[%select_n3A_10, %dma_wait3A_98] : memref<2624x128xi32, #tpu.memory_space<hbm>> -> memref<64x128xi32, #tpu.memory_space<hbm>>
        tpu.wait_dma2 semaphore(%run_scoped3A_93 : memref<!tpu.dma_semaphore, #tpu.memory_space<semaphore_mem>>) src(%dma_wait3A_99 : memref<64x128xi32, #tpu.memory_space<hbm>>) dst(%arg6 : memref<64x128xi32, #tpu.memory_space<vmem>>)
        tpu.yield
      }) : () -> ()
    } else {
    }
    %eq3A_14 = arith.constant 1 : i32
    %eq3A_15 = arith.cmpi eq, %arg0, %eq3A_14 : i32
    %convert_element_type3A_16 = arith.extui %eq3A_15 : i1 to i32
    %cond3A_17 = arith.constant 0 : i32
    %cond3A_18 = arith.cmpi ne, %convert_element_type3A_16, %cond3A_17 : i32
    scf.if %cond3A_18 {
      "tpu.region"() ({
        %run_scoped3A_93 = tpu.sem_alloc : memref<!tpu.dma_semaphore, #tpu.memory_space<semaphore_mem>>
        %dma_start3A = arith.constant 0 : i32
        %dma_start3A_94 = arith.constant 0 : i32
        %dma_start3A_95 = tpu.memref_slice %arg6[%dma_start3A, %dma_start3A_94] : memref<64x128xi32, #tpu.memory_space<vmem>> -> memref<32x128xi32, #tpu.memory_space<vmem>>
        %dma_start3A_96 = arith.constant 0 : i32
        %dma_start3A_97 = tpu.memref_slice %arg3[%select_n3A_10, %dma_start3A_96] : memref<2624x128xi32, #tpu.memory_space<hbm>> -> memref<32x128xi32, #tpu.memory_space<hbm>>
        %dma_start3A_98 = arith.constant 0 : i32
        %dma_start3A_99 = arith.constant 0 : i32
        %dma_start3A_100 = tpu.memref_slice %arg6[%dma_start3A_98, %dma_start3A_99] : memref<64x128xi32, #tpu.memory_space<vmem>> -> memref<32x128xi32, #tpu.memory_space<vmem>>
        %dma_start3A_101 = arith.constant 0 : i32
        %dma_start3A_102 = tpu.memref_slice %arg3[%select_n3A_10, %dma_start3A_101] : memref<2624x128xi32, #tpu.memory_space<hbm>> -> memref<32x128xi32, #tpu.memory_space<hbm>>
        tpu.enqueue_dma source(%dma_start3A_102 : memref<32x128xi32, #tpu.memory_space<hbm>>) target(%dma_start3A_100 : memref<32x128xi32, #tpu.memory_space<vmem>>) target_semaphore(%run_scoped3A_93 : memref<!tpu.dma_semaphore, #tpu.memory_space<semaphore_mem>>)
        %dma_wait3A = arith.constant 0 : i32
        %dma_wait3A_103 = arith.constant 0 : i32
        %dma_wait3A_104 = tpu.memref_slice %arg6[%dma_wait3A, %dma_wait3A_103] : memref<64x128xi32, #tpu.memory_space<vmem>> -> memref<32x128xi32, #tpu.memory_space<vmem>>
        %dma_wait3A_105 = arith.constant 0 : i32
        %dma_wait3A_106 = tpu.memref_slice %arg3[%select_n3A_10, %dma_wait3A_105] : memref<2624x128xi32, #tpu.memory_space<hbm>> -> memref<32x128xi32, #tpu.memory_space<hbm>>
        %dma_wait3A_107 = arith.constant 0 : i32
        %dma_wait3A_108 = arith.constant 0 : i32
        %dma_wait3A_109 = tpu.memref_slice %arg6[%dma_wait3A_107, %dma_wait3A_108] : memref<64x128xi32, #tpu.memory_space<vmem>> -> memref<32x128xi32, #tpu.memory_space<vmem>>
        %dma_wait3A_110 = arith.constant 0 : i32
        %dma_wait3A_111 = tpu.memref_slice %arg3[%select_n3A_10, %dma_wait3A_110] : memref<2624x128xi32, #tpu.memory_space<hbm>> -> memref<32x128xi32, #tpu.memory_space<hbm>>
        tpu.wait_dma2 semaphore(%run_scoped3A_93 : memref<!tpu.dma_semaphore, #tpu.memory_space<semaphore_mem>>) src(%dma_wait3A_111 : memref<32x128xi32, #tpu.memory_space<hbm>>) dst(%dma_wait3A_109 : memref<32x128xi32, #tpu.memory_space<vmem>>)
        tpu.yield
      }) : () -> ()
    } else {
    }
    %mul3A_19 = arith.constant 10000 : i32
    %mul3A_20 = arith.muli %arg0, %mul3A_19 : i32
    %scan3A = arith.constant 0 : i32
    %scan3A_21 = arith.constant 0 : i32
    %scan3A_22 = arith.constant 128 : i32
    %scan3A_23 = arith.addi %scan3A_21, %scan3A_22 : i32
    %scan3A_24 = arith.constant 1 : i32
    %scan3A_25 = scf.for %scan3A_93 = %scan3A_21 to %scan3A_23 step %scan3A_24 iter_args(%scan3A_94 = %scan3A) -> (i32)  : i32 {
      %broadcast_in_dim3A = arith.constant 0.000000e+00 : f32
      %broadcast_in_dim3A_95 = vector.broadcast %broadcast_in_dim3A : f32 to vector<16xf32>
      %swap3A = arith.constant 0 : i32
      %swap3A_96 = arith.index_cast %swap3A : i32 to index
      %swap3A_97 = arith.index_cast %scan3A_93 : i32 to index
      %swap3A_98 = arith.constant 0 : index
      %swap3A_99 = tpu.vector_load %arg9[%swap3A_96, %swap3A_97, %swap3A_98] {strides = array<i32>} : memref<2x128x128xf32, #tpu.memory_space<vmem>>, vector<1x1x16xf32>,
      %swap3A_100 = vector.shape_cast %swap3A_99 : vector<1x1x16xf32> to vector<16xf32>
      %swap3A_101 = vector.shape_cast %broadcast_in_dim3A_95 : vector<16xf32> to vector<1x1x16xf32>
      tpu.vector_store %arg9[%swap3A_96, %swap3A_97, %swap3A_98], %swap3A_101 {strides = array<i32>} : memref<2x128x128xf32, #tpu.memory_space<vmem>>, vector<1x1x16xf32>,
      %broadcast_in_dim3A_102 = arith.constant 0.000000e+00 : f32
      %broadcast_in_dim3A_103 = vector.broadcast %broadcast_in_dim3A_102 : f32 to vector<16xf32>
      %swap3A_104 = arith.constant 0 : i32
      %swap3A_105 = arith.index_cast %swap3A_104 : i32 to index
      %swap3A_106 = arith.index_cast %scan3A_93 : i32 to index
      %swap3A_107 = arith.constant 16 : index
      %swap3A_108 = tpu.vector_load %arg9[%swap3A_105, %swap3A_106, %swap3A_107] {strides = array<i32>} : memref<2x128x128xf32, #tpu.memory_space<vmem>>, vector<1x1x16xf32>,
      %swap3A_109 = vector.shape_cast %swap3A_108 : vector<1x1x16xf32> to vector<16xf32>
      %swap3A_110 = vector.shape_cast %broadcast_in_dim3A_103 : vector<16xf32> to vector<1x1x16xf32>
      tpu.vector_store %arg9[%swap3A_105, %swap3A_106, %swap3A_107], %swap3A_110 {strides = array<i32>} : memref<2x128x128xf32, #tpu.memory_space<vmem>>, vector<1x1x16xf32>,
      %broadcast_in_dim3A_111 = arith.constant 0.000000e+00 : f32
      %broadcast_in_dim3A_112 = vector.broadcast %broadcast_in_dim3A_111 : f32 to vector<16xf32>
      %swap3A_113 = arith.constant 0 : i32
      %swap3A_114 = arith.index_cast %swap3A_113 : i32 to index
      %swap3A_115 = arith.index_cast %scan3A_93 : i32 to index
      %swap3A_116 = arith.constant 32 : index
      %swap3A_117 = tpu.vector_load %arg9[%swap3A_114, %swap3A_115, %swap3A_116] {strides = array<i32>} : memref<2x128x128xf32, #tpu.memory_space<vmem>>, vector<1x1x16xf32>,
      %swap3A_118 = vector.shape_cast %swap3A_117 : vector<1x1x16xf32> to vector<16xf32>
      %swap3A_119 = vector.shape_cast %broadcast_in_dim3A_112 : vector<16xf32> to vector<1x1x16xf32>
      tpu.vector_store %arg9[%swap3A_114, %swap3A_115, %swap3A_116], %swap3A_119 {strides = array<i32>} : memref<2x128x128xf32, #tpu.memory_space<vmem>>, vector<1x1x16xf32>,
      %broadcast_in_dim3A_120 = arith.constant 0.000000e+00 : f32
      %broadcast_in_dim3A_121 = vector.broadcast %broadcast_in_dim3A_120 : f32 to vector<16xf32>
      %swap3A_122 = arith.constant 0 : i32
      %swap3A_123 = arith.index_cast %swap3A_122 : i32 to index
      %swap3A_124 = arith.index_cast %scan3A_93 : i32 to index
      %swap3A_125 = arith.constant 48 : index
      %swap3A_126 = tpu.vector_load %arg9[%swap3A_123, %swap3A_124, %swap3A_125] {strides = array<i32>} : memref<2x128x128xf32, #tpu.memory_space<vmem>>, vector<1x1x16xf32>,
      %swap3A_127 = vector.shape_cast %swap3A_126 : vector<1x1x16xf32> to vector<16xf32>
      %swap3A_128 = vector.shape_cast %broadcast_in_dim3A_121 : vector<16xf32> to vector<1x1x16xf32>
      tpu.vector_store %arg9[%swap3A_123, %swap3A_124, %swap3A_125], %swap3A_128 {strides = array<i32>} : memref<2x128x128xf32, #tpu.memory_space<vmem>>, vector<1x1x16xf32>,
      %broadcast_in_dim3A_129 = arith.constant 0.000000e+00 : f32
      %broadcast_in_dim3A_130 = vector.broadcast %broadcast_in_dim3A_129 : f32 to vector<16xf32>
      %swap3A_131 = arith.constant 0 : i32
      %swap3A_132 = arith.index_cast %swap3A_131 : i32 to index
      %swap3A_133 = arith.index_cast %scan3A_93 : i32 to index
      %swap3A_134 = arith.constant 64 : index
      %swap3A_135 = tpu.vector_load %arg9[%swap3A_132, %swap3A_133, %swap3A_134] {strides = array<i32>} : memref<2x128x128xf32, #tpu.memory_space<vmem>>, vector<1x1x16xf32>,
      %swap3A_136 = vector.shape_cast %swap3A_135 : vector<1x1x16xf32> to vector<16xf32>
      %swap3A_137 = vector.shape_cast %broadcast_in_dim3A_130 : vector<16xf32> to vector<1x1x16xf32>
      tpu.vector_store %arg9[%swap3A_132, %swap3A_133, %swap3A_134], %swap3A_137 {strides = array<i32>} : memref<2x128x128xf32, #tpu.memory_space<vmem>>, vector<1x1x16xf32>,
      %broadcast_in_dim3A_138 = arith.constant 0.000000e+00 : f32
      %broadcast_in_dim3A_139 = vector.broadcast %broadcast_in_dim3A_138 : f32 to vector<16xf32>
      %swap3A_140 = arith.constant 0 : i32
      %swap3A_141 = arith.index_cast %swap3A_140 : i32 to index
      %swap3A_142 = arith.index_cast %scan3A_93 : i32 to index
      %swap3A_143 = arith.constant 80 : index
      %swap3A_144 = tpu.vector_load %arg9[%swap3A_141, %swap3A_142, %swap3A_143] {strides = array<i32>} : memref<2x128x128xf32, #tpu.memory_space<vmem>>, vector<1x1x16xf32>,
      %swap3A_145 = vector.shape_cast %swap3A_144 : vector<1x1x16xf32> to vector<16xf32>
      %swap3A_146 = vector.shape_cast %broadcast_in_dim3A_139 : vector<16xf32> to vector<1x1x16xf32>
      tpu.vector_store %arg9[%swap3A_141, %swap3A_142, %swap3A_143], %swap3A_146 {strides = array<i32>} : memref<2x128x128xf32, #tpu.memory_space<vmem>>, vector<1x1x16xf32>,
      %broadcast_in_dim3A_147 = arith.constant 0.000000e+00 : f32
      %broadcast_in_dim3A_148 = vector.broadcast %broadcast_in_dim3A_147 : f32 to vector<16xf32>
      %swap3A_149 = arith.constant 0 : i32
      %swap3A_150 = arith.index_cast %swap3A_149 : i32 to index
      %swap3A_151 = arith.index_cast %scan3A_93 : i32 to index
      %swap3A_152 = arith.constant 96 : index
      %swap3A_153 = tpu.vector_load %arg9[%swap3A_150, %swap3A_151, %swap3A_152] {strides = array<i32>} : memref<2x128x128xf32, #tpu.memory_space<vmem>>, vector<1x1x16xf32>,
      %swap3A_154 = vector.shape_cast %swap3A_153 : vector<1x1x16xf32> to vector<16xf32>
      %swap3A_155 = vector.shape_cast %broadcast_in_dim3A_148 : vector<16xf32> to vector<1x1x16xf32>
      tpu.vector_store %arg9[%swap3A_150, %swap3A_151, %swap3A_152], %swap3A_155 {strides = array<i32>} : memref<2x128x128xf32, #tpu.memory_space<vmem>>, vector<1x1x16xf32>,
      %broadcast_in_dim3A_156 = arith.constant 0.000000e+00 : f32
      %broadcast_in_dim3A_157 = vector.broadcast %broadcast_in_dim3A_156 : f32 to vector<16xf32>
      %swap3A_158 = arith.constant 0 : i32
      %swap3A_159 = arith.index_cast %swap3A_158 : i32 to index
      %swap3A_160 = arith.index_cast %scan3A_93 : i32 to index
      %swap3A_161 = arith.constant 112 : index
      %swap3A_162 = tpu.vector_load %arg9[%swap3A_159, %swap3A_160, %swap3A_161] {strides = array<i32>} : memref<2x128x128xf32, #tpu.memory_space<vmem>>, vector<1x1x16xf32>,
      %swap3A_163 = vector.shape_cast %swap3A_162 : vector<1x1x16xf32> to vector<16xf32>
      %swap3A_164 = vector.shape_cast %broadcast_in_dim3A_157 : vector<16xf32> to vector<1x1x16xf32>
      tpu.vector_store %arg9[%swap3A_159, %swap3A_160, %swap3A_161], %swap3A_164 {strides = array<i32>} : memref<2x128x128xf32, #tpu.memory_space<vmem>>, vector<1x1x16xf32>,
      %scan3A_165 = arith.constant 0 : i32
      scf.yield %scan3A_165 : i32
    }
    %scan3A_26 = arith.constant 128 : i32
    %add3A_27 = arith.constant 0 : i32
    %add3A_28 = arith.addi %mul3A_0, %add3A_27 : i32
    %run_scoped3A = arith.constant 0 : i32
    "tpu.region"() ({
      %run_scoped3A_93 = tpu.sem_alloc : memref<!tpu.dma_semaphore, #tpu.memory_space<semaphore_mem>>
      %dma_start3A = arith.constant 0 : i32
      %dma_start3A_94 = arith.constant 0 : i32
      %dma_start3A_95 = tpu.memref_slice %arg9[%run_scoped3A, %dma_start3A, %dma_start3A_94] : memref<2x128x128xf32, #tpu.memory_space<vmem>> -> memref<1x128x128xf32, #tpu.memory_space<vmem>>
      %dma_start3A_96 = tpu.memref_squeeze %dma_start3A_95 : memref<1x128x128xf32, #tpu.memory_space<vmem>> -> memref<128x128xf32, #tpu.memory_space<vmem>>
      %dma_start3A_97 = arith.constant 0 : i32
      %dma_start3A_98 = tpu.memref_slice %arg10[%add3A_28, %dma_start3A_97] : memref<10112x128xf32, #tpu.memory_space<vmem_shared>> -> memref<128x128xf32, #tpu.memory_space<vmem_shared>>
      %dma_start3A_99 = arith.constant 0 : i32
      %dma_start3A_100 = tpu.memref_slice %arg10[%add3A_28, %dma_start3A_99] : memref<10112x128xf32, #tpu.memory_space<vmem_shared>> -> memref<128x128xf32, #tpu.memory_space<vmem_shared>>
      %dma_start3A_101 = arith.constant 0 : i32
      %dma_start3A_102 = arith.constant 0 : i32
      %dma_start3A_103 = tpu.memref_slice %arg9[%run_scoped3A, %dma_start3A_101, %dma_start3A_102] : memref<2x128x128xf32, #tpu.memory_space<vmem>> -> memref<1x128x128xf32, #tpu.memory_space<vmem>>
      %dma_start3A_104 = tpu.memref_squeeze %dma_start3A_103 : memref<1x128x128xf32, #tpu.memory_space<vmem>> -> memref<128x128xf32, #tpu.memory_space<vmem>>
      tpu.enqueue_dma source(%dma_start3A_104 : memref<128x128xf32, #tpu.memory_space<vmem>>) target(%dma_start3A_100 : memref<128x128xf32, #tpu.memory_space<vmem_shared>>) target_semaphore(%run_scoped3A_93 : memref<!tpu.dma_semaphore, #tpu.memory_space<semaphore_mem>>)
      %dma_wait3A = arith.constant 0 : i32
      %dma_wait3A_105 = arith.constant 0 : i32
      %dma_wait3A_106 = tpu.memref_slice %arg9[%run_scoped3A, %dma_wait3A, %dma_wait3A_105] : memref<2x128x128xf32, #tpu.memory_space<vmem>> -> memref<1x128x128xf32, #tpu.memory_space<vmem>>
      %dma_wait3A_107 = tpu.memref_squeeze %dma_wait3A_106 : memref<1x128x128xf32, #tpu.memory_space<vmem>> -> memref<128x128xf32, #tpu.memory_space<vmem>>
      %dma_wait3A_108 = arith.constant 0 : i32
      %dma_wait3A_109 = tpu.memref_slice %arg10[%add3A_28, %dma_wait3A_108] : memref<10112x128xf32, #tpu.memory_space<vmem_shared>> -> memref<128x128xf32, #tpu.memory_space<vmem_shared>>
      %dma_wait3A_110 = arith.constant 0 : i32
      %dma_wait3A_111 = tpu.memref_slice %arg10[%add3A_28, %dma_wait3A_110] : memref<10112x128xf32, #tpu.memory_space<vmem_shared>> -> memref<128x128xf32, #tpu.memory_space<vmem_shared>>
      %dma_wait3A_112 = arith.constant 0 : i32
      %dma_wait3A_113 = arith.constant 0 : i32
      %dma_wait3A_114 = tpu.memref_slice %arg9[%run_scoped3A, %dma_wait3A_112, %dma_wait3A_113] : memref<2x128x128xf32, #tpu.memory_space<vmem>> -> memref<1x128x128xf32, #tpu.memory_space<vmem>>
      %dma_wait3A_115 = tpu.memref_squeeze %dma_wait3A_114 : memref<1x128x128xf32, #tpu.memory_space<vmem>> -> memref<128x128xf32, #tpu.memory_space<vmem>>
      tpu.wait_dma2 semaphore(%run_scoped3A_93 : memref<!tpu.dma_semaphore, #tpu.memory_space<semaphore_mem>>) src(%dma_wait3A_115 : memref<128x128xf32, #tpu.memory_space<vmem>>) dst(%dma_wait3A_111 : memref<128x128xf32, #tpu.memory_space<vmem_shared>>)
      tpu.yield
    }) : () -> ()
    %add3A_29 = arith.constant 128 : i32
    %add3A_30 = arith.addi %mul3A_0, %add3A_29 : i32
    %run_scoped3A_31 = arith.constant 0 : i32
    "tpu.region"() ({
      %run_scoped3A_93 = tpu.sem_alloc : memref<!tpu.dma_semaphore, #tpu.memory_space<semaphore_mem>>
      %dma_start3A = arith.constant 0 : i32
      %dma_start3A_94 = arith.constant 0 : i32
      %dma_start3A_95 = tpu.memref_slice %arg9[%run_scoped3A_31, %dma_start3A, %dma_start3A_94] : memref<2x128x128xf32, #tpu.memory_space<vmem>> -> memref<1x128x128xf32, #tpu.memory_space<vmem>>
      %dma_start3A_96 = tpu.memref_squeeze %dma_start3A_95 : memref<1x128x128xf32, #tpu.memory_space<vmem>> -> memref<128x128xf32, #tpu.memory_space<vmem>>
      %dma_start3A_97 = arith.constant 0 : i32
      %dma_start3A_98 = tpu.memref_slice %arg10[%add3A_30, %dma_start3A_97] : memref<10112x128xf32, #tpu.memory_space<vmem_shared>> -> memref<128x128xf32, #tpu.memory_space<vmem_shared>>
      %dma_start3A_99 = arith.constant 0 : i32
      %dma_start3A_100 = tpu.memref_slice %arg10[%add3A_30, %dma_start3A_99] : memref<10112x128xf32, #tpu.memory_space<vmem_shared>> -> memref<128x128xf32, #tpu.memory_space<vmem_shared>>
      %dma_start3A_101 = arith.constant 0 : i32
      %dma_start3A_102 = arith.constant 0 : i32
      %dma_start3A_103 = tpu.memref_slice %arg9[%run_scoped3A_31, %dma_start3A_101, %dma_start3A_102] : memref<2x128x128xf32, #tpu.memory_space<vmem>> -> memref<1x128x128xf32, #tpu.memory_space<vmem>>
      %dma_start3A_104 = tpu.memref_squeeze %dma_start3A_103 : memref<1x128x128xf32, #tpu.memory_space<vmem>> -> memref<128x128xf32, #tpu.memory_space<vmem>>
      tpu.enqueue_dma source(%dma_start3A_104 : memref<128x128xf32, #tpu.memory_space<vmem>>) target(%dma_start3A_100 : memref<128x128xf32, #tpu.memory_space<vmem_shared>>) target_semaphore(%run_scoped3A_93 : memref<!tpu.dma_semaphore, #tpu.memory_space<semaphore_mem>>)
      %dma_wait3A = arith.constant 0 : i32
      %dma_wait3A_105 = arith.constant 0 : i32
      %dma_wait3A_106 = tpu.memref_slice %arg9[%run_scoped3A_31, %dma_wait3A, %dma_wait3A_105] : memref<2x128x128xf32, #tpu.memory_space<vmem>> -> memref<1x128x128xf32, #tpu.memory_space<vmem>>
      %dma_wait3A_107 = tpu.memref_squeeze %dma_wait3A_106 : memref<1x128x128xf32, #tpu.memory_space<vmem>> -> memref<128x128xf32, #tpu.memory_space<vmem>>
      %dma_wait3A_108 = arith.constant 0 : i32
      %dma_wait3A_109 = tpu.memref_slice %arg10[%add3A_30, %dma_wait3A_108] : memref<10112x128xf32, #tpu.memory_space<vmem_shared>> -> memref<128x128xf32, #tpu.memory_space<vmem_shared>>
      %dma_wait3A_110 = arith.constant 0 : i32
      %dma_wait3A_111 = tpu.memref_slice %arg10[%add3A_30, %dma_wait3A_110] : memref<10112x128xf32, #tpu.memory_space<vmem_shared>> -> memref<128x128xf32, #tpu.memory_space<vmem_shared>>
      %dma_wait3A_112 = arith.constant 0 : i32
      %dma_wait3A_113 = arith.constant 0 : i32
      %dma_wait3A_114 = tpu.memref_slice %arg9[%run_scoped3A_31, %dma_wait3A_112, %dma_wait3A_113] : memref<2x128x128xf32, #tpu.memory_space<vmem>> -> memref<1x128x128xf32, #tpu.memory_space<vmem>>
      %dma_wait3A_115 = tpu.memref_squeeze %dma_wait3A_114 : memref<1x128x128xf32, #tpu.memory_space<vmem>> -> memref<128x128xf32, #tpu.memory_space<vmem>>
      tpu.wait_dma2 semaphore(%run_scoped3A_93 : memref<!tpu.dma_semaphore, #tpu.memory_space<semaphore_mem>>) src(%dma_wait3A_115 : memref<128x128xf32, #tpu.memory_space<vmem>>) dst(%dma_wait3A_111 : memref<128x128xf32, #tpu.memory_space<vmem_shared>>)
      tpu.yield
    }) : () -> ()
    %add3A_32 = arith.constant 256 : i32
    %add3A_33 = arith.addi %mul3A_0, %add3A_32 : i32
    %run_scoped3A_34 = arith.constant 0 : i32
    "tpu.region"() ({
      %run_scoped3A_93 = tpu.sem_alloc : memref<!tpu.dma_semaphore, #tpu.memory_space<semaphore_mem>>
      %dma_start3A = arith.constant 0 : i32
      %dma_start3A_94 = arith.constant 0 : i32
      %dma_start3A_95 = tpu.memref_slice %arg9[%run_scoped3A_34, %dma_start3A, %dma_start3A_94] : memref<2x128x128xf32, #tpu.memory_space<vmem>> -> memref<1x128x128xf32, #tpu.memory_space<vmem>>
      %dma_start3A_96 = tpu.memref_squeeze %dma_start3A_95 : memref<1x128x128xf32, #tpu.memory_space<vmem>> -> memref<128x128xf32, #tpu.memory_space<vmem>>
      %dma_start3A_97 = arith.constant 0 : i32
      %dma_start3A_98 = tpu.memref_slice %arg10[%add3A_33, %dma_start3A_97] : memref<10112x128xf32, #tpu.memory_space<vmem_shared>> -> memref<128x128xf32, #tpu.memory_space<vmem_shared>>
      %dma_start3A_99 = arith.constant 0 : i32
      %dma_start3A_100 = tpu.memref_slice %arg10[%add3A_33, %dma_start3A_99] : memref<10112x128xf32, #tpu.memory_space<vmem_shared>> -> memref<128x128xf32, #tpu.memory_space<vmem_shared>>
      %dma_start3A_101 = arith.constant 0 : i32
      %dma_start3A_102 = arith.constant 0 : i32
      %dma_start3A_103 = tpu.memref_slice %arg9[%run_scoped3A_34, %dma_start3A_101, %dma_start3A_102] : memref<2x128x128xf32, #tpu.memory_space<vmem>> -> memref<1x128x128xf32, #tpu.memory_space<vmem>>
      %dma_start3A_104 = tpu.memref_squeeze %dma_start3A_103 : memref<1x128x128xf32, #tpu.memory_space<vmem>> -> memref<128x128xf32, #tpu.memory_space<vmem>>
      tpu.enqueue_dma source(%dma_start3A_104 : memref<128x128xf32, #tpu.memory_space<vmem>>) target(%dma_start3A_100 : memref<128x128xf32, #tpu.memory_space<vmem_shared>>) target_semaphore(%run_scoped3A_93 : memref<!tpu.dma_semaphore, #tpu.memory_space<semaphore_mem>>)
      %dma_wait3A = arith.constant 0 : i32
      %dma_wait3A_105 = arith.constant 0 : i32
      %dma_wait3A_106 = tpu.memref_slice %arg9[%run_scoped3A_34, %dma_wait3A, %dma_wait3A_105] : memref<2x128x128xf32, #tpu.memory_space<vmem>> -> memref<1x128x128xf32, #tpu.memory_space<vmem>>
      %dma_wait3A_107 = tpu.memref_squeeze %dma_wait3A_106 : memref<1x128x128xf32, #tpu.memory_space<vmem>> -> memref<128x128xf32, #tpu.memory_space<vmem>>
      %dma_wait3A_108 = arith.constant 0 : i32
      %dma_wait3A_109 = tpu.memref_slice %arg10[%add3A_33, %dma_wait3A_108] : memref<10112x128xf32, #tpu.memory_space<vmem_shared>> -> memref<128x128xf32, #tpu.memory_space<vmem_shared>>
      %dma_wait3A_110 = arith.constant 0 : i32
      %dma_wait3A_111 = tpu.memref_slice %arg10[%add3A_33, %dma_wait3A_110] : memref<10112x128xf32, #tpu.memory_space<vmem_shared>> -> memref<128x128xf32, #tpu.memory_space<vmem_shared>>
      %dma_wait3A_112 = arith.constant 0 : i32
      %dma_wait3A_113 = arith.constant 0 : i32
      %dma_wait3A_114 = tpu.memref_slice %arg9[%run_scoped3A_34, %dma_wait3A_112, %dma_wait3A_113] : memref<2x128x128xf32, #tpu.memory_space<vmem>> -> memref<1x128x128xf32, #tpu.memory_space<vmem>>
      %dma_wait3A_115 = tpu.memref_squeeze %dma_wait3A_114 : memref<1x128x128xf32, #tpu.memory_space<vmem>> -> memref<128x128xf32, #tpu.memory_space<vmem>>
      tpu.wait_dma2 semaphore(%run_scoped3A_93 : memref<!tpu.dma_semaphore, #tpu.memory_space<semaphore_mem>>) src(%dma_wait3A_115 : memref<128x128xf32, #tpu.memory_space<vmem>>) dst(%dma_wait3A_111 : memref<128x128xf32, #tpu.memory_space<vmem_shared>>)
      tpu.yield
    }) : () -> ()
    %add3A_35 = arith.constant 384 : i32
    %add3A_36 = arith.addi %mul3A_0, %add3A_35 : i32
    %run_scoped3A_37 = arith.constant 0 : i32
    "tpu.region"() ({
      %run_scoped3A_93 = tpu.sem_alloc : memref<!tpu.dma_semaphore, #tpu.memory_space<semaphore_mem>>
      %dma_start3A = arith.constant 0 : i32
      %dma_start3A_94 = arith.constant 0 : i32
      %dma_start3A_95 = tpu.memref_slice %arg9[%run_scoped3A_37, %dma_start3A, %dma_start3A_94] : memref<2x128x128xf32, #tpu.memory_space<vmem>> -> memref<1x128x128xf32, #tpu.memory_space<vmem>>
      %dma_start3A_96 = tpu.memref_squeeze %dma_start3A_95 : memref<1x128x128xf32, #tpu.memory_space<vmem>> -> memref<128x128xf32, #tpu.memory_space<vmem>>
      %dma_start3A_97 = arith.constant 0 : i32
      %dma_start3A_98 = tpu.memref_slice %arg10[%add3A_36, %dma_start3A_97] : memref<10112x128xf32, #tpu.memory_space<vmem_shared>> -> memref<128x128xf32, #tpu.memory_space<vmem_shared>>
      %dma_start3A_99 = arith.constant 0 : i32
      %dma_start3A_100 = tpu.memref_slice %arg10[%add3A_36, %dma_start3A_99] : memref<10112x128xf32, #tpu.memory_space<vmem_shared>> -> memref<128x128xf32, #tpu.memory_space<vmem_shared>>
      %dma_start3A_101 = arith.constant 0 : i32
      %dma_start3A_102 = arith.constant 0 : i32
      %dma_start3A_103 = tpu.memref_slice %arg9[%run_scoped3A_37, %dma_start3A_101, %dma_start3A_102] : memref<2x128x128xf32, #tpu.memory_space<vmem>> -> memref<1x128x128xf32, #tpu.memory_space<vmem>>
      %dma_start3A_104 = tpu.memref_squeeze %dma_start3A_103 : memref<1x128x128xf32, #tpu.memory_space<vmem>> -> memref<128x128xf32, #tpu.memory_space<vmem>>
      tpu.enqueue_dma source(%dma_start3A_104 : memref<128x128xf32, #tpu.memory_space<vmem>>) target(%dma_start3A_100 : memref<128x128xf32, #tpu.memory_space<vmem_shared>>) target_semaphore(%run_scoped3A_93 : memref<!tpu.dma_semaphore, #tpu.memory_space<semaphore_mem>>)
      %dma_wait3A = arith.constant 0 : i32
      %dma_wait3A_105 = arith.constant 0 : i32
      %dma_wait3A_106 = tpu.memref_slice %arg9[%run_scoped3A_37, %dma_wait3A, %dma_wait3A_105] : memref<2x128x128xf32, #tpu.memory_space<vmem>> -> memref<1x128x128xf32, #tpu.memory_space<vmem>>
      %dma_wait3A_107 = tpu.memref_squeeze %dma_wait3A_106 : memref<1x128x128xf32, #tpu.memory_space<vmem>> -> memref<128x128xf32, #tpu.memory_space<vmem>>
      %dma_wait3A_108 = arith.constant 0 : i32
      %dma_wait3A_109 = tpu.memref_slice %arg10[%add3A_36, %dma_wait3A_108] : memref<10112x128xf32, #tpu.memory_space<vmem_shared>> -> memref<128x128xf32, #tpu.memory_space<vmem_shared>>
      %dma_wait3A_110 = arith.constant 0 : i32
      %dma_wait3A_111 = tpu.memref_slice %arg10[%add3A_36, %dma_wait3A_110] : memref<10112x128xf32, #tpu.memory_space<vmem_shared>> -> memref<128x128xf32, #tpu.memory_space<vmem_shared>>
      %dma_wait3A_112 = arith.constant 0 : i32
      %dma_wait3A_113 = arith.constant 0 : i32
      %dma_wait3A_114 = tpu.memref_slice %arg9[%run_scoped3A_37, %dma_wait3A_112, %dma_wait3A_113] : memref<2x128x128xf32, #tpu.memory_space<vmem>> -> memref<1x128x128xf32, #tpu.memory_space<vmem>>
      %dma_wait3A_115 = tpu.memref_squeeze %dma_wait3A_114 : memref<1x128x128xf32, #tpu.memory_space<vmem>> -> memref<128x128xf32, #tpu.memory_space<vmem>>
      tpu.wait_dma2 semaphore(%run_scoped3A_93 : memref<!tpu.dma_semaphore, #tpu.memory_space<semaphore_mem>>) src(%dma_wait3A_115 : memref<128x128xf32, #tpu.memory_space<vmem>>) dst(%dma_wait3A_111 : memref<128x128xf32, #tpu.memory_space<vmem_shared>>)
      tpu.yield
    }) : () -> ()
    %add3A_38 = arith.constant 512 : i32
    %add3A_39 = arith.addi %mul3A_0, %add3A_38 : i32
    %run_scoped3A_40 = arith.constant 0 : i32
    "tpu.region"() ({
      %run_scoped3A_93 = tpu.sem_alloc : memref<!tpu.dma_semaphore, #tpu.memory_space<semaphore_mem>>
      %dma_start3A = arith.constant 0 : i32
      %dma_start3A_94 = arith.constant 0 : i32
      %dma_start3A_95 = tpu.memref_slice %arg9[%run_scoped3A_40, %dma_start3A, %dma_start3A_94] : memref<2x128x128xf32, #tpu.memory_space<vmem>> -> memref<1x120x128xf32, #tpu.memory_space<vmem>>
      %dma_start3A_96 = tpu.memref_squeeze %dma_start3A_95 : memref<1x120x128xf32, #tpu.memory_space<vmem>> -> memref<120x128xf32, #tpu.memory_space<vmem>>
      %dma_start3A_97 = arith.constant 0 : i32
      %dma_start3A_98 = tpu.memref_slice %arg10[%add3A_39, %dma_start3A_97] : memref<10112x128xf32, #tpu.memory_space<vmem_shared>> -> memref<120x128xf32, #tpu.memory_space<vmem_shared>>
      %dma_start3A_99 = arith.constant 0 : i32
      %dma_start3A_100 = tpu.memref_slice %arg10[%add3A_39, %dma_start3A_99] : memref<10112x128xf32, #tpu.memory_space<vmem_shared>> -> memref<120x128xf32, #tpu.memory_space<vmem_shared>>
      %dma_start3A_101 = arith.constant 0 : i32
      %dma_start3A_102 = arith.constant 0 : i32
      %dma_start3A_103 = tpu.memref_slice %arg9[%run_scoped3A_40, %dma_start3A_101, %dma_start3A_102] : memref<2x128x128xf32, #tpu.memory_space<vmem>> -> memref<1x120x128xf32, #tpu.memory_space<vmem>>
      %dma_start3A_104 = tpu.memref_squeeze %dma_start3A_103 : memref<1x120x128xf32, #tpu.memory_space<vmem>> -> memref<120x128xf32, #tpu.memory_space<vmem>>
      tpu.enqueue_dma source(%dma_start3A_104 : memref<120x128xf32, #tpu.memory_space<vmem>>) target(%dma_start3A_100 : memref<120x128xf32, #tpu.memory_space<vmem_shared>>) target_semaphore(%run_scoped3A_93 : memref<!tpu.dma_semaphore, #tpu.memory_space<semaphore_mem>>)
      %dma_wait3A = arith.constant 0 : i32
      %dma_wait3A_105 = arith.constant 0 : i32
      %dma_wait3A_106 = tpu.memref_slice %arg9[%run_scoped3A_40, %dma_wait3A, %dma_wait3A_105] : memref<2x128x128xf32, #tpu.memory_space<vmem>> -> memref<1x120x128xf32, #tpu.memory_space<vmem>>
      %dma_wait3A_107 = tpu.memref_squeeze %dma_wait3A_106 : memref<1x120x128xf32, #tpu.memory_space<vmem>> -> memref<120x128xf32, #tpu.memory_space<vmem>>
      %dma_wait3A_108 = arith.constant 0 : i32
      %dma_wait3A_109 = tpu.memref_slice %arg10[%add3A_39, %dma_wait3A_108] : memref<10112x128xf32, #tpu.memory_space<vmem_shared>> -> memref<120x128xf32, #tpu.memory_space<vmem_shared>>
      %dma_wait3A_110 = arith.constant 0 : i32
      %dma_wait3A_111 = tpu.memref_slice %arg10[%add3A_39, %dma_wait3A_110] : memref<10112x128xf32, #tpu.memory_space<vmem_shared>> -> memref<120x128xf32, #tpu.memory_space<vmem_shared>>
      %dma_wait3A_112 = arith.constant 0 : i32
      %dma_wait3A_113 = arith.constant 0 : i32
      %dma_wait3A_114 = tpu.memref_slice %arg9[%run_scoped3A_40, %dma_wait3A_112, %dma_wait3A_113] : memref<2x128x128xf32, #tpu.memory_space<vmem>> -> memref<1x120x128xf32, #tpu.memory_space<vmem>>
      %dma_wait3A_115 = tpu.memref_squeeze %dma_wait3A_114 : memref<1x120x128xf32, #tpu.memory_space<vmem>> -> memref<120x128xf32, #tpu.memory_space<vmem>>
      tpu.wait_dma2 semaphore(%run_scoped3A_93 : memref<!tpu.dma_semaphore, #tpu.memory_space<semaphore_mem>>) src(%dma_wait3A_115 : memref<120x128xf32, #tpu.memory_space<vmem>>) dst(%dma_wait3A_111 : memref<120x128xf32, #tpu.memory_space<vmem_shared>>)
      tpu.yield
    }) : () -> ()
    %scan3A_41 = arith.constant 0 : i32
    %scan3A_42 = arith.constant 0 : i32
    %scan3A_43 = arith.constant 8 : i32
    %scan3A_44 = arith.addi %scan3A_42, %scan3A_43 : i32
    %scan3A_45 = arith.constant 1 : i32
    %scan3A_46 = scf.for %scan3A_93 = %scan3A_42 to %scan3A_44 step %scan3A_45 iter_args(%scan3A_94 = %scan3A_41) -> (i32)  : i32 {
      %broadcast_in_dim3A = arith.constant 1.000000e+00 : f32
      %broadcast_in_dim3A_95 = vector.broadcast %broadcast_in_dim3A : f32 to vector<16xf32>
      %mul3A_96 = arith.constant 16 : i32
      %mul3A_97 = arith.muli %mul3A_96, %scan3A_93 : i32
      %swap3A = arith.index_cast %mul3A_97 : i32 to index
      %swap3A_98 = tpu.vector_load %arg12[%swap3A] {strides = array<i32>} : memref<128xf32, #tpu.memory_space<vmem>>, vector<16xf32>,
      %swap3A_99 = vector.shape_cast %swap3A_98 : vector<16xf32> to vector<16xf32>
      %swap3A_100 = vector.shape_cast %broadcast_in_dim3A_95 : vector<16xf32> to vector<16xf32>
      tpu.vector_store %arg12[%swap3A], %swap3A_100 {strides = array<i32>} : memref<128xf32, #tpu.memory_space<vmem>>, vector<16xf32>,
      %scan3A_101 = arith.constant 0 : i32
      scf.yield %scan3A_101 : i32
    }
    %scan3A_47 = arith.constant 8 : i32
    %scan3A_48 = arith.constant 0 : i32
    %scan3A_49 = arith.constant 0 : i32
    %scan3A_50 = arith.constant 40 : i32
    %scan3A_51 = arith.addi %scan3A_49, %scan3A_50 : i32
    %scan3A_52 = arith.constant 1 : i32
    %scan3A_53 = scf.for %scan3A_93 = %scan3A_49 to %scan3A_51 step %scan3A_52 iter_args(%scan3A_94 = %scan3A_48) -> (i32)  : i32 {
      %broadcast_in_dim3A = arith.constant 0.000000e+00 : f32
      %broadcast_in_dim3A_95 = vector.broadcast %broadcast_in_dim3A : f32 to vector<16xf32>
      %mul3A_96 = arith.constant 16 : i32
      %mul3A_97 = arith.muli %mul3A_96, %scan3A_93 : i32
      %swap3A = arith.index_cast %mul3A_97 : i32 to index
      %swap3A_98 = tpu.vector_load %arg13[%swap3A] {strides = array<i32>} : memref<640xf32, #tpu.memory_space<vmem>>, vector<16xf32>,
      %swap3A_99 = vector.shape_cast %swap3A_98 : vector<16xf32> to vector<16xf32>
      %swap3A_100 = vector.shape_cast %broadcast_in_dim3A_95 : vector<16xf32> to vector<16xf32>
      tpu.vector_store %arg13[%swap3A], %swap3A_100 {strides = array<i32>} : memref<640xf32, #tpu.memory_space<vmem>>, vector<16xf32>,
      %scan3A_101 = arith.constant 0 : i32
      scf.yield %scan3A_101 : i32
    }
    %scan3A_54 = arith.constant 40 : i32
    %lt3A = arith.constant 15 : i32
    %lt3A_55 = arith.cmpi slt, %arg1, %lt3A : i32
    %convert_element_type3A_56 = arith.extui %lt3A_55 : i1 to i32
    %cond3A_57 = arith.constant 0 : i32
    %cond3A_58 = arith.cmpi ne, %convert_element_type3A_56, %cond3A_57 : i32
    scf.if %cond3A_58 {
      %mul3A_93 = arith.constant 640 : i32
      %mul3A_94 = arith.muli %mul3A_93, %arg1 : i32
      "tpu.region"() ({
        %run_scoped3A_95 = tpu.sem_alloc : memref<!tpu.dma_semaphore, #tpu.memory_space<semaphore_mem>>
        %dma_start3A = tpu.memref_slice %arg14[%mul3A_94] : memref<10048xf32, #tpu.memory_space<vmem_shared>> -> memref<640xf32, #tpu.memory_space<vmem_shared>>
        %dma_start3A_96 = tpu.memref_slice %arg14[%mul3A_94] : memref<10048xf32, #tpu.memory_space<vmem_shared>> -> memref<640xf32, #tpu.memory_space<vmem_shared>>
        tpu.enqueue_dma source(%arg13 : memref<640xf32, #tpu.memory_space<vmem>>) target(%dma_start3A_96 : memref<640xf32, #tpu.memory_space<vmem_shared>>) target_semaphore(%run_scoped3A_95 : memref<!tpu.dma_semaphore, #tpu.memory_space<semaphore_mem>>)
        %dma_wait3A = tpu.memref_slice %arg14[%mul3A_94] : memref<10048xf32, #tpu.memory_space<vmem_shared>> -> memref<640xf32, #tpu.memory_space<vmem_shared>>
        %dma_wait3A_97 = tpu.memref_slice %arg14[%mul3A_94] : memref<10048xf32, #tpu.memory_space<vmem_shared>> -> memref<640xf32, #tpu.memory_space<vmem_shared>>
        tpu.wait_dma2 semaphore(%run_scoped3A_95 : memref<!tpu.dma_semaphore, #tpu.memory_space<semaphore_mem>>) src(%arg13 : memref<640xf32, #tpu.memory_space<vmem>>) dst(%dma_wait3A_97 : memref<640xf32, #tpu.memory_space<vmem_shared>>)
        tpu.yield
      }) : () -> ()
    } else {
    }
    %eq3A_59 = arith.constant 15 : i32
    %eq3A_60 = arith.cmpi eq, %arg1, %eq3A_59 : i32
    %convert_element_type3A_61 = arith.extui %eq3A_60 : i1 to i32
    %cond3A_62 = arith.constant 0 : i32
    %cond3A_63 = arith.cmpi ne, %convert_element_type3A_61, %cond3A_62 : i32
    scf.if %cond3A_63 {
      "tpu.region"() ({
        %run_scoped3A_93 = tpu.sem_alloc : memref<!tpu.dma_semaphore, #tpu.memory_space<semaphore_mem>>
        %dma_start3A = arith.constant 0 : i32
        %dma_start3A_94 = tpu.memref_slice %arg13[%dma_start3A] : memref<640xf32, #tpu.memory_space<vmem>> -> memref<448xf32, #tpu.memory_space<vmem>>
        %dma_start3A_95 = arith.constant 9600 : i32
        %dma_start3A_96 = tpu.memref_slice %arg14[%dma_start3A_95] : memref<10048xf32, #tpu.memory_space<vmem_shared>> -> memref<448xf32, #tpu.memory_space<vmem_shared>>
        %dma_start3A_97 = arith.constant 9600 : i32
        %dma_start3A_98 = tpu.memref_slice %arg14[%dma_start3A_97] : memref<10048xf32, #tpu.memory_space<vmem_shared>> -> memref<448xf32, #tpu.memory_space<vmem_shared>>
        %dma_start3A_99 = arith.constant 0 : i32
        %dma_start3A_100 = tpu.memref_slice %arg13[%dma_start3A_99] : memref<640xf32, #tpu.memory_space<vmem>> -> memref<448xf32, #tpu.memory_space<vmem>>
        tpu.enqueue_dma source(%dma_start3A_100 : memref<448xf32, #tpu.memory_space<vmem>>) target(%dma_start3A_98 : memref<448xf32, #tpu.memory_space<vmem_shared>>) target_semaphore(%run_scoped3A_93 : memref<!tpu.dma_semaphore, #tpu.memory_space<semaphore_mem>>)
        %dma_wait3A = arith.constant 0 : i32
        %dma_wait3A_101 = tpu.memref_slice %arg13[%dma_wait3A] : memref<640xf32, #tpu.memory_space<vmem>> -> memref<448xf32, #tpu.memory_space<vmem>>
        %dma_wait3A_102 = arith.constant 9600 : i32
        %dma_wait3A_103 = tpu.memref_slice %arg14[%dma_wait3A_102] : memref<10048xf32, #tpu.memory_space<vmem_shared>> -> memref<448xf32, #tpu.memory_space<vmem_shared>>
        %dma_wait3A_104 = arith.constant 9600 : i32
        %dma_wait3A_105 = tpu.memref_slice %arg14[%dma_wait3A_104] : memref<10048xf32, #tpu.memory_space<vmem_shared>> -> memref<448xf32, #tpu.memory_space<vmem_shared>>
        %dma_wait3A_106 = arith.constant 0 : i32
        %dma_wait3A_107 = tpu.memref_slice %arg13[%dma_wait3A_106] : memref<640xf32, #tpu.memory_space<vmem>> -> memref<448xf32, #tpu.memory_space<vmem>>
        tpu.wait_dma2 semaphore(%run_scoped3A_93 : memref<!tpu.dma_semaphore, #tpu.memory_space<semaphore_mem>>) src(%dma_wait3A_107 : memref<448xf32, #tpu.memory_space<vmem>>) dst(%dma_wait3A_105 : memref<448xf32, #tpu.memory_space<vmem_shared>>)
        tpu.yield
      }) : () -> ()
    } else {
    }
    %barrier3A = arith.constant 0 : index
    tpu.barrier barrier_id(%barrier3A)
    %gt3A = arith.constant 0 : i32
    %gt3A_64 = arith.cmpi sgt, %select_n3A, %gt3A : i32
    %convert_element_type3A_65 = arith.extui %gt3A_64 : i1 to i32
    %cond3A_66 = arith.constant 0 : i32
    %cond3A_67 = arith.cmpi ne, %convert_element_type3A_65, %cond3A_66 : i32
    scf.if %cond3A_67 {
      %get3A = arith.constant 0 : i32
      %get3A_93 = arith.index_cast %get3A : i32 to index
      %get3A_94 = arith.constant 0 : index
      %get3A_95 = tpu.vector_load %arg6[%get3A_93, %get3A_94] {strides = array<i32>} : memref<64x128xi32, #tpu.memory_space<vmem>>, vector<1x16xi32>,
      %get3A_96 = vector.shape_cast %get3A_95 : vector<1x16xi32> to vector<16xi32>
      %and3A = arith.constant 65535 : i32
      %and3A_97 = vector.broadcast %and3A : i32 to vector<16xi32>
      %and3A_98 = arith.andi %get3A_96, %and3A_97 : vector<16xi32>
      %add3A_99 = vector.broadcast %mul3A_20 : i32 to vector<16xi32>
      %add3A_100 = arith.addi %and3A_98, %add3A_99 : vector<16xi32>
      %swap3A = arith.constant 0 : i32
      %swap3A_101 = arith.index_cast %swap3A : i32 to index
      %swap3A_102 = arith.constant 0 : index
      %swap3A_103 = tpu.vector_load %arg7[%swap3A_101, %swap3A_102] {strides = array<i32>} : memref<2x128xi32, #tpu.memory_space<vmem>>, vector<1x16xi32>,
      %swap3A_104 = vector.shape_cast %swap3A_103 : vector<1x16xi32> to vector<16xi32>
      %swap3A_105 = vector.shape_cast %add3A_100 : vector<16xi32> to vector<1x16xi32>
      tpu.vector_store %arg7[%swap3A_101, %swap3A_102], %swap3A_105 {strides = array<i32>} : memref<2x128xi32, #tpu.memory_space<vmem>>, vector<1x16xi32>,
      %shift_right_logical3A = arith.constant 16 : i32
      %shift_right_logical3A_106 = vector.broadcast %shift_right_logical3A : i32 to vector<16xi32>
      %shift_right_logical3A_107 = arith.shrui %get3A_96, %shift_right_logical3A_106 : vector<16xi32>
      %swap3A_108 = arith.constant 0 : i32
      %swap3A_109 = arith.index_cast %swap3A_108 : i32 to index
      %swap3A_110 = arith.constant 0 : index
      %swap3A_111 = tpu.vector_load %arg8[%swap3A_109, %swap3A_110] {strides = array<i32>} : memref<2x128xi32, #tpu.memory_space<vmem>>, vector<1x16xi32>,
      %swap3A_112 = vector.shape_cast %swap3A_111 : vector<1x16xi32> to vector<16xi32>
      %swap3A_113 = vector.shape_cast %shift_right_logical3A_107 : vector<16xi32> to vector<1x16xi32>
      tpu.vector_store %arg8[%swap3A_109, %swap3A_110], %swap3A_113 {strides = array<i32>} : memref<2x128xi32, #tpu.memory_space<vmem>>, vector<1x16xi32>,
      %get3A_114 = arith.constant 0 : i32
      %get3A_115 = arith.index_cast %get3A_114 : i32 to index
      %get3A_116 = arith.constant 16 : index
      %get3A_117 = tpu.vector_load %arg6[%get3A_115, %get3A_116] {strides = array<i32>} : memref<64x128xi32, #tpu.memory_space<vmem>>, vector<1x16xi32>,
      %get3A_118 = vector.shape_cast %get3A_117 : vector<1x16xi32> to vector<16xi32>
      %and3A_119 = arith.constant 65535 : i32
      %and3A_120 = vector.broadcast %and3A_119 : i32 to vector<16xi32>
      %and3A_121 = arith.andi %get3A_118, %and3A_120 : vector<16xi32>
      %add3A_122 = vector.broadcast %mul3A_20 : i32 to vector<16xi32>
      %add3A_123 = arith.addi %and3A_121, %add3A_122 : vector<16xi32>
      %swap3A_124 = arith.constant 0 : i32
      %swap3A_125 = arith.index_cast %swap3A_124 : i32 to index
      %swap3A_126 = arith.constant 16 : index
      %swap3A_127 = tpu.vector_load %arg7[%swap3A_125, %swap3A_126] {strides = array<i32>} : memref<2x128xi32, #tpu.memory_space<vmem>>, vector<1x16xi32>,
      %swap3A_128 = vector.shape_cast %swap3A_127 : vector<1x16xi32> to vector<16xi32>
      %swap3A_129 = vector.shape_cast %add3A_123 : vector<16xi32> to vector<1x16xi32>
      tpu.vector_store %arg7[%swap3A_125, %swap3A_126], %swap3A_129 {strides = array<i32>} : memref<2x128xi32, #tpu.memory_space<vmem>>, vector<1x16xi32>,
      %shift_right_logical3A_130 = arith.constant 16 : i32
      %shift_right_logical3A_131 = vector.broadcast %shift_right_logical3A_130 : i32 to vector<16xi32>
      %shift_right_logical3A_132 = arith.shrui %get3A_118, %shift_right_logical3A_131 : vector<16xi32>
      %swap3A_133 = arith.constant 0 : i32
      %swap3A_134 = arith.index_cast %swap3A_133 : i32 to index
      %swap3A_135 = arith.constant 16 : index
      %swap3A_136 = tpu.vector_load %arg8[%swap3A_134, %swap3A_135] {strides = array<i32>} : memref<2x128xi32, #tpu.memory_space<vmem>>, vector<1x16xi32>,
      %swap3A_137 = vector.shape_cast %swap3A_136 : vector<1x16xi32> to vector<16xi32>
      %swap3A_138 = vector.shape_cast %shift_right_logical3A_132 : vector<16xi32> to vector<1x16xi32>
      tpu.vector_store %arg8[%swap3A_134, %swap3A_135], %swap3A_138 {strides = array<i32>} : memref<2x128xi32, #tpu.memory_space<vmem>>, vector<1x16xi32>,
      %get3A_139 = arith.constant 0 : i32
      %get3A_140 = arith.index_cast %get3A_139 : i32 to index
      %get3A_141 = arith.constant 32 : index
      %get3A_142 = tpu.vector_load %arg6[%get3A_140, %get3A_141] {strides = array<i32>} : memref<64x128xi32, #tpu.memory_space<vmem>>, vector<1x16xi32>,
      %get3A_143 = vector.shape_cast %get3A_142 : vector<1x16xi32> to vector<16xi32>
      %and3A_144 = arith.constant 65535 : i32
      %and3A_145 = vector.broadcast %and3A_144 : i32 to vector<16xi32>
      %and3A_146 = arith.andi %get3A_143, %and3A_145 : vector<16xi32>
      %add3A_147 = vector.broadcast %mul3A_20 : i32 to vector<16xi32>
      %add3A_148 = arith.addi %and3A_146, %add3A_147 : vector<16xi32>
      %swap3A_149 = arith.constant 0 : i32
      %swap3A_150 = arith.index_cast %swap3A_149 : i32 to index
      %swap3A_151 = arith.constant 32 : index
      %swap3A_152 = tpu.vector_load %arg7[%swap3A_150, %swap3A_151] {strides = array<i32>} : memref<2x128xi32, #tpu.memory_space<vmem>>, vector<1x16xi32>,
      %swap3A_153 = vector.shape_cast %swap3A_152 : vector<1x16xi32> to vector<16xi32>
      %swap3A_154 = vector.shape_cast %add3A_148 : vector<16xi32> to vector<1x16xi32>
      tpu.vector_store %arg7[%swap3A_150, %swap3A_151], %swap3A_154 {strides = array<i32>} : memref<2x128xi32, #tpu.memory_space<vmem>>, vector<1x16xi32>,
      %shift_right_logical3A_155 = arith.constant 16 : i32
      %shift_right_logical3A_156 = vector.broadcast %shift_right_logical3A_155 : i32 to vector<16xi32>
      %shift_right_logical3A_157 = arith.shrui %get3A_143, %shift_right_logical3A_156 : vector<16xi32>
      %swap3A_158 = arith.constant 0 : i32
      %swap3A_159 = arith.index_cast %swap3A_158 : i32 to index
      %swap3A_160 = arith.constant 32 : index
      %swap3A_161 = tpu.vector_load %arg8[%swap3A_159, %swap3A_160] {strides = array<i32>} : memref<2x128xi32, #tpu.memory_space<vmem>>, vector<1x16xi32>,
      %swap3A_162 = vector.shape_cast %swap3A_161 : vector<1x16xi32> to vector<16xi32>
      %swap3A_163 = vector.shape_cast %shift_right_logical3A_157 : vector<16xi32> to vector<1x16xi32>
      tpu.vector_store %arg8[%swap3A_159, %swap3A_160], %swap3A_163 {strides = array<i32>} : memref<2x128xi32, #tpu.memory_space<vmem>>, vector<1x16xi32>,
      %get3A_164 = arith.constant 0 : i32
      %get3A_165 = arith.index_cast %get3A_164 : i32 to index
      %get3A_166 = arith.constant 48 : index
      %get3A_167 = tpu.vector_load %arg6[%get3A_165, %get3A_166] {strides = array<i32>} : memref<64x128xi32, #tpu.memory_space<vmem>>, vector<1x16xi32>,
      %get3A_168 = vector.shape_cast %get3A_167 : vector<1x16xi32> to vector<16xi32>
      %and3A_169 = arith.constant 65535 : i32
      %and3A_170 = vector.broadcast %and3A_169 : i32 to vector<16xi32>
      %and3A_171 = arith.andi %get3A_168, %and3A_170 : vector<16xi32>
      %add3A_172 = vector.broadcast %mul3A_20 : i32 to vector<16xi32>
      %add3A_173 = arith.addi %and3A_171, %add3A_172 : vector<16xi32>
      %swap3A_174 = arith.constant 0 : i32
      %swap3A_175 = arith.index_cast %swap3A_174 : i32 to index
      %swap3A_176 = arith.constant 48 : index
      %swap3A_177 = tpu.vector_load %arg7[%swap3A_175, %swap3A_176] {strides = array<i32>} : memref<2x128xi32, #tpu.memory_space<vmem>>, vector<1x16xi32>,
      %swap3A_178 = vector.shape_cast %swap3A_177 : vector<1x16xi32> to vector<16xi32>
      %swap3A_179 = vector.shape_cast %add3A_173 : vector<16xi32> to vector<1x16xi32>
      tpu.vector_store %arg7[%swap3A_175, %swap3A_176], %swap3A_179 {strides = array<i32>} : memref<2x128xi32, #tpu.memory_space<vmem>>, vector<1x16xi32>,
      %shift_right_logical3A_180 = arith.constant 16 : i32
      %shift_right_logical3A_181 = vector.broadcast %shift_right_logical3A_180 : i32 to vector<16xi32>
      %shift_right_logical3A_182 = arith.shrui %get3A_168, %shift_right_logical3A_181 : vector<16xi32>
      %swap3A_183 = arith.constant 0 : i32
      %swap3A_184 = arith.index_cast %swap3A_183 : i32 to index
      %swap3A_185 = arith.constant 48 : index
      %swap3A_186 = tpu.vector_load %arg8[%swap3A_184, %swap3A_185] {strides = array<i32>} : memref<2x128xi32, #tpu.memory_space<vmem>>, vector<1x16xi32>,
      %swap3A_187 = vector.shape_cast %swap3A_186 : vector<1x16xi32> to vector<16xi32>
      %swap3A_188 = vector.shape_cast %shift_right_logical3A_182 : vector<16xi32> to vector<1x16xi32>
      tpu.vector_store %arg8[%swap3A_184, %swap3A_185], %swap3A_188 {strides = array<i32>} : memref<2x128xi32, #tpu.memory_space<vmem>>, vector<1x16xi32>,
      %get3A_189 = arith.constant 0 : i32
      %get3A_190 = arith.index_cast %get3A_189 : i32 to index
      %get3A_191 = arith.constant 64 : index
      %get3A_192 = tpu.vector_load %arg6[%get3A_190, %get3A_191] {strides = array<i32>} : memref<64x128xi32, #tpu.memory_space<vmem>>, vector<1x16xi32>,
      %get3A_193 = vector.shape_cast %get3A_192 : vector<1x16xi32> to vector<16xi32>
      %and3A_194 = arith.constant 65535 : i32
      %and3A_195 = vector.broadcast %and3A_194 : i32 to vector<16xi32>
      %and3A_196 = arith.andi %get3A_193, %and3A_195 : vector<16xi32>
      %add3A_197 = vector.broadcast %mul3A_20 : i32 to vector<16xi32>
      %add3A_198 = arith.addi %and3A_196, %add3A_197 : vector<16xi32>
      %swap3A_199 = arith.constant 0 : i32
      %swap3A_200 = arith.index_cast %swap3A_199 : i32 to index
      %swap3A_201 = arith.constant 64 : index
      %swap3A_202 = tpu.vector_load %arg7[%swap3A_200, %swap3A_201] {strides = array<i32>} : memref<2x128xi32, #tpu.memory_space<vmem>>, vector<1x16xi32>,
      %swap3A_203 = vector.shape_cast %swap3A_202 : vector<1x16xi32> to vector<16xi32>
      %swap3A_204 = vector.shape_cast %add3A_198 : vector<16xi32> to vector<1x16xi32>
      tpu.vector_store %arg7[%swap3A_200, %swap3A_201], %swap3A_204 {strides = array<i32>} : memref<2x128xi32, #tpu.memory_space<vmem>>, vector<1x16xi32>,
      %shift_right_logical3A_205 = arith.constant 16 : i32
      %shift_right_logical3A_206 = vector.broadcast %shift_right_logical3A_205 : i32 to vector<16xi32>
      %shift_right_logical3A_207 = arith.shrui %get3A_193, %shift_right_logical3A_206 : vector<16xi32>
      %swap3A_208 = arith.constant 0 : i32
      %swap3A_209 = arith.index_cast %swap3A_208 : i32 to index
      %swap3A_210 = arith.constant 64 : index
      %swap3A_211 = tpu.vector_load %arg8[%swap3A_209, %swap3A_210] {strides = array<i32>} : memref<2x128xi32, #tpu.memory_space<vmem>>, vector<1x16xi32>,
      %swap3A_212 = vector.shape_cast %swap3A_211 : vector<1x16xi32> to vector<16xi32>
      %swap3A_213 = vector.shape_cast %shift_right_logical3A_207 : vector<16xi32> to vector<1x16xi32>
      tpu.vector_store %arg8[%swap3A_209, %swap3A_210], %swap3A_213 {strides = array<i32>} : memref<2x128xi32, #tpu.memory_space<vmem>>, vector<1x16xi32>,
      %get3A_214 = arith.constant 0 : i32
      %get3A_215 = arith.index_cast %get3A_214 : i32 to index
      %get3A_216 = arith.constant 80 : index
      %get3A_217 = tpu.vector_load %arg6[%get3A_215, %get3A_216] {strides = array<i32>} : memref<64x128xi32, #tpu.memory_space<vmem>>, vector<1x16xi32>,
      %get3A_218 = vector.shape_cast %get3A_217 : vector<1x16xi32> to vector<16xi32>
      %and3A_219 = arith.constant 65535 : i32
      %and3A_220 = vector.broadcast %and3A_219 : i32 to vector<16xi32>
      %and3A_221 = arith.andi %get3A_218, %and3A_220 : vector<16xi32>
      %add3A_222 = vector.broadcast %mul3A_20 : i32 to vector<16xi32>
      %add3A_223 = arith.addi %and3A_221, %add3A_222 : vector<16xi32>
      %swap3A_224 = arith.constant 0 : i32
      %swap3A_225 = arith.index_cast %swap3A_224 : i32 to index
      %swap3A_226 = arith.constant 80 : index
      %swap3A_227 = tpu.vector_load %arg7[%swap3A_225, %swap3A_226] {strides = array<i32>} : memref<2x128xi32, #tpu.memory_space<vmem>>, vector<1x16xi32>,
      %swap3A_228 = vector.shape_cast %swap3A_227 : vector<1x16xi32> to vector<16xi32>
      %swap3A_229 = vector.shape_cast %add3A_223 : vector<16xi32> to vector<1x16xi32>
      tpu.vector_store %arg7[%swap3A_225, %swap3A_226], %swap3A_229 {strides = array<i32>} : memref<2x128xi32, #tpu.memory_space<vmem>>, vector<1x16xi32>,
      %shift_right_logical3A_230 = arith.constant 16 : i32
      %shift_right_logical3A_231 = vector.broadcast %shift_right_logical3A_230 : i32 to vector<16xi32>
      %shift_right_logical3A_232 = arith.shrui %get3A_218, %shift_right_logical3A_231 : vector<16xi32>
      %swap3A_233 = arith.constant 0 : i32
      %swap3A_234 = arith.index_cast %swap3A_233 : i32 to index
      %swap3A_235 = arith.constant 80 : index
      %swap3A_236 = tpu.vector_load %arg8[%swap3A_234, %swap3A_235] {strides = array<i32>} : memref<2x128xi32, #tpu.memory_space<vmem>>, vector<1x16xi32>,
      %swap3A_237 = vector.shape_cast %swap3A_236 : vector<1x16xi32> to vector<16xi32>
      %swap3A_238 = vector.shape_cast %shift_right_logical3A_232 : vector<16xi32> to vector<1x16xi32>
      tpu.vector_store %arg8[%swap3A_234, %swap3A_235], %swap3A_238 {strides = array<i32>} : memref<2x128xi32, #tpu.memory_space<vmem>>, vector<1x16xi32>,
      %get3A_239 = arith.constant 0 : i32
      %get3A_240 = arith.index_cast %get3A_239 : i32 to index
      %get3A_241 = arith.constant 96 : index
      %get3A_242 = tpu.vector_load %arg6[%get3A_240, %get3A_241] {strides = array<i32>} : memref<64x128xi32, #tpu.memory_space<vmem>>, vector<1x16xi32>,
      %get3A_243 = vector.shape_cast %get3A_242 : vector<1x16xi32> to vector<16xi32>
      %and3A_244 = arith.constant 65535 : i32
      %and3A_245 = vector.broadcast %and3A_244 : i32 to vector<16xi32>
      %and3A_246 = arith.andi %get3A_243, %and3A_245 : vector<16xi32>
      %add3A_247 = vector.broadcast %mul3A_20 : i32 to vector<16xi32>
      %add3A_248 = arith.addi %and3A_246, %add3A_247 : vector<16xi32>
      %swap3A_249 = arith.constant 0 : i32
      %swap3A_250 = arith.index_cast %swap3A_249 : i32 to index
      %swap3A_251 = arith.constant 96 : index
      %swap3A_252 = tpu.vector_load %arg7[%swap3A_250, %swap3A_251] {strides = array<i32>} : memref<2x128xi32, #tpu.memory_space<vmem>>, vector<1x16xi32>,
      %swap3A_253 = vector.shape_cast %swap3A_252 : vector<1x16xi32> to vector<16xi32>
      %swap3A_254 = vector.shape_cast %add3A_248 : vector<16xi32> to vector<1x16xi32>
      tpu.vector_store %arg7[%swap3A_250, %swap3A_251], %swap3A_254 {strides = array<i32>} : memref<2x128xi32, #tpu.memory_space<vmem>>, vector<1x16xi32>,
      %shift_right_logical3A_255 = arith.constant 16 : i32
      %shift_right_logical3A_256 = vector.broadcast %shift_right_logical3A_255 : i32 to vector<16xi32>
      %shift_right_logical3A_257 = arith.shrui %get3A_243, %shift_right_logical3A_256 : vector<16xi32>
      %swap3A_258 = arith.constant 0 : i32
      %swap3A_259 = arith.index_cast %swap3A_258 : i32 to index
      %swap3A_260 = arith.constant 96 : index
      %swap3A_261 = tpu.vector_load %arg8[%swap3A_259, %swap3A_260] {strides = array<i32>} : memref<2x128xi32, #tpu.memory_space<vmem>>, vector<1x16xi32>,
      %swap3A_262 = vector.shape_cast %swap3A_261 : vector<1x16xi32> to vector<16xi32>
      %swap3A_263 = vector.shape_cast %shift_right_logical3A_257 : vector<16xi32> to vector<1x16xi32>
      tpu.vector_store %arg8[%swap3A_259, %swap3A_260], %swap3A_263 {strides = array<i32>} : memref<2x128xi32, #tpu.memory_space<vmem>>, vector<1x16xi32>,
      %get3A_264 = arith.constant 0 : i32
      %get3A_265 = arith.index_cast %get3A_264 : i32 to index
      %get3A_266 = arith.constant 112 : index
      %get3A_267 = tpu.vector_load %arg6[%get3A_265, %get3A_266] {strides = array<i32>} : memref<64x128xi32, #tpu.memory_space<vmem>>, vector<1x16xi32>,
      %get3A_268 = vector.shape_cast %get3A_267 : vector<1x16xi32> to vector<16xi32>
      %and3A_269 = arith.constant 65535 : i32
      %and3A_270 = vector.broadcast %and3A_269 : i32 to vector<16xi32>
      %and3A_271 = arith.andi %get3A_268, %and3A_270 : vector<16xi32>
      %add3A_272 = vector.broadcast %mul3A_20 : i32 to vector<16xi32>
      %add3A_273 = arith.addi %and3A_271, %add3A_272 : vector<16xi32>
      %swap3A_274 = arith.constant 0 : i32
      %swap3A_275 = arith.index_cast %swap3A_274 : i32 to index
      %swap3A_276 = arith.constant 112 : index
      %swap3A_277 = tpu.vector_load %arg7[%swap3A_275, %swap3A_276] {strides = array<i32>} : memref<2x128xi32, #tpu.memory_space<vmem>>, vector<1x16xi32>,
      %swap3A_278 = vector.shape_cast %swap3A_277 : vector<1x16xi32> to vector<16xi32>
      %swap3A_279 = vector.shape_cast %add3A_273 : vector<16xi32> to vector<1x16xi32>
      tpu.vector_store %arg7[%swap3A_275, %swap3A_276], %swap3A_279 {strides = array<i32>} : memref<2x128xi32, #tpu.memory_space<vmem>>, vector<1x16xi32>,
      %shift_right_logical3A_280 = arith.constant 16 : i32
      %shift_right_logical3A_281 = vector.broadcast %shift_right_logical3A_280 : i32 to vector<16xi32>
      %shift_right_logical3A_282 = arith.shrui %get3A_268, %shift_right_logical3A_281 : vector<16xi32>
      %swap3A_283 = arith.constant 0 : i32
      %swap3A_284 = arith.index_cast %swap3A_283 : i32 to index
      %swap3A_285 = arith.constant 112 : index
      %swap3A_286 = tpu.vector_load %arg8[%swap3A_284, %swap3A_285] {strides = array<i32>} : memref<2x128xi32, #tpu.memory_space<vmem>>, vector<1x16xi32>,
      %swap3A_287 = vector.shape_cast %swap3A_286 : vector<1x16xi32> to vector<16xi32>
      %swap3A_288 = vector.shape_cast %shift_right_logical3A_282 : vector<16xi32> to vector<1x16xi32>
      tpu.vector_store %arg8[%swap3A_284, %swap3A_285], %swap3A_288 {strides = array<i32>} : memref<2x128xi32, #tpu.memory_space<vmem>>, vector<1x16xi32>,
      %dma_start3A = arith.constant 0 : i32
      %dma_start3A_289 = arith.constant 0 : i32
      %dma_start3A_290 = arith.constant 0 : i32
      %dma_start3A_291 = arith.constant 0 : i32
      %dma_start3A_292 = tpu.memref_slice %arg9[%dma_start3A_289, %dma_start3A_290, %dma_start3A_291] : memref<2x128x128xf32, #tpu.memory_space<vmem>> -> memref<1x128x128xf32, #tpu.memory_space<vmem>>
      %dma_start3A_293 = tpu.memref_squeeze %dma_start3A_292 : memref<1x128x128xf32, #tpu.memory_space<vmem>> -> memref<128x128xf32, #tpu.memory_space<vmem>>
      %dma_start3A_294 = arith.constant 0 : i32
      %dma_start3A_295 = tpu.memref_slice %arg7[%dma_start3A, %dma_start3A_294] : memref<2x128xi32, #tpu.memory_space<vmem>> -> memref<1x128xi32, #tpu.memory_space<vmem>>
      %dma_start3A_296 = tpu.memref_squeeze %dma_start3A_295 : memref<1x128xi32, #tpu.memory_space<vmem>> -> memref<128xi32, #tpu.memory_space<vmem>>
      %dma_start3A_297 = arith.constant 0 : i32
      %dma_start3A_298 = arith.constant 0 : i32
      %dma_start3A_299 = tpu.memref_slice %arg2[%dma_start3A_297, %dma_start3A_298] : memref<20000x128xf32, #tpu.memory_space<hbm>> -> memref<20000x128xf32, #tpu.memory_space<hbm>>
      tpu.enqueue_indirect_dma source(%dma_start3A_299 : memref<20000x128xf32, #tpu.memory_space<hbm>>) target(%dma_start3A_293 : memref<128x128xf32, #tpu.memory_space<vmem>>) offsets(%dma_start3A_296 : memref<128xi32, #tpu.memory_space<vmem>>) semaphore(%arg11 : memref<!tpu.dma_semaphore, #tpu.memory_space<semaphore_mem>>)
    } else {
    }
    %while3A = arith.constant 0 : i32
    %while3A_68 = arith.constant 0 : i32
    %while3A_69 = arith.subi %select_n3A, %while3A : i32
    %while3A_70 = arith.addi %while3A, %while3A_69 : i32
    %while3A_71 = arith.constant 1 : i32
    %while3A_72 = arith.divsi %while3A_69, %while3A_71 : i32
    %while3A_73 = arith.muli %while3A_72, %while3A_71 : i32
    %while3A_74 = arith.addi %while3A, %while3A_73 : i32
    %while3A_75 = arith.constant 1 : i32
    %while3A_76 = scf.for %while3A_93 = %while3A to %while3A_74 step %while3A_75 iter_args(%while3A_94 = %while3A_68) -> (i32)  : i32 {
      %rem3A = arith.constant 2 : i32
      %rem3A_95 = arith.remsi %while3A_93, %rem3A : i32
      %add3A_96 = arith.constant 1 : i32
      %add3A_97 = arith.addi %while3A_93, %add3A_96 : i32
      %rem3A_98 = arith.constant 2 : i32
      %rem3A_99 = arith.remsi %add3A_97, %rem3A_98 : i32
      %add3A_100 = arith.constant 1 : i32
      %add3A_101 = arith.addi %while3A_93, %add3A_100 : i32
      %rem3A_102 = arith.constant 64 : i32
      %rem3A_103 = arith.remsi %add3A_101, %rem3A_102 : i32
      %eq3A_104 = arith.constant 0 : i32
      %eq3A_105 = arith.cmpi eq, %rem3A_103, %eq3A_104 : i32
      %add3A_106 = arith.constant 1 : i32
      %add3A_107 = arith.addi %while3A_93, %add3A_106 : i32
      %lt3A_108 = arith.cmpi slt, %add3A_107, %select_n3A : i32
      %and3A = arith.andi %eq3A_105, %lt3A_108 : i1
      %convert_element_type3A_109 = arith.extui %and3A : i1 to i32
      %cond3A_110 = arith.constant 0 : i32
      %cond3A_111 = arith.cmpi ne, %convert_element_type3A_109, %cond3A_110 : i32
      scf.if %cond3A_111 {
        %add3A_133 = arith.addi %select_n3A_10, %while3A_93 : i32
        %add3A_134 = arith.constant 1 : i32
        %add3A_135 = arith.addi %add3A_133, %add3A_134 : i32
        %multiple_of3A = tpu.assume_multiple %add3A_135, 8 : i32
        "tpu.region"() ({
          %run_scoped3A_136 = tpu.sem_alloc : memref<!tpu.dma_semaphore, #tpu.memory_space<semaphore_mem>>
          %dma_start3A = arith.constant 0 : i32
          %dma_start3A_137 = tpu.memref_slice %arg3[%multiple_of3A, %dma_start3A] : memref<2624x128xi32, #tpu.memory_space<hbm>> -> memref<64x128xi32, #tpu.memory_space<hbm>>
          %dma_start3A_138 = arith.constant 0 : i32
          %dma_start3A_139 = tpu.memref_slice %arg3[%multiple_of3A, %dma_start3A_138] : memref<2624x128xi32, #tpu.memory_space<hbm>> -> memref<64x128xi32, #tpu.memory_space<hbm>>
          tpu.enqueue_dma source(%dma_start3A_139 : memref<64x128xi32, #tpu.memory_space<hbm>>) target(%arg6 : memref<64x128xi32, #tpu.memory_space<vmem>>) target_semaphore(%run_scoped3A_136 : memref<!tpu.dma_semaphore, #tpu.memory_space<semaphore_mem>>)
          %dma_wait3A_140 = arith.constant 0 : i32
          %dma_wait3A_141 = tpu.memref_slice %arg3[%multiple_of3A, %dma_wait3A_140] : memref<2624x128xi32, #tpu.memory_space<hbm>> -> memref<64x128xi32, #tpu.memory_space<hbm>>
          %dma_wait3A_142 = arith.constant 0 : i32
          %dma_wait3A_143 = tpu.memref_slice %arg3[%multiple_of3A, %dma_wait3A_142] : memref<2624x128xi32, #tpu.memory_space<hbm>> -> memref<64x128xi32, #tpu.memory_space<hbm>>
          tpu.wait_dma2 semaphore(%run_scoped3A_136 : memref<!tpu.dma_semaphore, #tpu.memory_space<semaphore_mem>>) src(%dma_wait3A_143 : memref<64x128xi32, #tpu.memory_space<hbm>>) dst(%arg6 : memref<64x128xi32, #tpu.memory_space<vmem>>)
          tpu.yield
        }) : () -> ()
      } else {
      }
      %add3A_112 = arith.constant 1 : i32
      %add3A_113 = arith.addi %while3A_93, %add3A_112 : i32
      %lt3A_114 = arith.cmpi slt, %add3A_113, %select_n3A : i32
      %convert_element_type3A_115 = arith.extui %lt3A_114 : i1 to i32
      %cond3A_116 = arith.constant 0 : i32
      %cond3A_117 = arith.cmpi ne, %convert_element_type3A_115, %cond3A_116 : i32
      scf.if %cond3A_117 {
        %add3A_133 = arith.constant 1 : i32
        %add3A_134 = arith.addi %while3A_93, %add3A_133 : i32
        %rem3A_135 = arith.constant 64 : i32
        %rem3A_136 = arith.remsi %add3A_134, %rem3A_135 : i32
        %get3A = arith.index_cast %rem3A_136 : i32 to index
        %get3A_137 = arith.constant 0 : index
        %get3A_138 = tpu.vector_load %arg6[%get3A, %get3A_137] {strides = array<i32>} : memref<64x128xi32, #tpu.memory_space<vmem>>, vector<1x16xi32>,
        %get3A_139 = vector.shape_cast %get3A_138 : vector<1x16xi32> to vector<16xi32>
        %and3A_140 = arith.constant 65535 : i32
        %and3A_141 = vector.broadcast %and3A_140 : i32 to vector<16xi32>
        %and3A_142 = arith.andi %get3A_139, %and3A_141 : vector<16xi32>
        %add3A_143 = vector.broadcast %mul3A_20 : i32 to vector<16xi32>
        %add3A_144 = arith.addi %and3A_142, %add3A_143 : vector<16xi32>
        %swap3A = arith.index_cast %rem3A_99 : i32 to index
        %swap3A_145 = arith.constant 0 : index
        %swap3A_146 = tpu.vector_load %arg7[%swap3A, %swap3A_145] {strides = array<i32>} : memref<2x128xi32, #tpu.memory_space<vmem>>, vector<1x16xi32>,
        %swap3A_147 = vector.shape_cast %swap3A_146 : vector<1x16xi32> to vector<16xi32>
        %swap3A_148 = vector.shape_cast %add3A_144 : vector<16xi32> to vector<1x16xi32>
        tpu.vector_store %arg7[%swap3A, %swap3A_145], %swap3A_148 {strides = array<i32>} : memref<2x128xi32, #tpu.memory_space<vmem>>, vector<1x16xi32>,
        %shift_right_logical3A = arith.constant 16 : i32
        %shift_right_logical3A_149 = vector.broadcast %shift_right_logical3A : i32 to vector<16xi32>
        %shift_right_logical3A_150 = arith.shrui %get3A_139, %shift_right_logical3A_149 : vector<16xi32>
        %swap3A_151 = arith.index_cast %rem3A_99 : i32 to index
        %swap3A_152 = arith.constant 0 : index
        %swap3A_153 = tpu.vector_load %arg8[%swap3A_151, %swap3A_152] {strides = array<i32>} : memref<2x128xi32, #tpu.memory_space<vmem>>, vector<1x16xi32>,
        %swap3A_154 = vector.shape_cast %swap3A_153 : vector<1x16xi32> to vector<16xi32>
        %swap3A_155 = vector.shape_cast %shift_right_logical3A_150 : vector<16xi32> to vector<1x16xi32>
        tpu.vector_store %arg8[%swap3A_151, %swap3A_152], %swap3A_155 {strides = array<i32>} : memref<2x128xi32, #tpu.memory_space<vmem>>, vector<1x16xi32>,
        %get3A_156 = arith.index_cast %rem3A_136 : i32 to index
        %get3A_157 = arith.constant 16 : index
        %get3A_158 = tpu.vector_load %arg6[%get3A_156, %get3A_157] {strides = array<i32>} : memref<64x128xi32, #tpu.memory_space<vmem>>, vector<1x16xi32>,
        %get3A_159 = vector.shape_cast %get3A_158 : vector<1x16xi32> to vector<16xi32>
        %and3A_160 = arith.constant 65535 : i32
        %and3A_161 = vector.broadcast %and3A_160 : i32 to vector<16xi32>
        %and3A_162 = arith.andi %get3A_159, %and3A_161 : vector<16xi32>
        %add3A_163 = vector.broadcast %mul3A_20 : i32 to vector<16xi32>
        %add3A_164 = arith.addi %and3A_162, %add3A_163 : vector<16xi32>
        %swap3A_165 = arith.index_cast %rem3A_99 : i32 to index
        %swap3A_166 = arith.constant 16 : index
        %swap3A_167 = tpu.vector_load %arg7[%swap3A_165, %swap3A_166] {strides = array<i32>} : memref<2x128xi32, #tpu.memory_space<vmem>>, vector<1x16xi32>,
        %swap3A_168 = vector.shape_cast %swap3A_167 : vector<1x16xi32> to vector<16xi32>
        %swap3A_169 = vector.shape_cast %add3A_164 : vector<16xi32> to vector<1x16xi32>
        tpu.vector_store %arg7[%swap3A_165, %swap3A_166], %swap3A_169 {strides = array<i32>} : memref<2x128xi32, #tpu.memory_space<vmem>>, vector<1x16xi32>,
        %shift_right_logical3A_170 = arith.constant 16 : i32
        %shift_right_logical3A_171 = vector.broadcast %shift_right_logical3A_170 : i32 to vector<16xi32>
        %shift_right_logical3A_172 = arith.shrui %get3A_159, %shift_right_logical3A_171 : vector<16xi32>
        %swap3A_173 = arith.index_cast %rem3A_99 : i32 to index
        %swap3A_174 = arith.constant 16 : index
        %swap3A_175 = tpu.vector_load %arg8[%swap3A_173, %swap3A_174] {strides = array<i32>} : memref<2x128xi32, #tpu.memory_space<vmem>>, vector<1x16xi32>,
        %swap3A_176 = vector.shape_cast %swap3A_175 : vector<1x16xi32> to vector<16xi32>
        %swap3A_177 = vector.shape_cast %shift_right_logical3A_172 : vector<16xi32> to vector<1x16xi32>
        tpu.vector_store %arg8[%swap3A_173, %swap3A_174], %swap3A_177 {strides = array<i32>} : memref<2x128xi32, #tpu.memory_space<vmem>>, vector<1x16xi32>,
        %get3A_178 = arith.index_cast %rem3A_136 : i32 to index
        %get3A_179 = arith.constant 32 : index
        %get3A_180 = tpu.vector_load %arg6[%get3A_178, %get3A_179] {strides = array<i32>} : memref<64x128xi32, #tpu.memory_space<vmem>>, vector<1x16xi32>,
        %get3A_181 = vector.shape_cast %get3A_180 : vector<1x16xi32> to vector<16xi32>
        %and3A_182 = arith.constant 65535 : i32
        %and3A_183 = vector.broadcast %and3A_182 : i32 to vector<16xi32>
        %and3A_184 = arith.andi %get3A_181, %and3A_183 : vector<16xi32>
        %add3A_185 = vector.broadcast %mul3A_20 : i32 to vector<16xi32>
        %add3A_186 = arith.addi %and3A_184, %add3A_185 : vector<16xi32>
        %swap3A_187 = arith.index_cast %rem3A_99 : i32 to index
        %swap3A_188 = arith.constant 32 : index
        %swap3A_189 = tpu.vector_load %arg7[%swap3A_187, %swap3A_188] {strides = array<i32>} : memref<2x128xi32, #tpu.memory_space<vmem>>, vector<1x16xi32>,
        %swap3A_190 = vector.shape_cast %swap3A_189 : vector<1x16xi32> to vector<16xi32>
        %swap3A_191 = vector.shape_cast %add3A_186 : vector<16xi32> to vector<1x16xi32>
        tpu.vector_store %arg7[%swap3A_187, %swap3A_188], %swap3A_191 {strides = array<i32>} : memref<2x128xi32, #tpu.memory_space<vmem>>, vector<1x16xi32>,
        %shift_right_logical3A_192 = arith.constant 16 : i32
        %shift_right_logical3A_193 = vector.broadcast %shift_right_logical3A_192 : i32 to vector<16xi32>
        %shift_right_logical3A_194 = arith.shrui %get3A_181, %shift_right_logical3A_193 : vector<16xi32>
        %swap3A_195 = arith.index_cast %rem3A_99 : i32 to index
        %swap3A_196 = arith.constant 32 : index
        %swap3A_197 = tpu.vector_load %arg8[%swap3A_195, %swap3A_196] {strides = array<i32>} : memref<2x128xi32, #tpu.memory_space<vmem>>, vector<1x16xi32>,
        %swap3A_198 = vector.shape_cast %swap3A_197 : vector<1x16xi32> to vector<16xi32>
        %swap3A_199 = vector.shape_cast %shift_right_logical3A_194 : vector<16xi32> to vector<1x16xi32>
        tpu.vector_store %arg8[%swap3A_195, %swap3A_196], %swap3A_199 {strides = array<i32>} : memref<2x128xi32, #tpu.memory_space<vmem>>, vector<1x16xi32>,
        %get3A_200 = arith.index_cast %rem3A_136 : i32 to index
        %get3A_201 = arith.constant 48 : index
        %get3A_202 = tpu.vector_load %arg6[%get3A_200, %get3A_201] {strides = array<i32>} : memref<64x128xi32, #tpu.memory_space<vmem>>, vector<1x16xi32>,
        %get3A_203 = vector.shape_cast %get3A_202 : vector<1x16xi32> to vector<16xi32>
        %and3A_204 = arith.constant 65535 : i32
        %and3A_205 = vector.broadcast %and3A_204 : i32 to vector<16xi32>
        %and3A_206 = arith.andi %get3A_203, %and3A_205 : vector<16xi32>
        %add3A_207 = vector.broadcast %mul3A_20 : i32 to vector<16xi32>
        %add3A_208 = arith.addi %and3A_206, %add3A_207 : vector<16xi32>
        %swap3A_209 = arith.index_cast %rem3A_99 : i32 to index
        %swap3A_210 = arith.constant 48 : index
        %swap3A_211 = tpu.vector_load %arg7[%swap3A_209, %swap3A_210] {strides = array<i32>} : memref<2x128xi32, #tpu.memory_space<vmem>>, vector<1x16xi32>,
        %swap3A_212 = vector.shape_cast %swap3A_211 : vector<1x16xi32> to vector<16xi32>
        %swap3A_213 = vector.shape_cast %add3A_208 : vector<16xi32> to vector<1x16xi32>
        tpu.vector_store %arg7[%swap3A_209, %swap3A_210], %swap3A_213 {strides = array<i32>} : memref<2x128xi32, #tpu.memory_space<vmem>>, vector<1x16xi32>,
        %shift_right_logical3A_214 = arith.constant 16 : i32
        %shift_right_logical3A_215 = vector.broadcast %shift_right_logical3A_214 : i32 to vector<16xi32>
        %shift_right_logical3A_216 = arith.shrui %get3A_203, %shift_right_logical3A_215 : vector<16xi32>
        %swap3A_217 = arith.index_cast %rem3A_99 : i32 to index
        %swap3A_218 = arith.constant 48 : index
        %swap3A_219 = tpu.vector_load %arg8[%swap3A_217, %swap3A_218] {strides = array<i32>} : memref<2x128xi32, #tpu.memory_space<vmem>>, vector<1x16xi32>,
        %swap3A_220 = vector.shape_cast %swap3A_219 : vector<1x16xi32> to vector<16xi32>
        %swap3A_221 = vector.shape_cast %shift_right_logical3A_216 : vector<16xi32> to vector<1x16xi32>
        tpu.vector_store %arg8[%swap3A_217, %swap3A_218], %swap3A_221 {strides = array<i32>} : memref<2x128xi32, #tpu.memory_space<vmem>>, vector<1x16xi32>,
        %get3A_222 = arith.index_cast %rem3A_136 : i32 to index
        %get3A_223 = arith.constant 64 : index
        %get3A_224 = tpu.vector_load %arg6[%get3A_222, %get3A_223] {strides = array<i32>} : memref<64x128xi32, #tpu.memory_space<vmem>>, vector<1x16xi32>,
        %get3A_225 = vector.shape_cast %get3A_224 : vector<1x16xi32> to vector<16xi32>
        %and3A_226 = arith.constant 65535 : i32
        %and3A_227 = vector.broadcast %and3A_226 : i32 to vector<16xi32>
        %and3A_228 = arith.andi %get3A_225, %and3A_227 : vector<16xi32>
        %add3A_229 = vector.broadcast %mul3A_20 : i32 to vector<16xi32>
        %add3A_230 = arith.addi %and3A_228, %add3A_229 : vector<16xi32>
        %swap3A_231 = arith.index_cast %rem3A_99 : i32 to index
        %swap3A_232 = arith.constant 64 : index
        %swap3A_233 = tpu.vector_load %arg7[%swap3A_231, %swap3A_232] {strides = array<i32>} : memref<2x128xi32, #tpu.memory_space<vmem>>, vector<1x16xi32>,
        %swap3A_234 = vector.shape_cast %swap3A_233 : vector<1x16xi32> to vector<16xi32>
        %swap3A_235 = vector.shape_cast %add3A_230 : vector<16xi32> to vector<1x16xi32>
        tpu.vector_store %arg7[%swap3A_231, %swap3A_232], %swap3A_235 {strides = array<i32>} : memref<2x128xi32, #tpu.memory_space<vmem>>, vector<1x16xi32>,
        %shift_right_logical3A_236 = arith.constant 16 : i32
        %shift_right_logical3A_237 = vector.broadcast %shift_right_logical3A_236 : i32 to vector<16xi32>
        %shift_right_logical3A_238 = arith.shrui %get3A_225, %shift_right_logical3A_237 : vector<16xi32>
        %swap3A_239 = arith.index_cast %rem3A_99 : i32 to index
        %swap3A_240 = arith.constant 64 : index
        %swap3A_241 = tpu.vector_load %arg8[%swap3A_239, %swap3A_240] {strides = array<i32>} : memref<2x128xi32, #tpu.memory_space<vmem>>, vector<1x16xi32>,
        %swap3A_242 = vector.shape_cast %swap3A_241 : vector<1x16xi32> to vector<16xi32>
        %swap3A_243 = vector.shape_cast %shift_right_logical3A_238 : vector<16xi32> to vector<1x16xi32>
        tpu.vector_store %arg8[%swap3A_239, %swap3A_240], %swap3A_243 {strides = array<i32>} : memref<2x128xi32, #tpu.memory_space<vmem>>, vector<1x16xi32>,
        %get3A_244 = arith.index_cast %rem3A_136 : i32 to index
        %get3A_245 = arith.constant 80 : index
        %get3A_246 = tpu.vector_load %arg6[%get3A_244, %get3A_245] {strides = array<i32>} : memref<64x128xi32, #tpu.memory_space<vmem>>, vector<1x16xi32>,
        %get3A_247 = vector.shape_cast %get3A_246 : vector<1x16xi32> to vector<16xi32>
        %and3A_248 = arith.constant 65535 : i32
        %and3A_249 = vector.broadcast %and3A_248 : i32 to vector<16xi32>
        %and3A_250 = arith.andi %get3A_247, %and3A_249 : vector<16xi32>
        %add3A_251 = vector.broadcast %mul3A_20 : i32 to vector<16xi32>
        %add3A_252 = arith.addi %and3A_250, %add3A_251 : vector<16xi32>
        %swap3A_253 = arith.index_cast %rem3A_99 : i32 to index
        %swap3A_254 = arith.constant 80 : index
        %swap3A_255 = tpu.vector_load %arg7[%swap3A_253, %swap3A_254] {strides = array<i32>} : memref<2x128xi32, #tpu.memory_space<vmem>>, vector<1x16xi32>,
        %swap3A_256 = vector.shape_cast %swap3A_255 : vector<1x16xi32> to vector<16xi32>
        %swap3A_257 = vector.shape_cast %add3A_252 : vector<16xi32> to vector<1x16xi32>
        tpu.vector_store %arg7[%swap3A_253, %swap3A_254], %swap3A_257 {strides = array<i32>} : memref<2x128xi32, #tpu.memory_space<vmem>>, vector<1x16xi32>,
        %shift_right_logical3A_258 = arith.constant 16 : i32
        %shift_right_logical3A_259 = vector.broadcast %shift_right_logical3A_258 : i32 to vector<16xi32>
        %shift_right_logical3A_260 = arith.shrui %get3A_247, %shift_right_logical3A_259 : vector<16xi32>
        %swap3A_261 = arith.index_cast %rem3A_99 : i32 to index
        %swap3A_262 = arith.constant 80 : index
        %swap3A_263 = tpu.vector_load %arg8[%swap3A_261, %swap3A_262] {strides = array<i32>} : memref<2x128xi32, #tpu.memory_space<vmem>>, vector<1x16xi32>,
        %swap3A_264 = vector.shape_cast %swap3A_263 : vector<1x16xi32> to vector<16xi32>
        %swap3A_265 = vector.shape_cast %shift_right_logical3A_260 : vector<16xi32> to vector<1x16xi32>
        tpu.vector_store %arg8[%swap3A_261, %swap3A_262], %swap3A_265 {strides = array<i32>} : memref<2x128xi32, #tpu.memory_space<vmem>>, vector<1x16xi32>,
        %get3A_266 = arith.index_cast %rem3A_136 : i32 to index
        %get3A_267 = arith.constant 96 : index
        %get3A_268 = tpu.vector_load %arg6[%get3A_266, %get3A_267] {strides = array<i32>} : memref<64x128xi32, #tpu.memory_space<vmem>>, vector<1x16xi32>,
        %get3A_269 = vector.shape_cast %get3A_268 : vector<1x16xi32> to vector<16xi32>
        %and3A_270 = arith.constant 65535 : i32
        %and3A_271 = vector.broadcast %and3A_270 : i32 to vector<16xi32>
        %and3A_272 = arith.andi %get3A_269, %and3A_271 : vector<16xi32>
        %add3A_273 = vector.broadcast %mul3A_20 : i32 to vector<16xi32>
        %add3A_274 = arith.addi %and3A_272, %add3A_273 : vector<16xi32>
        %swap3A_275 = arith.index_cast %rem3A_99 : i32 to index
        %swap3A_276 = arith.constant 96 : index
        %swap3A_277 = tpu.vector_load %arg7[%swap3A_275, %swap3A_276] {strides = array<i32>} : memref<2x128xi32, #tpu.memory_space<vmem>>, vector<1x16xi32>,
        %swap3A_278 = vector.shape_cast %swap3A_277 : vector<1x16xi32> to vector<16xi32>
        %swap3A_279 = vector.shape_cast %add3A_274 : vector<16xi32> to vector<1x16xi32>
        tpu.vector_store %arg7[%swap3A_275, %swap3A_276], %swap3A_279 {strides = array<i32>} : memref<2x128xi32, #tpu.memory_space<vmem>>, vector<1x16xi32>,
        %shift_right_logical3A_280 = arith.constant 16 : i32
        %shift_right_logical3A_281 = vector.broadcast %shift_right_logical3A_280 : i32 to vector<16xi32>
        %shift_right_logical3A_282 = arith.shrui %get3A_269, %shift_right_logical3A_281 : vector<16xi32>
        %swap3A_283 = arith.index_cast %rem3A_99 : i32 to index
        %swap3A_284 = arith.constant 96 : index
        %swap3A_285 = tpu.vector_load %arg8[%swap3A_283, %swap3A_284] {strides = array<i32>} : memref<2x128xi32, #tpu.memory_space<vmem>>, vector<1x16xi32>,
        %swap3A_286 = vector.shape_cast %swap3A_285 : vector<1x16xi32> to vector<16xi32>
        %swap3A_287 = vector.shape_cast %shift_right_logical3A_282 : vector<16xi32> to vector<1x16xi32>
        tpu.vector_store %arg8[%swap3A_283, %swap3A_284], %swap3A_287 {strides = array<i32>} : memref<2x128xi32, #tpu.memory_space<vmem>>, vector<1x16xi32>,
        %get3A_288 = arith.index_cast %rem3A_136 : i32 to index
        %get3A_289 = arith.constant 112 : index
        %get3A_290 = tpu.vector_load %arg6[%get3A_288, %get3A_289] {strides = array<i32>} : memref<64x128xi32, #tpu.memory_space<vmem>>, vector<1x16xi32>,
        %get3A_291 = vector.shape_cast %get3A_290 : vector<1x16xi32> to vector<16xi32>
        %and3A_292 = arith.constant 65535 : i32
        %and3A_293 = vector.broadcast %and3A_292 : i32 to vector<16xi32>
        %and3A_294 = arith.andi %get3A_291, %and3A_293 : vector<16xi32>
        %add3A_295 = vector.broadcast %mul3A_20 : i32 to vector<16xi32>
        %add3A_296 = arith.addi %and3A_294, %add3A_295 : vector<16xi32>
        %swap3A_297 = arith.index_cast %rem3A_99 : i32 to index
        %swap3A_298 = arith.constant 112 : index
        %swap3A_299 = tpu.vector_load %arg7[%swap3A_297, %swap3A_298] {strides = array<i32>} : memref<2x128xi32, #tpu.memory_space<vmem>>, vector<1x16xi32>,
        %swap3A_300 = vector.shape_cast %swap3A_299 : vector<1x16xi32> to vector<16xi32>
        %swap3A_301 = vector.shape_cast %add3A_296 : vector<16xi32> to vector<1x16xi32>
        tpu.vector_store %arg7[%swap3A_297, %swap3A_298], %swap3A_301 {strides = array<i32>} : memref<2x128xi32, #tpu.memory_space<vmem>>, vector<1x16xi32>,
        %shift_right_logical3A_302 = arith.constant 16 : i32
        %shift_right_logical3A_303 = vector.broadcast %shift_right_logical3A_302 : i32 to vector<16xi32>
        %shift_right_logical3A_304 = arith.shrui %get3A_291, %shift_right_logical3A_303 : vector<16xi32>
        %swap3A_305 = arith.index_cast %rem3A_99 : i32 to index
        %swap3A_306 = arith.constant 112 : index
        %swap3A_307 = tpu.vector_load %arg8[%swap3A_305, %swap3A_306] {strides = array<i32>} : memref<2x128xi32, #tpu.memory_space<vmem>>, vector<1x16xi32>,
        %swap3A_308 = vector.shape_cast %swap3A_307 : vector<1x16xi32> to vector<16xi32>
        %swap3A_309 = vector.shape_cast %shift_right_logical3A_304 : vector<16xi32> to vector<1x16xi32>
        tpu.vector_store %arg8[%swap3A_305, %swap3A_306], %swap3A_309 {strides = array<i32>} : memref<2x128xi32, #tpu.memory_space<vmem>>, vector<1x16xi32>,
        %dma_start3A = arith.constant 0 : i32
        %dma_start3A_310 = arith.constant 0 : i32
        %dma_start3A_311 = tpu.memref_slice %arg9[%rem3A_99, %dma_start3A, %dma_start3A_310] : memref<2x128x128xf32, #tpu.memory_space<vmem>> -> memref<1x128x128xf32, #tpu.memory_space<vmem>>
        %dma_start3A_312 = tpu.memref_squeeze %dma_start3A_311 : memref<1x128x128xf32, #tpu.memory_space<vmem>> -> memref<128x128xf32, #tpu.memory_space<vmem>>
        %dma_start3A_313 = arith.constant 0 : i32
        %dma_start3A_314 = tpu.memref_slice %arg7[%rem3A_99, %dma_start3A_313] : memref<2x128xi32, #tpu.memory_space<vmem>> -> memref<1x128xi32, #tpu.memory_space<vmem>>
        %dma_start3A_315 = tpu.memref_squeeze %dma_start3A_314 : memref<1x128xi32, #tpu.memory_space<vmem>> -> memref<128xi32, #tpu.memory_space<vmem>>
        %dma_start3A_316 = arith.constant 0 : i32
        %dma_start3A_317 = arith.constant 0 : i32
        %dma_start3A_318 = tpu.memref_slice %arg2[%dma_start3A_316, %dma_start3A_317] : memref<20000x128xf32, #tpu.memory_space<hbm>> -> memref<20000x128xf32, #tpu.memory_space<hbm>>
        tpu.enqueue_indirect_dma source(%dma_start3A_318 : memref<20000x128xf32, #tpu.memory_space<hbm>>) target(%dma_start3A_312 : memref<128x128xf32, #tpu.memory_space<vmem>>) offsets(%dma_start3A_315 : memref<128xi32, #tpu.memory_space<vmem>>) semaphore(%arg11 : memref<!tpu.dma_semaphore, #tpu.memory_space<semaphore_mem>>)
      } else {
      }
      %dma_wait3A = arith.constant 0 : i32
      %dma_wait3A_118 = arith.constant 0 : i32
      %dma_wait3A_119 = arith.constant 0 : i32
      %dma_wait3A_120 = tpu.memref_slice %arg9[%dma_wait3A, %dma_wait3A_118, %dma_wait3A_119] : memref<2x128x128xf32, #tpu.memory_space<vmem>> -> memref<1x128x128xf32, #tpu.memory_space<vmem>>
      %dma_wait3A_121 = tpu.memref_squeeze %dma_wait3A_120 : memref<1x128x128xf32, #tpu.memory_space<vmem>> -> memref<128x128xf32, #tpu.memory_space<vmem>>
      %dma_wait3A_122 = arith.constant 0 : i32
      %dma_wait3A_123 = arith.constant 0 : i32
      %dma_wait3A_124 = tpu.memref_slice %arg2[%dma_wait3A_122, %dma_wait3A_123] : memref<20000x128xf32, #tpu.memory_space<hbm>> -> memref<128x128xf32, #tpu.memory_space<hbm>>
      %dma_wait3A_125 = arith.constant 0 : i32
      %dma_wait3A_126 = arith.constant 0 : i32
      %dma_wait3A_127 = tpu.memref_slice %arg9[%dma_wait3A, %dma_wait3A_125, %dma_wait3A_126] : memref<2x128x128xf32, #tpu.memory_space<vmem>> -> memref<1x128x128xf32, #tpu.memory_space<vmem>>
      %dma_wait3A_128 = tpu.memref_squeeze %dma_wait3A_127 : memref<1x128x128xf32, #tpu.memory_space<vmem>> -> memref<128x128xf32, #tpu.memory_space<vmem>>
      %dma_wait3A_129 = arith.constant 0 : i32
      %dma_wait3A_130 = arith.constant 0 : i32
      %dma_wait3A_131 = tpu.memref_slice %arg2[%dma_wait3A_129, %dma_wait3A_130] : memref<20000x128xf32, #tpu.memory_space<hbm>> -> memref<128x128xf32, #tpu.memory_space<hbm>>
      tpu.wait_dma2 semaphore(%arg11 : memref<!tpu.dma_semaphore, #tpu.memory_space<semaphore_mem>>) src(%dma_wait3A_131 : memref<128x128xf32, #tpu.memory_space<hbm>>) dst(%dma_wait3A_128 : memref<128x128xf32, #tpu.memory_space<vmem>>)
      "tpu.region"() ({
        %run_scoped3A_133 = tpu.sem_alloc : memref<!tpu.dma_semaphore, #tpu.memory_space<semaphore_mem>>
        %dma_start3A = arith.constant 0 : i32
        %dma_start3A_134 = arith.constant 0 : i32
        %dma_start3A_135 = tpu.memref_slice %arg9[%rem3A_95, %dma_start3A, %dma_start3A_134] : memref<2x128x128xf32, #tpu.memory_space<vmem>> -> memref<1x128x128xf32, #tpu.memory_space<vmem>>
        %dma_start3A_136 = tpu.memref_squeeze %dma_start3A_135 : memref<1x128x128xf32, #tpu.memory_space<vmem>> -> memref<128x128xf32, #tpu.memory_space<vmem>>
        %dma_start3A_137 = arith.constant 0 : i32
        %dma_start3A_138 = tpu.memref_slice %arg8[%rem3A_95, %dma_start3A_137] : memref<2x128xi32, #tpu.memory_space<vmem>> -> memref<1x128xi32, #tpu.memory_space<vmem>>
        %dma_start3A_139 = tpu.memref_squeeze %dma_start3A_138 : memref<1x128xi32, #tpu.memory_space<vmem>> -> memref<128xi32, #tpu.memory_space<vmem>>
        %dma_start3A_140 = arith.constant 0 : i32
        %dma_start3A_141 = arith.constant 0 : i32
        %dma_start3A_142 = tpu.memref_slice %arg10[%dma_start3A_140, %dma_start3A_141] : memref<10112x128xf32, #tpu.memory_space<vmem_shared>> -> memref<10112x128xf32, #tpu.memory_space<vmem_shared>>
        tpu.enqueue_indirect_dma source(%dma_start3A_136 : memref<128x128xf32, #tpu.memory_space<vmem>>) target(%dma_start3A_142 : memref<10112x128xf32, #tpu.memory_space<vmem_shared>>) offsets(%dma_start3A_139 : memref<128xi32, #tpu.memory_space<vmem>>) semaphore(%run_scoped3A_133 : memref<!tpu.dma_semaphore, #tpu.memory_space<semaphore_mem>>) {add = true}
        %dma_wait3A_143 = arith.constant 0 : i32
        %dma_wait3A_144 = arith.constant 0 : i32
        %dma_wait3A_145 = tpu.memref_slice %arg9[%rem3A_95, %dma_wait3A_143, %dma_wait3A_144] : memref<2x128x128xf32, #tpu.memory_space<vmem>> -> memref<1x128x128xf32, #tpu.memory_space<vmem>>
        %dma_wait3A_146 = tpu.memref_squeeze %dma_wait3A_145 : memref<1x128x128xf32, #tpu.memory_space<vmem>> -> memref<128x128xf32, #tpu.memory_space<vmem>>
        %dma_wait3A_147 = arith.constant 0 : i32
        %dma_wait3A_148 = tpu.memref_slice %arg8[%rem3A_95, %dma_wait3A_147] : memref<2x128xi32, #tpu.memory_space<vmem>> -> memref<1x128xi32, #tpu.memory_space<vmem>>
        %dma_wait3A_149 = tpu.memref_squeeze %dma_wait3A_148 : memref<1x128xi32, #tpu.memory_space<vmem>> -> memref<128xi32, #tpu.memory_space<vmem>>
        %dma_wait3A_150 = arith.constant 0 : i32
        %dma_wait3A_151 = arith.constant 0 : i32
        %dma_wait3A_152 = tpu.memref_slice %arg10[%dma_wait3A_150, %dma_wait3A_151] : memref<10112x128xf32, #tpu.memory_space<vmem_shared>> -> memref<10112x128xf32, #tpu.memory_space<vmem_shared>>
        tpu.wait_indirect_dma semaphore(%run_scoped3A_133 : memref<!tpu.dma_semaphore, #tpu.memory_space<semaphore_mem>>) src(%dma_wait3A_146 : memref<128x128xf32, #tpu.memory_space<vmem>>) dst(%dma_wait3A_152 : memref<10112x128xf32, #tpu.memory_space<vmem_shared>>)
        tpu.yield
      }) : () -> ()
      "tpu.region"() ({
        %run_scoped3A_133 = tpu.sem_alloc : memref<!tpu.dma_semaphore, #tpu.memory_space<semaphore_mem>>
        %dma_start3A = arith.constant 0 : i32
        %dma_start3A_134 = tpu.memref_slice %arg8[%rem3A_95, %dma_start3A] : memref<2x128xi32, #tpu.memory_space<vmem>> -> memref<1x128xi32, #tpu.memory_space<vmem>>
        %dma_start3A_135 = tpu.memref_squeeze %dma_start3A_134 : memref<1x128xi32, #tpu.memory_space<vmem>> -> memref<128xi32, #tpu.memory_space<vmem>>
        %dma_start3A_136 = arith.constant 0 : i32
        %dma_start3A_137 = tpu.memref_slice %arg14[%dma_start3A_136] : memref<10048xf32, #tpu.memory_space<vmem_shared>> -> memref<10048xf32, #tpu.memory_space<vmem_shared>>
        tpu.enqueue_indirect_dma source(%arg12 : memref<128xf32, #tpu.memory_space<vmem>>) target(%dma_start3A_137 : memref<10048xf32, #tpu.memory_space<vmem_shared>>) offsets(%dma_start3A_135 : memref<128xi32, #tpu.memory_space<vmem>>) semaphore(%run_scoped3A_133 : memref<!tpu.dma_semaphore, #tpu.memory_space<semaphore_mem>>) {add = true}
        %dma_wait3A_138 = arith.constant 0 : i32
        %dma_wait3A_139 = tpu.memref_slice %arg8[%rem3A_95, %dma_wait3A_138] : memref<2x128xi32, #tpu.memory_space<vmem>> -> memref<1x128xi32, #tpu.memory_space<vmem>>
        %dma_wait3A_140 = tpu.memref_squeeze %dma_wait3A_139 : memref<1x128xi32, #tpu.memory_space<vmem>> -> memref<128xi32, #tpu.memory_space<vmem>>
        %dma_wait3A_141 = arith.constant 0 : i32
        %dma_wait3A_142 = tpu.memref_slice %arg14[%dma_wait3A_141] : memref<10048xf32, #tpu.memory_space<vmem_shared>> -> memref<10048xf32, #tpu.memory_space<vmem_shared>>
        tpu.wait_indirect_dma semaphore(%run_scoped3A_133 : memref<!tpu.dma_semaphore, #tpu.memory_space<semaphore_mem>>) src(%arg12 : memref<128xf32, #tpu.memory_space<vmem>>) dst(%dma_wait3A_142 : memref<10048xf32, #tpu.memory_space<vmem_shared>>)
        tpu.yield
      }) : () -> ()
      %while3A_132 = arith.constant 0 : i32
      scf.yield %while3A_132 : i32
    }
    %while3A_77 = arith.constant 1 : i32
    %while3A_78 = scf.for %while3A_93 = %while3A_74 to %while3A_70 step %while3A_77 iter_args(%while3A_94 = %while3A_76) -> (i32)  : i32 {
      %rem3A = arith.constant 2 : i32
      %rem3A_95 = arith.remsi %while3A_93, %rem3A : i32
      %add3A_96 = arith.constant 1 : i32
      %add3A_97 = arith.addi %while3A_93, %add3A_96 : i32
      %rem3A_98 = arith.constant 2 : i32
      %rem3A_99 = arith.remsi %add3A_97, %rem3A_98 : i32
      %add3A_100 = arith.constant 1 : i32
      %add3A_101 = arith.addi %while3A_93, %add3A_100 : i32
      %rem3A_102 = arith.constant 64 : i32
      %rem3A_103 = arith.remsi %add3A_101, %rem3A_102 : i32
      %eq3A_104 = arith.constant 0 : i32
      %eq3A_105 = arith.cmpi eq, %rem3A_103, %eq3A_104 : i32
      %add3A_106 = arith.constant 1 : i32
      %add3A_107 = arith.addi %while3A_93, %add3A_106 : i32
      %lt3A_108 = arith.cmpi slt, %add3A_107, %select_n3A : i32
      %and3A = arith.andi %eq3A_105, %lt3A_108 : i1
      %convert_element_type3A_109 = arith.extui %and3A : i1 to i32
      %cond3A_110 = arith.constant 0 : i32
      %cond3A_111 = arith.cmpi ne, %convert_element_type3A_109, %cond3A_110 : i32
      scf.if %cond3A_111 {
        %add3A_133 = arith.addi %select_n3A_10, %while3A_93 : i32
        %add3A_134 = arith.constant 1 : i32
        %add3A_135 = arith.addi %add3A_133, %add3A_134 : i32
        %multiple_of3A = tpu.assume_multiple %add3A_135, 8 : i32
        "tpu.region"() ({
          %run_scoped3A_136 = tpu.sem_alloc : memref<!tpu.dma_semaphore, #tpu.memory_space<semaphore_mem>>
          %dma_start3A = arith.constant 0 : i32
          %dma_start3A_137 = tpu.memref_slice %arg3[%multiple_of3A, %dma_start3A] : memref<2624x128xi32, #tpu.memory_space<hbm>> -> memref<64x128xi32, #tpu.memory_space<hbm>>
          %dma_start3A_138 = arith.constant 0 : i32
          %dma_start3A_139 = tpu.memref_slice %arg3[%multiple_of3A, %dma_start3A_138] : memref<2624x128xi32, #tpu.memory_space<hbm>> -> memref<64x128xi32, #tpu.memory_space<hbm>>
          tpu.enqueue_dma source(%dma_start3A_139 : memref<64x128xi32, #tpu.memory_space<hbm>>) target(%arg6 : memref<64x128xi32, #tpu.memory_space<vmem>>) target_semaphore(%run_scoped3A_136 : memref<!tpu.dma_semaphore, #tpu.memory_space<semaphore_mem>>)
          %dma_wait3A_140 = arith.constant 0 : i32
          %dma_wait3A_141 = tpu.memref_slice %arg3[%multiple_of3A, %dma_wait3A_140] : memref<2624x128xi32, #tpu.memory_space<hbm>> -> memref<64x128xi32, #tpu.memory_space<hbm>>
          %dma_wait3A_142 = arith.constant 0 : i32
          %dma_wait3A_143 = tpu.memref_slice %arg3[%multiple_of3A, %dma_wait3A_142] : memref<2624x128xi32, #tpu.memory_space<hbm>> -> memref<64x128xi32, #tpu.memory_space<hbm>>
          tpu.wait_dma2 semaphore(%run_scoped3A_136 : memref<!tpu.dma_semaphore, #tpu.memory_space<semaphore_mem>>) src(%dma_wait3A_143 : memref<64x128xi32, #tpu.memory_space<hbm>>) dst(%arg6 : memref<64x128xi32, #tpu.memory_space<vmem>>)
          tpu.yield
        }) : () -> ()
      } else {
      }
      %add3A_112 = arith.constant 1 : i32
      %add3A_113 = arith.addi %while3A_93, %add3A_112 : i32
      %lt3A_114 = arith.cmpi slt, %add3A_113, %select_n3A : i32
      %convert_element_type3A_115 = arith.extui %lt3A_114 : i1 to i32
      %cond3A_116 = arith.constant 0 : i32
      %cond3A_117 = arith.cmpi ne, %convert_element_type3A_115, %cond3A_116 : i32
      scf.if %cond3A_117 {
        %add3A_133 = arith.constant 1 : i32
        %add3A_134 = arith.addi %while3A_93, %add3A_133 : i32
        %rem3A_135 = arith.constant 64 : i32
        %rem3A_136 = arith.remsi %add3A_134, %rem3A_135 : i32
        %get3A = arith.index_cast %rem3A_136 : i32 to index
        %get3A_137 = arith.constant 0 : index
        %get3A_138 = tpu.vector_load %arg6[%get3A, %get3A_137] {strides = array<i32>} : memref<64x128xi32, #tpu.memory_space<vmem>>, vector<1x16xi32>,
        %get3A_139 = vector.shape_cast %get3A_138 : vector<1x16xi32> to vector<16xi32>
        %and3A_140 = arith.constant 65535 : i32
        %and3A_141 = vector.broadcast %and3A_140 : i32 to vector<16xi32>
        %and3A_142 = arith.andi %get3A_139, %and3A_141 : vector<16xi32>
        %add3A_143 = vector.broadcast %mul3A_20 : i32 to vector<16xi32>
        %add3A_144 = arith.addi %and3A_142, %add3A_143 : vector<16xi32>
        %swap3A = arith.index_cast %rem3A_99 : i32 to index
        %swap3A_145 = arith.constant 0 : index
        %swap3A_146 = tpu.vector_load %arg7[%swap3A, %swap3A_145] {strides = array<i32>} : memref<2x128xi32, #tpu.memory_space<vmem>>, vector<1x16xi32>,
        %swap3A_147 = vector.shape_cast %swap3A_146 : vector<1x16xi32> to vector<16xi32>
        %swap3A_148 = vector.shape_cast %add3A_144 : vector<16xi32> to vector<1x16xi32>
        tpu.vector_store %arg7[%swap3A, %swap3A_145], %swap3A_148 {strides = array<i32>} : memref<2x128xi32, #tpu.memory_space<vmem>>, vector<1x16xi32>,
        %shift_right_logical3A = arith.constant 16 : i32
        %shift_right_logical3A_149 = vector.broadcast %shift_right_logical3A : i32 to vector<16xi32>
        %shift_right_logical3A_150 = arith.shrui %get3A_139, %shift_right_logical3A_149 : vector<16xi32>
        %swap3A_151 = arith.index_cast %rem3A_99 : i32 to index
        %swap3A_152 = arith.constant 0 : index
        %swap3A_153 = tpu.vector_load %arg8[%swap3A_151, %swap3A_152] {strides = array<i32>} : memref<2x128xi32, #tpu.memory_space<vmem>>, vector<1x16xi32>,
        %swap3A_154 = vector.shape_cast %swap3A_153 : vector<1x16xi32> to vector<16xi32>
        %swap3A_155 = vector.shape_cast %shift_right_logical3A_150 : vector<16xi32> to vector<1x16xi32>
        tpu.vector_store %arg8[%swap3A_151, %swap3A_152], %swap3A_155 {strides = array<i32>} : memref<2x128xi32, #tpu.memory_space<vmem>>, vector<1x16xi32>,
        %get3A_156 = arith.index_cast %rem3A_136 : i32 to index
        %get3A_157 = arith.constant 16 : index
        %get3A_158 = tpu.vector_load %arg6[%get3A_156, %get3A_157] {strides = array<i32>} : memref<64x128xi32, #tpu.memory_space<vmem>>, vector<1x16xi32>,
        %get3A_159 = vector.shape_cast %get3A_158 : vector<1x16xi32> to vector<16xi32>
        %and3A_160 = arith.constant 65535 : i32
        %and3A_161 = vector.broadcast %and3A_160 : i32 to vector<16xi32>
        %and3A_162 = arith.andi %get3A_159, %and3A_161 : vector<16xi32>
        %add3A_163 = vector.broadcast %mul3A_20 : i32 to vector<16xi32>
        %add3A_164 = arith.addi %and3A_162, %add3A_163 : vector<16xi32>
        %swap3A_165 = arith.index_cast %rem3A_99 : i32 to index
        %swap3A_166 = arith.constant 16 : index
        %swap3A_167 = tpu.vector_load %arg7[%swap3A_165, %swap3A_166] {strides = array<i32>} : memref<2x128xi32, #tpu.memory_space<vmem>>, vector<1x16xi32>,
        %swap3A_168 = vector.shape_cast %swap3A_167 : vector<1x16xi32> to vector<16xi32>
        %swap3A_169 = vector.shape_cast %add3A_164 : vector<16xi32> to vector<1x16xi32>
        tpu.vector_store %arg7[%swap3A_165, %swap3A_166], %swap3A_169 {strides = array<i32>} : memref<2x128xi32, #tpu.memory_space<vmem>>, vector<1x16xi32>,
        %shift_right_logical3A_170 = arith.constant 16 : i32
        %shift_right_logical3A_171 = vector.broadcast %shift_right_logical3A_170 : i32 to vector<16xi32>
        %shift_right_logical3A_172 = arith.shrui %get3A_159, %shift_right_logical3A_171 : vector<16xi32>
        %swap3A_173 = arith.index_cast %rem3A_99 : i32 to index
        %swap3A_174 = arith.constant 16 : index
        %swap3A_175 = tpu.vector_load %arg8[%swap3A_173, %swap3A_174] {strides = array<i32>} : memref<2x128xi32, #tpu.memory_space<vmem>>, vector<1x16xi32>,
        %swap3A_176 = vector.shape_cast %swap3A_175 : vector<1x16xi32> to vector<16xi32>
        %swap3A_177 = vector.shape_cast %shift_right_logical3A_172 : vector<16xi32> to vector<1x16xi32>
        tpu.vector_store %arg8[%swap3A_173, %swap3A_174], %swap3A_177 {strides = array<i32>} : memref<2x128xi32, #tpu.memory_space<vmem>>, vector<1x16xi32>,
        %get3A_178 = arith.index_cast %rem3A_136 : i32 to index
        %get3A_179 = arith.constant 32 : index
        %get3A_180 = tpu.vector_load %arg6[%get3A_178, %get3A_179] {strides = array<i32>} : memref<64x128xi32, #tpu.memory_space<vmem>>, vector<1x16xi32>,
        %get3A_181 = vector.shape_cast %get3A_180 : vector<1x16xi32> to vector<16xi32>
        %and3A_182 = arith.constant 65535 : i32
        %and3A_183 = vector.broadcast %and3A_182 : i32 to vector<16xi32>
        %and3A_184 = arith.andi %get3A_181, %and3A_183 : vector<16xi32>
        %add3A_185 = vector.broadcast %mul3A_20 : i32 to vector<16xi32>
        %add3A_186 = arith.addi %and3A_184, %add3A_185 : vector<16xi32>
        %swap3A_187 = arith.index_cast %rem3A_99 : i32 to index
        %swap3A_188 = arith.constant 32 : index
        %swap3A_189 = tpu.vector_load %arg7[%swap3A_187, %swap3A_188] {strides = array<i32>} : memref<2x128xi32, #tpu.memory_space<vmem>>, vector<1x16xi32>,
        %swap3A_190 = vector.shape_cast %swap3A_189 : vector<1x16xi32> to vector<16xi32>
        %swap3A_191 = vector.shape_cast %add3A_186 : vector<16xi32> to vector<1x16xi32>
        tpu.vector_store %arg7[%swap3A_187, %swap3A_188], %swap3A_191 {strides = array<i32>} : memref<2x128xi32, #tpu.memory_space<vmem>>, vector<1x16xi32>,
        %shift_right_logical3A_192 = arith.constant 16 : i32
        %shift_right_logical3A_193 = vector.broadcast %shift_right_logical3A_192 : i32 to vector<16xi32>
        %shift_right_logical3A_194 = arith.shrui %get3A_181, %shift_right_logical3A_193 : vector<16xi32>
        %swap3A_195 = arith.index_cast %rem3A_99 : i32 to index
        %swap3A_196 = arith.constant 32 : index
        %swap3A_197 = tpu.vector_load %arg8[%swap3A_195, %swap3A_196] {strides = array<i32>} : memref<2x128xi32, #tpu.memory_space<vmem>>, vector<1x16xi32>,
        %swap3A_198 = vector.shape_cast %swap3A_197 : vector<1x16xi32> to vector<16xi32>
        %swap3A_199 = vector.shape_cast %shift_right_logical3A_194 : vector<16xi32> to vector<1x16xi32>
        tpu.vector_store %arg8[%swap3A_195, %swap3A_196], %swap3A_199 {strides = array<i32>} : memref<2x128xi32, #tpu.memory_space<vmem>>, vector<1x16xi32>,
        %get3A_200 = arith.index_cast %rem3A_136 : i32 to index
        %get3A_201 = arith.constant 48 : index
        %get3A_202 = tpu.vector_load %arg6[%get3A_200, %get3A_201] {strides = array<i32>} : memref<64x128xi32, #tpu.memory_space<vmem>>, vector<1x16xi32>,
        %get3A_203 = vector.shape_cast %get3A_202 : vector<1x16xi32> to vector<16xi32>
        %and3A_204 = arith.constant 65535 : i32
        %and3A_205 = vector.broadcast %and3A_204 : i32 to vector<16xi32>
        %and3A_206 = arith.andi %get3A_203, %and3A_205 : vector<16xi32>
        %add3A_207 = vector.broadcast %mul3A_20 : i32 to vector<16xi32>
        %add3A_208 = arith.addi %and3A_206, %add3A_207 : vector<16xi32>
        %swap3A_209 = arith.index_cast %rem3A_99 : i32 to index
        %swap3A_210 = arith.constant 48 : index
        %swap3A_211 = tpu.vector_load %arg7[%swap3A_209, %swap3A_210] {strides = array<i32>} : memref<2x128xi32, #tpu.memory_space<vmem>>, vector<1x16xi32>,
        %swap3A_212 = vector.shape_cast %swap3A_211 : vector<1x16xi32> to vector<16xi32>
        %swap3A_213 = vector.shape_cast %add3A_208 : vector<16xi32> to vector<1x16xi32>
        tpu.vector_store %arg7[%swap3A_209, %swap3A_210], %swap3A_213 {strides = array<i32>} : memref<2x128xi32, #tpu.memory_space<vmem>>, vector<1x16xi32>,
        %shift_right_logical3A_214 = arith.constant 16 : i32
        %shift_right_logical3A_215 = vector.broadcast %shift_right_logical3A_214 : i32 to vector<16xi32>
        %shift_right_logical3A_216 = arith.shrui %get3A_203, %shift_right_logical3A_215 : vector<16xi32>
        %swap3A_217 = arith.index_cast %rem3A_99 : i32 to index
        %swap3A_218 = arith.constant 48 : index
        %swap3A_219 = tpu.vector_load %arg8[%swap3A_217, %swap3A_218] {strides = array<i32>} : memref<2x128xi32, #tpu.memory_space<vmem>>, vector<1x16xi32>,
        %swap3A_220 = vector.shape_cast %swap3A_219 : vector<1x16xi32> to vector<16xi32>
        %swap3A_221 = vector.shape_cast %shift_right_logical3A_216 : vector<16xi32> to vector<1x16xi32>
        tpu.vector_store %arg8[%swap3A_217, %swap3A_218], %swap3A_221 {strides = array<i32>} : memref<2x128xi32, #tpu.memory_space<vmem>>, vector<1x16xi32>,
        %get3A_222 = arith.index_cast %rem3A_136 : i32 to index
        %get3A_223 = arith.constant 64 : index
        %get3A_224 = tpu.vector_load %arg6[%get3A_222, %get3A_223] {strides = array<i32>} : memref<64x128xi32, #tpu.memory_space<vmem>>, vector<1x16xi32>,
        %get3A_225 = vector.shape_cast %get3A_224 : vector<1x16xi32> to vector<16xi32>
        %and3A_226 = arith.constant 65535 : i32
        %and3A_227 = vector.broadcast %and3A_226 : i32 to vector<16xi32>
        %and3A_228 = arith.andi %get3A_225, %and3A_227 : vector<16xi32>
        %add3A_229 = vector.broadcast %mul3A_20 : i32 to vector<16xi32>
        %add3A_230 = arith.addi %and3A_228, %add3A_229 : vector<16xi32>
        %swap3A_231 = arith.index_cast %rem3A_99 : i32 to index
        %swap3A_232 = arith.constant 64 : index
        %swap3A_233 = tpu.vector_load %arg7[%swap3A_231, %swap3A_232] {strides = array<i32>} : memref<2x128xi32, #tpu.memory_space<vmem>>, vector<1x16xi32>,
        %swap3A_234 = vector.shape_cast %swap3A_233 : vector<1x16xi32> to vector<16xi32>
        %swap3A_235 = vector.shape_cast %add3A_230 : vector<16xi32> to vector<1x16xi32>
        tpu.vector_store %arg7[%swap3A_231, %swap3A_232], %swap3A_235 {strides = array<i32>} : memref<2x128xi32, #tpu.memory_space<vmem>>, vector<1x16xi32>,
        %shift_right_logical3A_236 = arith.constant 16 : i32
        %shift_right_logical3A_237 = vector.broadcast %shift_right_logical3A_236 : i32 to vector<16xi32>
        %shift_right_logical3A_238 = arith.shrui %get3A_225, %shift_right_logical3A_237 : vector<16xi32>
        %swap3A_239 = arith.index_cast %rem3A_99 : i32 to index
        %swap3A_240 = arith.constant 64 : index
        %swap3A_241 = tpu.vector_load %arg8[%swap3A_239, %swap3A_240] {strides = array<i32>} : memref<2x128xi32, #tpu.memory_space<vmem>>, vector<1x16xi32>,
        %swap3A_242 = vector.shape_cast %swap3A_241 : vector<1x16xi32> to vector<16xi32>
        %swap3A_243 = vector.shape_cast %shift_right_logical3A_238 : vector<16xi32> to vector<1x16xi32>
        tpu.vector_store %arg8[%swap3A_239, %swap3A_240], %swap3A_243 {strides = array<i32>} : memref<2x128xi32, #tpu.memory_space<vmem>>, vector<1x16xi32>,
        %get3A_244 = arith.index_cast %rem3A_136 : i32 to index
        %get3A_245 = arith.constant 80 : index
        %get3A_246 = tpu.vector_load %arg6[%get3A_244, %get3A_245] {strides = array<i32>} : memref<64x128xi32, #tpu.memory_space<vmem>>, vector<1x16xi32>,
        %get3A_247 = vector.shape_cast %get3A_246 : vector<1x16xi32> to vector<16xi32>
        %and3A_248 = arith.constant 65535 : i32
        %and3A_249 = vector.broadcast %and3A_248 : i32 to vector<16xi32>
        %and3A_250 = arith.andi %get3A_247, %and3A_249 : vector<16xi32>
        %add3A_251 = vector.broadcast %mul3A_20 : i32 to vector<16xi32>
        %add3A_252 = arith.addi %and3A_250, %add3A_251 : vector<16xi32>
        %swap3A_253 = arith.index_cast %rem3A_99 : i32 to index
        %swap3A_254 = arith.constant 80 : index
        %swap3A_255 = tpu.vector_load %arg7[%swap3A_253, %swap3A_254] {strides = array<i32>} : memref<2x128xi32, #tpu.memory_space<vmem>>, vector<1x16xi32>,
        %swap3A_256 = vector.shape_cast %swap3A_255 : vector<1x16xi32> to vector<16xi32>
        %swap3A_257 = vector.shape_cast %add3A_252 : vector<16xi32> to vector<1x16xi32>
        tpu.vector_store %arg7[%swap3A_253, %swap3A_254], %swap3A_257 {strides = array<i32>} : memref<2x128xi32, #tpu.memory_space<vmem>>, vector<1x16xi32>,
        %shift_right_logical3A_258 = arith.constant 16 : i32
        %shift_right_logical3A_259 = vector.broadcast %shift_right_logical3A_258 : i32 to vector<16xi32>
        %shift_right_logical3A_260 = arith.shrui %get3A_247, %shift_right_logical3A_259 : vector<16xi32>
        %swap3A_261 = arith.index_cast %rem3A_99 : i32 to index
        %swap3A_262 = arith.constant 80 : index
        %swap3A_263 = tpu.vector_load %arg8[%swap3A_261, %swap3A_262] {strides = array<i32>} : memref<2x128xi32, #tpu.memory_space<vmem>>, vector<1x16xi32>,
        %swap3A_264 = vector.shape_cast %swap3A_263 : vector<1x16xi32> to vector<16xi32>
        %swap3A_265 = vector.shape_cast %shift_right_logical3A_260 : vector<16xi32> to vector<1x16xi32>
        tpu.vector_store %arg8[%swap3A_261, %swap3A_262], %swap3A_265 {strides = array<i32>} : memref<2x128xi32, #tpu.memory_space<vmem>>, vector<1x16xi32>,
        %get3A_266 = arith.index_cast %rem3A_136 : i32 to index
        %get3A_267 = arith.constant 96 : index
        %get3A_268 = tpu.vector_load %arg6[%get3A_266, %get3A_267] {strides = array<i32>} : memref<64x128xi32, #tpu.memory_space<vmem>>, vector<1x16xi32>,
        %get3A_269 = vector.shape_cast %get3A_268 : vector<1x16xi32> to vector<16xi32>
        %and3A_270 = arith.constant 65535 : i32
        %and3A_271 = vector.broadcast %and3A_270 : i32 to vector<16xi32>
        %and3A_272 = arith.andi %get3A_269, %and3A_271 : vector<16xi32>
        %add3A_273 = vector.broadcast %mul3A_20 : i32 to vector<16xi32>
        %add3A_274 = arith.addi %and3A_272, %add3A_273 : vector<16xi32>
        %swap3A_275 = arith.index_cast %rem3A_99 : i32 to index
        %swap3A_276 = arith.constant 96 : index
        %swap3A_277 = tpu.vector_load %arg7[%swap3A_275, %swap3A_276] {strides = array<i32>} : memref<2x128xi32, #tpu.memory_space<vmem>>, vector<1x16xi32>,
        %swap3A_278 = vector.shape_cast %swap3A_277 : vector<1x16xi32> to vector<16xi32>
        %swap3A_279 = vector.shape_cast %add3A_274 : vector<16xi32> to vector<1x16xi32>
        tpu.vector_store %arg7[%swap3A_275, %swap3A_276], %swap3A_279 {strides = array<i32>} : memref<2x128xi32, #tpu.memory_space<vmem>>, vector<1x16xi32>,
        %shift_right_logical3A_280 = arith.constant 16 : i32
        %shift_right_logical3A_281 = vector.broadcast %shift_right_logical3A_280 : i32 to vector<16xi32>
        %shift_right_logical3A_282 = arith.shrui %get3A_269, %shift_right_logical3A_281 : vector<16xi32>
        %swap3A_283 = arith.index_cast %rem3A_99 : i32 to index
        %swap3A_284 = arith.constant 96 : index
        %swap3A_285 = tpu.vector_load %arg8[%swap3A_283, %swap3A_284] {strides = array<i32>} : memref<2x128xi32, #tpu.memory_space<vmem>>, vector<1x16xi32>,
        %swap3A_286 = vector.shape_cast %swap3A_285 : vector<1x16xi32> to vector<16xi32>
        %swap3A_287 = vector.shape_cast %shift_right_logical3A_282 : vector<16xi32> to vector<1x16xi32>
        tpu.vector_store %arg8[%swap3A_283, %swap3A_284], %swap3A_287 {strides = array<i32>} : memref<2x128xi32, #tpu.memory_space<vmem>>, vector<1x16xi32>,
        %get3A_288 = arith.index_cast %rem3A_136 : i32 to index
        %get3A_289 = arith.constant 112 : index
        %get3A_290 = tpu.vector_load %arg6[%get3A_288, %get3A_289] {strides = array<i32>} : memref<64x128xi32, #tpu.memory_space<vmem>>, vector<1x16xi32>,
        %get3A_291 = vector.shape_cast %get3A_290 : vector<1x16xi32> to vector<16xi32>
        %and3A_292 = arith.constant 65535 : i32
        %and3A_293 = vector.broadcast %and3A_292 : i32 to vector<16xi32>
        %and3A_294 = arith.andi %get3A_291, %and3A_293 : vector<16xi32>
        %add3A_295 = vector.broadcast %mul3A_20 : i32 to vector<16xi32>
        %add3A_296 = arith.addi %and3A_294, %add3A_295 : vector<16xi32>
        %swap3A_297 = arith.index_cast %rem3A_99 : i32 to index
        %swap3A_298 = arith.constant 112 : index
        %swap3A_299 = tpu.vector_load %arg7[%swap3A_297, %swap3A_298] {strides = array<i32>} : memref<2x128xi32, #tpu.memory_space<vmem>>, vector<1x16xi32>,
        %swap3A_300 = vector.shape_cast %swap3A_299 : vector<1x16xi32> to vector<16xi32>
        %swap3A_301 = vector.shape_cast %add3A_296 : vector<16xi32> to vector<1x16xi32>
        tpu.vector_store %arg7[%swap3A_297, %swap3A_298], %swap3A_301 {strides = array<i32>} : memref<2x128xi32, #tpu.memory_space<vmem>>, vector<1x16xi32>,
        %shift_right_logical3A_302 = arith.constant 16 : i32
        %shift_right_logical3A_303 = vector.broadcast %shift_right_logical3A_302 : i32 to vector<16xi32>
        %shift_right_logical3A_304 = arith.shrui %get3A_291, %shift_right_logical3A_303 : vector<16xi32>
        %swap3A_305 = arith.index_cast %rem3A_99 : i32 to index
        %swap3A_306 = arith.constant 112 : index
        %swap3A_307 = tpu.vector_load %arg8[%swap3A_305, %swap3A_306] {strides = array<i32>} : memref<2x128xi32, #tpu.memory_space<vmem>>, vector<1x16xi32>,
        %swap3A_308 = vector.shape_cast %swap3A_307 : vector<1x16xi32> to vector<16xi32>
        %swap3A_309 = vector.shape_cast %shift_right_logical3A_304 : vector<16xi32> to vector<1x16xi32>
        tpu.vector_store %arg8[%swap3A_305, %swap3A_306], %swap3A_309 {strides = array<i32>} : memref<2x128xi32, #tpu.memory_space<vmem>>, vector<1x16xi32>,
        %dma_start3A = arith.constant 0 : i32
        %dma_start3A_310 = arith.constant 0 : i32
        %dma_start3A_311 = tpu.memref_slice %arg9[%rem3A_99, %dma_start3A, %dma_start3A_310] : memref<2x128x128xf32, #tpu.memory_space<vmem>> -> memref<1x128x128xf32, #tpu.memory_space<vmem>>
        %dma_start3A_312 = tpu.memref_squeeze %dma_start3A_311 : memref<1x128x128xf32, #tpu.memory_space<vmem>> -> memref<128x128xf32, #tpu.memory_space<vmem>>
        %dma_start3A_313 = arith.constant 0 : i32
        %dma_start3A_314 = tpu.memref_slice %arg7[%rem3A_99, %dma_start3A_313] : memref<2x128xi32, #tpu.memory_space<vmem>> -> memref<1x128xi32, #tpu.memory_space<vmem>>
        %dma_start3A_315 = tpu.memref_squeeze %dma_start3A_314 : memref<1x128xi32, #tpu.memory_space<vmem>> -> memref<128xi32, #tpu.memory_space<vmem>>
        %dma_start3A_316 = arith.constant 0 : i32
        %dma_start3A_317 = arith.constant 0 : i32
        %dma_start3A_318 = tpu.memref_slice %arg2[%dma_start3A_316, %dma_start3A_317] : memref<20000x128xf32, #tpu.memory_space<hbm>> -> memref<20000x128xf32, #tpu.memory_space<hbm>>
        tpu.enqueue_indirect_dma source(%dma_start3A_318 : memref<20000x128xf32, #tpu.memory_space<hbm>>) target(%dma_start3A_312 : memref<128x128xf32, #tpu.memory_space<vmem>>) offsets(%dma_start3A_315 : memref<128xi32, #tpu.memory_space<vmem>>) semaphore(%arg11 : memref<!tpu.dma_semaphore, #tpu.memory_space<semaphore_mem>>)
      } else {
      }
      %dma_wait3A = arith.constant 0 : i32
      %dma_wait3A_118 = arith.constant 0 : i32
      %dma_wait3A_119 = arith.constant 0 : i32
      %dma_wait3A_120 = tpu.memref_slice %arg9[%dma_wait3A, %dma_wait3A_118, %dma_wait3A_119] : memref<2x128x128xf32, #tpu.memory_space<vmem>> -> memref<1x128x128xf32, #tpu.memory_space<vmem>>
      %dma_wait3A_121 = tpu.memref_squeeze %dma_wait3A_120 : memref<1x128x128xf32, #tpu.memory_space<vmem>> -> memref<128x128xf32, #tpu.memory_space<vmem>>
      %dma_wait3A_122 = arith.constant 0 : i32
      %dma_wait3A_123 = arith.constant 0 : i32
      %dma_wait3A_124 = tpu.memref_slice %arg2[%dma_wait3A_122, %dma_wait3A_123] : memref<20000x128xf32, #tpu.memory_space<hbm>> -> memref<128x128xf32, #tpu.memory_space<hbm>>
      %dma_wait3A_125 = arith.constant 0 : i32
      %dma_wait3A_126 = arith.constant 0 : i32
      %dma_wait3A_127 = tpu.memref_slice %arg9[%dma_wait3A, %dma_wait3A_125, %dma_wait3A_126] : memref<2x128x128xf32, #tpu.memory_space<vmem>> -> memref<1x128x128xf32, #tpu.memory_space<vmem>>
      %dma_wait3A_128 = tpu.memref_squeeze %dma_wait3A_127 : memref<1x128x128xf32, #tpu.memory_space<vmem>> -> memref<128x128xf32, #tpu.memory_space<vmem>>
      %dma_wait3A_129 = arith.constant 0 : i32
      %dma_wait3A_130 = arith.constant 0 : i32
      %dma_wait3A_131 = tpu.memref_slice %arg2[%dma_wait3A_129, %dma_wait3A_130] : memref<20000x128xf32, #tpu.memory_space<hbm>> -> memref<128x128xf32, #tpu.memory_space<hbm>>
      tpu.wait_dma2 semaphore(%arg11 : memref<!tpu.dma_semaphore, #tpu.memory_space<semaphore_mem>>) src(%dma_wait3A_131 : memref<128x128xf32, #tpu.memory_space<hbm>>) dst(%dma_wait3A_128 : memref<128x128xf32, #tpu.memory_space<vmem>>)
      "tpu.region"() ({
        %run_scoped3A_133 = tpu.sem_alloc : memref<!tpu.dma_semaphore, #tpu.memory_space<semaphore_mem>>
        %dma_start3A = arith.constant 0 : i32
        %dma_start3A_134 = arith.constant 0 : i32
        %dma_start3A_135 = tpu.memref_slice %arg9[%rem3A_95, %dma_start3A, %dma_start3A_134] : memref<2x128x128xf32, #tpu.memory_space<vmem>> -> memref<1x128x128xf32, #tpu.memory_space<vmem>>
        %dma_start3A_136 = tpu.memref_squeeze %dma_start3A_135 : memref<1x128x128xf32, #tpu.memory_space<vmem>> -> memref<128x128xf32, #tpu.memory_space<vmem>>
        %dma_start3A_137 = arith.constant 0 : i32
        %dma_start3A_138 = tpu.memref_slice %arg8[%rem3A_95, %dma_start3A_137] : memref<2x128xi32, #tpu.memory_space<vmem>> -> memref<1x128xi32, #tpu.memory_space<vmem>>
        %dma_start3A_139 = tpu.memref_squeeze %dma_start3A_138 : memref<1x128xi32, #tpu.memory_space<vmem>> -> memref<128xi32, #tpu.memory_space<vmem>>
        %dma_start3A_140 = arith.constant 0 : i32
        %dma_start3A_141 = arith.constant 0 : i32
        %dma_start3A_142 = tpu.memref_slice %arg10[%dma_start3A_140, %dma_start3A_141] : memref<10112x128xf32, #tpu.memory_space<vmem_shared>> -> memref<10112x128xf32, #tpu.memory_space<vmem_shared>>
        tpu.enqueue_indirect_dma source(%dma_start3A_136 : memref<128x128xf32, #tpu.memory_space<vmem>>) target(%dma_start3A_142 : memref<10112x128xf32, #tpu.memory_space<vmem_shared>>) offsets(%dma_start3A_139 : memref<128xi32, #tpu.memory_space<vmem>>) semaphore(%run_scoped3A_133 : memref<!tpu.dma_semaphore, #tpu.memory_space<semaphore_mem>>) {add = true}
        %dma_wait3A_143 = arith.constant 0 : i32
        %dma_wait3A_144 = arith.constant 0 : i32
        %dma_wait3A_145 = tpu.memref_slice %arg9[%rem3A_95, %dma_wait3A_143, %dma_wait3A_144] : memref<2x128x128xf32, #tpu.memory_space<vmem>> -> memref<1x128x128xf32, #tpu.memory_space<vmem>>
        %dma_wait3A_146 = tpu.memref_squeeze %dma_wait3A_145 : memref<1x128x128xf32, #tpu.memory_space<vmem>> -> memref<128x128xf32, #tpu.memory_space<vmem>>
        %dma_wait3A_147 = arith.constant 0 : i32
        %dma_wait3A_148 = tpu.memref_slice %arg8[%rem3A_95, %dma_wait3A_147] : memref<2x128xi32, #tpu.memory_space<vmem>> -> memref<1x128xi32, #tpu.memory_space<vmem>>
        %dma_wait3A_149 = tpu.memref_squeeze %dma_wait3A_148 : memref<1x128xi32, #tpu.memory_space<vmem>> -> memref<128xi32, #tpu.memory_space<vmem>>
        %dma_wait3A_150 = arith.constant 0 : i32
        %dma_wait3A_151 = arith.constant 0 : i32
        %dma_wait3A_152 = tpu.memref_slice %arg10[%dma_wait3A_150, %dma_wait3A_151] : memref<10112x128xf32, #tpu.memory_space<vmem_shared>> -> memref<10112x128xf32, #tpu.memory_space<vmem_shared>>
        tpu.wait_indirect_dma semaphore(%run_scoped3A_133 : memref<!tpu.dma_semaphore, #tpu.memory_space<semaphore_mem>>) src(%dma_wait3A_146 : memref<128x128xf32, #tpu.memory_space<vmem>>) dst(%dma_wait3A_152 : memref<10112x128xf32, #tpu.memory_space<vmem_shared>>)
        tpu.yield
      }) : () -> ()
      "tpu.region"() ({
        %run_scoped3A_133 = tpu.sem_alloc : memref<!tpu.dma_semaphore, #tpu.memory_space<semaphore_mem>>
        %dma_start3A = arith.constant 0 : i32
        %dma_start3A_134 = tpu.memref_slice %arg8[%rem3A_95, %dma_start3A] : memref<2x128xi32, #tpu.memory_space<vmem>> -> memref<1x128xi32, #tpu.memory_space<vmem>>
        %dma_start3A_135 = tpu.memref_squeeze %dma_start3A_134 : memref<1x128xi32, #tpu.memory_space<vmem>> -> memref<128xi32, #tpu.memory_space<vmem>>
        %dma_start3A_136 = arith.constant 0 : i32
        %dma_start3A_137 = tpu.memref_slice %arg14[%dma_start3A_136] : memref<10048xf32, #tpu.memory_space<vmem_shared>> -> memref<10048xf32, #tpu.memory_space<vmem_shared>>
        tpu.enqueue_indirect_dma source(%arg12 : memref<128xf32, #tpu.memory_space<vmem>>) target(%dma_start3A_137 : memref<10048xf32, #tpu.memory_space<vmem_shared>>) offsets(%dma_start3A_135 : memref<128xi32, #tpu.memory_space<vmem>>) semaphore(%run_scoped3A_133 : memref<!tpu.dma_semaphore, #tpu.memory_space<semaphore_mem>>) {add = true}
        %dma_wait3A_138 = arith.constant 0 : i32
        %dma_wait3A_139 = tpu.memref_slice %arg8[%rem3A_95, %dma_wait3A_138] : memref<2x128xi32, #tpu.memory_space<vmem>> -> memref<1x128xi32, #tpu.memory_space<vmem>>
        %dma_wait3A_140 = tpu.memref_squeeze %dma_wait3A_139 : memref<1x128xi32, #tpu.memory_space<vmem>> -> memref<128xi32, #tpu.memory_space<vmem>>
        %dma_wait3A_141 = arith.constant 0 : i32
        %dma_wait3A_142 = tpu.memref_slice %arg14[%dma_wait3A_141] : memref<10048xf32, #tpu.memory_space<vmem_shared>> -> memref<10048xf32, #tpu.memory_space<vmem_shared>>
        tpu.wait_indirect_dma semaphore(%run_scoped3A_133 : memref<!tpu.dma_semaphore, #tpu.memory_space<semaphore_mem>>) src(%arg12 : memref<128xf32, #tpu.memory_space<vmem>>) dst(%dma_wait3A_142 : memref<10048xf32, #tpu.memory_space<vmem_shared>>)
        tpu.yield
      }) : () -> ()
      %while3A_132 = arith.constant 0 : i32
      scf.yield %while3A_132 : i32
    }
    %barrier3A_79 = arith.constant 0 : index
    tpu.barrier barrier_id(%barrier3A_79)
    %mul3A_80 = arith.constant 10112 : i32
    %mul3A_81 = arith.muli %arg0, %mul3A_80 : i32
    %add3A_82 = arith.addi %mul3A_81, %mul3A_0 : i32
    "tpu.region"() ({
      %run_scoped3A_93 = tpu.sem_alloc : memref<!tpu.dma_semaphore, #tpu.memory_space<semaphore_mem>>
      %dma_start3A = arith.constant 0 : i32
      %dma_start3A_94 = tpu.memref_slice %arg4[%add3A_82, %dma_start3A] : memref<20224x128xf32, #tpu.memory_space<hbm>> -> memref<632x128xf32, #tpu.memory_space<hbm>>
      %dma_start3A_95 = arith.constant 0 : i32
      %dma_start3A_96 = tpu.memref_slice %arg10[%mul3A_0, %dma_start3A_95] : memref<10112x128xf32, #tpu.memory_space<vmem_shared>> -> memref<632x128xf32, #tpu.memory_space<vmem_shared>>
      tpu.enqueue_dma source(%dma_start3A_96 : memref<632x128xf32, #tpu.memory_space<vmem_shared>>) target(%dma_start3A_94 : memref<632x128xf32, #tpu.memory_space<hbm>>) target_semaphore(%run_scoped3A_93 : memref<!tpu.dma_semaphore, #tpu.memory_space<semaphore_mem>>)
      %dma_wait3A = arith.constant 0 : i32
      %dma_wait3A_97 = tpu.memref_slice %arg4[%add3A_82, %dma_wait3A] : memref<20224x128xf32, #tpu.memory_space<hbm>> -> memref<632x128xf32, #tpu.memory_space<hbm>>
      %dma_wait3A_98 = arith.constant 0 : i32
      %dma_wait3A_99 = tpu.memref_slice %arg10[%mul3A_0, %dma_wait3A_98] : memref<10112x128xf32, #tpu.memory_space<vmem_shared>> -> memref<632x128xf32, #tpu.memory_space<vmem_shared>>
      tpu.wait_dma2 semaphore(%run_scoped3A_93 : memref<!tpu.dma_semaphore, #tpu.memory_space<semaphore_mem>>) src(%dma_wait3A_99 : memref<632x128xf32, #tpu.memory_space<vmem_shared>>) dst(%dma_wait3A_97 : memref<632x128xf32, #tpu.memory_space<hbm>>)
      tpu.yield
    }) : () -> ()
    %lt3A_83 = arith.constant 15 : i32
    %lt3A_84 = arith.cmpi slt, %arg1, %lt3A_83 : i32
    %convert_element_type3A_85 = arith.extui %lt3A_84 : i1 to i32
    %cond3A_86 = arith.constant 0 : i32
    %cond3A_87 = arith.cmpi ne, %convert_element_type3A_85, %cond3A_86 : i32
    scf.if %cond3A_87 {
      %mul3A_93 = arith.constant 640 : i32
      %mul3A_94 = arith.muli %mul3A_93, %arg1 : i32
      "tpu.region"() ({
        %run_scoped3A_100 = tpu.sem_alloc : memref<!tpu.dma_semaphore, #tpu.memory_space<semaphore_mem>>
        %dma_start3A = tpu.memref_slice %arg14[%mul3A_94] : memref<10048xf32, #tpu.memory_space<vmem_shared>> -> memref<640xf32, #tpu.memory_space<vmem_shared>>
        %dma_start3A_101 = tpu.memref_slice %arg14[%mul3A_94] : memref<10048xf32, #tpu.memory_space<vmem_shared>> -> memref<640xf32, #tpu.memory_space<vmem_shared>>
        tpu.enqueue_dma source(%dma_start3A_101 : memref<640xf32, #tpu.memory_space<vmem_shared>>) target(%arg13 : memref<640xf32, #tpu.memory_space<vmem>>) target_semaphore(%run_scoped3A_100 : memref<!tpu.dma_semaphore, #tpu.memory_space<semaphore_mem>>)
        %dma_wait3A = tpu.memref_slice %arg14[%mul3A_94] : memref<10048xf32, #tpu.memory_space<vmem_shared>> -> memref<640xf32, #tpu.memory_space<vmem_shared>>
        %dma_wait3A_102 = tpu.memref_slice %arg14[%mul3A_94] : memref<10048xf32, #tpu.memory_space<vmem_shared>> -> memref<640xf32, #tpu.memory_space<vmem_shared>>
        tpu.wait_dma2 semaphore(%run_scoped3A_100 : memref<!tpu.dma_semaphore, #tpu.memory_space<semaphore_mem>>) src(%dma_wait3A_102 : memref<640xf32, #tpu.memory_space<vmem_shared>>) dst(%arg13 : memref<640xf32, #tpu.memory_space<vmem>>)
        tpu.yield
      }) : () -> ()
      %mul3A_95 = arith.constant 10048 : i32
      %mul3A_96 = arith.muli %arg0, %mul3A_95 : i32
      %mul3A_97 = arith.constant 640 : i32
      %mul3A_98 = arith.muli %mul3A_97, %arg1 : i32
      %add3A_99 = arith.addi %mul3A_96, %mul3A_98 : i32
      "tpu.region"() ({
        %run_scoped3A_100 = tpu.sem_alloc : memref<!tpu.dma_semaphore, #tpu.memory_space<semaphore_mem>>
        %dma_start3A = tpu.memref_slice %arg5[%add3A_99] : memref<20096xf32, #tpu.memory_space<hbm>> -> memref<640xf32, #tpu.memory_space<hbm>>
        %dma_start3A_101 = tpu.memref_slice %arg5[%add3A_99] : memref<20096xf32, #tpu.memory_space<hbm>> -> memref<640xf32, #tpu.memory_space<hbm>>
        tpu.enqueue_dma source(%arg13 : memref<640xf32, #tpu.memory_space<vmem>>) target(%dma_start3A_101 : memref<640xf32, #tpu.memory_space<hbm>>) target_semaphore(%run_scoped3A_100 : memref<!tpu.dma_semaphore, #tpu.memory_space<semaphore_mem>>)
        %dma_wait3A = tpu.memref_slice %arg5[%add3A_99] : memref<20096xf32, #tpu.memory_space<hbm>> -> memref<640xf32, #tpu.memory_space<hbm>>
        %dma_wait3A_102 = tpu.memref_slice %arg5[%add3A_99] : memref<20096xf32, #tpu.memory_space<hbm>> -> memref<640xf32, #tpu.memory_space<hbm>>
        tpu.wait_dma2 semaphore(%run_scoped3A_100 : memref<!tpu.dma_semaphore, #tpu.memory_space<semaphore_mem>>) src(%arg13 : memref<640xf32, #tpu.memory_space<vmem>>) dst(%dma_wait3A_102 : memref<640xf32, #tpu.memory_space<hbm>>)
        tpu.yield
      }) : () -> ()
    } else {
    }
    %eq3A_88 = arith.constant 15 : i32
    %eq3A_89 = arith.cmpi eq, %arg1, %eq3A_88 : i32
    %convert_element_type3A_90 = arith.extui %eq3A_89 : i1 to i32
    %cond3A_91 = arith.constant 0 : i32
    %cond3A_92 = arith.cmpi ne, %convert_element_type3A_90, %cond3A_91 : i32
    scf.if %cond3A_92 {
      "tpu.region"() ({
        %run_scoped3A_97 = tpu.sem_alloc : memref<!tpu.dma_semaphore, #tpu.memory_space<semaphore_mem>>
        %dma_start3A = arith.constant 0 : i32
        %dma_start3A_98 = tpu.memref_slice %arg13[%dma_start3A] : memref<640xf32, #tpu.memory_space<vmem>> -> memref<448xf32, #tpu.memory_space<vmem>>
        %dma_start3A_99 = arith.constant 9600 : i32
        %dma_start3A_100 = tpu.memref_slice %arg14[%dma_start3A_99] : memref<10048xf32, #tpu.memory_space<vmem_shared>> -> memref<448xf32, #tpu.memory_space<vmem_shared>>
        %dma_start3A_101 = arith.constant 0 : i32
        %dma_start3A_102 = tpu.memref_slice %arg13[%dma_start3A_101] : memref<640xf32, #tpu.memory_space<vmem>> -> memref<448xf32, #tpu.memory_space<vmem>>
        %dma_start3A_103 = arith.constant 9600 : i32
        %dma_start3A_104 = tpu.memref_slice %arg14[%dma_start3A_103] : memref<10048xf32, #tpu.memory_space<vmem_shared>> -> memref<448xf32, #tpu.memory_space<vmem_shared>>
        tpu.enqueue_dma source(%dma_start3A_104 : memref<448xf32, #tpu.memory_space<vmem_shared>>) target(%dma_start3A_102 : memref<448xf32, #tpu.memory_space<vmem>>) target_semaphore(%run_scoped3A_97 : memref<!tpu.dma_semaphore, #tpu.memory_space<semaphore_mem>>)
        %dma_wait3A = arith.constant 0 : i32
        %dma_wait3A_105 = tpu.memref_slice %arg13[%dma_wait3A] : memref<640xf32, #tpu.memory_space<vmem>> -> memref<448xf32, #tpu.memory_space<vmem>>
        %dma_wait3A_106 = arith.constant 9600 : i32
        %dma_wait3A_107 = tpu.memref_slice %arg14[%dma_wait3A_106] : memref<10048xf32, #tpu.memory_space<vmem_shared>> -> memref<448xf32, #tpu.memory_space<vmem_shared>>
        %dma_wait3A_108 = arith.constant 0 : i32
        %dma_wait3A_109 = tpu.memref_slice %arg13[%dma_wait3A_108] : memref<640xf32, #tpu.memory_space<vmem>> -> memref<448xf32, #tpu.memory_space<vmem>>
        %dma_wait3A_110 = arith.constant 9600 : i32
        %dma_wait3A_111 = tpu.memref_slice %arg14[%dma_wait3A_110] : memref<10048xf32, #tpu.memory_space<vmem_shared>> -> memref<448xf32, #tpu.memory_space<vmem_shared>>
        tpu.wait_dma2 semaphore(%run_scoped3A_97 : memref<!tpu.dma_semaphore, #tpu.memory_space<semaphore_mem>>) src(%dma_wait3A_111 : memref<448xf32, #tpu.memory_space<vmem_shared>>) dst(%dma_wait3A_109 : memref<448xf32, #tpu.memory_space<vmem>>)
        tpu.yield
      }) : () -> ()
      %mul3A_93 = arith.constant 10048 : i32
      %mul3A_94 = arith.muli %arg0, %mul3A_93 : i32
      %add3A_95 = arith.constant 9600 : i32
      %add3A_96 = arith.addi %mul3A_94, %add3A_95 : i32
      "tpu.region"() ({
        %run_scoped3A_97 = tpu.sem_alloc : memref<!tpu.dma_semaphore, #tpu.memory_space<semaphore_mem>>
        %dma_start3A = arith.constant 0 : i32
        %dma_start3A_98 = tpu.memref_slice %arg13[%dma_start3A] : memref<640xf32, #tpu.memory_space<vmem>> -> memref<448xf32, #tpu.memory_space<vmem>>
        %dma_start3A_99 = tpu.memref_slice %arg5[%add3A_96] : memref<20096xf32, #tpu.memory_space<hbm>> -> memref<448xf32, #tpu.memory_space<hbm>>
        %dma_start3A_100 = tpu.memref_slice %arg5[%add3A_96] : memref<20096xf32, #tpu.memory_space<hbm>> -> memref<448xf32, #tpu.memory_space<hbm>>
        %dma_start3A_101 = arith.constant 0 : i32
        %dma_start3A_102 = tpu.memref_slice %arg13[%dma_start3A_101] : memref<640xf32, #tpu.memory_space<vmem>> -> memref<448xf32, #tpu.memory_space<vmem>>
        tpu.enqueue_dma source(%dma_start3A_102 : memref<448xf32, #tpu.memory_space<vmem>>) target(%dma_start3A_100 : memref<448xf32, #tpu.memory_space<hbm>>) target_semaphore(%run_scoped3A_97 : memref<!tpu.dma_semaphore, #tpu.memory_space<semaphore_mem>>)
        %dma_wait3A = arith.constant 0 : i32
        %dma_wait3A_103 = tpu.memref_slice %arg13[%dma_wait3A] : memref<640xf32, #tpu.memory_space<vmem>> -> memref<448xf32, #tpu.memory_space<vmem>>
        %dma_wait3A_104 = tpu.memref_slice %arg5[%add3A_96] : memref<20096xf32, #tpu.memory_space<hbm>> -> memref<448xf32, #tpu.memory_space<hbm>>
        %dma_wait3A_105 = tpu.memref_slice %arg5[%add3A_96] : memref<20096xf32, #tpu.memory_space<hbm>> -> memref<448xf32, #tpu.memory_space<hbm>>
        %dma_wait3A_106 = arith.constant 0 : i32
        %dma_wait3A_107 = tpu.memref_slice %arg13[%dma_wait3A_106] : memref<640xf32, #tpu.memory_space<vmem>> -> memref<448xf32, #tpu.memory_space<vmem>>
        tpu.wait_dma2 semaphore(%run_scoped3A_97 : memref<!tpu.dma_semaphore, #tpu.memory_space<semaphore_mem>>) src(%dma_wait3A_107 : memref<448xf32, #tpu.memory_space<vmem>>) dst(%dma_wait3A_105 : memref<448xf32, #tpu.memory_space<hbm>>)
        tpu.yield
      }) : () -> ()
    } else {
    }
    return
  }
}

#map = affine_map<(d0, d1) -> (0, 0)>
module attributes {stable_mosaic.version = 14 : i64} {
  func.func @body(%arg0: i32, %arg1: i32, %arg2: memref<20000x128xf32, #tpu.memory_space<hbm>>, %arg3: memref<2624x128xi32, #tpu.memory_space<hbm>>, %arg4: memref<20224x128xf32, #tpu.memory_space<hbm>>, %arg5: memref<64x128xi32, #tpu.memory_space<vmem>>, %arg6: memref<2x128xi32, #tpu.memory_space<vmem>>, %arg7: memref<2x128xi32, #tpu.memory_space<vmem>>, %arg8: memref<2x128x128xf32, #tpu.memory_space<vmem>>, %arg9: memref<10112x128xf32, #tpu.memory_space<vmem_shared>>, %arg10: memref<!tpu.dma_semaphore, #tpu.memory_space<semaphore_mem>>) attributes {dimension_semantics = [#tpu.dimension_semantics<core_parallel>, #tpu.dimension_semantics<subcore_parallel>], iteration_bounds = array<i64: 2, 16>, scalar_prefetch = 0 : i64, scratch_operands = 6 : i64, tpu.core_type = #tpu.core_type<sc_vector_subcore>, window_params = [{transform_indices = #map}, {transform_indices = #map}, {transform_indices = #map}]} {
    %mul3A = arith.constant 632 : i32
    %mul3A_0 = arith.muli %arg1, %mul3A : i32
    %eq3A = arith.constant 0 : i32
    %eq3A_1 = arith.cmpi eq, %arg0, %eq3A : i32
    %jit3A = arith.constant 128 : i32
    %jit3A_2 = arith.constant 32 : i32
    %select_n3A = arith.select %eq3A_1, %jit3A, %jit3A_2 : i32
    %eq3A_3 = arith.constant 0 : i32
    %eq3A_4 = arith.cmpi eq, %arg0, %eq3A_3 : i32
    %mul3A_5 = arith.constant 128 : i32
    %mul3A_6 = arith.muli %arg1, %mul3A_5 : i32
    %mul3A_7 = arith.constant 32 : i32
    %mul3A_8 = arith.muli %arg1, %mul3A_7 : i32
    %add3A = arith.constant 2048 : i32
    %add3A_9 = arith.addi %add3A, %mul3A_8 : i32
    %select_n3A_10 = arith.select %eq3A_4, %mul3A_6, %add3A_9 : i32
    %eq3A_11 = arith.constant 0 : i32
    %eq3A_12 = arith.cmpi eq, %arg0, %eq3A_11 : i32
    %convert_element_type3A = arith.extui %eq3A_12 : i1 to i32
    %cond3A = arith.constant 0 : i32
    %cond3A_13 = arith.cmpi ne, %convert_element_type3A, %cond3A : i32
    scf.if %cond3A_13 {
      "tpu.region"() ({
        %run_scoped3A_60 = tpu.sem_alloc : memref<!tpu.dma_semaphore, #tpu.memory_space<semaphore_mem>>
        %dma_start3A = arith.constant 0 : i32
        %dma_start3A_61 = tpu.memref_slice %arg3[%select_n3A_10, %dma_start3A] : memref<2624x128xi32, #tpu.memory_space<hbm>> -> memref<64x128xi32, #tpu.memory_space<hbm>>
        %dma_start3A_62 = arith.constant 0 : i32
        %dma_start3A_63 = tpu.memref_slice %arg3[%select_n3A_10, %dma_start3A_62] : memref<2624x128xi32, #tpu.memory_space<hbm>> -> memref<64x128xi32, #tpu.memory_space<hbm>>
        tpu.enqueue_dma source(%dma_start3A_63 : memref<64x128xi32, #tpu.memory_space<hbm>>) target(%arg5 : memref<64x128xi32, #tpu.memory_space<vmem>>) target_semaphore(%run_scoped3A_60 : memref<!tpu.dma_semaphore, #tpu.memory_space<semaphore_mem>>)
        %dma_wait3A = arith.constant 0 : i32
        %dma_wait3A_64 = tpu.memref_slice %arg3[%select_n3A_10, %dma_wait3A] : memref<2624x128xi32, #tpu.memory_space<hbm>> -> memref<64x128xi32, #tpu.memory_space<hbm>>
        %dma_wait3A_65 = arith.constant 0 : i32
        %dma_wait3A_66 = tpu.memref_slice %arg3[%select_n3A_10, %dma_wait3A_65] : memref<2624x128xi32, #tpu.memory_space<hbm>> -> memref<64x128xi32, #tpu.memory_space<hbm>>
        tpu.wait_dma2 semaphore(%run_scoped3A_60 : memref<!tpu.dma_semaphore, #tpu.memory_space<semaphore_mem>>) src(%dma_wait3A_66 : memref<64x128xi32, #tpu.memory_space<hbm>>) dst(%arg5 : memref<64x128xi32, #tpu.memory_space<vmem>>)
        tpu.yield
      }) : () -> ()
    } else {
    }
    %eq3A_14 = arith.constant 1 : i32
    %eq3A_15 = arith.cmpi eq, %arg0, %eq3A_14 : i32
    %convert_element_type3A_16 = arith.extui %eq3A_15 : i1 to i32
    %cond3A_17 = arith.constant 0 : i32
    %cond3A_18 = arith.cmpi ne, %convert_element_type3A_16, %cond3A_17 : i32
    scf.if %cond3A_18 {
      "tpu.region"() ({
        %run_scoped3A_60 = tpu.sem_alloc : memref<!tpu.dma_semaphore, #tpu.memory_space<semaphore_mem>>
        %dma_start3A = arith.constant 0 : i32
        %dma_start3A_61 = arith.constant 0 : i32
        %dma_start3A_62 = tpu.memref_slice %arg5[%dma_start3A, %dma_start3A_61] : memref<64x128xi32, #tpu.memory_space<vmem>> -> memref<32x128xi32, #tpu.memory_space<vmem>>
        %dma_start3A_63 = arith.constant 0 : i32
        %dma_start3A_64 = tpu.memref_slice %arg3[%select_n3A_10, %dma_start3A_63] : memref<2624x128xi32, #tpu.memory_space<hbm>> -> memref<32x128xi32, #tpu.memory_space<hbm>>
        %dma_start3A_65 = arith.constant 0 : i32
        %dma_start3A_66 = arith.constant 0 : i32
        %dma_start3A_67 = tpu.memref_slice %arg5[%dma_start3A_65, %dma_start3A_66] : memref<64x128xi32, #tpu.memory_space<vmem>> -> memref<32x128xi32, #tpu.memory_space<vmem>>
        %dma_start3A_68 = arith.constant 0 : i32
        %dma_start3A_69 = tpu.memref_slice %arg3[%select_n3A_10, %dma_start3A_68] : memref<2624x128xi32, #tpu.memory_space<hbm>> -> memref<32x128xi32, #tpu.memory_space<hbm>>
        tpu.enqueue_dma source(%dma_start3A_69 : memref<32x128xi32, #tpu.memory_space<hbm>>) target(%dma_start3A_67 : memref<32x128xi32, #tpu.memory_space<vmem>>) target_semaphore(%run_scoped3A_60 : memref<!tpu.dma_semaphore, #tpu.memory_space<semaphore_mem>>)
        %dma_wait3A = arith.constant 0 : i32
        %dma_wait3A_70 = arith.constant 0 : i32
        %dma_wait3A_71 = tpu.memref_slice %arg5[%dma_wait3A, %dma_wait3A_70] : memref<64x128xi32, #tpu.memory_space<vmem>> -> memref<32x128xi32, #tpu.memory_space<vmem>>
        %dma_wait3A_72 = arith.constant 0 : i32
        %dma_wait3A_73 = tpu.memref_slice %arg3[%select_n3A_10, %dma_wait3A_72] : memref<2624x128xi32, #tpu.memory_space<hbm>> -> memref<32x128xi32, #tpu.memory_space<hbm>>
        %dma_wait3A_74 = arith.constant 0 : i32
        %dma_wait3A_75 = arith.constant 0 : i32
        %dma_wait3A_76 = tpu.memref_slice %arg5[%dma_wait3A_74, %dma_wait3A_75] : memref<64x128xi32, #tpu.memory_space<vmem>> -> memref<32x128xi32, #tpu.memory_space<vmem>>
        %dma_wait3A_77 = arith.constant 0 : i32
        %dma_wait3A_78 = tpu.memref_slice %arg3[%select_n3A_10, %dma_wait3A_77] : memref<2624x128xi32, #tpu.memory_space<hbm>> -> memref<32x128xi32, #tpu.memory_space<hbm>>
        tpu.wait_dma2 semaphore(%run_scoped3A_60 : memref<!tpu.dma_semaphore, #tpu.memory_space<semaphore_mem>>) src(%dma_wait3A_78 : memref<32x128xi32, #tpu.memory_space<hbm>>) dst(%dma_wait3A_76 : memref<32x128xi32, #tpu.memory_space<vmem>>)
        tpu.yield
      }) : () -> ()
    } else {
    }
    %mul3A_19 = arith.constant 10000 : i32
    %mul3A_20 = arith.muli %arg0, %mul3A_19 : i32
    %scan3A = arith.constant 0 : i32
    %scan3A_21 = arith.constant 0 : i32
    %scan3A_22 = arith.constant 128 : i32
    %scan3A_23 = arith.addi %scan3A_21, %scan3A_22 : i32
    %scan3A_24 = arith.constant 1 : i32
    %scan3A_25 = scf.for %scan3A_60 = %scan3A_21 to %scan3A_23 step %scan3A_24 iter_args(%scan3A_61 = %scan3A) -> (i32)  : i32 {
      %broadcast_in_dim3A = arith.constant 0.000000e+00 : f32
      %broadcast_in_dim3A_62 = vector.broadcast %broadcast_in_dim3A : f32 to vector<16xf32>
      %swap3A = arith.constant 0 : i32
      %swap3A_63 = arith.index_cast %swap3A : i32 to index
      %swap3A_64 = arith.index_cast %scan3A_60 : i32 to index
      %swap3A_65 = arith.constant 0 : index
      %swap3A_66 = tpu.vector_load %arg8[%swap3A_63, %swap3A_64, %swap3A_65] {strides = array<i32>} : memref<2x128x128xf32, #tpu.memory_space<vmem>>, vector<1x1x16xf32>,
      %swap3A_67 = vector.shape_cast %swap3A_66 : vector<1x1x16xf32> to vector<16xf32>
      %swap3A_68 = vector.shape_cast %broadcast_in_dim3A_62 : vector<16xf32> to vector<1x1x16xf32>
      tpu.vector_store %arg8[%swap3A_63, %swap3A_64, %swap3A_65], %swap3A_68 {strides = array<i32>} : memref<2x128x128xf32, #tpu.memory_space<vmem>>, vector<1x1x16xf32>,
      %broadcast_in_dim3A_69 = arith.constant 0.000000e+00 : f32
      %broadcast_in_dim3A_70 = vector.broadcast %broadcast_in_dim3A_69 : f32 to vector<16xf32>
      %swap3A_71 = arith.constant 0 : i32
      %swap3A_72 = arith.index_cast %swap3A_71 : i32 to index
      %swap3A_73 = arith.index_cast %scan3A_60 : i32 to index
      %swap3A_74 = arith.constant 16 : index
      %swap3A_75 = tpu.vector_load %arg8[%swap3A_72, %swap3A_73, %swap3A_74] {strides = array<i32>} : memref<2x128x128xf32, #tpu.memory_space<vmem>>, vector<1x1x16xf32>,
      %swap3A_76 = vector.shape_cast %swap3A_75 : vector<1x1x16xf32> to vector<16xf32>
      %swap3A_77 = vector.shape_cast %broadcast_in_dim3A_70 : vector<16xf32> to vector<1x1x16xf32>
      tpu.vector_store %arg8[%swap3A_72, %swap3A_73, %swap3A_74], %swap3A_77 {strides = array<i32>} : memref<2x128x128xf32, #tpu.memory_space<vmem>>, vector<1x1x16xf32>,
      %broadcast_in_dim3A_78 = arith.constant 0.000000e+00 : f32
      %broadcast_in_dim3A_79 = vector.broadcast %broadcast_in_dim3A_78 : f32 to vector<16xf32>
      %swap3A_80 = arith.constant 0 : i32
      %swap3A_81 = arith.index_cast %swap3A_80 : i32 to index
      %swap3A_82 = arith.index_cast %scan3A_60 : i32 to index
      %swap3A_83 = arith.constant 32 : index
      %swap3A_84 = tpu.vector_load %arg8[%swap3A_81, %swap3A_82, %swap3A_83] {strides = array<i32>} : memref<2x128x128xf32, #tpu.memory_space<vmem>>, vector<1x1x16xf32>,
      %swap3A_85 = vector.shape_cast %swap3A_84 : vector<1x1x16xf32> to vector<16xf32>
      %swap3A_86 = vector.shape_cast %broadcast_in_dim3A_79 : vector<16xf32> to vector<1x1x16xf32>
      tpu.vector_store %arg8[%swap3A_81, %swap3A_82, %swap3A_83], %swap3A_86 {strides = array<i32>} : memref<2x128x128xf32, #tpu.memory_space<vmem>>, vector<1x1x16xf32>,
      %broadcast_in_dim3A_87 = arith.constant 0.000000e+00 : f32
      %broadcast_in_dim3A_88 = vector.broadcast %broadcast_in_dim3A_87 : f32 to vector<16xf32>
      %swap3A_89 = arith.constant 0 : i32
      %swap3A_90 = arith.index_cast %swap3A_89 : i32 to index
      %swap3A_91 = arith.index_cast %scan3A_60 : i32 to index
      %swap3A_92 = arith.constant 48 : index
      %swap3A_93 = tpu.vector_load %arg8[%swap3A_90, %swap3A_91, %swap3A_92] {strides = array<i32>} : memref<2x128x128xf32, #tpu.memory_space<vmem>>, vector<1x1x16xf32>,
      %swap3A_94 = vector.shape_cast %swap3A_93 : vector<1x1x16xf32> to vector<16xf32>
      %swap3A_95 = vector.shape_cast %broadcast_in_dim3A_88 : vector<16xf32> to vector<1x1x16xf32>
      tpu.vector_store %arg8[%swap3A_90, %swap3A_91, %swap3A_92], %swap3A_95 {strides = array<i32>} : memref<2x128x128xf32, #tpu.memory_space<vmem>>, vector<1x1x16xf32>,
      %broadcast_in_dim3A_96 = arith.constant 0.000000e+00 : f32
      %broadcast_in_dim3A_97 = vector.broadcast %broadcast_in_dim3A_96 : f32 to vector<16xf32>
      %swap3A_98 = arith.constant 0 : i32
      %swap3A_99 = arith.index_cast %swap3A_98 : i32 to index
      %swap3A_100 = arith.index_cast %scan3A_60 : i32 to index
      %swap3A_101 = arith.constant 64 : index
      %swap3A_102 = tpu.vector_load %arg8[%swap3A_99, %swap3A_100, %swap3A_101] {strides = array<i32>} : memref<2x128x128xf32, #tpu.memory_space<vmem>>, vector<1x1x16xf32>,
      %swap3A_103 = vector.shape_cast %swap3A_102 : vector<1x1x16xf32> to vector<16xf32>
      %swap3A_104 = vector.shape_cast %broadcast_in_dim3A_97 : vector<16xf32> to vector<1x1x16xf32>
      tpu.vector_store %arg8[%swap3A_99, %swap3A_100, %swap3A_101], %swap3A_104 {strides = array<i32>} : memref<2x128x128xf32, #tpu.memory_space<vmem>>, vector<1x1x16xf32>,
      %broadcast_in_dim3A_105 = arith.constant 0.000000e+00 : f32
      %broadcast_in_dim3A_106 = vector.broadcast %broadcast_in_dim3A_105 : f32 to vector<16xf32>
      %swap3A_107 = arith.constant 0 : i32
      %swap3A_108 = arith.index_cast %swap3A_107 : i32 to index
      %swap3A_109 = arith.index_cast %scan3A_60 : i32 to index
      %swap3A_110 = arith.constant 80 : index
      %swap3A_111 = tpu.vector_load %arg8[%swap3A_108, %swap3A_109, %swap3A_110] {strides = array<i32>} : memref<2x128x128xf32, #tpu.memory_space<vmem>>, vector<1x1x16xf32>,
      %swap3A_112 = vector.shape_cast %swap3A_111 : vector<1x1x16xf32> to vector<16xf32>
      %swap3A_113 = vector.shape_cast %broadcast_in_dim3A_106 : vector<16xf32> to vector<1x1x16xf32>
      tpu.vector_store %arg8[%swap3A_108, %swap3A_109, %swap3A_110], %swap3A_113 {strides = array<i32>} : memref<2x128x128xf32, #tpu.memory_space<vmem>>, vector<1x1x16xf32>,
      %broadcast_in_dim3A_114 = arith.constant 0.000000e+00 : f32
      %broadcast_in_dim3A_115 = vector.broadcast %broadcast_in_dim3A_114 : f32 to vector<16xf32>
      %swap3A_116 = arith.constant 0 : i32
      %swap3A_117 = arith.index_cast %swap3A_116 : i32 to index
      %swap3A_118 = arith.index_cast %scan3A_60 : i32 to index
      %swap3A_119 = arith.constant 96 : index
      %swap3A_120 = tpu.vector_load %arg8[%swap3A_117, %swap3A_118, %swap3A_119] {strides = array<i32>} : memref<2x128x128xf32, #tpu.memory_space<vmem>>, vector<1x1x16xf32>,
      %swap3A_121 = vector.shape_cast %swap3A_120 : vector<1x1x16xf32> to vector<16xf32>
      %swap3A_122 = vector.shape_cast %broadcast_in_dim3A_115 : vector<16xf32> to vector<1x1x16xf32>
      tpu.vector_store %arg8[%swap3A_117, %swap3A_118, %swap3A_119], %swap3A_122 {strides = array<i32>} : memref<2x128x128xf32, #tpu.memory_space<vmem>>, vector<1x1x16xf32>,
      %broadcast_in_dim3A_123 = arith.constant 0.000000e+00 : f32
      %broadcast_in_dim3A_124 = vector.broadcast %broadcast_in_dim3A_123 : f32 to vector<16xf32>
      %swap3A_125 = arith.constant 0 : i32
      %swap3A_126 = arith.index_cast %swap3A_125 : i32 to index
      %swap3A_127 = arith.index_cast %scan3A_60 : i32 to index
      %swap3A_128 = arith.constant 112 : index
      %swap3A_129 = tpu.vector_load %arg8[%swap3A_126, %swap3A_127, %swap3A_128] {strides = array<i32>} : memref<2x128x128xf32, #tpu.memory_space<vmem>>, vector<1x1x16xf32>,
      %swap3A_130 = vector.shape_cast %swap3A_129 : vector<1x1x16xf32> to vector<16xf32>
      %swap3A_131 = vector.shape_cast %broadcast_in_dim3A_124 : vector<16xf32> to vector<1x1x16xf32>
      tpu.vector_store %arg8[%swap3A_126, %swap3A_127, %swap3A_128], %swap3A_131 {strides = array<i32>} : memref<2x128x128xf32, #tpu.memory_space<vmem>>, vector<1x1x16xf32>,
      %scan3A_132 = arith.constant 0 : i32
      scf.yield %scan3A_132 : i32
    }
    %scan3A_26 = arith.constant 128 : i32
    %add3A_27 = arith.constant 0 : i32
    %add3A_28 = arith.addi %mul3A_0, %add3A_27 : i32
    %run_scoped3A = arith.constant 0 : i32
    "tpu.region"() ({
      %run_scoped3A_60 = tpu.sem_alloc : memref<!tpu.dma_semaphore, #tpu.memory_space<semaphore_mem>>
      %dma_start3A = arith.constant 0 : i32
      %dma_start3A_61 = arith.constant 0 : i32
      %dma_start3A_62 = tpu.memref_slice %arg8[%run_scoped3A, %dma_start3A, %dma_start3A_61] : memref<2x128x128xf32, #tpu.memory_space<vmem>> -> memref<1x128x128xf32, #tpu.memory_space<vmem>>
      %dma_start3A_63 = tpu.memref_squeeze %dma_start3A_62 : memref<1x128x128xf32, #tpu.memory_space<vmem>> -> memref<128x128xf32, #tpu.memory_space<vmem>>
      %dma_start3A_64 = arith.constant 0 : i32
      %dma_start3A_65 = tpu.memref_slice %arg9[%add3A_28, %dma_start3A_64] : memref<10112x128xf32, #tpu.memory_space<vmem_shared>> -> memref<128x128xf32, #tpu.memory_space<vmem_shared>>
      %dma_start3A_66 = arith.constant 0 : i32
      %dma_start3A_67 = tpu.memref_slice %arg9[%add3A_28, %dma_start3A_66] : memref<10112x128xf32, #tpu.memory_space<vmem_shared>> -> memref<128x128xf32, #tpu.memory_space<vmem_shared>>
      %dma_start3A_68 = arith.constant 0 : i32
      %dma_start3A_69 = arith.constant 0 : i32
      %dma_start3A_70 = tpu.memref_slice %arg8[%run_scoped3A, %dma_start3A_68, %dma_start3A_69] : memref<2x128x128xf32, #tpu.memory_space<vmem>> -> memref<1x128x128xf32, #tpu.memory_space<vmem>>
      %dma_start3A_71 = tpu.memref_squeeze %dma_start3A_70 : memref<1x128x128xf32, #tpu.memory_space<vmem>> -> memref<128x128xf32, #tpu.memory_space<vmem>>
      tpu.enqueue_dma source(%dma_start3A_71 : memref<128x128xf32, #tpu.memory_space<vmem>>) target(%dma_start3A_67 : memref<128x128xf32, #tpu.memory_space<vmem_shared>>) target_semaphore(%run_scoped3A_60 : memref<!tpu.dma_semaphore, #tpu.memory_space<semaphore_mem>>)
      %dma_wait3A = arith.constant 0 : i32
      %dma_wait3A_72 = arith.constant 0 : i32
      %dma_wait3A_73 = tpu.memref_slice %arg8[%run_scoped3A, %dma_wait3A, %dma_wait3A_72] : memref<2x128x128xf32, #tpu.memory_space<vmem>> -> memref<1x128x128xf32, #tpu.memory_space<vmem>>
      %dma_wait3A_74 = tpu.memref_squeeze %dma_wait3A_73 : memref<1x128x128xf32, #tpu.memory_space<vmem>> -> memref<128x128xf32, #tpu.memory_space<vmem>>
      %dma_wait3A_75 = arith.constant 0 : i32
      %dma_wait3A_76 = tpu.memref_slice %arg9[%add3A_28, %dma_wait3A_75] : memref<10112x128xf32, #tpu.memory_space<vmem_shared>> -> memref<128x128xf32, #tpu.memory_space<vmem_shared>>
      %dma_wait3A_77 = arith.constant 0 : i32
      %dma_wait3A_78 = tpu.memref_slice %arg9[%add3A_28, %dma_wait3A_77] : memref<10112x128xf32, #tpu.memory_space<vmem_shared>> -> memref<128x128xf32, #tpu.memory_space<vmem_shared>>
      %dma_wait3A_79 = arith.constant 0 : i32
      %dma_wait3A_80 = arith.constant 0 : i32
      %dma_wait3A_81 = tpu.memref_slice %arg8[%run_scoped3A, %dma_wait3A_79, %dma_wait3A_80] : memref<2x128x128xf32, #tpu.memory_space<vmem>> -> memref<1x128x128xf32, #tpu.memory_space<vmem>>
      %dma_wait3A_82 = tpu.memref_squeeze %dma_wait3A_81 : memref<1x128x128xf32, #tpu.memory_space<vmem>> -> memref<128x128xf32, #tpu.memory_space<vmem>>
      tpu.wait_dma2 semaphore(%run_scoped3A_60 : memref<!tpu.dma_semaphore, #tpu.memory_space<semaphore_mem>>) src(%dma_wait3A_82 : memref<128x128xf32, #tpu.memory_space<vmem>>) dst(%dma_wait3A_78 : memref<128x128xf32, #tpu.memory_space<vmem_shared>>)
      tpu.yield
    }) : () -> ()
    %add3A_29 = arith.constant 128 : i32
    %add3A_30 = arith.addi %mul3A_0, %add3A_29 : i32
    %run_scoped3A_31 = arith.constant 0 : i32
    "tpu.region"() ({
      %run_scoped3A_60 = tpu.sem_alloc : memref<!tpu.dma_semaphore, #tpu.memory_space<semaphore_mem>>
      %dma_start3A = arith.constant 0 : i32
      %dma_start3A_61 = arith.constant 0 : i32
      %dma_start3A_62 = tpu.memref_slice %arg8[%run_scoped3A_31, %dma_start3A, %dma_start3A_61] : memref<2x128x128xf32, #tpu.memory_space<vmem>> -> memref<1x128x128xf32, #tpu.memory_space<vmem>>
      %dma_start3A_63 = tpu.memref_squeeze %dma_start3A_62 : memref<1x128x128xf32, #tpu.memory_space<vmem>> -> memref<128x128xf32, #tpu.memory_space<vmem>>
      %dma_start3A_64 = arith.constant 0 : i32
      %dma_start3A_65 = tpu.memref_slice %arg9[%add3A_30, %dma_start3A_64] : memref<10112x128xf32, #tpu.memory_space<vmem_shared>> -> memref<128x128xf32, #tpu.memory_space<vmem_shared>>
      %dma_start3A_66 = arith.constant 0 : i32
      %dma_start3A_67 = tpu.memref_slice %arg9[%add3A_30, %dma_start3A_66] : memref<10112x128xf32, #tpu.memory_space<vmem_shared>> -> memref<128x128xf32, #tpu.memory_space<vmem_shared>>
      %dma_start3A_68 = arith.constant 0 : i32
      %dma_start3A_69 = arith.constant 0 : i32
      %dma_start3A_70 = tpu.memref_slice %arg8[%run_scoped3A_31, %dma_start3A_68, %dma_start3A_69] : memref<2x128x128xf32, #tpu.memory_space<vmem>> -> memref<1x128x128xf32, #tpu.memory_space<vmem>>
      %dma_start3A_71 = tpu.memref_squeeze %dma_start3A_70 : memref<1x128x128xf32, #tpu.memory_space<vmem>> -> memref<128x128xf32, #tpu.memory_space<vmem>>
      tpu.enqueue_dma source(%dma_start3A_71 : memref<128x128xf32, #tpu.memory_space<vmem>>) target(%dma_start3A_67 : memref<128x128xf32, #tpu.memory_space<vmem_shared>>) target_semaphore(%run_scoped3A_60 : memref<!tpu.dma_semaphore, #tpu.memory_space<semaphore_mem>>)
      %dma_wait3A = arith.constant 0 : i32
      %dma_wait3A_72 = arith.constant 0 : i32
      %dma_wait3A_73 = tpu.memref_slice %arg8[%run_scoped3A_31, %dma_wait3A, %dma_wait3A_72] : memref<2x128x128xf32, #tpu.memory_space<vmem>> -> memref<1x128x128xf32, #tpu.memory_space<vmem>>
      %dma_wait3A_74 = tpu.memref_squeeze %dma_wait3A_73 : memref<1x128x128xf32, #tpu.memory_space<vmem>> -> memref<128x128xf32, #tpu.memory_space<vmem>>
      %dma_wait3A_75 = arith.constant 0 : i32
      %dma_wait3A_76 = tpu.memref_slice %arg9[%add3A_30, %dma_wait3A_75] : memref<10112x128xf32, #tpu.memory_space<vmem_shared>> -> memref<128x128xf32, #tpu.memory_space<vmem_shared>>
      %dma_wait3A_77 = arith.constant 0 : i32
      %dma_wait3A_78 = tpu.memref_slice %arg9[%add3A_30, %dma_wait3A_77] : memref<10112x128xf32, #tpu.memory_space<vmem_shared>> -> memref<128x128xf32, #tpu.memory_space<vmem_shared>>
      %dma_wait3A_79 = arith.constant 0 : i32
      %dma_wait3A_80 = arith.constant 0 : i32
      %dma_wait3A_81 = tpu.memref_slice %arg8[%run_scoped3A_31, %dma_wait3A_79, %dma_wait3A_80] : memref<2x128x128xf32, #tpu.memory_space<vmem>> -> memref<1x128x128xf32, #tpu.memory_space<vmem>>
      %dma_wait3A_82 = tpu.memref_squeeze %dma_wait3A_81 : memref<1x128x128xf32, #tpu.memory_space<vmem>> -> memref<128x128xf32, #tpu.memory_space<vmem>>
      tpu.wait_dma2 semaphore(%run_scoped3A_60 : memref<!tpu.dma_semaphore, #tpu.memory_space<semaphore_mem>>) src(%dma_wait3A_82 : memref<128x128xf32, #tpu.memory_space<vmem>>) dst(%dma_wait3A_78 : memref<128x128xf32, #tpu.memory_space<vmem_shared>>)
      tpu.yield
    }) : () -> ()
    %add3A_32 = arith.constant 256 : i32
    %add3A_33 = arith.addi %mul3A_0, %add3A_32 : i32
    %run_scoped3A_34 = arith.constant 0 : i32
    "tpu.region"() ({
      %run_scoped3A_60 = tpu.sem_alloc : memref<!tpu.dma_semaphore, #tpu.memory_space<semaphore_mem>>
      %dma_start3A = arith.constant 0 : i32
      %dma_start3A_61 = arith.constant 0 : i32
      %dma_start3A_62 = tpu.memref_slice %arg8[%run_scoped3A_34, %dma_start3A, %dma_start3A_61] : memref<2x128x128xf32, #tpu.memory_space<vmem>> -> memref<1x128x128xf32, #tpu.memory_space<vmem>>
      %dma_start3A_63 = tpu.memref_squeeze %dma_start3A_62 : memref<1x128x128xf32, #tpu.memory_space<vmem>> -> memref<128x128xf32, #tpu.memory_space<vmem>>
      %dma_start3A_64 = arith.constant 0 : i32
      %dma_start3A_65 = tpu.memref_slice %arg9[%add3A_33, %dma_start3A_64] : memref<10112x128xf32, #tpu.memory_space<vmem_shared>> -> memref<128x128xf32, #tpu.memory_space<vmem_shared>>
      %dma_start3A_66 = arith.constant 0 : i32
      %dma_start3A_67 = tpu.memref_slice %arg9[%add3A_33, %dma_start3A_66] : memref<10112x128xf32, #tpu.memory_space<vmem_shared>> -> memref<128x128xf32, #tpu.memory_space<vmem_shared>>
      %dma_start3A_68 = arith.constant 0 : i32
      %dma_start3A_69 = arith.constant 0 : i32
      %dma_start3A_70 = tpu.memref_slice %arg8[%run_scoped3A_34, %dma_start3A_68, %dma_start3A_69] : memref<2x128x128xf32, #tpu.memory_space<vmem>> -> memref<1x128x128xf32, #tpu.memory_space<vmem>>
      %dma_start3A_71 = tpu.memref_squeeze %dma_start3A_70 : memref<1x128x128xf32, #tpu.memory_space<vmem>> -> memref<128x128xf32, #tpu.memory_space<vmem>>
      tpu.enqueue_dma source(%dma_start3A_71 : memref<128x128xf32, #tpu.memory_space<vmem>>) target(%dma_start3A_67 : memref<128x128xf32, #tpu.memory_space<vmem_shared>>) target_semaphore(%run_scoped3A_60 : memref<!tpu.dma_semaphore, #tpu.memory_space<semaphore_mem>>)
      %dma_wait3A = arith.constant 0 : i32
      %dma_wait3A_72 = arith.constant 0 : i32
      %dma_wait3A_73 = tpu.memref_slice %arg8[%run_scoped3A_34, %dma_wait3A, %dma_wait3A_72] : memref<2x128x128xf32, #tpu.memory_space<vmem>> -> memref<1x128x128xf32, #tpu.memory_space<vmem>>
      %dma_wait3A_74 = tpu.memref_squeeze %dma_wait3A_73 : memref<1x128x128xf32, #tpu.memory_space<vmem>> -> memref<128x128xf32, #tpu.memory_space<vmem>>
      %dma_wait3A_75 = arith.constant 0 : i32
      %dma_wait3A_76 = tpu.memref_slice %arg9[%add3A_33, %dma_wait3A_75] : memref<10112x128xf32, #tpu.memory_space<vmem_shared>> -> memref<128x128xf32, #tpu.memory_space<vmem_shared>>
      %dma_wait3A_77 = arith.constant 0 : i32
      %dma_wait3A_78 = tpu.memref_slice %arg9[%add3A_33, %dma_wait3A_77] : memref<10112x128xf32, #tpu.memory_space<vmem_shared>> -> memref<128x128xf32, #tpu.memory_space<vmem_shared>>
      %dma_wait3A_79 = arith.constant 0 : i32
      %dma_wait3A_80 = arith.constant 0 : i32
      %dma_wait3A_81 = tpu.memref_slice %arg8[%run_scoped3A_34, %dma_wait3A_79, %dma_wait3A_80] : memref<2x128x128xf32, #tpu.memory_space<vmem>> -> memref<1x128x128xf32, #tpu.memory_space<vmem>>
      %dma_wait3A_82 = tpu.memref_squeeze %dma_wait3A_81 : memref<1x128x128xf32, #tpu.memory_space<vmem>> -> memref<128x128xf32, #tpu.memory_space<vmem>>
      tpu.wait_dma2 semaphore(%run_scoped3A_60 : memref<!tpu.dma_semaphore, #tpu.memory_space<semaphore_mem>>) src(%dma_wait3A_82 : memref<128x128xf32, #tpu.memory_space<vmem>>) dst(%dma_wait3A_78 : memref<128x128xf32, #tpu.memory_space<vmem_shared>>)
      tpu.yield
    }) : () -> ()
    %add3A_35 = arith.constant 384 : i32
    %add3A_36 = arith.addi %mul3A_0, %add3A_35 : i32
    %run_scoped3A_37 = arith.constant 0 : i32
    "tpu.region"() ({
      %run_scoped3A_60 = tpu.sem_alloc : memref<!tpu.dma_semaphore, #tpu.memory_space<semaphore_mem>>
      %dma_start3A = arith.constant 0 : i32
      %dma_start3A_61 = arith.constant 0 : i32
      %dma_start3A_62 = tpu.memref_slice %arg8[%run_scoped3A_37, %dma_start3A, %dma_start3A_61] : memref<2x128x128xf32, #tpu.memory_space<vmem>> -> memref<1x128x128xf32, #tpu.memory_space<vmem>>
      %dma_start3A_63 = tpu.memref_squeeze %dma_start3A_62 : memref<1x128x128xf32, #tpu.memory_space<vmem>> -> memref<128x128xf32, #tpu.memory_space<vmem>>
      %dma_start3A_64 = arith.constant 0 : i32
      %dma_start3A_65 = tpu.memref_slice %arg9[%add3A_36, %dma_start3A_64] : memref<10112x128xf32, #tpu.memory_space<vmem_shared>> -> memref<128x128xf32, #tpu.memory_space<vmem_shared>>
      %dma_start3A_66 = arith.constant 0 : i32
      %dma_start3A_67 = tpu.memref_slice %arg9[%add3A_36, %dma_start3A_66] : memref<10112x128xf32, #tpu.memory_space<vmem_shared>> -> memref<128x128xf32, #tpu.memory_space<vmem_shared>>
      %dma_start3A_68 = arith.constant 0 : i32
      %dma_start3A_69 = arith.constant 0 : i32
      %dma_start3A_70 = tpu.memref_slice %arg8[%run_scoped3A_37, %dma_start3A_68, %dma_start3A_69] : memref<2x128x128xf32, #tpu.memory_space<vmem>> -> memref<1x128x128xf32, #tpu.memory_space<vmem>>
      %dma_start3A_71 = tpu.memref_squeeze %dma_start3A_70 : memref<1x128x128xf32, #tpu.memory_space<vmem>> -> memref<128x128xf32, #tpu.memory_space<vmem>>
      tpu.enqueue_dma source(%dma_start3A_71 : memref<128x128xf32, #tpu.memory_space<vmem>>) target(%dma_start3A_67 : memref<128x128xf32, #tpu.memory_space<vmem_shared>>) target_semaphore(%run_scoped3A_60 : memref<!tpu.dma_semaphore, #tpu.memory_space<semaphore_mem>>)
      %dma_wait3A = arith.constant 0 : i32
      %dma_wait3A_72 = arith.constant 0 : i32
      %dma_wait3A_73 = tpu.memref_slice %arg8[%run_scoped3A_37, %dma_wait3A, %dma_wait3A_72] : memref<2x128x128xf32, #tpu.memory_space<vmem>> -> memref<1x128x128xf32, #tpu.memory_space<vmem>>
      %dma_wait3A_74 = tpu.memref_squeeze %dma_wait3A_73 : memref<1x128x128xf32, #tpu.memory_space<vmem>> -> memref<128x128xf32, #tpu.memory_space<vmem>>
      %dma_wait3A_75 = arith.constant 0 : i32
      %dma_wait3A_76 = tpu.memref_slice %arg9[%add3A_36, %dma_wait3A_75] : memref<10112x128xf32, #tpu.memory_space<vmem_shared>> -> memref<128x128xf32, #tpu.memory_space<vmem_shared>>
      %dma_wait3A_77 = arith.constant 0 : i32
      %dma_wait3A_78 = tpu.memref_slice %arg9[%add3A_36, %dma_wait3A_77] : memref<10112x128xf32, #tpu.memory_space<vmem_shared>> -> memref<128x128xf32, #tpu.memory_space<vmem_shared>>
      %dma_wait3A_79 = arith.constant 0 : i32
      %dma_wait3A_80 = arith.constant 0 : i32
      %dma_wait3A_81 = tpu.memref_slice %arg8[%run_scoped3A_37, %dma_wait3A_79, %dma_wait3A_80] : memref<2x128x128xf32, #tpu.memory_space<vmem>> -> memref<1x128x128xf32, #tpu.memory_space<vmem>>
      %dma_wait3A_82 = tpu.memref_squeeze %dma_wait3A_81 : memref<1x128x128xf32, #tpu.memory_space<vmem>> -> memref<128x128xf32, #tpu.memory_space<vmem>>
      tpu.wait_dma2 semaphore(%run_scoped3A_60 : memref<!tpu.dma_semaphore, #tpu.memory_space<semaphore_mem>>) src(%dma_wait3A_82 : memref<128x128xf32, #tpu.memory_space<vmem>>) dst(%dma_wait3A_78 : memref<128x128xf32, #tpu.memory_space<vmem_shared>>)
      tpu.yield
    }) : () -> ()
    %add3A_38 = arith.constant 512 : i32
    %add3A_39 = arith.addi %mul3A_0, %add3A_38 : i32
    %run_scoped3A_40 = arith.constant 0 : i32
    "tpu.region"() ({
      %run_scoped3A_60 = tpu.sem_alloc : memref<!tpu.dma_semaphore, #tpu.memory_space<semaphore_mem>>
      %dma_start3A = arith.constant 0 : i32
      %dma_start3A_61 = arith.constant 0 : i32
      %dma_start3A_62 = tpu.memref_slice %arg8[%run_scoped3A_40, %dma_start3A, %dma_start3A_61] : memref<2x128x128xf32, #tpu.memory_space<vmem>> -> memref<1x120x128xf32, #tpu.memory_space<vmem>>
      %dma_start3A_63 = tpu.memref_squeeze %dma_start3A_62 : memref<1x120x128xf32, #tpu.memory_space<vmem>> -> memref<120x128xf32, #tpu.memory_space<vmem>>
      %dma_start3A_64 = arith.constant 0 : i32
      %dma_start3A_65 = tpu.memref_slice %arg9[%add3A_39, %dma_start3A_64] : memref<10112x128xf32, #tpu.memory_space<vmem_shared>> -> memref<120x128xf32, #tpu.memory_space<vmem_shared>>
      %dma_start3A_66 = arith.constant 0 : i32
      %dma_start3A_67 = tpu.memref_slice %arg9[%add3A_39, %dma_start3A_66] : memref<10112x128xf32, #tpu.memory_space<vmem_shared>> -> memref<120x128xf32, #tpu.memory_space<vmem_shared>>
      %dma_start3A_68 = arith.constant 0 : i32
      %dma_start3A_69 = arith.constant 0 : i32
      %dma_start3A_70 = tpu.memref_slice %arg8[%run_scoped3A_40, %dma_start3A_68, %dma_start3A_69] : memref<2x128x128xf32, #tpu.memory_space<vmem>> -> memref<1x120x128xf32, #tpu.memory_space<vmem>>
      %dma_start3A_71 = tpu.memref_squeeze %dma_start3A_70 : memref<1x120x128xf32, #tpu.memory_space<vmem>> -> memref<120x128xf32, #tpu.memory_space<vmem>>
      tpu.enqueue_dma source(%dma_start3A_71 : memref<120x128xf32, #tpu.memory_space<vmem>>) target(%dma_start3A_67 : memref<120x128xf32, #tpu.memory_space<vmem_shared>>) target_semaphore(%run_scoped3A_60 : memref<!tpu.dma_semaphore, #tpu.memory_space<semaphore_mem>>)
      %dma_wait3A = arith.constant 0 : i32
      %dma_wait3A_72 = arith.constant 0 : i32
      %dma_wait3A_73 = tpu.memref_slice %arg8[%run_scoped3A_40, %dma_wait3A, %dma_wait3A_72] : memref<2x128x128xf32, #tpu.memory_space<vmem>> -> memref<1x120x128xf32, #tpu.memory_space<vmem>>
      %dma_wait3A_74 = tpu.memref_squeeze %dma_wait3A_73 : memref<1x120x128xf32, #tpu.memory_space<vmem>> -> memref<120x128xf32, #tpu.memory_space<vmem>>
      %dma_wait3A_75 = arith.constant 0 : i32
      %dma_wait3A_76 = tpu.memref_slice %arg9[%add3A_39, %dma_wait3A_75] : memref<10112x128xf32, #tpu.memory_space<vmem_shared>> -> memref<120x128xf32, #tpu.memory_space<vmem_shared>>
      %dma_wait3A_77 = arith.constant 0 : i32
      %dma_wait3A_78 = tpu.memref_slice %arg9[%add3A_39, %dma_wait3A_77] : memref<10112x128xf32, #tpu.memory_space<vmem_shared>> -> memref<120x128xf32, #tpu.memory_space<vmem_shared>>
      %dma_wait3A_79 = arith.constant 0 : i32
      %dma_wait3A_80 = arith.constant 0 : i32
      %dma_wait3A_81 = tpu.memref_slice %arg8[%run_scoped3A_40, %dma_wait3A_79, %dma_wait3A_80] : memref<2x128x128xf32, #tpu.memory_space<vmem>> -> memref<1x120x128xf32, #tpu.memory_space<vmem>>
      %dma_wait3A_82 = tpu.memref_squeeze %dma_wait3A_81 : memref<1x120x128xf32, #tpu.memory_space<vmem>> -> memref<120x128xf32, #tpu.memory_space<vmem>>
      tpu.wait_dma2 semaphore(%run_scoped3A_60 : memref<!tpu.dma_semaphore, #tpu.memory_space<semaphore_mem>>) src(%dma_wait3A_82 : memref<120x128xf32, #tpu.memory_space<vmem>>) dst(%dma_wait3A_78 : memref<120x128xf32, #tpu.memory_space<vmem_shared>>)
      tpu.yield
    }) : () -> ()
    %barrier3A = arith.constant 0 : index
    tpu.barrier barrier_id(%barrier3A)
    %gt3A = arith.constant 0 : i32
    %gt3A_41 = arith.cmpi sgt, %select_n3A, %gt3A : i32
    %convert_element_type3A_42 = arith.extui %gt3A_41 : i1 to i32
    %cond3A_43 = arith.constant 0 : i32
    %cond3A_44 = arith.cmpi ne, %convert_element_type3A_42, %cond3A_43 : i32
    scf.if %cond3A_44 {
      %get3A = arith.constant 0 : i32
      %get3A_60 = arith.index_cast %get3A : i32 to index
      %get3A_61 = arith.constant 0 : index
      %get3A_62 = tpu.vector_load %arg5[%get3A_60, %get3A_61] {strides = array<i32>} : memref<64x128xi32, #tpu.memory_space<vmem>>, vector<1x16xi32>,
      %get3A_63 = vector.shape_cast %get3A_62 : vector<1x16xi32> to vector<16xi32>
      %and3A = arith.constant 65535 : i32
      %and3A_64 = vector.broadcast %and3A : i32 to vector<16xi32>
      %and3A_65 = arith.andi %get3A_63, %and3A_64 : vector<16xi32>
      %add3A_66 = vector.broadcast %mul3A_20 : i32 to vector<16xi32>
      %add3A_67 = arith.addi %and3A_65, %add3A_66 : vector<16xi32>
      %swap3A = arith.constant 0 : i32
      %swap3A_68 = arith.index_cast %swap3A : i32 to index
      %swap3A_69 = arith.constant 0 : index
      %swap3A_70 = tpu.vector_load %arg6[%swap3A_68, %swap3A_69] {strides = array<i32>} : memref<2x128xi32, #tpu.memory_space<vmem>>, vector<1x16xi32>,
      %swap3A_71 = vector.shape_cast %swap3A_70 : vector<1x16xi32> to vector<16xi32>
      %swap3A_72 = vector.shape_cast %add3A_67 : vector<16xi32> to vector<1x16xi32>
      tpu.vector_store %arg6[%swap3A_68, %swap3A_69], %swap3A_72 {strides = array<i32>} : memref<2x128xi32, #tpu.memory_space<vmem>>, vector<1x16xi32>,
      %shift_right_logical3A = arith.constant 16 : i32
      %shift_right_logical3A_73 = vector.broadcast %shift_right_logical3A : i32 to vector<16xi32>
      %shift_right_logical3A_74 = arith.shrui %get3A_63, %shift_right_logical3A_73 : vector<16xi32>
      %swap3A_75 = arith.constant 0 : i32
      %swap3A_76 = arith.index_cast %swap3A_75 : i32 to index
      %swap3A_77 = arith.constant 0 : index
      %swap3A_78 = tpu.vector_load %arg7[%swap3A_76, %swap3A_77] {strides = array<i32>} : memref<2x128xi32, #tpu.memory_space<vmem>>, vector<1x16xi32>,
      %swap3A_79 = vector.shape_cast %swap3A_78 : vector<1x16xi32> to vector<16xi32>
      %swap3A_80 = vector.shape_cast %shift_right_logical3A_74 : vector<16xi32> to vector<1x16xi32>
      tpu.vector_store %arg7[%swap3A_76, %swap3A_77], %swap3A_80 {strides = array<i32>} : memref<2x128xi32, #tpu.memory_space<vmem>>, vector<1x16xi32>,
      %get3A_81 = arith.constant 0 : i32
      %get3A_82 = arith.index_cast %get3A_81 : i32 to index
      %get3A_83 = arith.constant 16 : index
      %get3A_84 = tpu.vector_load %arg5[%get3A_82, %get3A_83] {strides = array<i32>} : memref<64x128xi32, #tpu.memory_space<vmem>>, vector<1x16xi32>,
      %get3A_85 = vector.shape_cast %get3A_84 : vector<1x16xi32> to vector<16xi32>
      %and3A_86 = arith.constant 65535 : i32
      %and3A_87 = vector.broadcast %and3A_86 : i32 to vector<16xi32>
      %and3A_88 = arith.andi %get3A_85, %and3A_87 : vector<16xi32>
      %add3A_89 = vector.broadcast %mul3A_20 : i32 to vector<16xi32>
      %add3A_90 = arith.addi %and3A_88, %add3A_89 : vector<16xi32>
      %swap3A_91 = arith.constant 0 : i32
      %swap3A_92 = arith.index_cast %swap3A_91 : i32 to index
      %swap3A_93 = arith.constant 16 : index
      %swap3A_94 = tpu.vector_load %arg6[%swap3A_92, %swap3A_93] {strides = array<i32>} : memref<2x128xi32, #tpu.memory_space<vmem>>, vector<1x16xi32>,
      %swap3A_95 = vector.shape_cast %swap3A_94 : vector<1x16xi32> to vector<16xi32>
      %swap3A_96 = vector.shape_cast %add3A_90 : vector<16xi32> to vector<1x16xi32>
      tpu.vector_store %arg6[%swap3A_92, %swap3A_93], %swap3A_96 {strides = array<i32>} : memref<2x128xi32, #tpu.memory_space<vmem>>, vector<1x16xi32>,
      %shift_right_logical3A_97 = arith.constant 16 : i32
      %shift_right_logical3A_98 = vector.broadcast %shift_right_logical3A_97 : i32 to vector<16xi32>
      %shift_right_logical3A_99 = arith.shrui %get3A_85, %shift_right_logical3A_98 : vector<16xi32>
      %swap3A_100 = arith.constant 0 : i32
      %swap3A_101 = arith.index_cast %swap3A_100 : i32 to index
      %swap3A_102 = arith.constant 16 : index
      %swap3A_103 = tpu.vector_load %arg7[%swap3A_101, %swap3A_102] {strides = array<i32>} : memref<2x128xi32, #tpu.memory_space<vmem>>, vector<1x16xi32>,
      %swap3A_104 = vector.shape_cast %swap3A_103 : vector<1x16xi32> to vector<16xi32>
      %swap3A_105 = vector.shape_cast %shift_right_logical3A_99 : vector<16xi32> to vector<1x16xi32>
      tpu.vector_store %arg7[%swap3A_101, %swap3A_102], %swap3A_105 {strides = array<i32>} : memref<2x128xi32, #tpu.memory_space<vmem>>, vector<1x16xi32>,
      %get3A_106 = arith.constant 0 : i32
      %get3A_107 = arith.index_cast %get3A_106 : i32 to index
      %get3A_108 = arith.constant 32 : index
      %get3A_109 = tpu.vector_load %arg5[%get3A_107, %get3A_108] {strides = array<i32>} : memref<64x128xi32, #tpu.memory_space<vmem>>, vector<1x16xi32>,
      %get3A_110 = vector.shape_cast %get3A_109 : vector<1x16xi32> to vector<16xi32>
      %and3A_111 = arith.constant 65535 : i32
      %and3A_112 = vector.broadcast %and3A_111 : i32 to vector<16xi32>
      %and3A_113 = arith.andi %get3A_110, %and3A_112 : vector<16xi32>
      %add3A_114 = vector.broadcast %mul3A_20 : i32 to vector<16xi32>
      %add3A_115 = arith.addi %and3A_113, %add3A_114 : vector<16xi32>
      %swap3A_116 = arith.constant 0 : i32
      %swap3A_117 = arith.index_cast %swap3A_116 : i32 to index
      %swap3A_118 = arith.constant 32 : index
      %swap3A_119 = tpu.vector_load %arg6[%swap3A_117, %swap3A_118] {strides = array<i32>} : memref<2x128xi32, #tpu.memory_space<vmem>>, vector<1x16xi32>,
      %swap3A_120 = vector.shape_cast %swap3A_119 : vector<1x16xi32> to vector<16xi32>
      %swap3A_121 = vector.shape_cast %add3A_115 : vector<16xi32> to vector<1x16xi32>
      tpu.vector_store %arg6[%swap3A_117, %swap3A_118], %swap3A_121 {strides = array<i32>} : memref<2x128xi32, #tpu.memory_space<vmem>>, vector<1x16xi32>,
      %shift_right_logical3A_122 = arith.constant 16 : i32
      %shift_right_logical3A_123 = vector.broadcast %shift_right_logical3A_122 : i32 to vector<16xi32>
      %shift_right_logical3A_124 = arith.shrui %get3A_110, %shift_right_logical3A_123 : vector<16xi32>
      %swap3A_125 = arith.constant 0 : i32
      %swap3A_126 = arith.index_cast %swap3A_125 : i32 to index
      %swap3A_127 = arith.constant 32 : index
      %swap3A_128 = tpu.vector_load %arg7[%swap3A_126, %swap3A_127] {strides = array<i32>} : memref<2x128xi32, #tpu.memory_space<vmem>>, vector<1x16xi32>,
      %swap3A_129 = vector.shape_cast %swap3A_128 : vector<1x16xi32> to vector<16xi32>
      %swap3A_130 = vector.shape_cast %shift_right_logical3A_124 : vector<16xi32> to vector<1x16xi32>
      tpu.vector_store %arg7[%swap3A_126, %swap3A_127], %swap3A_130 {strides = array<i32>} : memref<2x128xi32, #tpu.memory_space<vmem>>, vector<1x16xi32>,
      %get3A_131 = arith.constant 0 : i32
      %get3A_132 = arith.index_cast %get3A_131 : i32 to index
      %get3A_133 = arith.constant 48 : index
      %get3A_134 = tpu.vector_load %arg5[%get3A_132, %get3A_133] {strides = array<i32>} : memref<64x128xi32, #tpu.memory_space<vmem>>, vector<1x16xi32>,
      %get3A_135 = vector.shape_cast %get3A_134 : vector<1x16xi32> to vector<16xi32>
      %and3A_136 = arith.constant 65535 : i32
      %and3A_137 = vector.broadcast %and3A_136 : i32 to vector<16xi32>
      %and3A_138 = arith.andi %get3A_135, %and3A_137 : vector<16xi32>
      %add3A_139 = vector.broadcast %mul3A_20 : i32 to vector<16xi32>
      %add3A_140 = arith.addi %and3A_138, %add3A_139 : vector<16xi32>
      %swap3A_141 = arith.constant 0 : i32
      %swap3A_142 = arith.index_cast %swap3A_141 : i32 to index
      %swap3A_143 = arith.constant 48 : index
      %swap3A_144 = tpu.vector_load %arg6[%swap3A_142, %swap3A_143] {strides = array<i32>} : memref<2x128xi32, #tpu.memory_space<vmem>>, vector<1x16xi32>,
      %swap3A_145 = vector.shape_cast %swap3A_144 : vector<1x16xi32> to vector<16xi32>
      %swap3A_146 = vector.shape_cast %add3A_140 : vector<16xi32> to vector<1x16xi32>
      tpu.vector_store %arg6[%swap3A_142, %swap3A_143], %swap3A_146 {strides = array<i32>} : memref<2x128xi32, #tpu.memory_space<vmem>>, vector<1x16xi32>,
      %shift_right_logical3A_147 = arith.constant 16 : i32
      %shift_right_logical3A_148 = vector.broadcast %shift_right_logical3A_147 : i32 to vector<16xi32>
      %shift_right_logical3A_149 = arith.shrui %get3A_135, %shift_right_logical3A_148 : vector<16xi32>
      %swap3A_150 = arith.constant 0 : i32
      %swap3A_151 = arith.index_cast %swap3A_150 : i32 to index
      %swap3A_152 = arith.constant 48 : index
      %swap3A_153 = tpu.vector_load %arg7[%swap3A_151, %swap3A_152] {strides = array<i32>} : memref<2x128xi32, #tpu.memory_space<vmem>>, vector<1x16xi32>,
      %swap3A_154 = vector.shape_cast %swap3A_153 : vector<1x16xi32> to vector<16xi32>
      %swap3A_155 = vector.shape_cast %shift_right_logical3A_149 : vector<16xi32> to vector<1x16xi32>
      tpu.vector_store %arg7[%swap3A_151, %swap3A_152], %swap3A_155 {strides = array<i32>} : memref<2x128xi32, #tpu.memory_space<vmem>>, vector<1x16xi32>,
      %get3A_156 = arith.constant 0 : i32
      %get3A_157 = arith.index_cast %get3A_156 : i32 to index
      %get3A_158 = arith.constant 64 : index
      %get3A_159 = tpu.vector_load %arg5[%get3A_157, %get3A_158] {strides = array<i32>} : memref<64x128xi32, #tpu.memory_space<vmem>>, vector<1x16xi32>,
      %get3A_160 = vector.shape_cast %get3A_159 : vector<1x16xi32> to vector<16xi32>
      %and3A_161 = arith.constant 65535 : i32
      %and3A_162 = vector.broadcast %and3A_161 : i32 to vector<16xi32>
      %and3A_163 = arith.andi %get3A_160, %and3A_162 : vector<16xi32>
      %add3A_164 = vector.broadcast %mul3A_20 : i32 to vector<16xi32>
      %add3A_165 = arith.addi %and3A_163, %add3A_164 : vector<16xi32>
      %swap3A_166 = arith.constant 0 : i32
      %swap3A_167 = arith.index_cast %swap3A_166 : i32 to index
      %swap3A_168 = arith.constant 64 : index
      %swap3A_169 = tpu.vector_load %arg6[%swap3A_167, %swap3A_168] {strides = array<i32>} : memref<2x128xi32, #tpu.memory_space<vmem>>, vector<1x16xi32>,
      %swap3A_170 = vector.shape_cast %swap3A_169 : vector<1x16xi32> to vector<16xi32>
      %swap3A_171 = vector.shape_cast %add3A_165 : vector<16xi32> to vector<1x16xi32>
      tpu.vector_store %arg6[%swap3A_167, %swap3A_168], %swap3A_171 {strides = array<i32>} : memref<2x128xi32, #tpu.memory_space<vmem>>, vector<1x16xi32>,
      %shift_right_logical3A_172 = arith.constant 16 : i32
      %shift_right_logical3A_173 = vector.broadcast %shift_right_logical3A_172 : i32 to vector<16xi32>
      %shift_right_logical3A_174 = arith.shrui %get3A_160, %shift_right_logical3A_173 : vector<16xi32>
      %swap3A_175 = arith.constant 0 : i32
      %swap3A_176 = arith.index_cast %swap3A_175 : i32 to index
      %swap3A_177 = arith.constant 64 : index
      %swap3A_178 = tpu.vector_load %arg7[%swap3A_176, %swap3A_177] {strides = array<i32>} : memref<2x128xi32, #tpu.memory_space<vmem>>, vector<1x16xi32>,
      %swap3A_179 = vector.shape_cast %swap3A_178 : vector<1x16xi32> to vector<16xi32>
      %swap3A_180 = vector.shape_cast %shift_right_logical3A_174 : vector<16xi32> to vector<1x16xi32>
      tpu.vector_store %arg7[%swap3A_176, %swap3A_177], %swap3A_180 {strides = array<i32>} : memref<2x128xi32, #tpu.memory_space<vmem>>, vector<1x16xi32>,
      %get3A_181 = arith.constant 0 : i32
      %get3A_182 = arith.index_cast %get3A_181 : i32 to index
      %get3A_183 = arith.constant 80 : index
      %get3A_184 = tpu.vector_load %arg5[%get3A_182, %get3A_183] {strides = array<i32>} : memref<64x128xi32, #tpu.memory_space<vmem>>, vector<1x16xi32>,
      %get3A_185 = vector.shape_cast %get3A_184 : vector<1x16xi32> to vector<16xi32>
      %and3A_186 = arith.constant 65535 : i32
      %and3A_187 = vector.broadcast %and3A_186 : i32 to vector<16xi32>
      %and3A_188 = arith.andi %get3A_185, %and3A_187 : vector<16xi32>
      %add3A_189 = vector.broadcast %mul3A_20 : i32 to vector<16xi32>
      %add3A_190 = arith.addi %and3A_188, %add3A_189 : vector<16xi32>
      %swap3A_191 = arith.constant 0 : i32
      %swap3A_192 = arith.index_cast %swap3A_191 : i32 to index
      %swap3A_193 = arith.constant 80 : index
      %swap3A_194 = tpu.vector_load %arg6[%swap3A_192, %swap3A_193] {strides = array<i32>} : memref<2x128xi32, #tpu.memory_space<vmem>>, vector<1x16xi32>,
      %swap3A_195 = vector.shape_cast %swap3A_194 : vector<1x16xi32> to vector<16xi32>
      %swap3A_196 = vector.shape_cast %add3A_190 : vector<16xi32> to vector<1x16xi32>
      tpu.vector_store %arg6[%swap3A_192, %swap3A_193], %swap3A_196 {strides = array<i32>} : memref<2x128xi32, #tpu.memory_space<vmem>>, vector<1x16xi32>,
      %shift_right_logical3A_197 = arith.constant 16 : i32
      %shift_right_logical3A_198 = vector.broadcast %shift_right_logical3A_197 : i32 to vector<16xi32>
      %shift_right_logical3A_199 = arith.shrui %get3A_185, %shift_right_logical3A_198 : vector<16xi32>
      %swap3A_200 = arith.constant 0 : i32
      %swap3A_201 = arith.index_cast %swap3A_200 : i32 to index
      %swap3A_202 = arith.constant 80 : index
      %swap3A_203 = tpu.vector_load %arg7[%swap3A_201, %swap3A_202] {strides = array<i32>} : memref<2x128xi32, #tpu.memory_space<vmem>>, vector<1x16xi32>,
      %swap3A_204 = vector.shape_cast %swap3A_203 : vector<1x16xi32> to vector<16xi32>
      %swap3A_205 = vector.shape_cast %shift_right_logical3A_199 : vector<16xi32> to vector<1x16xi32>
      tpu.vector_store %arg7[%swap3A_201, %swap3A_202], %swap3A_205 {strides = array<i32>} : memref<2x128xi32, #tpu.memory_space<vmem>>, vector<1x16xi32>,
      %get3A_206 = arith.constant 0 : i32
      %get3A_207 = arith.index_cast %get3A_206 : i32 to index
      %get3A_208 = arith.constant 96 : index
      %get3A_209 = tpu.vector_load %arg5[%get3A_207, %get3A_208] {strides = array<i32>} : memref<64x128xi32, #tpu.memory_space<vmem>>, vector<1x16xi32>,
      %get3A_210 = vector.shape_cast %get3A_209 : vector<1x16xi32> to vector<16xi32>
      %and3A_211 = arith.constant 65535 : i32
      %and3A_212 = vector.broadcast %and3A_211 : i32 to vector<16xi32>
      %and3A_213 = arith.andi %get3A_210, %and3A_212 : vector<16xi32>
      %add3A_214 = vector.broadcast %mul3A_20 : i32 to vector<16xi32>
      %add3A_215 = arith.addi %and3A_213, %add3A_214 : vector<16xi32>
      %swap3A_216 = arith.constant 0 : i32
      %swap3A_217 = arith.index_cast %swap3A_216 : i32 to index
      %swap3A_218 = arith.constant 96 : index
      %swap3A_219 = tpu.vector_load %arg6[%swap3A_217, %swap3A_218] {strides = array<i32>} : memref<2x128xi32, #tpu.memory_space<vmem>>, vector<1x16xi32>,
      %swap3A_220 = vector.shape_cast %swap3A_219 : vector<1x16xi32> to vector<16xi32>
      %swap3A_221 = vector.shape_cast %add3A_215 : vector<16xi32> to vector<1x16xi32>
      tpu.vector_store %arg6[%swap3A_217, %swap3A_218], %swap3A_221 {strides = array<i32>} : memref<2x128xi32, #tpu.memory_space<vmem>>, vector<1x16xi32>,
      %shift_right_logical3A_222 = arith.constant 16 : i32
      %shift_right_logical3A_223 = vector.broadcast %shift_right_logical3A_222 : i32 to vector<16xi32>
      %shift_right_logical3A_224 = arith.shrui %get3A_210, %shift_right_logical3A_223 : vector<16xi32>
      %swap3A_225 = arith.constant 0 : i32
      %swap3A_226 = arith.index_cast %swap3A_225 : i32 to index
      %swap3A_227 = arith.constant 96 : index
      %swap3A_228 = tpu.vector_load %arg7[%swap3A_226, %swap3A_227] {strides = array<i32>} : memref<2x128xi32, #tpu.memory_space<vmem>>, vector<1x16xi32>,
      %swap3A_229 = vector.shape_cast %swap3A_228 : vector<1x16xi32> to vector<16xi32>
      %swap3A_230 = vector.shape_cast %shift_right_logical3A_224 : vector<16xi32> to vector<1x16xi32>
      tpu.vector_store %arg7[%swap3A_226, %swap3A_227], %swap3A_230 {strides = array<i32>} : memref<2x128xi32, #tpu.memory_space<vmem>>, vector<1x16xi32>,
      %get3A_231 = arith.constant 0 : i32
      %get3A_232 = arith.index_cast %get3A_231 : i32 to index
      %get3A_233 = arith.constant 112 : index
      %get3A_234 = tpu.vector_load %arg5[%get3A_232, %get3A_233] {strides = array<i32>} : memref<64x128xi32, #tpu.memory_space<vmem>>, vector<1x16xi32>,
      %get3A_235 = vector.shape_cast %get3A_234 : vector<1x16xi32> to vector<16xi32>
      %and3A_236 = arith.constant 65535 : i32
      %and3A_237 = vector.broadcast %and3A_236 : i32 to vector<16xi32>
      %and3A_238 = arith.andi %get3A_235, %and3A_237 : vector<16xi32>
      %add3A_239 = vector.broadcast %mul3A_20 : i32 to vector<16xi32>
      %add3A_240 = arith.addi %and3A_238, %add3A_239 : vector<16xi32>
      %swap3A_241 = arith.constant 0 : i32
      %swap3A_242 = arith.index_cast %swap3A_241 : i32 to index
      %swap3A_243 = arith.constant 112 : index
      %swap3A_244 = tpu.vector_load %arg6[%swap3A_242, %swap3A_243] {strides = array<i32>} : memref<2x128xi32, #tpu.memory_space<vmem>>, vector<1x16xi32>,
      %swap3A_245 = vector.shape_cast %swap3A_244 : vector<1x16xi32> to vector<16xi32>
      %swap3A_246 = vector.shape_cast %add3A_240 : vector<16xi32> to vector<1x16xi32>
      tpu.vector_store %arg6[%swap3A_242, %swap3A_243], %swap3A_246 {strides = array<i32>} : memref<2x128xi32, #tpu.memory_space<vmem>>, vector<1x16xi32>,
      %shift_right_logical3A_247 = arith.constant 16 : i32
      %shift_right_logical3A_248 = vector.broadcast %shift_right_logical3A_247 : i32 to vector<16xi32>
      %shift_right_logical3A_249 = arith.shrui %get3A_235, %shift_right_logical3A_248 : vector<16xi32>
      %swap3A_250 = arith.constant 0 : i32
      %swap3A_251 = arith.index_cast %swap3A_250 : i32 to index
      %swap3A_252 = arith.constant 112 : index
      %swap3A_253 = tpu.vector_load %arg7[%swap3A_251, %swap3A_252] {strides = array<i32>} : memref<2x128xi32, #tpu.memory_space<vmem>>, vector<1x16xi32>,
      %swap3A_254 = vector.shape_cast %swap3A_253 : vector<1x16xi32> to vector<16xi32>
      %swap3A_255 = vector.shape_cast %shift_right_logical3A_249 : vector<16xi32> to vector<1x16xi32>
      tpu.vector_store %arg7[%swap3A_251, %swap3A_252], %swap3A_255 {strides = array<i32>} : memref<2x128xi32, #tpu.memory_space<vmem>>, vector<1x16xi32>,
      %dma_start3A = arith.constant 0 : i32
      %dma_start3A_256 = arith.constant 0 : i32
      %dma_start3A_257 = arith.constant 0 : i32
      %dma_start3A_258 = arith.constant 0 : i32
      %dma_start3A_259 = tpu.memref_slice %arg8[%dma_start3A_256, %dma_start3A_257, %dma_start3A_258] : memref<2x128x128xf32, #tpu.memory_space<vmem>> -> memref<1x128x128xf32, #tpu.memory_space<vmem>>
      %dma_start3A_260 = tpu.memref_squeeze %dma_start3A_259 : memref<1x128x128xf32, #tpu.memory_space<vmem>> -> memref<128x128xf32, #tpu.memory_space<vmem>>
      %dma_start3A_261 = arith.constant 0 : i32
      %dma_start3A_262 = tpu.memref_slice %arg6[%dma_start3A, %dma_start3A_261] : memref<2x128xi32, #tpu.memory_space<vmem>> -> memref<1x128xi32, #tpu.memory_space<vmem>>
      %dma_start3A_263 = tpu.memref_squeeze %dma_start3A_262 : memref<1x128xi32, #tpu.memory_space<vmem>> -> memref<128xi32, #tpu.memory_space<vmem>>
      %dma_start3A_264 = arith.constant 0 : i32
      %dma_start3A_265 = arith.constant 0 : i32
      %dma_start3A_266 = tpu.memref_slice %arg2[%dma_start3A_264, %dma_start3A_265] : memref<20000x128xf32, #tpu.memory_space<hbm>> -> memref<20000x128xf32, #tpu.memory_space<hbm>>
      tpu.enqueue_indirect_dma source(%dma_start3A_266 : memref<20000x128xf32, #tpu.memory_space<hbm>>) target(%dma_start3A_260 : memref<128x128xf32, #tpu.memory_space<vmem>>) offsets(%dma_start3A_263 : memref<128xi32, #tpu.memory_space<vmem>>) semaphore(%arg10 : memref<!tpu.dma_semaphore, #tpu.memory_space<semaphore_mem>>)
    } else {
    }
    %while3A = arith.constant 0 : i32
    %while3A_45 = arith.constant 0 : i32
    %while3A_46 = arith.subi %select_n3A, %while3A : i32
    %while3A_47 = arith.addi %while3A, %while3A_46 : i32
    %while3A_48 = arith.constant 1 : i32
    %while3A_49 = arith.divsi %while3A_46, %while3A_48 : i32
    %while3A_50 = arith.muli %while3A_49, %while3A_48 : i32
    %while3A_51 = arith.addi %while3A, %while3A_50 : i32
    %while3A_52 = arith.constant 1 : i32
    %while3A_53 = scf.for %while3A_60 = %while3A to %while3A_51 step %while3A_52 iter_args(%while3A_61 = %while3A_45) -> (i32)  : i32 {
      %rem3A = arith.constant 2 : i32
      %rem3A_62 = arith.remsi %while3A_60, %rem3A : i32
      %add3A_63 = arith.constant 1 : i32
      %add3A_64 = arith.addi %while3A_60, %add3A_63 : i32
      %rem3A_65 = arith.constant 2 : i32
      %rem3A_66 = arith.remsi %add3A_64, %rem3A_65 : i32
      %add3A_67 = arith.constant 1 : i32
      %add3A_68 = arith.addi %while3A_60, %add3A_67 : i32
      %rem3A_69 = arith.constant 64 : i32
      %rem3A_70 = arith.remsi %add3A_68, %rem3A_69 : i32
      %eq3A_71 = arith.constant 0 : i32
      %eq3A_72 = arith.cmpi eq, %rem3A_70, %eq3A_71 : i32
      %add3A_73 = arith.constant 1 : i32
      %add3A_74 = arith.addi %while3A_60, %add3A_73 : i32
      %lt3A = arith.cmpi slt, %add3A_74, %select_n3A : i32
      %and3A = arith.andi %eq3A_72, %lt3A : i1
      %convert_element_type3A_75 = arith.extui %and3A : i1 to i32
      %cond3A_76 = arith.constant 0 : i32
      %cond3A_77 = arith.cmpi ne, %convert_element_type3A_75, %cond3A_76 : i32
      scf.if %cond3A_77 {
        %add3A_99 = arith.addi %select_n3A_10, %while3A_60 : i32
        %add3A_100 = arith.constant 1 : i32
        %add3A_101 = arith.addi %add3A_99, %add3A_100 : i32
        %multiple_of3A = tpu.assume_multiple %add3A_101, 8 : i32
        "tpu.region"() ({
          %run_scoped3A_102 = tpu.sem_alloc : memref<!tpu.dma_semaphore, #tpu.memory_space<semaphore_mem>>
          %dma_start3A = arith.constant 0 : i32
          %dma_start3A_103 = tpu.memref_slice %arg3[%multiple_of3A, %dma_start3A] : memref<2624x128xi32, #tpu.memory_space<hbm>> -> memref<64x128xi32, #tpu.memory_space<hbm>>
          %dma_start3A_104 = arith.constant 0 : i32
          %dma_start3A_105 = tpu.memref_slice %arg3[%multiple_of3A, %dma_start3A_104] : memref<2624x128xi32, #tpu.memory_space<hbm>> -> memref<64x128xi32, #tpu.memory_space<hbm>>
          tpu.enqueue_dma source(%dma_start3A_105 : memref<64x128xi32, #tpu.memory_space<hbm>>) target(%arg5 : memref<64x128xi32, #tpu.memory_space<vmem>>) target_semaphore(%run_scoped3A_102 : memref<!tpu.dma_semaphore, #tpu.memory_space<semaphore_mem>>)
          %dma_wait3A_106 = arith.constant 0 : i32
          %dma_wait3A_107 = tpu.memref_slice %arg3[%multiple_of3A, %dma_wait3A_106] : memref<2624x128xi32, #tpu.memory_space<hbm>> -> memref<64x128xi32, #tpu.memory_space<hbm>>
          %dma_wait3A_108 = arith.constant 0 : i32
          %dma_wait3A_109 = tpu.memref_slice %arg3[%multiple_of3A, %dma_wait3A_108] : memref<2624x128xi32, #tpu.memory_space<hbm>> -> memref<64x128xi32, #tpu.memory_space<hbm>>
          tpu.wait_dma2 semaphore(%run_scoped3A_102 : memref<!tpu.dma_semaphore, #tpu.memory_space<semaphore_mem>>) src(%dma_wait3A_109 : memref<64x128xi32, #tpu.memory_space<hbm>>) dst(%arg5 : memref<64x128xi32, #tpu.memory_space<vmem>>)
          tpu.yield
        }) : () -> ()
      } else {
      }
      %add3A_78 = arith.constant 1 : i32
      %add3A_79 = arith.addi %while3A_60, %add3A_78 : i32
      %lt3A_80 = arith.cmpi slt, %add3A_79, %select_n3A : i32
      %convert_element_type3A_81 = arith.extui %lt3A_80 : i1 to i32
      %cond3A_82 = arith.constant 0 : i32
      %cond3A_83 = arith.cmpi ne, %convert_element_type3A_81, %cond3A_82 : i32
      scf.if %cond3A_83 {
        %add3A_99 = arith.constant 1 : i32
        %add3A_100 = arith.addi %while3A_60, %add3A_99 : i32
        %rem3A_101 = arith.constant 64 : i32
        %rem3A_102 = arith.remsi %add3A_100, %rem3A_101 : i32
        %get3A = arith.index_cast %rem3A_102 : i32 to index
        %get3A_103 = arith.constant 0 : index
        %get3A_104 = tpu.vector_load %arg5[%get3A, %get3A_103] {strides = array<i32>} : memref<64x128xi32, #tpu.memory_space<vmem>>, vector<1x16xi32>,
        %get3A_105 = vector.shape_cast %get3A_104 : vector<1x16xi32> to vector<16xi32>
        %and3A_106 = arith.constant 65535 : i32
        %and3A_107 = vector.broadcast %and3A_106 : i32 to vector<16xi32>
        %and3A_108 = arith.andi %get3A_105, %and3A_107 : vector<16xi32>
        %add3A_109 = vector.broadcast %mul3A_20 : i32 to vector<16xi32>
        %add3A_110 = arith.addi %and3A_108, %add3A_109 : vector<16xi32>
        %swap3A = arith.index_cast %rem3A_66 : i32 to index
        %swap3A_111 = arith.constant 0 : index
        %swap3A_112 = tpu.vector_load %arg6[%swap3A, %swap3A_111] {strides = array<i32>} : memref<2x128xi32, #tpu.memory_space<vmem>>, vector<1x16xi32>,
        %swap3A_113 = vector.shape_cast %swap3A_112 : vector<1x16xi32> to vector<16xi32>
        %swap3A_114 = vector.shape_cast %add3A_110 : vector<16xi32> to vector<1x16xi32>
        tpu.vector_store %arg6[%swap3A, %swap3A_111], %swap3A_114 {strides = array<i32>} : memref<2x128xi32, #tpu.memory_space<vmem>>, vector<1x16xi32>,
        %shift_right_logical3A = arith.constant 16 : i32
        %shift_right_logical3A_115 = vector.broadcast %shift_right_logical3A : i32 to vector<16xi32>
        %shift_right_logical3A_116 = arith.shrui %get3A_105, %shift_right_logical3A_115 : vector<16xi32>
        %swap3A_117 = arith.index_cast %rem3A_66 : i32 to index
        %swap3A_118 = arith.constant 0 : index
        %swap3A_119 = tpu.vector_load %arg7[%swap3A_117, %swap3A_118] {strides = array<i32>} : memref<2x128xi32, #tpu.memory_space<vmem>>, vector<1x16xi32>,
        %swap3A_120 = vector.shape_cast %swap3A_119 : vector<1x16xi32> to vector<16xi32>
        %swap3A_121 = vector.shape_cast %shift_right_logical3A_116 : vector<16xi32> to vector<1x16xi32>
        tpu.vector_store %arg7[%swap3A_117, %swap3A_118], %swap3A_121 {strides = array<i32>} : memref<2x128xi32, #tpu.memory_space<vmem>>, vector<1x16xi32>,
        %get3A_122 = arith.index_cast %rem3A_102 : i32 to index
        %get3A_123 = arith.constant 16 : index
        %get3A_124 = tpu.vector_load %arg5[%get3A_122, %get3A_123] {strides = array<i32>} : memref<64x128xi32, #tpu.memory_space<vmem>>, vector<1x16xi32>,
        %get3A_125 = vector.shape_cast %get3A_124 : vector<1x16xi32> to vector<16xi32>
        %and3A_126 = arith.constant 65535 : i32
        %and3A_127 = vector.broadcast %and3A_126 : i32 to vector<16xi32>
        %and3A_128 = arith.andi %get3A_125, %and3A_127 : vector<16xi32>
        %add3A_129 = vector.broadcast %mul3A_20 : i32 to vector<16xi32>
        %add3A_130 = arith.addi %and3A_128, %add3A_129 : vector<16xi32>
        %swap3A_131 = arith.index_cast %rem3A_66 : i32 to index
        %swap3A_132 = arith.constant 16 : index
        %swap3A_133 = tpu.vector_load %arg6[%swap3A_131, %swap3A_132] {strides = array<i32>} : memref<2x128xi32, #tpu.memory_space<vmem>>, vector<1x16xi32>,
        %swap3A_134 = vector.shape_cast %swap3A_133 : vector<1x16xi32> to vector<16xi32>
        %swap3A_135 = vector.shape_cast %add3A_130 : vector<16xi32> to vector<1x16xi32>
        tpu.vector_store %arg6[%swap3A_131, %swap3A_132], %swap3A_135 {strides = array<i32>} : memref<2x128xi32, #tpu.memory_space<vmem>>, vector<1x16xi32>,
        %shift_right_logical3A_136 = arith.constant 16 : i32
        %shift_right_logical3A_137 = vector.broadcast %shift_right_logical3A_136 : i32 to vector<16xi32>
        %shift_right_logical3A_138 = arith.shrui %get3A_125, %shift_right_logical3A_137 : vector<16xi32>
        %swap3A_139 = arith.index_cast %rem3A_66 : i32 to index
        %swap3A_140 = arith.constant 16 : index
        %swap3A_141 = tpu.vector_load %arg7[%swap3A_139, %swap3A_140] {strides = array<i32>} : memref<2x128xi32, #tpu.memory_space<vmem>>, vector<1x16xi32>,
        %swap3A_142 = vector.shape_cast %swap3A_141 : vector<1x16xi32> to vector<16xi32>
        %swap3A_143 = vector.shape_cast %shift_right_logical3A_138 : vector<16xi32> to vector<1x16xi32>
        tpu.vector_store %arg7[%swap3A_139, %swap3A_140], %swap3A_143 {strides = array<i32>} : memref<2x128xi32, #tpu.memory_space<vmem>>, vector<1x16xi32>,
        %get3A_144 = arith.index_cast %rem3A_102 : i32 to index
        %get3A_145 = arith.constant 32 : index
        %get3A_146 = tpu.vector_load %arg5[%get3A_144, %get3A_145] {strides = array<i32>} : memref<64x128xi32, #tpu.memory_space<vmem>>, vector<1x16xi32>,
        %get3A_147 = vector.shape_cast %get3A_146 : vector<1x16xi32> to vector<16xi32>
        %and3A_148 = arith.constant 65535 : i32
        %and3A_149 = vector.broadcast %and3A_148 : i32 to vector<16xi32>
        %and3A_150 = arith.andi %get3A_147, %and3A_149 : vector<16xi32>
        %add3A_151 = vector.broadcast %mul3A_20 : i32 to vector<16xi32>
        %add3A_152 = arith.addi %and3A_150, %add3A_151 : vector<16xi32>
        %swap3A_153 = arith.index_cast %rem3A_66 : i32 to index
        %swap3A_154 = arith.constant 32 : index
        %swap3A_155 = tpu.vector_load %arg6[%swap3A_153, %swap3A_154] {strides = array<i32>} : memref<2x128xi32, #tpu.memory_space<vmem>>, vector<1x16xi32>,
        %swap3A_156 = vector.shape_cast %swap3A_155 : vector<1x16xi32> to vector<16xi32>
        %swap3A_157 = vector.shape_cast %add3A_152 : vector<16xi32> to vector<1x16xi32>
        tpu.vector_store %arg6[%swap3A_153, %swap3A_154], %swap3A_157 {strides = array<i32>} : memref<2x128xi32, #tpu.memory_space<vmem>>, vector<1x16xi32>,
        %shift_right_logical3A_158 = arith.constant 16 : i32
        %shift_right_logical3A_159 = vector.broadcast %shift_right_logical3A_158 : i32 to vector<16xi32>
        %shift_right_logical3A_160 = arith.shrui %get3A_147, %shift_right_logical3A_159 : vector<16xi32>
        %swap3A_161 = arith.index_cast %rem3A_66 : i32 to index
        %swap3A_162 = arith.constant 32 : index
        %swap3A_163 = tpu.vector_load %arg7[%swap3A_161, %swap3A_162] {strides = array<i32>} : memref<2x128xi32, #tpu.memory_space<vmem>>, vector<1x16xi32>,
        %swap3A_164 = vector.shape_cast %swap3A_163 : vector<1x16xi32> to vector<16xi32>
        %swap3A_165 = vector.shape_cast %shift_right_logical3A_160 : vector<16xi32> to vector<1x16xi32>
        tpu.vector_store %arg7[%swap3A_161, %swap3A_162], %swap3A_165 {strides = array<i32>} : memref<2x128xi32, #tpu.memory_space<vmem>>, vector<1x16xi32>,
        %get3A_166 = arith.index_cast %rem3A_102 : i32 to index
        %get3A_167 = arith.constant 48 : index
        %get3A_168 = tpu.vector_load %arg5[%get3A_166, %get3A_167] {strides = array<i32>} : memref<64x128xi32, #tpu.memory_space<vmem>>, vector<1x16xi32>,
        %get3A_169 = vector.shape_cast %get3A_168 : vector<1x16xi32> to vector<16xi32>
        %and3A_170 = arith.constant 65535 : i32
        %and3A_171 = vector.broadcast %and3A_170 : i32 to vector<16xi32>
        %and3A_172 = arith.andi %get3A_169, %and3A_171 : vector<16xi32>
        %add3A_173 = vector.broadcast %mul3A_20 : i32 to vector<16xi32>
        %add3A_174 = arith.addi %and3A_172, %add3A_173 : vector<16xi32>
        %swap3A_175 = arith.index_cast %rem3A_66 : i32 to index
        %swap3A_176 = arith.constant 48 : index
        %swap3A_177 = tpu.vector_load %arg6[%swap3A_175, %swap3A_176] {strides = array<i32>} : memref<2x128xi32, #tpu.memory_space<vmem>>, vector<1x16xi32>,
        %swap3A_178 = vector.shape_cast %swap3A_177 : vector<1x16xi32> to vector<16xi32>
        %swap3A_179 = vector.shape_cast %add3A_174 : vector<16xi32> to vector<1x16xi32>
        tpu.vector_store %arg6[%swap3A_175, %swap3A_176], %swap3A_179 {strides = array<i32>} : memref<2x128xi32, #tpu.memory_space<vmem>>, vector<1x16xi32>,
        %shift_right_logical3A_180 = arith.constant 16 : i32
        %shift_right_logical3A_181 = vector.broadcast %shift_right_logical3A_180 : i32 to vector<16xi32>
        %shift_right_logical3A_182 = arith.shrui %get3A_169, %shift_right_logical3A_181 : vector<16xi32>
        %swap3A_183 = arith.index_cast %rem3A_66 : i32 to index
        %swap3A_184 = arith.constant 48 : index
        %swap3A_185 = tpu.vector_load %arg7[%swap3A_183, %swap3A_184] {strides = array<i32>} : memref<2x128xi32, #tpu.memory_space<vmem>>, vector<1x16xi32>,
        %swap3A_186 = vector.shape_cast %swap3A_185 : vector<1x16xi32> to vector<16xi32>
        %swap3A_187 = vector.shape_cast %shift_right_logical3A_182 : vector<16xi32> to vector<1x16xi32>
        tpu.vector_store %arg7[%swap3A_183, %swap3A_184], %swap3A_187 {strides = array<i32>} : memref<2x128xi32, #tpu.memory_space<vmem>>, vector<1x16xi32>,
        %get3A_188 = arith.index_cast %rem3A_102 : i32 to index
        %get3A_189 = arith.constant 64 : index
        %get3A_190 = tpu.vector_load %arg5[%get3A_188, %get3A_189] {strides = array<i32>} : memref<64x128xi32, #tpu.memory_space<vmem>>, vector<1x16xi32>,
        %get3A_191 = vector.shape_cast %get3A_190 : vector<1x16xi32> to vector<16xi32>
        %and3A_192 = arith.constant 65535 : i32
        %and3A_193 = vector.broadcast %and3A_192 : i32 to vector<16xi32>
        %and3A_194 = arith.andi %get3A_191, %and3A_193 : vector<16xi32>
        %add3A_195 = vector.broadcast %mul3A_20 : i32 to vector<16xi32>
        %add3A_196 = arith.addi %and3A_194, %add3A_195 : vector<16xi32>
        %swap3A_197 = arith.index_cast %rem3A_66 : i32 to index
        %swap3A_198 = arith.constant 64 : index
        %swap3A_199 = tpu.vector_load %arg6[%swap3A_197, %swap3A_198] {strides = array<i32>} : memref<2x128xi32, #tpu.memory_space<vmem>>, vector<1x16xi32>,
        %swap3A_200 = vector.shape_cast %swap3A_199 : vector<1x16xi32> to vector<16xi32>
        %swap3A_201 = vector.shape_cast %add3A_196 : vector<16xi32> to vector<1x16xi32>
        tpu.vector_store %arg6[%swap3A_197, %swap3A_198], %swap3A_201 {strides = array<i32>} : memref<2x128xi32, #tpu.memory_space<vmem>>, vector<1x16xi32>,
        %shift_right_logical3A_202 = arith.constant 16 : i32
        %shift_right_logical3A_203 = vector.broadcast %shift_right_logical3A_202 : i32 to vector<16xi32>
        %shift_right_logical3A_204 = arith.shrui %get3A_191, %shift_right_logical3A_203 : vector<16xi32>
        %swap3A_205 = arith.index_cast %rem3A_66 : i32 to index
        %swap3A_206 = arith.constant 64 : index
        %swap3A_207 = tpu.vector_load %arg7[%swap3A_205, %swap3A_206] {strides = array<i32>} : memref<2x128xi32, #tpu.memory_space<vmem>>, vector<1x16xi32>,
        %swap3A_208 = vector.shape_cast %swap3A_207 : vector<1x16xi32> to vector<16xi32>
        %swap3A_209 = vector.shape_cast %shift_right_logical3A_204 : vector<16xi32> to vector<1x16xi32>
        tpu.vector_store %arg7[%swap3A_205, %swap3A_206], %swap3A_209 {strides = array<i32>} : memref<2x128xi32, #tpu.memory_space<vmem>>, vector<1x16xi32>,
        %get3A_210 = arith.index_cast %rem3A_102 : i32 to index
        %get3A_211 = arith.constant 80 : index
        %get3A_212 = tpu.vector_load %arg5[%get3A_210, %get3A_211] {strides = array<i32>} : memref<64x128xi32, #tpu.memory_space<vmem>>, vector<1x16xi32>,
        %get3A_213 = vector.shape_cast %get3A_212 : vector<1x16xi32> to vector<16xi32>
        %and3A_214 = arith.constant 65535 : i32
        %and3A_215 = vector.broadcast %and3A_214 : i32 to vector<16xi32>
        %and3A_216 = arith.andi %get3A_213, %and3A_215 : vector<16xi32>
        %add3A_217 = vector.broadcast %mul3A_20 : i32 to vector<16xi32>
        %add3A_218 = arith.addi %and3A_216, %add3A_217 : vector<16xi32>
        %swap3A_219 = arith.index_cast %rem3A_66 : i32 to index
        %swap3A_220 = arith.constant 80 : index
        %swap3A_221 = tpu.vector_load %arg6[%swap3A_219, %swap3A_220] {strides = array<i32>} : memref<2x128xi32, #tpu.memory_space<vmem>>, vector<1x16xi32>,
        %swap3A_222 = vector.shape_cast %swap3A_221 : vector<1x16xi32> to vector<16xi32>
        %swap3A_223 = vector.shape_cast %add3A_218 : vector<16xi32> to vector<1x16xi32>
        tpu.vector_store %arg6[%swap3A_219, %swap3A_220], %swap3A_223 {strides = array<i32>} : memref<2x128xi32, #tpu.memory_space<vmem>>, vector<1x16xi32>,
        %shift_right_logical3A_224 = arith.constant 16 : i32
        %shift_right_logical3A_225 = vector.broadcast %shift_right_logical3A_224 : i32 to vector<16xi32>
        %shift_right_logical3A_226 = arith.shrui %get3A_213, %shift_right_logical3A_225 : vector<16xi32>
        %swap3A_227 = arith.index_cast %rem3A_66 : i32 to index
        %swap3A_228 = arith.constant 80 : index
        %swap3A_229 = tpu.vector_load %arg7[%swap3A_227, %swap3A_228] {strides = array<i32>} : memref<2x128xi32, #tpu.memory_space<vmem>>, vector<1x16xi32>,
        %swap3A_230 = vector.shape_cast %swap3A_229 : vector<1x16xi32> to vector<16xi32>
        %swap3A_231 = vector.shape_cast %shift_right_logical3A_226 : vector<16xi32> to vector<1x16xi32>
        tpu.vector_store %arg7[%swap3A_227, %swap3A_228], %swap3A_231 {strides = array<i32>} : memref<2x128xi32, #tpu.memory_space<vmem>>, vector<1x16xi32>,
        %get3A_232 = arith.index_cast %rem3A_102 : i32 to index
        %get3A_233 = arith.constant 96 : index
        %get3A_234 = tpu.vector_load %arg5[%get3A_232, %get3A_233] {strides = array<i32>} : memref<64x128xi32, #tpu.memory_space<vmem>>, vector<1x16xi32>,
        %get3A_235 = vector.shape_cast %get3A_234 : vector<1x16xi32> to vector<16xi32>
        %and3A_236 = arith.constant 65535 : i32
        %and3A_237 = vector.broadcast %and3A_236 : i32 to vector<16xi32>
        %and3A_238 = arith.andi %get3A_235, %and3A_237 : vector<16xi32>
        %add3A_239 = vector.broadcast %mul3A_20 : i32 to vector<16xi32>
        %add3A_240 = arith.addi %and3A_238, %add3A_239 : vector<16xi32>
        %swap3A_241 = arith.index_cast %rem3A_66 : i32 to index
        %swap3A_242 = arith.constant 96 : index
        %swap3A_243 = tpu.vector_load %arg6[%swap3A_241, %swap3A_242] {strides = array<i32>} : memref<2x128xi32, #tpu.memory_space<vmem>>, vector<1x16xi32>,
        %swap3A_244 = vector.shape_cast %swap3A_243 : vector<1x16xi32> to vector<16xi32>
        %swap3A_245 = vector.shape_cast %add3A_240 : vector<16xi32> to vector<1x16xi32>
        tpu.vector_store %arg6[%swap3A_241, %swap3A_242], %swap3A_245 {strides = array<i32>} : memref<2x128xi32, #tpu.memory_space<vmem>>, vector<1x16xi32>,
        %shift_right_logical3A_246 = arith.constant 16 : i32
        %shift_right_logical3A_247 = vector.broadcast %shift_right_logical3A_246 : i32 to vector<16xi32>
        %shift_right_logical3A_248 = arith.shrui %get3A_235, %shift_right_logical3A_247 : vector<16xi32>
        %swap3A_249 = arith.index_cast %rem3A_66 : i32 to index
        %swap3A_250 = arith.constant 96 : index
        %swap3A_251 = tpu.vector_load %arg7[%swap3A_249, %swap3A_250] {strides = array<i32>} : memref<2x128xi32, #tpu.memory_space<vmem>>, vector<1x16xi32>,
        %swap3A_252 = vector.shape_cast %swap3A_251 : vector<1x16xi32> to vector<16xi32>
        %swap3A_253 = vector.shape_cast %shift_right_logical3A_248 : vector<16xi32> to vector<1x16xi32>
        tpu.vector_store %arg7[%swap3A_249, %swap3A_250], %swap3A_253 {strides = array<i32>} : memref<2x128xi32, #tpu.memory_space<vmem>>, vector<1x16xi32>,
        %get3A_254 = arith.index_cast %rem3A_102 : i32 to index
        %get3A_255 = arith.constant 112 : index
        %get3A_256 = tpu.vector_load %arg5[%get3A_254, %get3A_255] {strides = array<i32>} : memref<64x128xi32, #tpu.memory_space<vmem>>, vector<1x16xi32>,
        %get3A_257 = vector.shape_cast %get3A_256 : vector<1x16xi32> to vector<16xi32>
        %and3A_258 = arith.constant 65535 : i32
        %and3A_259 = vector.broadcast %and3A_258 : i32 to vector<16xi32>
        %and3A_260 = arith.andi %get3A_257, %and3A_259 : vector<16xi32>
        %add3A_261 = vector.broadcast %mul3A_20 : i32 to vector<16xi32>
        %add3A_262 = arith.addi %and3A_260, %add3A_261 : vector<16xi32>
        %swap3A_263 = arith.index_cast %rem3A_66 : i32 to index
        %swap3A_264 = arith.constant 112 : index
        %swap3A_265 = tpu.vector_load %arg6[%swap3A_263, %swap3A_264] {strides = array<i32>} : memref<2x128xi32, #tpu.memory_space<vmem>>, vector<1x16xi32>,
        %swap3A_266 = vector.shape_cast %swap3A_265 : vector<1x16xi32> to vector<16xi32>
        %swap3A_267 = vector.shape_cast %add3A_262 : vector<16xi32> to vector<1x16xi32>
        tpu.vector_store %arg6[%swap3A_263, %swap3A_264], %swap3A_267 {strides = array<i32>} : memref<2x128xi32, #tpu.memory_space<vmem>>, vector<1x16xi32>,
        %shift_right_logical3A_268 = arith.constant 16 : i32
        %shift_right_logical3A_269 = vector.broadcast %shift_right_logical3A_268 : i32 to vector<16xi32>
        %shift_right_logical3A_270 = arith.shrui %get3A_257, %shift_right_logical3A_269 : vector<16xi32>
        %swap3A_271 = arith.index_cast %rem3A_66 : i32 to index
        %swap3A_272 = arith.constant 112 : index
        %swap3A_273 = tpu.vector_load %arg7[%swap3A_271, %swap3A_272] {strides = array<i32>} : memref<2x128xi32, #tpu.memory_space<vmem>>, vector<1x16xi32>,
        %swap3A_274 = vector.shape_cast %swap3A_273 : vector<1x16xi32> to vector<16xi32>
        %swap3A_275 = vector.shape_cast %shift_right_logical3A_270 : vector<16xi32> to vector<1x16xi32>
        tpu.vector_store %arg7[%swap3A_271, %swap3A_272], %swap3A_275 {strides = array<i32>} : memref<2x128xi32, #tpu.memory_space<vmem>>, vector<1x16xi32>,
        %dma_start3A = arith.constant 0 : i32
        %dma_start3A_276 = arith.constant 0 : i32
        %dma_start3A_277 = tpu.memref_slice %arg8[%rem3A_66, %dma_start3A, %dma_start3A_276] : memref<2x128x128xf32, #tpu.memory_space<vmem>> -> memref<1x128x128xf32, #tpu.memory_space<vmem>>
        %dma_start3A_278 = tpu.memref_squeeze %dma_start3A_277 : memref<1x128x128xf32, #tpu.memory_space<vmem>> -> memref<128x128xf32, #tpu.memory_space<vmem>>
        %dma_start3A_279 = arith.constant 0 : i32
        %dma_start3A_280 = tpu.memref_slice %arg6[%rem3A_66, %dma_start3A_279] : memref<2x128xi32, #tpu.memory_space<vmem>> -> memref<1x128xi32, #tpu.memory_space<vmem>>
        %dma_start3A_281 = tpu.memref_squeeze %dma_start3A_280 : memref<1x128xi32, #tpu.memory_space<vmem>> -> memref<128xi32, #tpu.memory_space<vmem>>
        %dma_start3A_282 = arith.constant 0 : i32
        %dma_start3A_283 = arith.constant 0 : i32
        %dma_start3A_284 = tpu.memref_slice %arg2[%dma_start3A_282, %dma_start3A_283] : memref<20000x128xf32, #tpu.memory_space<hbm>> -> memref<20000x128xf32, #tpu.memory_space<hbm>>
        tpu.enqueue_indirect_dma source(%dma_start3A_284 : memref<20000x128xf32, #tpu.memory_space<hbm>>) target(%dma_start3A_278 : memref<128x128xf32, #tpu.memory_space<vmem>>) offsets(%dma_start3A_281 : memref<128xi32, #tpu.memory_space<vmem>>) semaphore(%arg10 : memref<!tpu.dma_semaphore, #tpu.memory_space<semaphore_mem>>)
      } else {
      }
      %dma_wait3A = arith.constant 0 : i32
      %dma_wait3A_84 = arith.constant 0 : i32
      %dma_wait3A_85 = arith.constant 0 : i32
      %dma_wait3A_86 = tpu.memref_slice %arg8[%dma_wait3A, %dma_wait3A_84, %dma_wait3A_85] : memref<2x128x128xf32, #tpu.memory_space<vmem>> -> memref<1x128x128xf32, #tpu.memory_space<vmem>>
      %dma_wait3A_87 = tpu.memref_squeeze %dma_wait3A_86 : memref<1x128x128xf32, #tpu.memory_space<vmem>> -> memref<128x128xf32, #tpu.memory_space<vmem>>
      %dma_wait3A_88 = arith.constant 0 : i32
      %dma_wait3A_89 = arith.constant 0 : i32
      %dma_wait3A_90 = tpu.memref_slice %arg2[%dma_wait3A_88, %dma_wait3A_89] : memref<20000x128xf32, #tpu.memory_space<hbm>> -> memref<128x128xf32, #tpu.memory_space<hbm>>
      %dma_wait3A_91 = arith.constant 0 : i32
      %dma_wait3A_92 = arith.constant 0 : i32
      %dma_wait3A_93 = tpu.memref_slice %arg8[%dma_wait3A, %dma_wait3A_91, %dma_wait3A_92] : memref<2x128x128xf32, #tpu.memory_space<vmem>> -> memref<1x128x128xf32, #tpu.memory_space<vmem>>
      %dma_wait3A_94 = tpu.memref_squeeze %dma_wait3A_93 : memref<1x128x128xf32, #tpu.memory_space<vmem>> -> memref<128x128xf32, #tpu.memory_space<vmem>>
      %dma_wait3A_95 = arith.constant 0 : i32
      %dma_wait3A_96 = arith.constant 0 : i32
      %dma_wait3A_97 = tpu.memref_slice %arg2[%dma_wait3A_95, %dma_wait3A_96] : memref<20000x128xf32, #tpu.memory_space<hbm>> -> memref<128x128xf32, #tpu.memory_space<hbm>>
      tpu.wait_dma2 semaphore(%arg10 : memref<!tpu.dma_semaphore, #tpu.memory_space<semaphore_mem>>) src(%dma_wait3A_97 : memref<128x128xf32, #tpu.memory_space<hbm>>) dst(%dma_wait3A_94 : memref<128x128xf32, #tpu.memory_space<vmem>>)
      "tpu.region"() ({
        %run_scoped3A_99 = tpu.sem_alloc : memref<!tpu.dma_semaphore, #tpu.memory_space<semaphore_mem>>
        %dma_start3A = arith.constant 0 : i32
        %dma_start3A_100 = arith.constant 0 : i32
        %dma_start3A_101 = tpu.memref_slice %arg8[%rem3A_62, %dma_start3A, %dma_start3A_100] : memref<2x128x128xf32, #tpu.memory_space<vmem>> -> memref<1x128x128xf32, #tpu.memory_space<vmem>>
        %dma_start3A_102 = tpu.memref_squeeze %dma_start3A_101 : memref<1x128x128xf32, #tpu.memory_space<vmem>> -> memref<128x128xf32, #tpu.memory_space<vmem>>
        %dma_start3A_103 = arith.constant 0 : i32
        %dma_start3A_104 = tpu.memref_slice %arg7[%rem3A_62, %dma_start3A_103] : memref<2x128xi32, #tpu.memory_space<vmem>> -> memref<1x128xi32, #tpu.memory_space<vmem>>
        %dma_start3A_105 = tpu.memref_squeeze %dma_start3A_104 : memref<1x128xi32, #tpu.memory_space<vmem>> -> memref<128xi32, #tpu.memory_space<vmem>>
        %dma_start3A_106 = arith.constant 0 : i32
        %dma_start3A_107 = arith.constant 0 : i32
        %dma_start3A_108 = tpu.memref_slice %arg9[%dma_start3A_106, %dma_start3A_107] : memref<10112x128xf32, #tpu.memory_space<vmem_shared>> -> memref<10112x128xf32, #tpu.memory_space<vmem_shared>>
        tpu.enqueue_indirect_dma source(%dma_start3A_102 : memref<128x128xf32, #tpu.memory_space<vmem>>) target(%dma_start3A_108 : memref<10112x128xf32, #tpu.memory_space<vmem_shared>>) offsets(%dma_start3A_105 : memref<128xi32, #tpu.memory_space<vmem>>) semaphore(%run_scoped3A_99 : memref<!tpu.dma_semaphore, #tpu.memory_space<semaphore_mem>>) {add = true}
        %dma_wait3A_109 = arith.constant 0 : i32
        %dma_wait3A_110 = arith.constant 0 : i32
        %dma_wait3A_111 = tpu.memref_slice %arg8[%rem3A_62, %dma_wait3A_109, %dma_wait3A_110] : memref<2x128x128xf32, #tpu.memory_space<vmem>> -> memref<1x128x128xf32, #tpu.memory_space<vmem>>
        %dma_wait3A_112 = tpu.memref_squeeze %dma_wait3A_111 : memref<1x128x128xf32, #tpu.memory_space<vmem>> -> memref<128x128xf32, #tpu.memory_space<vmem>>
        %dma_wait3A_113 = arith.constant 0 : i32
        %dma_wait3A_114 = tpu.memref_slice %arg7[%rem3A_62, %dma_wait3A_113] : memref<2x128xi32, #tpu.memory_space<vmem>> -> memref<1x128xi32, #tpu.memory_space<vmem>>
        %dma_wait3A_115 = tpu.memref_squeeze %dma_wait3A_114 : memref<1x128xi32, #tpu.memory_space<vmem>> -> memref<128xi32, #tpu.memory_space<vmem>>
        %dma_wait3A_116 = arith.constant 0 : i32
        %dma_wait3A_117 = arith.constant 0 : i32
        %dma_wait3A_118 = tpu.memref_slice %arg9[%dma_wait3A_116, %dma_wait3A_117] : memref<10112x128xf32, #tpu.memory_space<vmem_shared>> -> memref<10112x128xf32, #tpu.memory_space<vmem_shared>>
        tpu.wait_indirect_dma semaphore(%run_scoped3A_99 : memref<!tpu.dma_semaphore, #tpu.memory_space<semaphore_mem>>) src(%dma_wait3A_112 : memref<128x128xf32, #tpu.memory_space<vmem>>) dst(%dma_wait3A_118 : memref<10112x128xf32, #tpu.memory_space<vmem_shared>>)
        tpu.yield
      }) : () -> ()
      %while3A_98 = arith.constant 0 : i32
      scf.yield %while3A_98 : i32
    }
    %while3A_54 = arith.constant 1 : i32
    %while3A_55 = scf.for %while3A_60 = %while3A_51 to %while3A_47 step %while3A_54 iter_args(%while3A_61 = %while3A_53) -> (i32)  : i32 {
      %rem3A = arith.constant 2 : i32
      %rem3A_62 = arith.remsi %while3A_60, %rem3A : i32
      %add3A_63 = arith.constant 1 : i32
      %add3A_64 = arith.addi %while3A_60, %add3A_63 : i32
      %rem3A_65 = arith.constant 2 : i32
      %rem3A_66 = arith.remsi %add3A_64, %rem3A_65 : i32
      %add3A_67 = arith.constant 1 : i32
      %add3A_68 = arith.addi %while3A_60, %add3A_67 : i32
      %rem3A_69 = arith.constant 64 : i32
      %rem3A_70 = arith.remsi %add3A_68, %rem3A_69 : i32
      %eq3A_71 = arith.constant 0 : i32
      %eq3A_72 = arith.cmpi eq, %rem3A_70, %eq3A_71 : i32
      %add3A_73 = arith.constant 1 : i32
      %add3A_74 = arith.addi %while3A_60, %add3A_73 : i32
      %lt3A = arith.cmpi slt, %add3A_74, %select_n3A : i32
      %and3A = arith.andi %eq3A_72, %lt3A : i1
      %convert_element_type3A_75 = arith.extui %and3A : i1 to i32
      %cond3A_76 = arith.constant 0 : i32
      %cond3A_77 = arith.cmpi ne, %convert_element_type3A_75, %cond3A_76 : i32
      scf.if %cond3A_77 {
        %add3A_99 = arith.addi %select_n3A_10, %while3A_60 : i32
        %add3A_100 = arith.constant 1 : i32
        %add3A_101 = arith.addi %add3A_99, %add3A_100 : i32
        %multiple_of3A = tpu.assume_multiple %add3A_101, 8 : i32
        "tpu.region"() ({
          %run_scoped3A_102 = tpu.sem_alloc : memref<!tpu.dma_semaphore, #tpu.memory_space<semaphore_mem>>
          %dma_start3A = arith.constant 0 : i32
          %dma_start3A_103 = tpu.memref_slice %arg3[%multiple_of3A, %dma_start3A] : memref<2624x128xi32, #tpu.memory_space<hbm>> -> memref<64x128xi32, #tpu.memory_space<hbm>>
          %dma_start3A_104 = arith.constant 0 : i32
          %dma_start3A_105 = tpu.memref_slice %arg3[%multiple_of3A, %dma_start3A_104] : memref<2624x128xi32, #tpu.memory_space<hbm>> -> memref<64x128xi32, #tpu.memory_space<hbm>>
          tpu.enqueue_dma source(%dma_start3A_105 : memref<64x128xi32, #tpu.memory_space<hbm>>) target(%arg5 : memref<64x128xi32, #tpu.memory_space<vmem>>) target_semaphore(%run_scoped3A_102 : memref<!tpu.dma_semaphore, #tpu.memory_space<semaphore_mem>>)
          %dma_wait3A_106 = arith.constant 0 : i32
          %dma_wait3A_107 = tpu.memref_slice %arg3[%multiple_of3A, %dma_wait3A_106] : memref<2624x128xi32, #tpu.memory_space<hbm>> -> memref<64x128xi32, #tpu.memory_space<hbm>>
          %dma_wait3A_108 = arith.constant 0 : i32
          %dma_wait3A_109 = tpu.memref_slice %arg3[%multiple_of3A, %dma_wait3A_108] : memref<2624x128xi32, #tpu.memory_space<hbm>> -> memref<64x128xi32, #tpu.memory_space<hbm>>
          tpu.wait_dma2 semaphore(%run_scoped3A_102 : memref<!tpu.dma_semaphore, #tpu.memory_space<semaphore_mem>>) src(%dma_wait3A_109 : memref<64x128xi32, #tpu.memory_space<hbm>>) dst(%arg5 : memref<64x128xi32, #tpu.memory_space<vmem>>)
          tpu.yield
        }) : () -> ()
      } else {
      }
      %add3A_78 = arith.constant 1 : i32
      %add3A_79 = arith.addi %while3A_60, %add3A_78 : i32
      %lt3A_80 = arith.cmpi slt, %add3A_79, %select_n3A : i32
      %convert_element_type3A_81 = arith.extui %lt3A_80 : i1 to i32
      %cond3A_82 = arith.constant 0 : i32
      %cond3A_83 = arith.cmpi ne, %convert_element_type3A_81, %cond3A_82 : i32
      scf.if %cond3A_83 {
        %add3A_99 = arith.constant 1 : i32
        %add3A_100 = arith.addi %while3A_60, %add3A_99 : i32
        %rem3A_101 = arith.constant 64 : i32
        %rem3A_102 = arith.remsi %add3A_100, %rem3A_101 : i32
        %get3A = arith.index_cast %rem3A_102 : i32 to index
        %get3A_103 = arith.constant 0 : index
        %get3A_104 = tpu.vector_load %arg5[%get3A, %get3A_103] {strides = array<i32>} : memref<64x128xi32, #tpu.memory_space<vmem>>, vector<1x16xi32>,
        %get3A_105 = vector.shape_cast %get3A_104 : vector<1x16xi32> to vector<16xi32>
        %and3A_106 = arith.constant 65535 : i32
        %and3A_107 = vector.broadcast %and3A_106 : i32 to vector<16xi32>
        %and3A_108 = arith.andi %get3A_105, %and3A_107 : vector<16xi32>
        %add3A_109 = vector.broadcast %mul3A_20 : i32 to vector<16xi32>
        %add3A_110 = arith.addi %and3A_108, %add3A_109 : vector<16xi32>
        %swap3A = arith.index_cast %rem3A_66 : i32 to index
        %swap3A_111 = arith.constant 0 : index
        %swap3A_112 = tpu.vector_load %arg6[%swap3A, %swap3A_111] {strides = array<i32>} : memref<2x128xi32, #tpu.memory_space<vmem>>, vector<1x16xi32>,
        %swap3A_113 = vector.shape_cast %swap3A_112 : vector<1x16xi32> to vector<16xi32>
        %swap3A_114 = vector.shape_cast %add3A_110 : vector<16xi32> to vector<1x16xi32>
        tpu.vector_store %arg6[%swap3A, %swap3A_111], %swap3A_114 {strides = array<i32>} : memref<2x128xi32, #tpu.memory_space<vmem>>, vector<1x16xi32>,
        %shift_right_logical3A = arith.constant 16 : i32
        %shift_right_logical3A_115 = vector.broadcast %shift_right_logical3A : i32 to vector<16xi32>
        %shift_right_logical3A_116 = arith.shrui %get3A_105, %shift_right_logical3A_115 : vector<16xi32>
        %swap3A_117 = arith.index_cast %rem3A_66 : i32 to index
        %swap3A_118 = arith.constant 0 : index
        %swap3A_119 = tpu.vector_load %arg7[%swap3A_117, %swap3A_118] {strides = array<i32>} : memref<2x128xi32, #tpu.memory_space<vmem>>, vector<1x16xi32>,
        %swap3A_120 = vector.shape_cast %swap3A_119 : vector<1x16xi32> to vector<16xi32>
        %swap3A_121 = vector.shape_cast %shift_right_logical3A_116 : vector<16xi32> to vector<1x16xi32>
        tpu.vector_store %arg7[%swap3A_117, %swap3A_118], %swap3A_121 {strides = array<i32>} : memref<2x128xi32, #tpu.memory_space<vmem>>, vector<1x16xi32>,
        %get3A_122 = arith.index_cast %rem3A_102 : i32 to index
        %get3A_123 = arith.constant 16 : index
        %get3A_124 = tpu.vector_load %arg5[%get3A_122, %get3A_123] {strides = array<i32>} : memref<64x128xi32, #tpu.memory_space<vmem>>, vector<1x16xi32>,
        %get3A_125 = vector.shape_cast %get3A_124 : vector<1x16xi32> to vector<16xi32>
        %and3A_126 = arith.constant 65535 : i32
        %and3A_127 = vector.broadcast %and3A_126 : i32 to vector<16xi32>
        %and3A_128 = arith.andi %get3A_125, %and3A_127 : vector<16xi32>
        %add3A_129 = vector.broadcast %mul3A_20 : i32 to vector<16xi32>
        %add3A_130 = arith.addi %and3A_128, %add3A_129 : vector<16xi32>
        %swap3A_131 = arith.index_cast %rem3A_66 : i32 to index
        %swap3A_132 = arith.constant 16 : index
        %swap3A_133 = tpu.vector_load %arg6[%swap3A_131, %swap3A_132] {strides = array<i32>} : memref<2x128xi32, #tpu.memory_space<vmem>>, vector<1x16xi32>,
        %swap3A_134 = vector.shape_cast %swap3A_133 : vector<1x16xi32> to vector<16xi32>
        %swap3A_135 = vector.shape_cast %add3A_130 : vector<16xi32> to vector<1x16xi32>
        tpu.vector_store %arg6[%swap3A_131, %swap3A_132], %swap3A_135 {strides = array<i32>} : memref<2x128xi32, #tpu.memory_space<vmem>>, vector<1x16xi32>,
        %shift_right_logical3A_136 = arith.constant 16 : i32
        %shift_right_logical3A_137 = vector.broadcast %shift_right_logical3A_136 : i32 to vector<16xi32>
        %shift_right_logical3A_138 = arith.shrui %get3A_125, %shift_right_logical3A_137 : vector<16xi32>
        %swap3A_139 = arith.index_cast %rem3A_66 : i32 to index
        %swap3A_140 = arith.constant 16 : index
        %swap3A_141 = tpu.vector_load %arg7[%swap3A_139, %swap3A_140] {strides = array<i32>} : memref<2x128xi32, #tpu.memory_space<vmem>>, vector<1x16xi32>,
        %swap3A_142 = vector.shape_cast %swap3A_141 : vector<1x16xi32> to vector<16xi32>
        %swap3A_143 = vector.shape_cast %shift_right_logical3A_138 : vector<16xi32> to vector<1x16xi32>
        tpu.vector_store %arg7[%swap3A_139, %swap3A_140], %swap3A_143 {strides = array<i32>} : memref<2x128xi32, #tpu.memory_space<vmem>>, vector<1x16xi32>,
        %get3A_144 = arith.index_cast %rem3A_102 : i32 to index
        %get3A_145 = arith.constant 32 : index
        %get3A_146 = tpu.vector_load %arg5[%get3A_144, %get3A_145] {strides = array<i32>} : memref<64x128xi32, #tpu.memory_space<vmem>>, vector<1x16xi32>,
        %get3A_147 = vector.shape_cast %get3A_146 : vector<1x16xi32> to vector<16xi32>
        %and3A_148 = arith.constant 65535 : i32
        %and3A_149 = vector.broadcast %and3A_148 : i32 to vector<16xi32>
        %and3A_150 = arith.andi %get3A_147, %and3A_149 : vector<16xi32>
        %add3A_151 = vector.broadcast %mul3A_20 : i32 to vector<16xi32>
        %add3A_152 = arith.addi %and3A_150, %add3A_151 : vector<16xi32>
        %swap3A_153 = arith.index_cast %rem3A_66 : i32 to index
        %swap3A_154 = arith.constant 32 : index
        %swap3A_155 = tpu.vector_load %arg6[%swap3A_153, %swap3A_154] {strides = array<i32>} : memref<2x128xi32, #tpu.memory_space<vmem>>, vector<1x16xi32>,
        %swap3A_156 = vector.shape_cast %swap3A_155 : vector<1x16xi32> to vector<16xi32>
        %swap3A_157 = vector.shape_cast %add3A_152 : vector<16xi32> to vector<1x16xi32>
        tpu.vector_store %arg6[%swap3A_153, %swap3A_154], %swap3A_157 {strides = array<i32>} : memref<2x128xi32, #tpu.memory_space<vmem>>, vector<1x16xi32>,
        %shift_right_logical3A_158 = arith.constant 16 : i32
        %shift_right_logical3A_159 = vector.broadcast %shift_right_logical3A_158 : i32 to vector<16xi32>
        %shift_right_logical3A_160 = arith.shrui %get3A_147, %shift_right_logical3A_159 : vector<16xi32>
        %swap3A_161 = arith.index_cast %rem3A_66 : i32 to index
        %swap3A_162 = arith.constant 32 : index
        %swap3A_163 = tpu.vector_load %arg7[%swap3A_161, %swap3A_162] {strides = array<i32>} : memref<2x128xi32, #tpu.memory_space<vmem>>, vector<1x16xi32>,
        %swap3A_164 = vector.shape_cast %swap3A_163 : vector<1x16xi32> to vector<16xi32>
        %swap3A_165 = vector.shape_cast %shift_right_logical3A_160 : vector<16xi32> to vector<1x16xi32>
        tpu.vector_store %arg7[%swap3A_161, %swap3A_162], %swap3A_165 {strides = array<i32>} : memref<2x128xi32, #tpu.memory_space<vmem>>, vector<1x16xi32>,
        %get3A_166 = arith.index_cast %rem3A_102 : i32 to index
        %get3A_167 = arith.constant 48 : index
        %get3A_168 = tpu.vector_load %arg5[%get3A_166, %get3A_167] {strides = array<i32>} : memref<64x128xi32, #tpu.memory_space<vmem>>, vector<1x16xi32>,
        %get3A_169 = vector.shape_cast %get3A_168 : vector<1x16xi32> to vector<16xi32>
        %and3A_170 = arith.constant 65535 : i32
        %and3A_171 = vector.broadcast %and3A_170 : i32 to vector<16xi32>
        %and3A_172 = arith.andi %get3A_169, %and3A_171 : vector<16xi32>
        %add3A_173 = vector.broadcast %mul3A_20 : i32 to vector<16xi32>
        %add3A_174 = arith.addi %and3A_172, %add3A_173 : vector<16xi32>
        %swap3A_175 = arith.index_cast %rem3A_66 : i32 to index
        %swap3A_176 = arith.constant 48 : index
        %swap3A_177 = tpu.vector_load %arg6[%swap3A_175, %swap3A_176] {strides = array<i32>} : memref<2x128xi32, #tpu.memory_space<vmem>>, vector<1x16xi32>,
        %swap3A_178 = vector.shape_cast %swap3A_177 : vector<1x16xi32> to vector<16xi32>
        %swap3A_179 = vector.shape_cast %add3A_174 : vector<16xi32> to vector<1x16xi32>
        tpu.vector_store %arg6[%swap3A_175, %swap3A_176], %swap3A_179 {strides = array<i32>} : memref<2x128xi32, #tpu.memory_space<vmem>>, vector<1x16xi32>,
        %shift_right_logical3A_180 = arith.constant 16 : i32
        %shift_right_logical3A_181 = vector.broadcast %shift_right_logical3A_180 : i32 to vector<16xi32>
        %shift_right_logical3A_182 = arith.shrui %get3A_169, %shift_right_logical3A_181 : vector<16xi32>
        %swap3A_183 = arith.index_cast %rem3A_66 : i32 to index
        %swap3A_184 = arith.constant 48 : index
        %swap3A_185 = tpu.vector_load %arg7[%swap3A_183, %swap3A_184] {strides = array<i32>} : memref<2x128xi32, #tpu.memory_space<vmem>>, vector<1x16xi32>,
        %swap3A_186 = vector.shape_cast %swap3A_185 : vector<1x16xi32> to vector<16xi32>
        %swap3A_187 = vector.shape_cast %shift_right_logical3A_182 : vector<16xi32> to vector<1x16xi32>
        tpu.vector_store %arg7[%swap3A_183, %swap3A_184], %swap3A_187 {strides = array<i32>} : memref<2x128xi32, #tpu.memory_space<vmem>>, vector<1x16xi32>,
        %get3A_188 = arith.index_cast %rem3A_102 : i32 to index
        %get3A_189 = arith.constant 64 : index
        %get3A_190 = tpu.vector_load %arg5[%get3A_188, %get3A_189] {strides = array<i32>} : memref<64x128xi32, #tpu.memory_space<vmem>>, vector<1x16xi32>,
        %get3A_191 = vector.shape_cast %get3A_190 : vector<1x16xi32> to vector<16xi32>
        %and3A_192 = arith.constant 65535 : i32
        %and3A_193 = vector.broadcast %and3A_192 : i32 to vector<16xi32>
        %and3A_194 = arith.andi %get3A_191, %and3A_193 : vector<16xi32>
        %add3A_195 = vector.broadcast %mul3A_20 : i32 to vector<16xi32>
        %add3A_196 = arith.addi %and3A_194, %add3A_195 : vector<16xi32>
        %swap3A_197 = arith.index_cast %rem3A_66 : i32 to index
        %swap3A_198 = arith.constant 64 : index
        %swap3A_199 = tpu.vector_load %arg6[%swap3A_197, %swap3A_198] {strides = array<i32>} : memref<2x128xi32, #tpu.memory_space<vmem>>, vector<1x16xi32>,
        %swap3A_200 = vector.shape_cast %swap3A_199 : vector<1x16xi32> to vector<16xi32>
        %swap3A_201 = vector.shape_cast %add3A_196 : vector<16xi32> to vector<1x16xi32>
        tpu.vector_store %arg6[%swap3A_197, %swap3A_198], %swap3A_201 {strides = array<i32>} : memref<2x128xi32, #tpu.memory_space<vmem>>, vector<1x16xi32>,
        %shift_right_logical3A_202 = arith.constant 16 : i32
        %shift_right_logical3A_203 = vector.broadcast %shift_right_logical3A_202 : i32 to vector<16xi32>
        %shift_right_logical3A_204 = arith.shrui %get3A_191, %shift_right_logical3A_203 : vector<16xi32>
        %swap3A_205 = arith.index_cast %rem3A_66 : i32 to index
        %swap3A_206 = arith.constant 64 : index
        %swap3A_207 = tpu.vector_load %arg7[%swap3A_205, %swap3A_206] {strides = array<i32>} : memref<2x128xi32, #tpu.memory_space<vmem>>, vector<1x16xi32>,
        %swap3A_208 = vector.shape_cast %swap3A_207 : vector<1x16xi32> to vector<16xi32>
        %swap3A_209 = vector.shape_cast %shift_right_logical3A_204 : vector<16xi32> to vector<1x16xi32>
        tpu.vector_store %arg7[%swap3A_205, %swap3A_206], %swap3A_209 {strides = array<i32>} : memref<2x128xi32, #tpu.memory_space<vmem>>, vector<1x16xi32>,
        %get3A_210 = arith.index_cast %rem3A_102 : i32 to index
        %get3A_211 = arith.constant 80 : index
        %get3A_212 = tpu.vector_load %arg5[%get3A_210, %get3A_211] {strides = array<i32>} : memref<64x128xi32, #tpu.memory_space<vmem>>, vector<1x16xi32>,
        %get3A_213 = vector.shape_cast %get3A_212 : vector<1x16xi32> to vector<16xi32>
        %and3A_214 = arith.constant 65535 : i32
        %and3A_215 = vector.broadcast %and3A_214 : i32 to vector<16xi32>
        %and3A_216 = arith.andi %get3A_213, %and3A_215 : vector<16xi32>
        %add3A_217 = vector.broadcast %mul3A_20 : i32 to vector<16xi32>
        %add3A_218 = arith.addi %and3A_216, %add3A_217 : vector<16xi32>
        %swap3A_219 = arith.index_cast %rem3A_66 : i32 to index
        %swap3A_220 = arith.constant 80 : index
        %swap3A_221 = tpu.vector_load %arg6[%swap3A_219, %swap3A_220] {strides = array<i32>} : memref<2x128xi32, #tpu.memory_space<vmem>>, vector<1x16xi32>,
        %swap3A_222 = vector.shape_cast %swap3A_221 : vector<1x16xi32> to vector<16xi32>
        %swap3A_223 = vector.shape_cast %add3A_218 : vector<16xi32> to vector<1x16xi32>
        tpu.vector_store %arg6[%swap3A_219, %swap3A_220], %swap3A_223 {strides = array<i32>} : memref<2x128xi32, #tpu.memory_space<vmem>>, vector<1x16xi32>,
        %shift_right_logical3A_224 = arith.constant 16 : i32
        %shift_right_logical3A_225 = vector.broadcast %shift_right_logical3A_224 : i32 to vector<16xi32>
        %shift_right_logical3A_226 = arith.shrui %get3A_213, %shift_right_logical3A_225 : vector<16xi32>
        %swap3A_227 = arith.index_cast %rem3A_66 : i32 to index
        %swap3A_228 = arith.constant 80 : index
        %swap3A_229 = tpu.vector_load %arg7[%swap3A_227, %swap3A_228] {strides = array<i32>} : memref<2x128xi32, #tpu.memory_space<vmem>>, vector<1x16xi32>,
        %swap3A_230 = vector.shape_cast %swap3A_229 : vector<1x16xi32> to vector<16xi32>
        %swap3A_231 = vector.shape_cast %shift_right_logical3A_226 : vector<16xi32> to vector<1x16xi32>
        tpu.vector_store %arg7[%swap3A_227, %swap3A_228], %swap3A_231 {strides = array<i32>} : memref<2x128xi32, #tpu.memory_space<vmem>>, vector<1x16xi32>,
        %get3A_232 = arith.index_cast %rem3A_102 : i32 to index
        %get3A_233 = arith.constant 96 : index
        %get3A_234 = tpu.vector_load %arg5[%get3A_232, %get3A_233] {strides = array<i32>} : memref<64x128xi32, #tpu.memory_space<vmem>>, vector<1x16xi32>,
        %get3A_235 = vector.shape_cast %get3A_234 : vector<1x16xi32> to vector<16xi32>
        %and3A_236 = arith.constant 65535 : i32
        %and3A_237 = vector.broadcast %and3A_236 : i32 to vector<16xi32>
        %and3A_238 = arith.andi %get3A_235, %and3A_237 : vector<16xi32>
        %add3A_239 = vector.broadcast %mul3A_20 : i32 to vector<16xi32>
        %add3A_240 = arith.addi %and3A_238, %add3A_239 : vector<16xi32>
        %swap3A_241 = arith.index_cast %rem3A_66 : i32 to index
        %swap3A_242 = arith.constant 96 : index
        %swap3A_243 = tpu.vector_load %arg6[%swap3A_241, %swap3A_242] {strides = array<i32>} : memref<2x128xi32, #tpu.memory_space<vmem>>, vector<1x16xi32>,
        %swap3A_244 = vector.shape_cast %swap3A_243 : vector<1x16xi32> to vector<16xi32>
        %swap3A_245 = vector.shape_cast %add3A_240 : vector<16xi32> to vector<1x16xi32>
        tpu.vector_store %arg6[%swap3A_241, %swap3A_242], %swap3A_245 {strides = array<i32>} : memref<2x128xi32, #tpu.memory_space<vmem>>, vector<1x16xi32>,
        %shift_right_logical3A_246 = arith.constant 16 : i32
        %shift_right_logical3A_247 = vector.broadcast %shift_right_logical3A_246 : i32 to vector<16xi32>
        %shift_right_logical3A_248 = arith.shrui %get3A_235, %shift_right_logical3A_247 : vector<16xi32>
        %swap3A_249 = arith.index_cast %rem3A_66 : i32 to index
        %swap3A_250 = arith.constant 96 : index
        %swap3A_251 = tpu.vector_load %arg7[%swap3A_249, %swap3A_250] {strides = array<i32>} : memref<2x128xi32, #tpu.memory_space<vmem>>, vector<1x16xi32>,
        %swap3A_252 = vector.shape_cast %swap3A_251 : vector<1x16xi32> to vector<16xi32>
        %swap3A_253 = vector.shape_cast %shift_right_logical3A_248 : vector<16xi32> to vector<1x16xi32>
        tpu.vector_store %arg7[%swap3A_249, %swap3A_250], %swap3A_253 {strides = array<i32>} : memref<2x128xi32, #tpu.memory_space<vmem>>, vector<1x16xi32>,
        %get3A_254 = arith.index_cast %rem3A_102 : i32 to index
        %get3A_255 = arith.constant 112 : index
        %get3A_256 = tpu.vector_load %arg5[%get3A_254, %get3A_255] {strides = array<i32>} : memref<64x128xi32, #tpu.memory_space<vmem>>, vector<1x16xi32>,
        %get3A_257 = vector.shape_cast %get3A_256 : vector<1x16xi32> to vector<16xi32>
        %and3A_258 = arith.constant 65535 : i32
        %and3A_259 = vector.broadcast %and3A_258 : i32 to vector<16xi32>
        %and3A_260 = arith.andi %get3A_257, %and3A_259 : vector<16xi32>
        %add3A_261 = vector.broadcast %mul3A_20 : i32 to vector<16xi32>
        %add3A_262 = arith.addi %and3A_260, %add3A_261 : vector<16xi32>
        %swap3A_263 = arith.index_cast %rem3A_66 : i32 to index
        %swap3A_264 = arith.constant 112 : index
        %swap3A_265 = tpu.vector_load %arg6[%swap3A_263, %swap3A_264] {strides = array<i32>} : memref<2x128xi32, #tpu.memory_space<vmem>>, vector<1x16xi32>,
        %swap3A_266 = vector.shape_cast %swap3A_265 : vector<1x16xi32> to vector<16xi32>
        %swap3A_267 = vector.shape_cast %add3A_262 : vector<16xi32> to vector<1x16xi32>
        tpu.vector_store %arg6[%swap3A_263, %swap3A_264], %swap3A_267 {strides = array<i32>} : memref<2x128xi32, #tpu.memory_space<vmem>>, vector<1x16xi32>,
        %shift_right_logical3A_268 = arith.constant 16 : i32
        %shift_right_logical3A_269 = vector.broadcast %shift_right_logical3A_268 : i32 to vector<16xi32>
        %shift_right_logical3A_270 = arith.shrui %get3A_257, %shift_right_logical3A_269 : vector<16xi32>
        %swap3A_271 = arith.index_cast %rem3A_66 : i32 to index
        %swap3A_272 = arith.constant 112 : index
        %swap3A_273 = tpu.vector_load %arg7[%swap3A_271, %swap3A_272] {strides = array<i32>} : memref<2x128xi32, #tpu.memory_space<vmem>>, vector<1x16xi32>,
        %swap3A_274 = vector.shape_cast %swap3A_273 : vector<1x16xi32> to vector<16xi32>
        %swap3A_275 = vector.shape_cast %shift_right_logical3A_270 : vector<16xi32> to vector<1x16xi32>
        tpu.vector_store %arg7[%swap3A_271, %swap3A_272], %swap3A_275 {strides = array<i32>} : memref<2x128xi32, #tpu.memory_space<vmem>>, vector<1x16xi32>,
        %dma_start3A = arith.constant 0 : i32
        %dma_start3A_276 = arith.constant 0 : i32
        %dma_start3A_277 = tpu.memref_slice %arg8[%rem3A_66, %dma_start3A, %dma_start3A_276] : memref<2x128x128xf32, #tpu.memory_space<vmem>> -> memref<1x128x128xf32, #tpu.memory_space<vmem>>
        %dma_start3A_278 = tpu.memref_squeeze %dma_start3A_277 : memref<1x128x128xf32, #tpu.memory_space<vmem>> -> memref<128x128xf32, #tpu.memory_space<vmem>>
        %dma_start3A_279 = arith.constant 0 : i32
        %dma_start3A_280 = tpu.memref_slice %arg6[%rem3A_66, %dma_start3A_279] : memref<2x128xi32, #tpu.memory_space<vmem>> -> memref<1x128xi32, #tpu.memory_space<vmem>>
        %dma_start3A_281 = tpu.memref_squeeze %dma_start3A_280 : memref<1x128xi32, #tpu.memory_space<vmem>> -> memref<128xi32, #tpu.memory_space<vmem>>
        %dma_start3A_282 = arith.constant 0 : i32
        %dma_start3A_283 = arith.constant 0 : i32
        %dma_start3A_284 = tpu.memref_slice %arg2[%dma_start3A_282, %dma_start3A_283] : memref<20000x128xf32, #tpu.memory_space<hbm>> -> memref<20000x128xf32, #tpu.memory_space<hbm>>
        tpu.enqueue_indirect_dma source(%dma_start3A_284 : memref<20000x128xf32, #tpu.memory_space<hbm>>) target(%dma_start3A_278 : memref<128x128xf32, #tpu.memory_space<vmem>>) offsets(%dma_start3A_281 : memref<128xi32, #tpu.memory_space<vmem>>) semaphore(%arg10 : memref<!tpu.dma_semaphore, #tpu.memory_space<semaphore_mem>>)
      } else {
      }
      %dma_wait3A = arith.constant 0 : i32
      %dma_wait3A_84 = arith.constant 0 : i32
      %dma_wait3A_85 = arith.constant 0 : i32
      %dma_wait3A_86 = tpu.memref_slice %arg8[%dma_wait3A, %dma_wait3A_84, %dma_wait3A_85] : memref<2x128x128xf32, #tpu.memory_space<vmem>> -> memref<1x128x128xf32, #tpu.memory_space<vmem>>
      %dma_wait3A_87 = tpu.memref_squeeze %dma_wait3A_86 : memref<1x128x128xf32, #tpu.memory_space<vmem>> -> memref<128x128xf32, #tpu.memory_space<vmem>>
      %dma_wait3A_88 = arith.constant 0 : i32
      %dma_wait3A_89 = arith.constant 0 : i32
      %dma_wait3A_90 = tpu.memref_slice %arg2[%dma_wait3A_88, %dma_wait3A_89] : memref<20000x128xf32, #tpu.memory_space<hbm>> -> memref<128x128xf32, #tpu.memory_space<hbm>>
      %dma_wait3A_91 = arith.constant 0 : i32
      %dma_wait3A_92 = arith.constant 0 : i32
      %dma_wait3A_93 = tpu.memref_slice %arg8[%dma_wait3A, %dma_wait3A_91, %dma_wait3A_92] : memref<2x128x128xf32, #tpu.memory_space<vmem>> -> memref<1x128x128xf32, #tpu.memory_space<vmem>>
      %dma_wait3A_94 = tpu.memref_squeeze %dma_wait3A_93 : memref<1x128x128xf32, #tpu.memory_space<vmem>> -> memref<128x128xf32, #tpu.memory_space<vmem>>
      %dma_wait3A_95 = arith.constant 0 : i32
      %dma_wait3A_96 = arith.constant 0 : i32
      %dma_wait3A_97 = tpu.memref_slice %arg2[%dma_wait3A_95, %dma_wait3A_96] : memref<20000x128xf32, #tpu.memory_space<hbm>> -> memref<128x128xf32, #tpu.memory_space<hbm>>
      tpu.wait_dma2 semaphore(%arg10 : memref<!tpu.dma_semaphore, #tpu.memory_space<semaphore_mem>>) src(%dma_wait3A_97 : memref<128x128xf32, #tpu.memory_space<hbm>>) dst(%dma_wait3A_94 : memref<128x128xf32, #tpu.memory_space<vmem>>)
      "tpu.region"() ({
        %run_scoped3A_99 = tpu.sem_alloc : memref<!tpu.dma_semaphore, #tpu.memory_space<semaphore_mem>>
        %dma_start3A = arith.constant 0 : i32
        %dma_start3A_100 = arith.constant 0 : i32
        %dma_start3A_101 = tpu.memref_slice %arg8[%rem3A_62, %dma_start3A, %dma_start3A_100] : memref<2x128x128xf32, #tpu.memory_space<vmem>> -> memref<1x128x128xf32, #tpu.memory_space<vmem>>
        %dma_start3A_102 = tpu.memref_squeeze %dma_start3A_101 : memref<1x128x128xf32, #tpu.memory_space<vmem>> -> memref<128x128xf32, #tpu.memory_space<vmem>>
        %dma_start3A_103 = arith.constant 0 : i32
        %dma_start3A_104 = tpu.memref_slice %arg7[%rem3A_62, %dma_start3A_103] : memref<2x128xi32, #tpu.memory_space<vmem>> -> memref<1x128xi32, #tpu.memory_space<vmem>>
        %dma_start3A_105 = tpu.memref_squeeze %dma_start3A_104 : memref<1x128xi32, #tpu.memory_space<vmem>> -> memref<128xi32, #tpu.memory_space<vmem>>
        %dma_start3A_106 = arith.constant 0 : i32
        %dma_start3A_107 = arith.constant 0 : i32
        %dma_start3A_108 = tpu.memref_slice %arg9[%dma_start3A_106, %dma_start3A_107] : memref<10112x128xf32, #tpu.memory_space<vmem_shared>> -> memref<10112x128xf32, #tpu.memory_space<vmem_shared>>
        tpu.enqueue_indirect_dma source(%dma_start3A_102 : memref<128x128xf32, #tpu.memory_space<vmem>>) target(%dma_start3A_108 : memref<10112x128xf32, #tpu.memory_space<vmem_shared>>) offsets(%dma_start3A_105 : memref<128xi32, #tpu.memory_space<vmem>>) semaphore(%run_scoped3A_99 : memref<!tpu.dma_semaphore, #tpu.memory_space<semaphore_mem>>) {add = true}
        %dma_wait3A_109 = arith.constant 0 : i32
        %dma_wait3A_110 = arith.constant 0 : i32
        %dma_wait3A_111 = tpu.memref_slice %arg8[%rem3A_62, %dma_wait3A_109, %dma_wait3A_110] : memref<2x128x128xf32, #tpu.memory_space<vmem>> -> memref<1x128x128xf32, #tpu.memory_space<vmem>>
        %dma_wait3A_112 = tpu.memref_squeeze %dma_wait3A_111 : memref<1x128x128xf32, #tpu.memory_space<vmem>> -> memref<128x128xf32, #tpu.memory_space<vmem>>
        %dma_wait3A_113 = arith.constant 0 : i32
        %dma_wait3A_114 = tpu.memref_slice %arg7[%rem3A_62, %dma_wait3A_113] : memref<2x128xi32, #tpu.memory_space<vmem>> -> memref<1x128xi32, #tpu.memory_space<vmem>>
        %dma_wait3A_115 = tpu.memref_squeeze %dma_wait3A_114 : memref<1x128xi32, #tpu.memory_space<vmem>> -> memref<128xi32, #tpu.memory_space<vmem>>
        %dma_wait3A_116 = arith.constant 0 : i32
        %dma_wait3A_117 = arith.constant 0 : i32
        %dma_wait3A_118 = tpu.memref_slice %arg9[%dma_wait3A_116, %dma_wait3A_117] : memref<10112x128xf32, #tpu.memory_space<vmem_shared>> -> memref<10112x128xf32, #tpu.memory_space<vmem_shared>>
        tpu.wait_indirect_dma semaphore(%run_scoped3A_99 : memref<!tpu.dma_semaphore, #tpu.memory_space<semaphore_mem>>) src(%dma_wait3A_112 : memref<128x128xf32, #tpu.memory_space<vmem>>) dst(%dma_wait3A_118 : memref<10112x128xf32, #tpu.memory_space<vmem_shared>>)
        tpu.yield
      }) : () -> ()
      %while3A_98 = arith.constant 0 : i32
      scf.yield %while3A_98 : i32
    }
    %barrier3A_56 = arith.constant 0 : index
    tpu.barrier barrier_id(%barrier3A_56)
    %mul3A_57 = arith.constant 10112 : i32
    %mul3A_58 = arith.muli %arg0, %mul3A_57 : i32
    %add3A_59 = arith.addi %mul3A_58, %mul3A_0 : i32
    "tpu.region"() ({
      %run_scoped3A_60 = tpu.sem_alloc : memref<!tpu.dma_semaphore, #tpu.memory_space<semaphore_mem>>
      %dma_start3A = arith.constant 0 : i32
      %dma_start3A_61 = tpu.memref_slice %arg4[%add3A_59, %dma_start3A] : memref<20224x128xf32, #tpu.memory_space<hbm>> -> memref<632x128xf32, #tpu.memory_space<hbm>>
      %dma_start3A_62 = arith.constant 0 : i32
      %dma_start3A_63 = tpu.memref_slice %arg9[%mul3A_0, %dma_start3A_62] : memref<10112x128xf32, #tpu.memory_space<vmem_shared>> -> memref<632x128xf32, #tpu.memory_space<vmem_shared>>
      tpu.enqueue_dma source(%dma_start3A_63 : memref<632x128xf32, #tpu.memory_space<vmem_shared>>) target(%dma_start3A_61 : memref<632x128xf32, #tpu.memory_space<hbm>>) target_semaphore(%run_scoped3A_60 : memref<!tpu.dma_semaphore, #tpu.memory_space<semaphore_mem>>)
      %dma_wait3A = arith.constant 0 : i32
      %dma_wait3A_64 = tpu.memref_slice %arg4[%add3A_59, %dma_wait3A] : memref<20224x128xf32, #tpu.memory_space<hbm>> -> memref<632x128xf32, #tpu.memory_space<hbm>>
      %dma_wait3A_65 = arith.constant 0 : i32
      %dma_wait3A_66 = tpu.memref_slice %arg9[%mul3A_0, %dma_wait3A_65] : memref<10112x128xf32, #tpu.memory_space<vmem_shared>> -> memref<632x128xf32, #tpu.memory_space<vmem_shared>>
      tpu.wait_dma2 semaphore(%run_scoped3A_60 : memref<!tpu.dma_semaphore, #tpu.memory_space<semaphore_mem>>) src(%dma_wait3A_66 : memref<632x128xf32, #tpu.memory_space<vmem_shared>>) dst(%dma_wait3A_64 : memref<632x128xf32, #tpu.memory_space<hbm>>)
      tpu.yield
    }) : () -> ()
    return
  }
}

#map = affine_map<(d0, d1) -> (0, 0)>
module attributes {stable_mosaic.version = 14 : i64} {
  func.func @body(%arg0: i32, %arg1: i32, %arg2: memref<20000x128xf32, #tpu.memory_space<hbm>>, %arg3: memref<2624x128xi32, #tpu.memory_space<hbm>>, %arg4: memref<20224x128xf32, #tpu.memory_space<hbm>>, %arg5: memref<64x128xi32, #tpu.memory_space<vmem>>, %arg6: memref<2x128xi32, #tpu.memory_space<vmem>>, %arg7: memref<2x128xi32, #tpu.memory_space<vmem>>, %arg8: memref<2x128x128xf32, #tpu.memory_space<vmem>>, %arg9: memref<10112x128xf32, #tpu.memory_space<vmem_shared>>, %arg10: memref<!tpu.dma_semaphore, #tpu.memory_space<semaphore_mem>>) attributes {dimension_semantics = [#tpu.dimension_semantics<core_parallel>, #tpu.dimension_semantics<subcore_parallel>], iteration_bounds = array<i64: 2, 16>, scalar_prefetch = 0 : i64, scratch_operands = 6 : i64, tpu.core_type = #tpu.core_type<sc_vector_subcore>, window_params = [{transform_indices = #map}, {transform_indices = #map}, {transform_indices = #map}]} {
    %mul3A = arith.constant 632 : i32
    %mul3A_0 = arith.muli %arg1, %mul3A : i32
    %eq3A = arith.constant 0 : i32
    %eq3A_1 = arith.cmpi eq, %arg0, %eq3A : i32
    %jit3A = arith.constant 128 : i32
    %jit3A_2 = arith.constant 32 : i32
    %select_n3A = arith.select %eq3A_1, %jit3A, %jit3A_2 : i32
    %eq3A_3 = arith.constant 0 : i32
    %eq3A_4 = arith.cmpi eq, %arg0, %eq3A_3 : i32
    %mul3A_5 = arith.constant 128 : i32
    %mul3A_6 = arith.muli %arg1, %mul3A_5 : i32
    %mul3A_7 = arith.constant 32 : i32
    %mul3A_8 = arith.muli %arg1, %mul3A_7 : i32
    %add3A = arith.constant 2048 : i32
    %add3A_9 = arith.addi %add3A, %mul3A_8 : i32
    %select_n3A_10 = arith.select %eq3A_4, %mul3A_6, %add3A_9 : i32
    %eq3A_11 = arith.constant 0 : i32
    %eq3A_12 = arith.cmpi eq, %arg0, %eq3A_11 : i32
    %convert_element_type3A = arith.extui %eq3A_12 : i1 to i32
    %cond3A = arith.constant 0 : i32
    %cond3A_13 = arith.cmpi ne, %convert_element_type3A, %cond3A : i32
    scf.if %cond3A_13 {
      "tpu.region"() ({
        %run_scoped3A_60 = tpu.sem_alloc : memref<!tpu.dma_semaphore, #tpu.memory_space<semaphore_mem>>
        %dma_start3A = arith.constant 0 : i32
        %dma_start3A_61 = tpu.memref_slice %arg3[%select_n3A_10, %dma_start3A] : memref<2624x128xi32, #tpu.memory_space<hbm>> -> memref<64x128xi32, #tpu.memory_space<hbm>>
        %dma_start3A_62 = arith.constant 0 : i32
        %dma_start3A_63 = tpu.memref_slice %arg3[%select_n3A_10, %dma_start3A_62] : memref<2624x128xi32, #tpu.memory_space<hbm>> -> memref<64x128xi32, #tpu.memory_space<hbm>>
        tpu.enqueue_dma source(%dma_start3A_63 : memref<64x128xi32, #tpu.memory_space<hbm>>) target(%arg5 : memref<64x128xi32, #tpu.memory_space<vmem>>) target_semaphore(%run_scoped3A_60 : memref<!tpu.dma_semaphore, #tpu.memory_space<semaphore_mem>>)
        %dma_wait3A = arith.constant 0 : i32
        %dma_wait3A_64 = tpu.memref_slice %arg3[%select_n3A_10, %dma_wait3A] : memref<2624x128xi32, #tpu.memory_space<hbm>> -> memref<64x128xi32, #tpu.memory_space<hbm>>
        %dma_wait3A_65 = arith.constant 0 : i32
        %dma_wait3A_66 = tpu.memref_slice %arg3[%select_n3A_10, %dma_wait3A_65] : memref<2624x128xi32, #tpu.memory_space<hbm>> -> memref<64x128xi32, #tpu.memory_space<hbm>>
        tpu.wait_dma2 semaphore(%run_scoped3A_60 : memref<!tpu.dma_semaphore, #tpu.memory_space<semaphore_mem>>) src(%dma_wait3A_66 : memref<64x128xi32, #tpu.memory_space<hbm>>) dst(%arg5 : memref<64x128xi32, #tpu.memory_space<vmem>>)
        tpu.yield
      }) : () -> ()
    } else {
    }
    %eq3A_14 = arith.constant 1 : i32
    %eq3A_15 = arith.cmpi eq, %arg0, %eq3A_14 : i32
    %convert_element_type3A_16 = arith.extui %eq3A_15 : i1 to i32
    %cond3A_17 = arith.constant 0 : i32
    %cond3A_18 = arith.cmpi ne, %convert_element_type3A_16, %cond3A_17 : i32
    scf.if %cond3A_18 {
      "tpu.region"() ({
        %run_scoped3A_60 = tpu.sem_alloc : memref<!tpu.dma_semaphore, #tpu.memory_space<semaphore_mem>>
        %dma_start3A = arith.constant 0 : i32
        %dma_start3A_61 = arith.constant 0 : i32
        %dma_start3A_62 = tpu.memref_slice %arg5[%dma_start3A, %dma_start3A_61] : memref<64x128xi32, #tpu.memory_space<vmem>> -> memref<32x128xi32, #tpu.memory_space<vmem>>
        %dma_start3A_63 = arith.constant 0 : i32
        %dma_start3A_64 = tpu.memref_slice %arg3[%select_n3A_10, %dma_start3A_63] : memref<2624x128xi32, #tpu.memory_space<hbm>> -> memref<32x128xi32, #tpu.memory_space<hbm>>
        %dma_start3A_65 = arith.constant 0 : i32
        %dma_start3A_66 = arith.constant 0 : i32
        %dma_start3A_67 = tpu.memref_slice %arg5[%dma_start3A_65, %dma_start3A_66] : memref<64x128xi32, #tpu.memory_space<vmem>> -> memref<32x128xi32, #tpu.memory_space<vmem>>
        %dma_start3A_68 = arith.constant 0 : i32
        %dma_start3A_69 = tpu.memref_slice %arg3[%select_n3A_10, %dma_start3A_68] : memref<2624x128xi32, #tpu.memory_space<hbm>> -> memref<32x128xi32, #tpu.memory_space<hbm>>
        tpu.enqueue_dma source(%dma_start3A_69 : memref<32x128xi32, #tpu.memory_space<hbm>>) target(%dma_start3A_67 : memref<32x128xi32, #tpu.memory_space<vmem>>) target_semaphore(%run_scoped3A_60 : memref<!tpu.dma_semaphore, #tpu.memory_space<semaphore_mem>>)
        %dma_wait3A = arith.constant 0 : i32
        %dma_wait3A_70 = arith.constant 0 : i32
        %dma_wait3A_71 = tpu.memref_slice %arg5[%dma_wait3A, %dma_wait3A_70] : memref<64x128xi32, #tpu.memory_space<vmem>> -> memref<32x128xi32, #tpu.memory_space<vmem>>
        %dma_wait3A_72 = arith.constant 0 : i32
        %dma_wait3A_73 = tpu.memref_slice %arg3[%select_n3A_10, %dma_wait3A_72] : memref<2624x128xi32, #tpu.memory_space<hbm>> -> memref<32x128xi32, #tpu.memory_space<hbm>>
        %dma_wait3A_74 = arith.constant 0 : i32
        %dma_wait3A_75 = arith.constant 0 : i32
        %dma_wait3A_76 = tpu.memref_slice %arg5[%dma_wait3A_74, %dma_wait3A_75] : memref<64x128xi32, #tpu.memory_space<vmem>> -> memref<32x128xi32, #tpu.memory_space<vmem>>
        %dma_wait3A_77 = arith.constant 0 : i32
        %dma_wait3A_78 = tpu.memref_slice %arg3[%select_n3A_10, %dma_wait3A_77] : memref<2624x128xi32, #tpu.memory_space<hbm>> -> memref<32x128xi32, #tpu.memory_space<hbm>>
        tpu.wait_dma2 semaphore(%run_scoped3A_60 : memref<!tpu.dma_semaphore, #tpu.memory_space<semaphore_mem>>) src(%dma_wait3A_78 : memref<32x128xi32, #tpu.memory_space<hbm>>) dst(%dma_wait3A_76 : memref<32x128xi32, #tpu.memory_space<vmem>>)
        tpu.yield
      }) : () -> ()
    } else {
    }
    %mul3A_19 = arith.constant 10000 : i32
    %mul3A_20 = arith.muli %arg0, %mul3A_19 : i32
    %scan3A = arith.constant 0 : i32
    %scan3A_21 = arith.constant 0 : i32
    %scan3A_22 = arith.constant 128 : i32
    %scan3A_23 = arith.addi %scan3A_21, %scan3A_22 : i32
    %scan3A_24 = arith.constant 1 : i32
    %scan3A_25 = scf.for %scan3A_60 = %scan3A_21 to %scan3A_23 step %scan3A_24 iter_args(%scan3A_61 = %scan3A) -> (i32)  : i32 {
      %broadcast_in_dim3A = arith.constant 0.000000e+00 : f32
      %broadcast_in_dim3A_62 = vector.broadcast %broadcast_in_dim3A : f32 to vector<16xf32>
      %swap3A = arith.constant 0 : i32
      %swap3A_63 = arith.index_cast %swap3A : i32 to index
      %swap3A_64 = arith.index_cast %scan3A_60 : i32 to index
      %swap3A_65 = arith.constant 0 : index
      %swap3A_66 = tpu.vector_load %arg8[%swap3A_63, %swap3A_64, %swap3A_65] {strides = array<i32>} : memref<2x128x128xf32, #tpu.memory_space<vmem>>, vector<1x1x16xf32>,
      %swap3A_67 = vector.shape_cast %swap3A_66 : vector<1x1x16xf32> to vector<16xf32>
      %swap3A_68 = vector.shape_cast %broadcast_in_dim3A_62 : vector<16xf32> to vector<1x1x16xf32>
      tpu.vector_store %arg8[%swap3A_63, %swap3A_64, %swap3A_65], %swap3A_68 {strides = array<i32>} : memref<2x128x128xf32, #tpu.memory_space<vmem>>, vector<1x1x16xf32>,
      %broadcast_in_dim3A_69 = arith.constant 0.000000e+00 : f32
      %broadcast_in_dim3A_70 = vector.broadcast %broadcast_in_dim3A_69 : f32 to vector<16xf32>
      %swap3A_71 = arith.constant 0 : i32
      %swap3A_72 = arith.index_cast %swap3A_71 : i32 to index
      %swap3A_73 = arith.index_cast %scan3A_60 : i32 to index
      %swap3A_74 = arith.constant 16 : index
      %swap3A_75 = tpu.vector_load %arg8[%swap3A_72, %swap3A_73, %swap3A_74] {strides = array<i32>} : memref<2x128x128xf32, #tpu.memory_space<vmem>>, vector<1x1x16xf32>,
      %swap3A_76 = vector.shape_cast %swap3A_75 : vector<1x1x16xf32> to vector<16xf32>
      %swap3A_77 = vector.shape_cast %broadcast_in_dim3A_70 : vector<16xf32> to vector<1x1x16xf32>
      tpu.vector_store %arg8[%swap3A_72, %swap3A_73, %swap3A_74], %swap3A_77 {strides = array<i32>} : memref<2x128x128xf32, #tpu.memory_space<vmem>>, vector<1x1x16xf32>,
      %broadcast_in_dim3A_78 = arith.constant 0.000000e+00 : f32
      %broadcast_in_dim3A_79 = vector.broadcast %broadcast_in_dim3A_78 : f32 to vector<16xf32>
      %swap3A_80 = arith.constant 0 : i32
      %swap3A_81 = arith.index_cast %swap3A_80 : i32 to index
      %swap3A_82 = arith.index_cast %scan3A_60 : i32 to index
      %swap3A_83 = arith.constant 32 : index
      %swap3A_84 = tpu.vector_load %arg8[%swap3A_81, %swap3A_82, %swap3A_83] {strides = array<i32>} : memref<2x128x128xf32, #tpu.memory_space<vmem>>, vector<1x1x16xf32>,
      %swap3A_85 = vector.shape_cast %swap3A_84 : vector<1x1x16xf32> to vector<16xf32>
      %swap3A_86 = vector.shape_cast %broadcast_in_dim3A_79 : vector<16xf32> to vector<1x1x16xf32>
      tpu.vector_store %arg8[%swap3A_81, %swap3A_82, %swap3A_83], %swap3A_86 {strides = array<i32>} : memref<2x128x128xf32, #tpu.memory_space<vmem>>, vector<1x1x16xf32>,
      %broadcast_in_dim3A_87 = arith.constant 0.000000e+00 : f32
      %broadcast_in_dim3A_88 = vector.broadcast %broadcast_in_dim3A_87 : f32 to vector<16xf32>
      %swap3A_89 = arith.constant 0 : i32
      %swap3A_90 = arith.index_cast %swap3A_89 : i32 to index
      %swap3A_91 = arith.index_cast %scan3A_60 : i32 to index
      %swap3A_92 = arith.constant 48 : index
      %swap3A_93 = tpu.vector_load %arg8[%swap3A_90, %swap3A_91, %swap3A_92] {strides = array<i32>} : memref<2x128x128xf32, #tpu.memory_space<vmem>>, vector<1x1x16xf32>,
      %swap3A_94 = vector.shape_cast %swap3A_93 : vector<1x1x16xf32> to vector<16xf32>
      %swap3A_95 = vector.shape_cast %broadcast_in_dim3A_88 : vector<16xf32> to vector<1x1x16xf32>
      tpu.vector_store %arg8[%swap3A_90, %swap3A_91, %swap3A_92], %swap3A_95 {strides = array<i32>} : memref<2x128x128xf32, #tpu.memory_space<vmem>>, vector<1x1x16xf32>,
      %broadcast_in_dim3A_96 = arith.constant 0.000000e+00 : f32
      %broadcast_in_dim3A_97 = vector.broadcast %broadcast_in_dim3A_96 : f32 to vector<16xf32>
      %swap3A_98 = arith.constant 0 : i32
      %swap3A_99 = arith.index_cast %swap3A_98 : i32 to index
      %swap3A_100 = arith.index_cast %scan3A_60 : i32 to index
      %swap3A_101 = arith.constant 64 : index
      %swap3A_102 = tpu.vector_load %arg8[%swap3A_99, %swap3A_100, %swap3A_101] {strides = array<i32>} : memref<2x128x128xf32, #tpu.memory_space<vmem>>, vector<1x1x16xf32>,
      %swap3A_103 = vector.shape_cast %swap3A_102 : vector<1x1x16xf32> to vector<16xf32>
      %swap3A_104 = vector.shape_cast %broadcast_in_dim3A_97 : vector<16xf32> to vector<1x1x16xf32>
      tpu.vector_store %arg8[%swap3A_99, %swap3A_100, %swap3A_101], %swap3A_104 {strides = array<i32>} : memref<2x128x128xf32, #tpu.memory_space<vmem>>, vector<1x1x16xf32>,
      %broadcast_in_dim3A_105 = arith.constant 0.000000e+00 : f32
      %broadcast_in_dim3A_106 = vector.broadcast %broadcast_in_dim3A_105 : f32 to vector<16xf32>
      %swap3A_107 = arith.constant 0 : i32
      %swap3A_108 = arith.index_cast %swap3A_107 : i32 to index
      %swap3A_109 = arith.index_cast %scan3A_60 : i32 to index
      %swap3A_110 = arith.constant 80 : index
      %swap3A_111 = tpu.vector_load %arg8[%swap3A_108, %swap3A_109, %swap3A_110] {strides = array<i32>} : memref<2x128x128xf32, #tpu.memory_space<vmem>>, vector<1x1x16xf32>,
      %swap3A_112 = vector.shape_cast %swap3A_111 : vector<1x1x16xf32> to vector<16xf32>
      %swap3A_113 = vector.shape_cast %broadcast_in_dim3A_106 : vector<16xf32> to vector<1x1x16xf32>
      tpu.vector_store %arg8[%swap3A_108, %swap3A_109, %swap3A_110], %swap3A_113 {strides = array<i32>} : memref<2x128x128xf32, #tpu.memory_space<vmem>>, vector<1x1x16xf32>,
      %broadcast_in_dim3A_114 = arith.constant 0.000000e+00 : f32
      %broadcast_in_dim3A_115 = vector.broadcast %broadcast_in_dim3A_114 : f32 to vector<16xf32>
      %swap3A_116 = arith.constant 0 : i32
      %swap3A_117 = arith.index_cast %swap3A_116 : i32 to index
      %swap3A_118 = arith.index_cast %scan3A_60 : i32 to index
      %swap3A_119 = arith.constant 96 : index
      %swap3A_120 = tpu.vector_load %arg8[%swap3A_117, %swap3A_118, %swap3A_119] {strides = array<i32>} : memref<2x128x128xf32, #tpu.memory_space<vmem>>, vector<1x1x16xf32>,
      %swap3A_121 = vector.shape_cast %swap3A_120 : vector<1x1x16xf32> to vector<16xf32>
      %swap3A_122 = vector.shape_cast %broadcast_in_dim3A_115 : vector<16xf32> to vector<1x1x16xf32>
      tpu.vector_store %arg8[%swap3A_117, %swap3A_118, %swap3A_119], %swap3A_122 {strides = array<i32>} : memref<2x128x128xf32, #tpu.memory_space<vmem>>, vector<1x1x16xf32>,
      %broadcast_in_dim3A_123 = arith.constant 0.000000e+00 : f32
      %broadcast_in_dim3A_124 = vector.broadcast %broadcast_in_dim3A_123 : f32 to vector<16xf32>
      %swap3A_125 = arith.constant 0 : i32
      %swap3A_126 = arith.index_cast %swap3A_125 : i32 to index
      %swap3A_127 = arith.index_cast %scan3A_60 : i32 to index
      %swap3A_128 = arith.constant 112 : index
      %swap3A_129 = tpu.vector_load %arg8[%swap3A_126, %swap3A_127, %swap3A_128] {strides = array<i32>} : memref<2x128x128xf32, #tpu.memory_space<vmem>>, vector<1x1x16xf32>,
      %swap3A_130 = vector.shape_cast %swap3A_129 : vector<1x1x16xf32> to vector<16xf32>
      %swap3A_131 = vector.shape_cast %broadcast_in_dim3A_124 : vector<16xf32> to vector<1x1x16xf32>
      tpu.vector_store %arg8[%swap3A_126, %swap3A_127, %swap3A_128], %swap3A_131 {strides = array<i32>} : memref<2x128x128xf32, #tpu.memory_space<vmem>>, vector<1x1x16xf32>,
      %scan3A_132 = arith.constant 0 : i32
      scf.yield %scan3A_132 : i32
    }
    %scan3A_26 = arith.constant 128 : i32
    %add3A_27 = arith.constant 0 : i32
    %add3A_28 = arith.addi %mul3A_0, %add3A_27 : i32
    %run_scoped3A = arith.constant 0 : i32
    "tpu.region"() ({
      %run_scoped3A_60 = tpu.sem_alloc : memref<!tpu.dma_semaphore, #tpu.memory_space<semaphore_mem>>
      %dma_start3A = arith.constant 0 : i32
      %dma_start3A_61 = arith.constant 0 : i32
      %dma_start3A_62 = tpu.memref_slice %arg8[%run_scoped3A, %dma_start3A, %dma_start3A_61] : memref<2x128x128xf32, #tpu.memory_space<vmem>> -> memref<1x128x128xf32, #tpu.memory_space<vmem>>
      %dma_start3A_63 = tpu.memref_squeeze %dma_start3A_62 : memref<1x128x128xf32, #tpu.memory_space<vmem>> -> memref<128x128xf32, #tpu.memory_space<vmem>>
      %dma_start3A_64 = arith.constant 0 : i32
      %dma_start3A_65 = tpu.memref_slice %arg9[%add3A_28, %dma_start3A_64] : memref<10112x128xf32, #tpu.memory_space<vmem_shared>> -> memref<128x128xf32, #tpu.memory_space<vmem_shared>>
      %dma_start3A_66 = arith.constant 0 : i32
      %dma_start3A_67 = tpu.memref_slice %arg9[%add3A_28, %dma_start3A_66] : memref<10112x128xf32, #tpu.memory_space<vmem_shared>> -> memref<128x128xf32, #tpu.memory_space<vmem_shared>>
      %dma_start3A_68 = arith.constant 0 : i32
      %dma_start3A_69 = arith.constant 0 : i32
      %dma_start3A_70 = tpu.memref_slice %arg8[%run_scoped3A, %dma_start3A_68, %dma_start3A_69] : memref<2x128x128xf32, #tpu.memory_space<vmem>> -> memref<1x128x128xf32, #tpu.memory_space<vmem>>
      %dma_start3A_71 = tpu.memref_squeeze %dma_start3A_70 : memref<1x128x128xf32, #tpu.memory_space<vmem>> -> memref<128x128xf32, #tpu.memory_space<vmem>>
      tpu.enqueue_dma source(%dma_start3A_71 : memref<128x128xf32, #tpu.memory_space<vmem>>) target(%dma_start3A_67 : memref<128x128xf32, #tpu.memory_space<vmem_shared>>) target_semaphore(%run_scoped3A_60 : memref<!tpu.dma_semaphore, #tpu.memory_space<semaphore_mem>>)
      %dma_wait3A = arith.constant 0 : i32
      %dma_wait3A_72 = arith.constant 0 : i32
      %dma_wait3A_73 = tpu.memref_slice %arg8[%run_scoped3A, %dma_wait3A, %dma_wait3A_72] : memref<2x128x128xf32, #tpu.memory_space<vmem>> -> memref<1x128x128xf32, #tpu.memory_space<vmem>>
      %dma_wait3A_74 = tpu.memref_squeeze %dma_wait3A_73 : memref<1x128x128xf32, #tpu.memory_space<vmem>> -> memref<128x128xf32, #tpu.memory_space<vmem>>
      %dma_wait3A_75 = arith.constant 0 : i32
      %dma_wait3A_76 = tpu.memref_slice %arg9[%add3A_28, %dma_wait3A_75] : memref<10112x128xf32, #tpu.memory_space<vmem_shared>> -> memref<128x128xf32, #tpu.memory_space<vmem_shared>>
      %dma_wait3A_77 = arith.constant 0 : i32
      %dma_wait3A_78 = tpu.memref_slice %arg9[%add3A_28, %dma_wait3A_77] : memref<10112x128xf32, #tpu.memory_space<vmem_shared>> -> memref<128x128xf32, #tpu.memory_space<vmem_shared>>
      %dma_wait3A_79 = arith.constant 0 : i32
      %dma_wait3A_80 = arith.constant 0 : i32
      %dma_wait3A_81 = tpu.memref_slice %arg8[%run_scoped3A, %dma_wait3A_79, %dma_wait3A_80] : memref<2x128x128xf32, #tpu.memory_space<vmem>> -> memref<1x128x128xf32, #tpu.memory_space<vmem>>
      %dma_wait3A_82 = tpu.memref_squeeze %dma_wait3A_81 : memref<1x128x128xf32, #tpu.memory_space<vmem>> -> memref<128x128xf32, #tpu.memory_space<vmem>>
      tpu.wait_dma2 semaphore(%run_scoped3A_60 : memref<!tpu.dma_semaphore, #tpu.memory_space<semaphore_mem>>) src(%dma_wait3A_82 : memref<128x128xf32, #tpu.memory_space<vmem>>) dst(%dma_wait3A_78 : memref<128x128xf32, #tpu.memory_space<vmem_shared>>)
      tpu.yield
    }) : () -> ()
    %add3A_29 = arith.constant 128 : i32
    %add3A_30 = arith.addi %mul3A_0, %add3A_29 : i32
    %run_scoped3A_31 = arith.constant 0 : i32
    "tpu.region"() ({
      %run_scoped3A_60 = tpu.sem_alloc : memref<!tpu.dma_semaphore, #tpu.memory_space<semaphore_mem>>
      %dma_start3A = arith.constant 0 : i32
      %dma_start3A_61 = arith.constant 0 : i32
      %dma_start3A_62 = tpu.memref_slice %arg8[%run_scoped3A_31, %dma_start3A, %dma_start3A_61] : memref<2x128x128xf32, #tpu.memory_space<vmem>> -> memref<1x128x128xf32, #tpu.memory_space<vmem>>
      %dma_start3A_63 = tpu.memref_squeeze %dma_start3A_62 : memref<1x128x128xf32, #tpu.memory_space<vmem>> -> memref<128x128xf32, #tpu.memory_space<vmem>>
      %dma_start3A_64 = arith.constant 0 : i32
      %dma_start3A_65 = tpu.memref_slice %arg9[%add3A_30, %dma_start3A_64] : memref<10112x128xf32, #tpu.memory_space<vmem_shared>> -> memref<128x128xf32, #tpu.memory_space<vmem_shared>>
      %dma_start3A_66 = arith.constant 0 : i32
      %dma_start3A_67 = tpu.memref_slice %arg9[%add3A_30, %dma_start3A_66] : memref<10112x128xf32, #tpu.memory_space<vmem_shared>> -> memref<128x128xf32, #tpu.memory_space<vmem_shared>>
      %dma_start3A_68 = arith.constant 0 : i32
      %dma_start3A_69 = arith.constant 0 : i32
      %dma_start3A_70 = tpu.memref_slice %arg8[%run_scoped3A_31, %dma_start3A_68, %dma_start3A_69] : memref<2x128x128xf32, #tpu.memory_space<vmem>> -> memref<1x128x128xf32, #tpu.memory_space<vmem>>
      %dma_start3A_71 = tpu.memref_squeeze %dma_start3A_70 : memref<1x128x128xf32, #tpu.memory_space<vmem>> -> memref<128x128xf32, #tpu.memory_space<vmem>>
      tpu.enqueue_dma source(%dma_start3A_71 : memref<128x128xf32, #tpu.memory_space<vmem>>) target(%dma_start3A_67 : memref<128x128xf32, #tpu.memory_space<vmem_shared>>) target_semaphore(%run_scoped3A_60 : memref<!tpu.dma_semaphore, #tpu.memory_space<semaphore_mem>>)
      %dma_wait3A = arith.constant 0 : i32
      %dma_wait3A_72 = arith.constant 0 : i32
      %dma_wait3A_73 = tpu.memref_slice %arg8[%run_scoped3A_31, %dma_wait3A, %dma_wait3A_72] : memref<2x128x128xf32, #tpu.memory_space<vmem>> -> memref<1x128x128xf32, #tpu.memory_space<vmem>>
      %dma_wait3A_74 = tpu.memref_squeeze %dma_wait3A_73 : memref<1x128x128xf32, #tpu.memory_space<vmem>> -> memref<128x128xf32, #tpu.memory_space<vmem>>
      %dma_wait3A_75 = arith.constant 0 : i32
      %dma_wait3A_76 = tpu.memref_slice %arg9[%add3A_30, %dma_wait3A_75] : memref<10112x128xf32, #tpu.memory_space<vmem_shared>> -> memref<128x128xf32, #tpu.memory_space<vmem_shared>>
      %dma_wait3A_77 = arith.constant 0 : i32
      %dma_wait3A_78 = tpu.memref_slice %arg9[%add3A_30, %dma_wait3A_77] : memref<10112x128xf32, #tpu.memory_space<vmem_shared>> -> memref<128x128xf32, #tpu.memory_space<vmem_shared>>
      %dma_wait3A_79 = arith.constant 0 : i32
      %dma_wait3A_80 = arith.constant 0 : i32
      %dma_wait3A_81 = tpu.memref_slice %arg8[%run_scoped3A_31, %dma_wait3A_79, %dma_wait3A_80] : memref<2x128x128xf32, #tpu.memory_space<vmem>> -> memref<1x128x128xf32, #tpu.memory_space<vmem>>
      %dma_wait3A_82 = tpu.memref_squeeze %dma_wait3A_81 : memref<1x128x128xf32, #tpu.memory_space<vmem>> -> memref<128x128xf32, #tpu.memory_space<vmem>>
      tpu.wait_dma2 semaphore(%run_scoped3A_60 : memref<!tpu.dma_semaphore, #tpu.memory_space<semaphore_mem>>) src(%dma_wait3A_82 : memref<128x128xf32, #tpu.memory_space<vmem>>) dst(%dma_wait3A_78 : memref<128x128xf32, #tpu.memory_space<vmem_shared>>)
      tpu.yield
    }) : () -> ()
    %add3A_32 = arith.constant 256 : i32
    %add3A_33 = arith.addi %mul3A_0, %add3A_32 : i32
    %run_scoped3A_34 = arith.constant 0 : i32
    "tpu.region"() ({
      %run_scoped3A_60 = tpu.sem_alloc : memref<!tpu.dma_semaphore, #tpu.memory_space<semaphore_mem>>
      %dma_start3A = arith.constant 0 : i32
      %dma_start3A_61 = arith.constant 0 : i32
      %dma_start3A_62 = tpu.memref_slice %arg8[%run_scoped3A_34, %dma_start3A, %dma_start3A_61] : memref<2x128x128xf32, #tpu.memory_space<vmem>> -> memref<1x128x128xf32, #tpu.memory_space<vmem>>
      %dma_start3A_63 = tpu.memref_squeeze %dma_start3A_62 : memref<1x128x128xf32, #tpu.memory_space<vmem>> -> memref<128x128xf32, #tpu.memory_space<vmem>>
      %dma_start3A_64 = arith.constant 0 : i32
      %dma_start3A_65 = tpu.memref_slice %arg9[%add3A_33, %dma_start3A_64] : memref<10112x128xf32, #tpu.memory_space<vmem_shared>> -> memref<128x128xf32, #tpu.memory_space<vmem_shared>>
      %dma_start3A_66 = arith.constant 0 : i32
      %dma_start3A_67 = tpu.memref_slice %arg9[%add3A_33, %dma_start3A_66] : memref<10112x128xf32, #tpu.memory_space<vmem_shared>> -> memref<128x128xf32, #tpu.memory_space<vmem_shared>>
      %dma_start3A_68 = arith.constant 0 : i32
      %dma_start3A_69 = arith.constant 0 : i32
      %dma_start3A_70 = tpu.memref_slice %arg8[%run_scoped3A_34, %dma_start3A_68, %dma_start3A_69] : memref<2x128x128xf32, #tpu.memory_space<vmem>> -> memref<1x128x128xf32, #tpu.memory_space<vmem>>
      %dma_start3A_71 = tpu.memref_squeeze %dma_start3A_70 : memref<1x128x128xf32, #tpu.memory_space<vmem>> -> memref<128x128xf32, #tpu.memory_space<vmem>>
      tpu.enqueue_dma source(%dma_start3A_71 : memref<128x128xf32, #tpu.memory_space<vmem>>) target(%dma_start3A_67 : memref<128x128xf32, #tpu.memory_space<vmem_shared>>) target_semaphore(%run_scoped3A_60 : memref<!tpu.dma_semaphore, #tpu.memory_space<semaphore_mem>>)
      %dma_wait3A = arith.constant 0 : i32
      %dma_wait3A_72 = arith.constant 0 : i32
      %dma_wait3A_73 = tpu.memref_slice %arg8[%run_scoped3A_34, %dma_wait3A, %dma_wait3A_72] : memref<2x128x128xf32, #tpu.memory_space<vmem>> -> memref<1x128x128xf32, #tpu.memory_space<vmem>>
      %dma_wait3A_74 = tpu.memref_squeeze %dma_wait3A_73 : memref<1x128x128xf32, #tpu.memory_space<vmem>> -> memref<128x128xf32, #tpu.memory_space<vmem>>
      %dma_wait3A_75 = arith.constant 0 : i32
      %dma_wait3A_76 = tpu.memref_slice %arg9[%add3A_33, %dma_wait3A_75] : memref<10112x128xf32, #tpu.memory_space<vmem_shared>> -> memref<128x128xf32, #tpu.memory_space<vmem_shared>>
      %dma_wait3A_77 = arith.constant 0 : i32
      %dma_wait3A_78 = tpu.memref_slice %arg9[%add3A_33, %dma_wait3A_77] : memref<10112x128xf32, #tpu.memory_space<vmem_shared>> -> memref<128x128xf32, #tpu.memory_space<vmem_shared>>
      %dma_wait3A_79 = arith.constant 0 : i32
      %dma_wait3A_80 = arith.constant 0 : i32
      %dma_wait3A_81 = tpu.memref_slice %arg8[%run_scoped3A_34, %dma_wait3A_79, %dma_wait3A_80] : memref<2x128x128xf32, #tpu.memory_space<vmem>> -> memref<1x128x128xf32, #tpu.memory_space<vmem>>
      %dma_wait3A_82 = tpu.memref_squeeze %dma_wait3A_81 : memref<1x128x128xf32, #tpu.memory_space<vmem>> -> memref<128x128xf32, #tpu.memory_space<vmem>>
      tpu.wait_dma2 semaphore(%run_scoped3A_60 : memref<!tpu.dma_semaphore, #tpu.memory_space<semaphore_mem>>) src(%dma_wait3A_82 : memref<128x128xf32, #tpu.memory_space<vmem>>) dst(%dma_wait3A_78 : memref<128x128xf32, #tpu.memory_space<vmem_shared>>)
      tpu.yield
    }) : () -> ()
    %add3A_35 = arith.constant 384 : i32
    %add3A_36 = arith.addi %mul3A_0, %add3A_35 : i32
    %run_scoped3A_37 = arith.constant 0 : i32
    "tpu.region"() ({
      %run_scoped3A_60 = tpu.sem_alloc : memref<!tpu.dma_semaphore, #tpu.memory_space<semaphore_mem>>
      %dma_start3A = arith.constant 0 : i32
      %dma_start3A_61 = arith.constant 0 : i32
      %dma_start3A_62 = tpu.memref_slice %arg8[%run_scoped3A_37, %dma_start3A, %dma_start3A_61] : memref<2x128x128xf32, #tpu.memory_space<vmem>> -> memref<1x128x128xf32, #tpu.memory_space<vmem>>
      %dma_start3A_63 = tpu.memref_squeeze %dma_start3A_62 : memref<1x128x128xf32, #tpu.memory_space<vmem>> -> memref<128x128xf32, #tpu.memory_space<vmem>>
      %dma_start3A_64 = arith.constant 0 : i32
      %dma_start3A_65 = tpu.memref_slice %arg9[%add3A_36, %dma_start3A_64] : memref<10112x128xf32, #tpu.memory_space<vmem_shared>> -> memref<128x128xf32, #tpu.memory_space<vmem_shared>>
      %dma_start3A_66 = arith.constant 0 : i32
      %dma_start3A_67 = tpu.memref_slice %arg9[%add3A_36, %dma_start3A_66] : memref<10112x128xf32, #tpu.memory_space<vmem_shared>> -> memref<128x128xf32, #tpu.memory_space<vmem_shared>>
      %dma_start3A_68 = arith.constant 0 : i32
      %dma_start3A_69 = arith.constant 0 : i32
      %dma_start3A_70 = tpu.memref_slice %arg8[%run_scoped3A_37, %dma_start3A_68, %dma_start3A_69] : memref<2x128x128xf32, #tpu.memory_space<vmem>> -> memref<1x128x128xf32, #tpu.memory_space<vmem>>
      %dma_start3A_71 = tpu.memref_squeeze %dma_start3A_70 : memref<1x128x128xf32, #tpu.memory_space<vmem>> -> memref<128x128xf32, #tpu.memory_space<vmem>>
      tpu.enqueue_dma source(%dma_start3A_71 : memref<128x128xf32, #tpu.memory_space<vmem>>) target(%dma_start3A_67 : memref<128x128xf32, #tpu.memory_space<vmem_shared>>) target_semaphore(%run_scoped3A_60 : memref<!tpu.dma_semaphore, #tpu.memory_space<semaphore_mem>>)
      %dma_wait3A = arith.constant 0 : i32
      %dma_wait3A_72 = arith.constant 0 : i32
      %dma_wait3A_73 = tpu.memref_slice %arg8[%run_scoped3A_37, %dma_wait3A, %dma_wait3A_72] : memref<2x128x128xf32, #tpu.memory_space<vmem>> -> memref<1x128x128xf32, #tpu.memory_space<vmem>>
      %dma_wait3A_74 = tpu.memref_squeeze %dma_wait3A_73 : memref<1x128x128xf32, #tpu.memory_space<vmem>> -> memref<128x128xf32, #tpu.memory_space<vmem>>
      %dma_wait3A_75 = arith.constant 0 : i32
      %dma_wait3A_76 = tpu.memref_slice %arg9[%add3A_36, %dma_wait3A_75] : memref<10112x128xf32, #tpu.memory_space<vmem_shared>> -> memref<128x128xf32, #tpu.memory_space<vmem_shared>>
      %dma_wait3A_77 = arith.constant 0 : i32
      %dma_wait3A_78 = tpu.memref_slice %arg9[%add3A_36, %dma_wait3A_77] : memref<10112x128xf32, #tpu.memory_space<vmem_shared>> -> memref<128x128xf32, #tpu.memory_space<vmem_shared>>
      %dma_wait3A_79 = arith.constant 0 : i32
      %dma_wait3A_80 = arith.constant 0 : i32
      %dma_wait3A_81 = tpu.memref_slice %arg8[%run_scoped3A_37, %dma_wait3A_79, %dma_wait3A_80] : memref<2x128x128xf32, #tpu.memory_space<vmem>> -> memref<1x128x128xf32, #tpu.memory_space<vmem>>
      %dma_wait3A_82 = tpu.memref_squeeze %dma_wait3A_81 : memref<1x128x128xf32, #tpu.memory_space<vmem>> -> memref<128x128xf32, #tpu.memory_space<vmem>>
      tpu.wait_dma2 semaphore(%run_scoped3A_60 : memref<!tpu.dma_semaphore, #tpu.memory_space<semaphore_mem>>) src(%dma_wait3A_82 : memref<128x128xf32, #tpu.memory_space<vmem>>) dst(%dma_wait3A_78 : memref<128x128xf32, #tpu.memory_space<vmem_shared>>)
      tpu.yield
    }) : () -> ()
    %add3A_38 = arith.constant 512 : i32
    %add3A_39 = arith.addi %mul3A_0, %add3A_38 : i32
    %run_scoped3A_40 = arith.constant 0 : i32
    "tpu.region"() ({
      %run_scoped3A_60 = tpu.sem_alloc : memref<!tpu.dma_semaphore, #tpu.memory_space<semaphore_mem>>
      %dma_start3A = arith.constant 0 : i32
      %dma_start3A_61 = arith.constant 0 : i32
      %dma_start3A_62 = tpu.memref_slice %arg8[%run_scoped3A_40, %dma_start3A, %dma_start3A_61] : memref<2x128x128xf32, #tpu.memory_space<vmem>> -> memref<1x120x128xf32, #tpu.memory_space<vmem>>
      %dma_start3A_63 = tpu.memref_squeeze %dma_start3A_62 : memref<1x120x128xf32, #tpu.memory_space<vmem>> -> memref<120x128xf32, #tpu.memory_space<vmem>>
      %dma_start3A_64 = arith.constant 0 : i32
      %dma_start3A_65 = tpu.memref_slice %arg9[%add3A_39, %dma_start3A_64] : memref<10112x128xf32, #tpu.memory_space<vmem_shared>> -> memref<120x128xf32, #tpu.memory_space<vmem_shared>>
      %dma_start3A_66 = arith.constant 0 : i32
      %dma_start3A_67 = tpu.memref_slice %arg9[%add3A_39, %dma_start3A_66] : memref<10112x128xf32, #tpu.memory_space<vmem_shared>> -> memref<120x128xf32, #tpu.memory_space<vmem_shared>>
      %dma_start3A_68 = arith.constant 0 : i32
      %dma_start3A_69 = arith.constant 0 : i32
      %dma_start3A_70 = tpu.memref_slice %arg8[%run_scoped3A_40, %dma_start3A_68, %dma_start3A_69] : memref<2x128x128xf32, #tpu.memory_space<vmem>> -> memref<1x120x128xf32, #tpu.memory_space<vmem>>
      %dma_start3A_71 = tpu.memref_squeeze %dma_start3A_70 : memref<1x120x128xf32, #tpu.memory_space<vmem>> -> memref<120x128xf32, #tpu.memory_space<vmem>>
      tpu.enqueue_dma source(%dma_start3A_71 : memref<120x128xf32, #tpu.memory_space<vmem>>) target(%dma_start3A_67 : memref<120x128xf32, #tpu.memory_space<vmem_shared>>) target_semaphore(%run_scoped3A_60 : memref<!tpu.dma_semaphore, #tpu.memory_space<semaphore_mem>>)
      %dma_wait3A = arith.constant 0 : i32
      %dma_wait3A_72 = arith.constant 0 : i32
      %dma_wait3A_73 = tpu.memref_slice %arg8[%run_scoped3A_40, %dma_wait3A, %dma_wait3A_72] : memref<2x128x128xf32, #tpu.memory_space<vmem>> -> memref<1x120x128xf32, #tpu.memory_space<vmem>>
      %dma_wait3A_74 = tpu.memref_squeeze %dma_wait3A_73 : memref<1x120x128xf32, #tpu.memory_space<vmem>> -> memref<120x128xf32, #tpu.memory_space<vmem>>
      %dma_wait3A_75 = arith.constant 0 : i32
      %dma_wait3A_76 = tpu.memref_slice %arg9[%add3A_39, %dma_wait3A_75] : memref<10112x128xf32, #tpu.memory_space<vmem_shared>> -> memref<120x128xf32, #tpu.memory_space<vmem_shared>>
      %dma_wait3A_77 = arith.constant 0 : i32
      %dma_wait3A_78 = tpu.memref_slice %arg9[%add3A_39, %dma_wait3A_77] : memref<10112x128xf32, #tpu.memory_space<vmem_shared>> -> memref<120x128xf32, #tpu.memory_space<vmem_shared>>
      %dma_wait3A_79 = arith.constant 0 : i32
      %dma_wait3A_80 = arith.constant 0 : i32
      %dma_wait3A_81 = tpu.memref_slice %arg8[%run_scoped3A_40, %dma_wait3A_79, %dma_wait3A_80] : memref<2x128x128xf32, #tpu.memory_space<vmem>> -> memref<1x120x128xf32, #tpu.memory_space<vmem>>
      %dma_wait3A_82 = tpu.memref_squeeze %dma_wait3A_81 : memref<1x120x128xf32, #tpu.memory_space<vmem>> -> memref<120x128xf32, #tpu.memory_space<vmem>>
      tpu.wait_dma2 semaphore(%run_scoped3A_60 : memref<!tpu.dma_semaphore, #tpu.memory_space<semaphore_mem>>) src(%dma_wait3A_82 : memref<120x128xf32, #tpu.memory_space<vmem>>) dst(%dma_wait3A_78 : memref<120x128xf32, #tpu.memory_space<vmem_shared>>)
      tpu.yield
    }) : () -> ()
    %barrier3A = arith.constant 0 : index
    tpu.barrier barrier_id(%barrier3A)
    %gt3A = arith.constant 0 : i32
    %gt3A_41 = arith.cmpi sgt, %select_n3A, %gt3A : i32
    %convert_element_type3A_42 = arith.extui %gt3A_41 : i1 to i32
    %cond3A_43 = arith.constant 0 : i32
    %cond3A_44 = arith.cmpi ne, %convert_element_type3A_42, %cond3A_43 : i32
    scf.if %cond3A_44 {
      %get3A = arith.constant 0 : i32
      %get3A_60 = arith.index_cast %get3A : i32 to index
      %get3A_61 = arith.constant 0 : index
      %get3A_62 = tpu.vector_load %arg5[%get3A_60, %get3A_61] {strides = array<i32>} : memref<64x128xi32, #tpu.memory_space<vmem>>, vector<1x16xi32>,
      %get3A_63 = vector.shape_cast %get3A_62 : vector<1x16xi32> to vector<16xi32>
      %and3A = arith.constant 65535 : i32
      %and3A_64 = vector.broadcast %and3A : i32 to vector<16xi32>
      %and3A_65 = arith.andi %get3A_63, %and3A_64 : vector<16xi32>
      %add3A_66 = vector.broadcast %mul3A_20 : i32 to vector<16xi32>
      %add3A_67 = arith.addi %and3A_65, %add3A_66 : vector<16xi32>
      %swap3A = arith.constant 0 : i32
      %swap3A_68 = arith.index_cast %swap3A : i32 to index
      %swap3A_69 = arith.constant 0 : index
      %swap3A_70 = tpu.vector_load %arg6[%swap3A_68, %swap3A_69] {strides = array<i32>} : memref<2x128xi32, #tpu.memory_space<vmem>>, vector<1x16xi32>,
      %swap3A_71 = vector.shape_cast %swap3A_70 : vector<1x16xi32> to vector<16xi32>
      %swap3A_72 = vector.shape_cast %add3A_67 : vector<16xi32> to vector<1x16xi32>
      tpu.vector_store %arg6[%swap3A_68, %swap3A_69], %swap3A_72 {strides = array<i32>} : memref<2x128xi32, #tpu.memory_space<vmem>>, vector<1x16xi32>,
      %shift_right_logical3A = arith.constant 16 : i32
      %shift_right_logical3A_73 = vector.broadcast %shift_right_logical3A : i32 to vector<16xi32>
      %shift_right_logical3A_74 = arith.shrui %get3A_63, %shift_right_logical3A_73 : vector<16xi32>
      %swap3A_75 = arith.constant 0 : i32
      %swap3A_76 = arith.index_cast %swap3A_75 : i32 to index
      %swap3A_77 = arith.constant 0 : index
      %swap3A_78 = tpu.vector_load %arg7[%swap3A_76, %swap3A_77] {strides = array<i32>} : memref<2x128xi32, #tpu.memory_space<vmem>>, vector<1x16xi32>,
      %swap3A_79 = vector.shape_cast %swap3A_78 : vector<1x16xi32> to vector<16xi32>
      %swap3A_80 = vector.shape_cast %shift_right_logical3A_74 : vector<16xi32> to vector<1x16xi32>
      tpu.vector_store %arg7[%swap3A_76, %swap3A_77], %swap3A_80 {strides = array<i32>} : memref<2x128xi32, #tpu.memory_space<vmem>>, vector<1x16xi32>,
      %get3A_81 = arith.constant 0 : i32
      %get3A_82 = arith.index_cast %get3A_81 : i32 to index
      %get3A_83 = arith.constant 16 : index
      %get3A_84 = tpu.vector_load %arg5[%get3A_82, %get3A_83] {strides = array<i32>} : memref<64x128xi32, #tpu.memory_space<vmem>>, vector<1x16xi32>,
      %get3A_85 = vector.shape_cast %get3A_84 : vector<1x16xi32> to vector<16xi32>
      %and3A_86 = arith.constant 65535 : i32
      %and3A_87 = vector.broadcast %and3A_86 : i32 to vector<16xi32>
      %and3A_88 = arith.andi %get3A_85, %and3A_87 : vector<16xi32>
      %add3A_89 = vector.broadcast %mul3A_20 : i32 to vector<16xi32>
      %add3A_90 = arith.addi %and3A_88, %add3A_89 : vector<16xi32>
      %swap3A_91 = arith.constant 0 : i32
      %swap3A_92 = arith.index_cast %swap3A_91 : i32 to index
      %swap3A_93 = arith.constant 16 : index
      %swap3A_94 = tpu.vector_load %arg6[%swap3A_92, %swap3A_93] {strides = array<i32>} : memref<2x128xi32, #tpu.memory_space<vmem>>, vector<1x16xi32>,
      %swap3A_95 = vector.shape_cast %swap3A_94 : vector<1x16xi32> to vector<16xi32>
      %swap3A_96 = vector.shape_cast %add3A_90 : vector<16xi32> to vector<1x16xi32>
      tpu.vector_store %arg6[%swap3A_92, %swap3A_93], %swap3A_96 {strides = array<i32>} : memref<2x128xi32, #tpu.memory_space<vmem>>, vector<1x16xi32>,
      %shift_right_logical3A_97 = arith.constant 16 : i32
      %shift_right_logical3A_98 = vector.broadcast %shift_right_logical3A_97 : i32 to vector<16xi32>
      %shift_right_logical3A_99 = arith.shrui %get3A_85, %shift_right_logical3A_98 : vector<16xi32>
      %swap3A_100 = arith.constant 0 : i32
      %swap3A_101 = arith.index_cast %swap3A_100 : i32 to index
      %swap3A_102 = arith.constant 16 : index
      %swap3A_103 = tpu.vector_load %arg7[%swap3A_101, %swap3A_102] {strides = array<i32>} : memref<2x128xi32, #tpu.memory_space<vmem>>, vector<1x16xi32>,
      %swap3A_104 = vector.shape_cast %swap3A_103 : vector<1x16xi32> to vector<16xi32>
      %swap3A_105 = vector.shape_cast %shift_right_logical3A_99 : vector<16xi32> to vector<1x16xi32>
      tpu.vector_store %arg7[%swap3A_101, %swap3A_102], %swap3A_105 {strides = array<i32>} : memref<2x128xi32, #tpu.memory_space<vmem>>, vector<1x16xi32>,
      %get3A_106 = arith.constant 0 : i32
      %get3A_107 = arith.index_cast %get3A_106 : i32 to index
      %get3A_108 = arith.constant 32 : index
      %get3A_109 = tpu.vector_load %arg5[%get3A_107, %get3A_108] {strides = array<i32>} : memref<64x128xi32, #tpu.memory_space<vmem>>, vector<1x16xi32>,
      %get3A_110 = vector.shape_cast %get3A_109 : vector<1x16xi32> to vector<16xi32>
      %and3A_111 = arith.constant 65535 : i32
      %and3A_112 = vector.broadcast %and3A_111 : i32 to vector<16xi32>
      %and3A_113 = arith.andi %get3A_110, %and3A_112 : vector<16xi32>
      %add3A_114 = vector.broadcast %mul3A_20 : i32 to vector<16xi32>
      %add3A_115 = arith.addi %and3A_113, %add3A_114 : vector<16xi32>
      %swap3A_116 = arith.constant 0 : i32
      %swap3A_117 = arith.index_cast %swap3A_116 : i32 to index
      %swap3A_118 = arith.constant 32 : index
      %swap3A_119 = tpu.vector_load %arg6[%swap3A_117, %swap3A_118] {strides = array<i32>} : memref<2x128xi32, #tpu.memory_space<vmem>>, vector<1x16xi32>,
      %swap3A_120 = vector.shape_cast %swap3A_119 : vector<1x16xi32> to vector<16xi32>
      %swap3A_121 = vector.shape_cast %add3A_115 : vector<16xi32> to vector<1x16xi32>
      tpu.vector_store %arg6[%swap3A_117, %swap3A_118], %swap3A_121 {strides = array<i32>} : memref<2x128xi32, #tpu.memory_space<vmem>>, vector<1x16xi32>,
      %shift_right_logical3A_122 = arith.constant 16 : i32
      %shift_right_logical3A_123 = vector.broadcast %shift_right_logical3A_122 : i32 to vector<16xi32>
      %shift_right_logical3A_124 = arith.shrui %get3A_110, %shift_right_logical3A_123 : vector<16xi32>
      %swap3A_125 = arith.constant 0 : i32
      %swap3A_126 = arith.index_cast %swap3A_125 : i32 to index
      %swap3A_127 = arith.constant 32 : index
      %swap3A_128 = tpu.vector_load %arg7[%swap3A_126, %swap3A_127] {strides = array<i32>} : memref<2x128xi32, #tpu.memory_space<vmem>>, vector<1x16xi32>,
      %swap3A_129 = vector.shape_cast %swap3A_128 : vector<1x16xi32> to vector<16xi32>
      %swap3A_130 = vector.shape_cast %shift_right_logical3A_124 : vector<16xi32> to vector<1x16xi32>
      tpu.vector_store %arg7[%swap3A_126, %swap3A_127], %swap3A_130 {strides = array<i32>} : memref<2x128xi32, #tpu.memory_space<vmem>>, vector<1x16xi32>,
      %get3A_131 = arith.constant 0 : i32
      %get3A_132 = arith.index_cast %get3A_131 : i32 to index
      %get3A_133 = arith.constant 48 : index
      %get3A_134 = tpu.vector_load %arg5[%get3A_132, %get3A_133] {strides = array<i32>} : memref<64x128xi32, #tpu.memory_space<vmem>>, vector<1x16xi32>,
      %get3A_135 = vector.shape_cast %get3A_134 : vector<1x16xi32> to vector<16xi32>
      %and3A_136 = arith.constant 65535 : i32
      %and3A_137 = vector.broadcast %and3A_136 : i32 to vector<16xi32>
      %and3A_138 = arith.andi %get3A_135, %and3A_137 : vector<16xi32>
      %add3A_139 = vector.broadcast %mul3A_20 : i32 to vector<16xi32>
      %add3A_140 = arith.addi %and3A_138, %add3A_139 : vector<16xi32>
      %swap3A_141 = arith.constant 0 : i32
      %swap3A_142 = arith.index_cast %swap3A_141 : i32 to index
      %swap3A_143 = arith.constant 48 : index
      %swap3A_144 = tpu.vector_load %arg6[%swap3A_142, %swap3A_143] {strides = array<i32>} : memref<2x128xi32, #tpu.memory_space<vmem>>, vector<1x16xi32>,
      %swap3A_145 = vector.shape_cast %swap3A_144 : vector<1x16xi32> to vector<16xi32>
      %swap3A_146 = vector.shape_cast %add3A_140 : vector<16xi32> to vector<1x16xi32>
      tpu.vector_store %arg6[%swap3A_142, %swap3A_143], %swap3A_146 {strides = array<i32>} : memref<2x128xi32, #tpu.memory_space<vmem>>, vector<1x16xi32>,
      %shift_right_logical3A_147 = arith.constant 16 : i32
      %shift_right_logical3A_148 = vector.broadcast %shift_right_logical3A_147 : i32 to vector<16xi32>
      %shift_right_logical3A_149 = arith.shrui %get3A_135, %shift_right_logical3A_148 : vector<16xi32>
      %swap3A_150 = arith.constant 0 : i32
      %swap3A_151 = arith.index_cast %swap3A_150 : i32 to index
      %swap3A_152 = arith.constant 48 : index
      %swap3A_153 = tpu.vector_load %arg7[%swap3A_151, %swap3A_152] {strides = array<i32>} : memref<2x128xi32, #tpu.memory_space<vmem>>, vector<1x16xi32>,
      %swap3A_154 = vector.shape_cast %swap3A_153 : vector<1x16xi32> to vector<16xi32>
      %swap3A_155 = vector.shape_cast %shift_right_logical3A_149 : vector<16xi32> to vector<1x16xi32>
      tpu.vector_store %arg7[%swap3A_151, %swap3A_152], %swap3A_155 {strides = array<i32>} : memref<2x128xi32, #tpu.memory_space<vmem>>, vector<1x16xi32>,
      %get3A_156 = arith.constant 0 : i32
      %get3A_157 = arith.index_cast %get3A_156 : i32 to index
      %get3A_158 = arith.constant 64 : index
      %get3A_159 = tpu.vector_load %arg5[%get3A_157, %get3A_158] {strides = array<i32>} : memref<64x128xi32, #tpu.memory_space<vmem>>, vector<1x16xi32>,
      %get3A_160 = vector.shape_cast %get3A_159 : vector<1x16xi32> to vector<16xi32>
      %and3A_161 = arith.constant 65535 : i32
      %and3A_162 = vector.broadcast %and3A_161 : i32 to vector<16xi32>
      %and3A_163 = arith.andi %get3A_160, %and3A_162 : vector<16xi32>
      %add3A_164 = vector.broadcast %mul3A_20 : i32 to vector<16xi32>
      %add3A_165 = arith.addi %and3A_163, %add3A_164 : vector<16xi32>
      %swap3A_166 = arith.constant 0 : i32
      %swap3A_167 = arith.index_cast %swap3A_166 : i32 to index
      %swap3A_168 = arith.constant 64 : index
      %swap3A_169 = tpu.vector_load %arg6[%swap3A_167, %swap3A_168] {strides = array<i32>} : memref<2x128xi32, #tpu.memory_space<vmem>>, vector<1x16xi32>,
      %swap3A_170 = vector.shape_cast %swap3A_169 : vector<1x16xi32> to vector<16xi32>
      %swap3A_171 = vector.shape_cast %add3A_165 : vector<16xi32> to vector<1x16xi32>
      tpu.vector_store %arg6[%swap3A_167, %swap3A_168], %swap3A_171 {strides = array<i32>} : memref<2x128xi32, #tpu.memory_space<vmem>>, vector<1x16xi32>,
      %shift_right_logical3A_172 = arith.constant 16 : i32
      %shift_right_logical3A_173 = vector.broadcast %shift_right_logical3A_172 : i32 to vector<16xi32>
      %shift_right_logical3A_174 = arith.shrui %get3A_160, %shift_right_logical3A_173 : vector<16xi32>
      %swap3A_175 = arith.constant 0 : i32
      %swap3A_176 = arith.index_cast %swap3A_175 : i32 to index
      %swap3A_177 = arith.constant 64 : index
      %swap3A_178 = tpu.vector_load %arg7[%swap3A_176, %swap3A_177] {strides = array<i32>} : memref<2x128xi32, #tpu.memory_space<vmem>>, vector<1x16xi32>,
      %swap3A_179 = vector.shape_cast %swap3A_178 : vector<1x16xi32> to vector<16xi32>
      %swap3A_180 = vector.shape_cast %shift_right_logical3A_174 : vector<16xi32> to vector<1x16xi32>
      tpu.vector_store %arg7[%swap3A_176, %swap3A_177], %swap3A_180 {strides = array<i32>} : memref<2x128xi32, #tpu.memory_space<vmem>>, vector<1x16xi32>,
      %get3A_181 = arith.constant 0 : i32
      %get3A_182 = arith.index_cast %get3A_181 : i32 to index
      %get3A_183 = arith.constant 80 : index
      %get3A_184 = tpu.vector_load %arg5[%get3A_182, %get3A_183] {strides = array<i32>} : memref<64x128xi32, #tpu.memory_space<vmem>>, vector<1x16xi32>,
      %get3A_185 = vector.shape_cast %get3A_184 : vector<1x16xi32> to vector<16xi32>
      %and3A_186 = arith.constant 65535 : i32
      %and3A_187 = vector.broadcast %and3A_186 : i32 to vector<16xi32>
      %and3A_188 = arith.andi %get3A_185, %and3A_187 : vector<16xi32>
      %add3A_189 = vector.broadcast %mul3A_20 : i32 to vector<16xi32>
      %add3A_190 = arith.addi %and3A_188, %add3A_189 : vector<16xi32>
      %swap3A_191 = arith.constant 0 : i32
      %swap3A_192 = arith.index_cast %swap3A_191 : i32 to index
      %swap3A_193 = arith.constant 80 : index
      %swap3A_194 = tpu.vector_load %arg6[%swap3A_192, %swap3A_193] {strides = array<i32>} : memref<2x128xi32, #tpu.memory_space<vmem>>, vector<1x16xi32>,
      %swap3A_195 = vector.shape_cast %swap3A_194 : vector<1x16xi32> to vector<16xi32>
      %swap3A_196 = vector.shape_cast %add3A_190 : vector<16xi32> to vector<1x16xi32>
      tpu.vector_store %arg6[%swap3A_192, %swap3A_193], %swap3A_196 {strides = array<i32>} : memref<2x128xi32, #tpu.memory_space<vmem>>, vector<1x16xi32>,
      %shift_right_logical3A_197 = arith.constant 16 : i32
      %shift_right_logical3A_198 = vector.broadcast %shift_right_logical3A_197 : i32 to vector<16xi32>
      %shift_right_logical3A_199 = arith.shrui %get3A_185, %shift_right_logical3A_198 : vector<16xi32>
      %swap3A_200 = arith.constant 0 : i32
      %swap3A_201 = arith.index_cast %swap3A_200 : i32 to index
      %swap3A_202 = arith.constant 80 : index
      %swap3A_203 = tpu.vector_load %arg7[%swap3A_201, %swap3A_202] {strides = array<i32>} : memref<2x128xi32, #tpu.memory_space<vmem>>, vector<1x16xi32>,
      %swap3A_204 = vector.shape_cast %swap3A_203 : vector<1x16xi32> to vector<16xi32>
      %swap3A_205 = vector.shape_cast %shift_right_logical3A_199 : vector<16xi32> to vector<1x16xi32>
      tpu.vector_store %arg7[%swap3A_201, %swap3A_202], %swap3A_205 {strides = array<i32>} : memref<2x128xi32, #tpu.memory_space<vmem>>, vector<1x16xi32>,
      %get3A_206 = arith.constant 0 : i32
      %get3A_207 = arith.index_cast %get3A_206 : i32 to index
      %get3A_208 = arith.constant 96 : index
      %get3A_209 = tpu.vector_load %arg5[%get3A_207, %get3A_208] {strides = array<i32>} : memref<64x128xi32, #tpu.memory_space<vmem>>, vector<1x16xi32>,
      %get3A_210 = vector.shape_cast %get3A_209 : vector<1x16xi32> to vector<16xi32>
      %and3A_211 = arith.constant 65535 : i32
      %and3A_212 = vector.broadcast %and3A_211 : i32 to vector<16xi32>
      %and3A_213 = arith.andi %get3A_210, %and3A_212 : vector<16xi32>
      %add3A_214 = vector.broadcast %mul3A_20 : i32 to vector<16xi32>
      %add3A_215 = arith.addi %and3A_213, %add3A_214 : vector<16xi32>
      %swap3A_216 = arith.constant 0 : i32
      %swap3A_217 = arith.index_cast %swap3A_216 : i32 to index
      %swap3A_218 = arith.constant 96 : index
      %swap3A_219 = tpu.vector_load %arg6[%swap3A_217, %swap3A_218] {strides = array<i32>} : memref<2x128xi32, #tpu.memory_space<vmem>>, vector<1x16xi32>,
      %swap3A_220 = vector.shape_cast %swap3A_219 : vector<1x16xi32> to vector<16xi32>
      %swap3A_221 = vector.shape_cast %add3A_215 : vector<16xi32> to vector<1x16xi32>
      tpu.vector_store %arg6[%swap3A_217, %swap3A_218], %swap3A_221 {strides = array<i32>} : memref<2x128xi32, #tpu.memory_space<vmem>>, vector<1x16xi32>,
      %shift_right_logical3A_222 = arith.constant 16 : i32
      %shift_right_logical3A_223 = vector.broadcast %shift_right_logical3A_222 : i32 to vector<16xi32>
      %shift_right_logical3A_224 = arith.shrui %get3A_210, %shift_right_logical3A_223 : vector<16xi32>
      %swap3A_225 = arith.constant 0 : i32
      %swap3A_226 = arith.index_cast %swap3A_225 : i32 to index
      %swap3A_227 = arith.constant 96 : index
      %swap3A_228 = tpu.vector_load %arg7[%swap3A_226, %swap3A_227] {strides = array<i32>} : memref<2x128xi32, #tpu.memory_space<vmem>>, vector<1x16xi32>,
      %swap3A_229 = vector.shape_cast %swap3A_228 : vector<1x16xi32> to vector<16xi32>
      %swap3A_230 = vector.shape_cast %shift_right_logical3A_224 : vector<16xi32> to vector<1x16xi32>
      tpu.vector_store %arg7[%swap3A_226, %swap3A_227], %swap3A_230 {strides = array<i32>} : memref<2x128xi32, #tpu.memory_space<vmem>>, vector<1x16xi32>,
      %get3A_231 = arith.constant 0 : i32
      %get3A_232 = arith.index_cast %get3A_231 : i32 to index
      %get3A_233 = arith.constant 112 : index
      %get3A_234 = tpu.vector_load %arg5[%get3A_232, %get3A_233] {strides = array<i32>} : memref<64x128xi32, #tpu.memory_space<vmem>>, vector<1x16xi32>,
      %get3A_235 = vector.shape_cast %get3A_234 : vector<1x16xi32> to vector<16xi32>
      %and3A_236 = arith.constant 65535 : i32
      %and3A_237 = vector.broadcast %and3A_236 : i32 to vector<16xi32>
      %and3A_238 = arith.andi %get3A_235, %and3A_237 : vector<16xi32>
      %add3A_239 = vector.broadcast %mul3A_20 : i32 to vector<16xi32>
      %add3A_240 = arith.addi %and3A_238, %add3A_239 : vector<16xi32>
      %swap3A_241 = arith.constant 0 : i32
      %swap3A_242 = arith.index_cast %swap3A_241 : i32 to index
      %swap3A_243 = arith.constant 112 : index
      %swap3A_244 = tpu.vector_load %arg6[%swap3A_242, %swap3A_243] {strides = array<i32>} : memref<2x128xi32, #tpu.memory_space<vmem>>, vector<1x16xi32>,
      %swap3A_245 = vector.shape_cast %swap3A_244 : vector<1x16xi32> to vector<16xi32>
      %swap3A_246 = vector.shape_cast %add3A_240 : vector<16xi32> to vector<1x16xi32>
      tpu.vector_store %arg6[%swap3A_242, %swap3A_243], %swap3A_246 {strides = array<i32>} : memref<2x128xi32, #tpu.memory_space<vmem>>, vector<1x16xi32>,
      %shift_right_logical3A_247 = arith.constant 16 : i32
      %shift_right_logical3A_248 = vector.broadcast %shift_right_logical3A_247 : i32 to vector<16xi32>
      %shift_right_logical3A_249 = arith.shrui %get3A_235, %shift_right_logical3A_248 : vector<16xi32>
      %swap3A_250 = arith.constant 0 : i32
      %swap3A_251 = arith.index_cast %swap3A_250 : i32 to index
      %swap3A_252 = arith.constant 112 : index
      %swap3A_253 = tpu.vector_load %arg7[%swap3A_251, %swap3A_252] {strides = array<i32>} : memref<2x128xi32, #tpu.memory_space<vmem>>, vector<1x16xi32>,
      %swap3A_254 = vector.shape_cast %swap3A_253 : vector<1x16xi32> to vector<16xi32>
      %swap3A_255 = vector.shape_cast %shift_right_logical3A_249 : vector<16xi32> to vector<1x16xi32>
      tpu.vector_store %arg7[%swap3A_251, %swap3A_252], %swap3A_255 {strides = array<i32>} : memref<2x128xi32, #tpu.memory_space<vmem>>, vector<1x16xi32>,
      %dma_start3A = arith.constant 0 : i32
      %dma_start3A_256 = arith.constant 0 : i32
      %dma_start3A_257 = arith.constant 0 : i32
      %dma_start3A_258 = arith.constant 0 : i32
      %dma_start3A_259 = tpu.memref_slice %arg8[%dma_start3A_256, %dma_start3A_257, %dma_start3A_258] : memref<2x128x128xf32, #tpu.memory_space<vmem>> -> memref<1x128x128xf32, #tpu.memory_space<vmem>>
      %dma_start3A_260 = tpu.memref_squeeze %dma_start3A_259 : memref<1x128x128xf32, #tpu.memory_space<vmem>> -> memref<128x128xf32, #tpu.memory_space<vmem>>
      %dma_start3A_261 = arith.constant 0 : i32
      %dma_start3A_262 = tpu.memref_slice %arg6[%dma_start3A, %dma_start3A_261] : memref<2x128xi32, #tpu.memory_space<vmem>> -> memref<1x128xi32, #tpu.memory_space<vmem>>
      %dma_start3A_263 = tpu.memref_squeeze %dma_start3A_262 : memref<1x128xi32, #tpu.memory_space<vmem>> -> memref<128xi32, #tpu.memory_space<vmem>>
      %dma_start3A_264 = arith.constant 0 : i32
      %dma_start3A_265 = arith.constant 0 : i32
      %dma_start3A_266 = tpu.memref_slice %arg2[%dma_start3A_264, %dma_start3A_265] : memref<20000x128xf32, #tpu.memory_space<hbm>> -> memref<20000x128xf32, #tpu.memory_space<hbm>>
      tpu.enqueue_indirect_dma source(%dma_start3A_266 : memref<20000x128xf32, #tpu.memory_space<hbm>>) target(%dma_start3A_260 : memref<128x128xf32, #tpu.memory_space<vmem>>) offsets(%dma_start3A_263 : memref<128xi32, #tpu.memory_space<vmem>>) semaphore(%arg10 : memref<!tpu.dma_semaphore, #tpu.memory_space<semaphore_mem>>)
    } else {
    }
    %while3A = arith.constant 0 : i32
    %while3A_45 = arith.constant 0 : i32
    %while3A_46 = arith.subi %select_n3A, %while3A : i32
    %while3A_47 = arith.addi %while3A, %while3A_46 : i32
    %while3A_48 = arith.constant 1 : i32
    %while3A_49 = arith.divsi %while3A_46, %while3A_48 : i32
    %while3A_50 = arith.muli %while3A_49, %while3A_48 : i32
    %while3A_51 = arith.addi %while3A, %while3A_50 : i32
    %while3A_52 = arith.constant 1 : i32
    %while3A_53 = scf.for %while3A_60 = %while3A to %while3A_51 step %while3A_52 iter_args(%while3A_61 = %while3A_45) -> (i32)  : i32 {
      %rem3A = arith.constant 2 : i32
      %rem3A_62 = arith.remsi %while3A_60, %rem3A : i32
      %add3A_63 = arith.constant 1 : i32
      %add3A_64 = arith.addi %while3A_60, %add3A_63 : i32
      %rem3A_65 = arith.constant 2 : i32
      %rem3A_66 = arith.remsi %add3A_64, %rem3A_65 : i32
      %add3A_67 = arith.constant 1 : i32
      %add3A_68 = arith.addi %while3A_60, %add3A_67 : i32
      %rem3A_69 = arith.constant 64 : i32
      %rem3A_70 = arith.remsi %add3A_68, %rem3A_69 : i32
      %eq3A_71 = arith.constant 0 : i32
      %eq3A_72 = arith.cmpi eq, %rem3A_70, %eq3A_71 : i32
      %add3A_73 = arith.constant 1 : i32
      %add3A_74 = arith.addi %while3A_60, %add3A_73 : i32
      %lt3A = arith.cmpi slt, %add3A_74, %select_n3A : i32
      %and3A = arith.andi %eq3A_72, %lt3A : i1
      %convert_element_type3A_75 = arith.extui %and3A : i1 to i32
      %cond3A_76 = arith.constant 0 : i32
      %cond3A_77 = arith.cmpi ne, %convert_element_type3A_75, %cond3A_76 : i32
      scf.if %cond3A_77 {
        %add3A_99 = arith.addi %select_n3A_10, %while3A_60 : i32
        %add3A_100 = arith.constant 1 : i32
        %add3A_101 = arith.addi %add3A_99, %add3A_100 : i32
        %multiple_of3A = tpu.assume_multiple %add3A_101, 8 : i32
        "tpu.region"() ({
          %run_scoped3A_102 = tpu.sem_alloc : memref<!tpu.dma_semaphore, #tpu.memory_space<semaphore_mem>>
          %dma_start3A = arith.constant 0 : i32
          %dma_start3A_103 = tpu.memref_slice %arg3[%multiple_of3A, %dma_start3A] : memref<2624x128xi32, #tpu.memory_space<hbm>> -> memref<64x128xi32, #tpu.memory_space<hbm>>
          %dma_start3A_104 = arith.constant 0 : i32
          %dma_start3A_105 = tpu.memref_slice %arg3[%multiple_of3A, %dma_start3A_104] : memref<2624x128xi32, #tpu.memory_space<hbm>> -> memref<64x128xi32, #tpu.memory_space<hbm>>
          tpu.enqueue_dma source(%dma_start3A_105 : memref<64x128xi32, #tpu.memory_space<hbm>>) target(%arg5 : memref<64x128xi32, #tpu.memory_space<vmem>>) target_semaphore(%run_scoped3A_102 : memref<!tpu.dma_semaphore, #tpu.memory_space<semaphore_mem>>)
          %dma_wait3A_106 = arith.constant 0 : i32
          %dma_wait3A_107 = tpu.memref_slice %arg3[%multiple_of3A, %dma_wait3A_106] : memref<2624x128xi32, #tpu.memory_space<hbm>> -> memref<64x128xi32, #tpu.memory_space<hbm>>
          %dma_wait3A_108 = arith.constant 0 : i32
          %dma_wait3A_109 = tpu.memref_slice %arg3[%multiple_of3A, %dma_wait3A_108] : memref<2624x128xi32, #tpu.memory_space<hbm>> -> memref<64x128xi32, #tpu.memory_space<hbm>>
          tpu.wait_dma2 semaphore(%run_scoped3A_102 : memref<!tpu.dma_semaphore, #tpu.memory_space<semaphore_mem>>) src(%dma_wait3A_109 : memref<64x128xi32, #tpu.memory_space<hbm>>) dst(%arg5 : memref<64x128xi32, #tpu.memory_space<vmem>>)
          tpu.yield
        }) : () -> ()
      } else {
      }
      %add3A_78 = arith.constant 1 : i32
      %add3A_79 = arith.addi %while3A_60, %add3A_78 : i32
      %lt3A_80 = arith.cmpi slt, %add3A_79, %select_n3A : i32
      %convert_element_type3A_81 = arith.extui %lt3A_80 : i1 to i32
      %cond3A_82 = arith.constant 0 : i32
      %cond3A_83 = arith.cmpi ne, %convert_element_type3A_81, %cond3A_82 : i32
      scf.if %cond3A_83 {
        %add3A_99 = arith.constant 1 : i32
        %add3A_100 = arith.addi %while3A_60, %add3A_99 : i32
        %rem3A_101 = arith.constant 64 : i32
        %rem3A_102 = arith.remsi %add3A_100, %rem3A_101 : i32
        %get3A = arith.index_cast %rem3A_102 : i32 to index
        %get3A_103 = arith.constant 0 : index
        %get3A_104 = tpu.vector_load %arg5[%get3A, %get3A_103] {strides = array<i32>} : memref<64x128xi32, #tpu.memory_space<vmem>>, vector<1x16xi32>,
        %get3A_105 = vector.shape_cast %get3A_104 : vector<1x16xi32> to vector<16xi32>
        %and3A_106 = arith.constant 65535 : i32
        %and3A_107 = vector.broadcast %and3A_106 : i32 to vector<16xi32>
        %and3A_108 = arith.andi %get3A_105, %and3A_107 : vector<16xi32>
        %add3A_109 = vector.broadcast %mul3A_20 : i32 to vector<16xi32>
        %add3A_110 = arith.addi %and3A_108, %add3A_109 : vector<16xi32>
        %swap3A = arith.index_cast %rem3A_66 : i32 to index
        %swap3A_111 = arith.constant 0 : index
        %swap3A_112 = tpu.vector_load %arg6[%swap3A, %swap3A_111] {strides = array<i32>} : memref<2x128xi32, #tpu.memory_space<vmem>>, vector<1x16xi32>,
        %swap3A_113 = vector.shape_cast %swap3A_112 : vector<1x16xi32> to vector<16xi32>
        %swap3A_114 = vector.shape_cast %add3A_110 : vector<16xi32> to vector<1x16xi32>
        tpu.vector_store %arg6[%swap3A, %swap3A_111], %swap3A_114 {strides = array<i32>} : memref<2x128xi32, #tpu.memory_space<vmem>>, vector<1x16xi32>,
        %shift_right_logical3A = arith.constant 16 : i32
        %shift_right_logical3A_115 = vector.broadcast %shift_right_logical3A : i32 to vector<16xi32>
        %shift_right_logical3A_116 = arith.shrui %get3A_105, %shift_right_logical3A_115 : vector<16xi32>
        %swap3A_117 = arith.index_cast %rem3A_66 : i32 to index
        %swap3A_118 = arith.constant 0 : index
        %swap3A_119 = tpu.vector_load %arg7[%swap3A_117, %swap3A_118] {strides = array<i32>} : memref<2x128xi32, #tpu.memory_space<vmem>>, vector<1x16xi32>,
        %swap3A_120 = vector.shape_cast %swap3A_119 : vector<1x16xi32> to vector<16xi32>
        %swap3A_121 = vector.shape_cast %shift_right_logical3A_116 : vector<16xi32> to vector<1x16xi32>
        tpu.vector_store %arg7[%swap3A_117, %swap3A_118], %swap3A_121 {strides = array<i32>} : memref<2x128xi32, #tpu.memory_space<vmem>>, vector<1x16xi32>,
        %get3A_122 = arith.index_cast %rem3A_102 : i32 to index
        %get3A_123 = arith.constant 16 : index
        %get3A_124 = tpu.vector_load %arg5[%get3A_122, %get3A_123] {strides = array<i32>} : memref<64x128xi32, #tpu.memory_space<vmem>>, vector<1x16xi32>,
        %get3A_125 = vector.shape_cast %get3A_124 : vector<1x16xi32> to vector<16xi32>
        %and3A_126 = arith.constant 65535 : i32
        %and3A_127 = vector.broadcast %and3A_126 : i32 to vector<16xi32>
        %and3A_128 = arith.andi %get3A_125, %and3A_127 : vector<16xi32>
        %add3A_129 = vector.broadcast %mul3A_20 : i32 to vector<16xi32>
        %add3A_130 = arith.addi %and3A_128, %add3A_129 : vector<16xi32>
        %swap3A_131 = arith.index_cast %rem3A_66 : i32 to index
        %swap3A_132 = arith.constant 16 : index
        %swap3A_133 = tpu.vector_load %arg6[%swap3A_131, %swap3A_132] {strides = array<i32>} : memref<2x128xi32, #tpu.memory_space<vmem>>, vector<1x16xi32>,
        %swap3A_134 = vector.shape_cast %swap3A_133 : vector<1x16xi32> to vector<16xi32>
        %swap3A_135 = vector.shape_cast %add3A_130 : vector<16xi32> to vector<1x16xi32>
        tpu.vector_store %arg6[%swap3A_131, %swap3A_132], %swap3A_135 {strides = array<i32>} : memref<2x128xi32, #tpu.memory_space<vmem>>, vector<1x16xi32>,
        %shift_right_logical3A_136 = arith.constant 16 : i32
        %shift_right_logical3A_137 = vector.broadcast %shift_right_logical3A_136 : i32 to vector<16xi32>
        %shift_right_logical3A_138 = arith.shrui %get3A_125, %shift_right_logical3A_137 : vector<16xi32>
        %swap3A_139 = arith.index_cast %rem3A_66 : i32 to index
        %swap3A_140 = arith.constant 16 : index
        %swap3A_141 = tpu.vector_load %arg7[%swap3A_139, %swap3A_140] {strides = array<i32>} : memref<2x128xi32, #tpu.memory_space<vmem>>, vector<1x16xi32>,
        %swap3A_142 = vector.shape_cast %swap3A_141 : vector<1x16xi32> to vector<16xi32>
        %swap3A_143 = vector.shape_cast %shift_right_logical3A_138 : vector<16xi32> to vector<1x16xi32>
        tpu.vector_store %arg7[%swap3A_139, %swap3A_140], %swap3A_143 {strides = array<i32>} : memref<2x128xi32, #tpu.memory_space<vmem>>, vector<1x16xi32>,
        %get3A_144 = arith.index_cast %rem3A_102 : i32 to index
        %get3A_145 = arith.constant 32 : index
        %get3A_146 = tpu.vector_load %arg5[%get3A_144, %get3A_145] {strides = array<i32>} : memref<64x128xi32, #tpu.memory_space<vmem>>, vector<1x16xi32>,
        %get3A_147 = vector.shape_cast %get3A_146 : vector<1x16xi32> to vector<16xi32>
        %and3A_148 = arith.constant 65535 : i32
        %and3A_149 = vector.broadcast %and3A_148 : i32 to vector<16xi32>
        %and3A_150 = arith.andi %get3A_147, %and3A_149 : vector<16xi32>
        %add3A_151 = vector.broadcast %mul3A_20 : i32 to vector<16xi32>
        %add3A_152 = arith.addi %and3A_150, %add3A_151 : vector<16xi32>
        %swap3A_153 = arith.index_cast %rem3A_66 : i32 to index
        %swap3A_154 = arith.constant 32 : index
        %swap3A_155 = tpu.vector_load %arg6[%swap3A_153, %swap3A_154] {strides = array<i32>} : memref<2x128xi32, #tpu.memory_space<vmem>>, vector<1x16xi32>,
        %swap3A_156 = vector.shape_cast %swap3A_155 : vector<1x16xi32> to vector<16xi32>
        %swap3A_157 = vector.shape_cast %add3A_152 : vector<16xi32> to vector<1x16xi32>
        tpu.vector_store %arg6[%swap3A_153, %swap3A_154], %swap3A_157 {strides = array<i32>} : memref<2x128xi32, #tpu.memory_space<vmem>>, vector<1x16xi32>,
        %shift_right_logical3A_158 = arith.constant 16 : i32
        %shift_right_logical3A_159 = vector.broadcast %shift_right_logical3A_158 : i32 to vector<16xi32>
        %shift_right_logical3A_160 = arith.shrui %get3A_147, %shift_right_logical3A_159 : vector<16xi32>
        %swap3A_161 = arith.index_cast %rem3A_66 : i32 to index
        %swap3A_162 = arith.constant 32 : index
        %swap3A_163 = tpu.vector_load %arg7[%swap3A_161, %swap3A_162] {strides = array<i32>} : memref<2x128xi32, #tpu.memory_space<vmem>>, vector<1x16xi32>,
        %swap3A_164 = vector.shape_cast %swap3A_163 : vector<1x16xi32> to vector<16xi32>
        %swap3A_165 = vector.shape_cast %shift_right_logical3A_160 : vector<16xi32> to vector<1x16xi32>
        tpu.vector_store %arg7[%swap3A_161, %swap3A_162], %swap3A_165 {strides = array<i32>} : memref<2x128xi32, #tpu.memory_space<vmem>>, vector<1x16xi32>,
        %get3A_166 = arith.index_cast %rem3A_102 : i32 to index
        %get3A_167 = arith.constant 48 : index
        %get3A_168 = tpu.vector_load %arg5[%get3A_166, %get3A_167] {strides = array<i32>} : memref<64x128xi32, #tpu.memory_space<vmem>>, vector<1x16xi32>,
        %get3A_169 = vector.shape_cast %get3A_168 : vector<1x16xi32> to vector<16xi32>
        %and3A_170 = arith.constant 65535 : i32
        %and3A_171 = vector.broadcast %and3A_170 : i32 to vector<16xi32>
        %and3A_172 = arith.andi %get3A_169, %and3A_171 : vector<16xi32>
        %add3A_173 = vector.broadcast %mul3A_20 : i32 to vector<16xi32>
        %add3A_174 = arith.addi %and3A_172, %add3A_173 : vector<16xi32>
        %swap3A_175 = arith.index_cast %rem3A_66 : i32 to index
        %swap3A_176 = arith.constant 48 : index
        %swap3A_177 = tpu.vector_load %arg6[%swap3A_175, %swap3A_176] {strides = array<i32>} : memref<2x128xi32, #tpu.memory_space<vmem>>, vector<1x16xi32>,
        %swap3A_178 = vector.shape_cast %swap3A_177 : vector<1x16xi32> to vector<16xi32>
        %swap3A_179 = vector.shape_cast %add3A_174 : vector<16xi32> to vector<1x16xi32>
        tpu.vector_store %arg6[%swap3A_175, %swap3A_176], %swap3A_179 {strides = array<i32>} : memref<2x128xi32, #tpu.memory_space<vmem>>, vector<1x16xi32>,
        %shift_right_logical3A_180 = arith.constant 16 : i32
        %shift_right_logical3A_181 = vector.broadcast %shift_right_logical3A_180 : i32 to vector<16xi32>
        %shift_right_logical3A_182 = arith.shrui %get3A_169, %shift_right_logical3A_181 : vector<16xi32>
        %swap3A_183 = arith.index_cast %rem3A_66 : i32 to index
        %swap3A_184 = arith.constant 48 : index
        %swap3A_185 = tpu.vector_load %arg7[%swap3A_183, %swap3A_184] {strides = array<i32>} : memref<2x128xi32, #tpu.memory_space<vmem>>, vector<1x16xi32>,
        %swap3A_186 = vector.shape_cast %swap3A_185 : vector<1x16xi32> to vector<16xi32>
        %swap3A_187 = vector.shape_cast %shift_right_logical3A_182 : vector<16xi32> to vector<1x16xi32>
        tpu.vector_store %arg7[%swap3A_183, %swap3A_184], %swap3A_187 {strides = array<i32>} : memref<2x128xi32, #tpu.memory_space<vmem>>, vector<1x16xi32>,
        %get3A_188 = arith.index_cast %rem3A_102 : i32 to index
        %get3A_189 = arith.constant 64 : index
        %get3A_190 = tpu.vector_load %arg5[%get3A_188, %get3A_189] {strides = array<i32>} : memref<64x128xi32, #tpu.memory_space<vmem>>, vector<1x16xi32>,
        %get3A_191 = vector.shape_cast %get3A_190 : vector<1x16xi32> to vector<16xi32>
        %and3A_192 = arith.constant 65535 : i32
        %and3A_193 = vector.broadcast %and3A_192 : i32 to vector<16xi32>
        %and3A_194 = arith.andi %get3A_191, %and3A_193 : vector<16xi32>
        %add3A_195 = vector.broadcast %mul3A_20 : i32 to vector<16xi32>
        %add3A_196 = arith.addi %and3A_194, %add3A_195 : vector<16xi32>
        %swap3A_197 = arith.index_cast %rem3A_66 : i32 to index
        %swap3A_198 = arith.constant 64 : index
        %swap3A_199 = tpu.vector_load %arg6[%swap3A_197, %swap3A_198] {strides = array<i32>} : memref<2x128xi32, #tpu.memory_space<vmem>>, vector<1x16xi32>,
        %swap3A_200 = vector.shape_cast %swap3A_199 : vector<1x16xi32> to vector<16xi32>
        %swap3A_201 = vector.shape_cast %add3A_196 : vector<16xi32> to vector<1x16xi32>
        tpu.vector_store %arg6[%swap3A_197, %swap3A_198], %swap3A_201 {strides = array<i32>} : memref<2x128xi32, #tpu.memory_space<vmem>>, vector<1x16xi32>,
        %shift_right_logical3A_202 = arith.constant 16 : i32
        %shift_right_logical3A_203 = vector.broadcast %shift_right_logical3A_202 : i32 to vector<16xi32>
        %shift_right_logical3A_204 = arith.shrui %get3A_191, %shift_right_logical3A_203 : vector<16xi32>
        %swap3A_205 = arith.index_cast %rem3A_66 : i32 to index
        %swap3A_206 = arith.constant 64 : index
        %swap3A_207 = tpu.vector_load %arg7[%swap3A_205, %swap3A_206] {strides = array<i32>} : memref<2x128xi32, #tpu.memory_space<vmem>>, vector<1x16xi32>,
        %swap3A_208 = vector.shape_cast %swap3A_207 : vector<1x16xi32> to vector<16xi32>
        %swap3A_209 = vector.shape_cast %shift_right_logical3A_204 : vector<16xi32> to vector<1x16xi32>
        tpu.vector_store %arg7[%swap3A_205, %swap3A_206], %swap3A_209 {strides = array<i32>} : memref<2x128xi32, #tpu.memory_space<vmem>>, vector<1x16xi32>,
        %get3A_210 = arith.index_cast %rem3A_102 : i32 to index
        %get3A_211 = arith.constant 80 : index
        %get3A_212 = tpu.vector_load %arg5[%get3A_210, %get3A_211] {strides = array<i32>} : memref<64x128xi32, #tpu.memory_space<vmem>>, vector<1x16xi32>,
        %get3A_213 = vector.shape_cast %get3A_212 : vector<1x16xi32> to vector<16xi32>
        %and3A_214 = arith.constant 65535 : i32
        %and3A_215 = vector.broadcast %and3A_214 : i32 to vector<16xi32>
        %and3A_216 = arith.andi %get3A_213, %and3A_215 : vector<16xi32>
        %add3A_217 = vector.broadcast %mul3A_20 : i32 to vector<16xi32>
        %add3A_218 = arith.addi %and3A_216, %add3A_217 : vector<16xi32>
        %swap3A_219 = arith.index_cast %rem3A_66 : i32 to index
        %swap3A_220 = arith.constant 80 : index
        %swap3A_221 = tpu.vector_load %arg6[%swap3A_219, %swap3A_220] {strides = array<i32>} : memref<2x128xi32, #tpu.memory_space<vmem>>, vector<1x16xi32>,
        %swap3A_222 = vector.shape_cast %swap3A_221 : vector<1x16xi32> to vector<16xi32>
        %swap3A_223 = vector.shape_cast %add3A_218 : vector<16xi32> to vector<1x16xi32>
        tpu.vector_store %arg6[%swap3A_219, %swap3A_220], %swap3A_223 {strides = array<i32>} : memref<2x128xi32, #tpu.memory_space<vmem>>, vector<1x16xi32>,
        %shift_right_logical3A_224 = arith.constant 16 : i32
        %shift_right_logical3A_225 = vector.broadcast %shift_right_logical3A_224 : i32 to vector<16xi32>
        %shift_right_logical3A_226 = arith.shrui %get3A_213, %shift_right_logical3A_225 : vector<16xi32>
        %swap3A_227 = arith.index_cast %rem3A_66 : i32 to index
        %swap3A_228 = arith.constant 80 : index
        %swap3A_229 = tpu.vector_load %arg7[%swap3A_227, %swap3A_228] {strides = array<i32>} : memref<2x128xi32, #tpu.memory_space<vmem>>, vector<1x16xi32>,
        %swap3A_230 = vector.shape_cast %swap3A_229 : vector<1x16xi32> to vector<16xi32>
        %swap3A_231 = vector.shape_cast %shift_right_logical3A_226 : vector<16xi32> to vector<1x16xi32>
        tpu.vector_store %arg7[%swap3A_227, %swap3A_228], %swap3A_231 {strides = array<i32>} : memref<2x128xi32, #tpu.memory_space<vmem>>, vector<1x16xi32>,
        %get3A_232 = arith.index_cast %rem3A_102 : i32 to index
        %get3A_233 = arith.constant 96 : index
        %get3A_234 = tpu.vector_load %arg5[%get3A_232, %get3A_233] {strides = array<i32>} : memref<64x128xi32, #tpu.memory_space<vmem>>, vector<1x16xi32>,
        %get3A_235 = vector.shape_cast %get3A_234 : vector<1x16xi32> to vector<16xi32>
        %and3A_236 = arith.constant 65535 : i32
        %and3A_237 = vector.broadcast %and3A_236 : i32 to vector<16xi32>
        %and3A_238 = arith.andi %get3A_235, %and3A_237 : vector<16xi32>
        %add3A_239 = vector.broadcast %mul3A_20 : i32 to vector<16xi32>
        %add3A_240 = arith.addi %and3A_238, %add3A_239 : vector<16xi32>
        %swap3A_241 = arith.index_cast %rem3A_66 : i32 to index
        %swap3A_242 = arith.constant 96 : index
        %swap3A_243 = tpu.vector_load %arg6[%swap3A_241, %swap3A_242] {strides = array<i32>} : memref<2x128xi32, #tpu.memory_space<vmem>>, vector<1x16xi32>,
        %swap3A_244 = vector.shape_cast %swap3A_243 : vector<1x16xi32> to vector<16xi32>
        %swap3A_245 = vector.shape_cast %add3A_240 : vector<16xi32> to vector<1x16xi32>
        tpu.vector_store %arg6[%swap3A_241, %swap3A_242], %swap3A_245 {strides = array<i32>} : memref<2x128xi32, #tpu.memory_space<vmem>>, vector<1x16xi32>,
        %shift_right_logical3A_246 = arith.constant 16 : i32
        %shift_right_logical3A_247 = vector.broadcast %shift_right_logical3A_246 : i32 to vector<16xi32>
        %shift_right_logical3A_248 = arith.shrui %get3A_235, %shift_right_logical3A_247 : vector<16xi32>
        %swap3A_249 = arith.index_cast %rem3A_66 : i32 to index
        %swap3A_250 = arith.constant 96 : index
        %swap3A_251 = tpu.vector_load %arg7[%swap3A_249, %swap3A_250] {strides = array<i32>} : memref<2x128xi32, #tpu.memory_space<vmem>>, vector<1x16xi32>,
        %swap3A_252 = vector.shape_cast %swap3A_251 : vector<1x16xi32> to vector<16xi32>
        %swap3A_253 = vector.shape_cast %shift_right_logical3A_248 : vector<16xi32> to vector<1x16xi32>
        tpu.vector_store %arg7[%swap3A_249, %swap3A_250], %swap3A_253 {strides = array<i32>} : memref<2x128xi32, #tpu.memory_space<vmem>>, vector<1x16xi32>,
        %get3A_254 = arith.index_cast %rem3A_102 : i32 to index
        %get3A_255 = arith.constant 112 : index
        %get3A_256 = tpu.vector_load %arg5[%get3A_254, %get3A_255] {strides = array<i32>} : memref<64x128xi32, #tpu.memory_space<vmem>>, vector<1x16xi32>,
        %get3A_257 = vector.shape_cast %get3A_256 : vector<1x16xi32> to vector<16xi32>
        %and3A_258 = arith.constant 65535 : i32
        %and3A_259 = vector.broadcast %and3A_258 : i32 to vector<16xi32>
        %and3A_260 = arith.andi %get3A_257, %and3A_259 : vector<16xi32>
        %add3A_261 = vector.broadcast %mul3A_20 : i32 to vector<16xi32>
        %add3A_262 = arith.addi %and3A_260, %add3A_261 : vector<16xi32>
        %swap3A_263 = arith.index_cast %rem3A_66 : i32 to index
        %swap3A_264 = arith.constant 112 : index
        %swap3A_265 = tpu.vector_load %arg6[%swap3A_263, %swap3A_264] {strides = array<i32>} : memref<2x128xi32, #tpu.memory_space<vmem>>, vector<1x16xi32>,
        %swap3A_266 = vector.shape_cast %swap3A_265 : vector<1x16xi32> to vector<16xi32>
        %swap3A_267 = vector.shape_cast %add3A_262 : vector<16xi32> to vector<1x16xi32>
        tpu.vector_store %arg6[%swap3A_263, %swap3A_264], %swap3A_267 {strides = array<i32>} : memref<2x128xi32, #tpu.memory_space<vmem>>, vector<1x16xi32>,
        %shift_right_logical3A_268 = arith.constant 16 : i32
        %shift_right_logical3A_269 = vector.broadcast %shift_right_logical3A_268 : i32 to vector<16xi32>
        %shift_right_logical3A_270 = arith.shrui %get3A_257, %shift_right_logical3A_269 : vector<16xi32>
        %swap3A_271 = arith.index_cast %rem3A_66 : i32 to index
        %swap3A_272 = arith.constant 112 : index
        %swap3A_273 = tpu.vector_load %arg7[%swap3A_271, %swap3A_272] {strides = array<i32>} : memref<2x128xi32, #tpu.memory_space<vmem>>, vector<1x16xi32>,
        %swap3A_274 = vector.shape_cast %swap3A_273 : vector<1x16xi32> to vector<16xi32>
        %swap3A_275 = vector.shape_cast %shift_right_logical3A_270 : vector<16xi32> to vector<1x16xi32>
        tpu.vector_store %arg7[%swap3A_271, %swap3A_272], %swap3A_275 {strides = array<i32>} : memref<2x128xi32, #tpu.memory_space<vmem>>, vector<1x16xi32>,
        %dma_start3A = arith.constant 0 : i32
        %dma_start3A_276 = arith.constant 0 : i32
        %dma_start3A_277 = tpu.memref_slice %arg8[%rem3A_66, %dma_start3A, %dma_start3A_276] : memref<2x128x128xf32, #tpu.memory_space<vmem>> -> memref<1x128x128xf32, #tpu.memory_space<vmem>>
        %dma_start3A_278 = tpu.memref_squeeze %dma_start3A_277 : memref<1x128x128xf32, #tpu.memory_space<vmem>> -> memref<128x128xf32, #tpu.memory_space<vmem>>
        %dma_start3A_279 = arith.constant 0 : i32
        %dma_start3A_280 = tpu.memref_slice %arg6[%rem3A_66, %dma_start3A_279] : memref<2x128xi32, #tpu.memory_space<vmem>> -> memref<1x128xi32, #tpu.memory_space<vmem>>
        %dma_start3A_281 = tpu.memref_squeeze %dma_start3A_280 : memref<1x128xi32, #tpu.memory_space<vmem>> -> memref<128xi32, #tpu.memory_space<vmem>>
        %dma_start3A_282 = arith.constant 0 : i32
        %dma_start3A_283 = arith.constant 0 : i32
        %dma_start3A_284 = tpu.memref_slice %arg2[%dma_start3A_282, %dma_start3A_283] : memref<20000x128xf32, #tpu.memory_space<hbm>> -> memref<20000x128xf32, #tpu.memory_space<hbm>>
        tpu.enqueue_indirect_dma source(%dma_start3A_284 : memref<20000x128xf32, #tpu.memory_space<hbm>>) target(%dma_start3A_278 : memref<128x128xf32, #tpu.memory_space<vmem>>) offsets(%dma_start3A_281 : memref<128xi32, #tpu.memory_space<vmem>>) semaphore(%arg10 : memref<!tpu.dma_semaphore, #tpu.memory_space<semaphore_mem>>)
      } else {
      }
      %dma_wait3A = arith.constant 0 : i32
      %dma_wait3A_84 = arith.constant 0 : i32
      %dma_wait3A_85 = arith.constant 0 : i32
      %dma_wait3A_86 = tpu.memref_slice %arg8[%dma_wait3A, %dma_wait3A_84, %dma_wait3A_85] : memref<2x128x128xf32, #tpu.memory_space<vmem>> -> memref<1x128x128xf32, #tpu.memory_space<vmem>>
      %dma_wait3A_87 = tpu.memref_squeeze %dma_wait3A_86 : memref<1x128x128xf32, #tpu.memory_space<vmem>> -> memref<128x128xf32, #tpu.memory_space<vmem>>
      %dma_wait3A_88 = arith.constant 0 : i32
      %dma_wait3A_89 = arith.constant 0 : i32
      %dma_wait3A_90 = tpu.memref_slice %arg2[%dma_wait3A_88, %dma_wait3A_89] : memref<20000x128xf32, #tpu.memory_space<hbm>> -> memref<128x128xf32, #tpu.memory_space<hbm>>
      %dma_wait3A_91 = arith.constant 0 : i32
      %dma_wait3A_92 = arith.constant 0 : i32
      %dma_wait3A_93 = tpu.memref_slice %arg8[%dma_wait3A, %dma_wait3A_91, %dma_wait3A_92] : memref<2x128x128xf32, #tpu.memory_space<vmem>> -> memref<1x128x128xf32, #tpu.memory_space<vmem>>
      %dma_wait3A_94 = tpu.memref_squeeze %dma_wait3A_93 : memref<1x128x128xf32, #tpu.memory_space<vmem>> -> memref<128x128xf32, #tpu.memory_space<vmem>>
      %dma_wait3A_95 = arith.constant 0 : i32
      %dma_wait3A_96 = arith.constant 0 : i32
      %dma_wait3A_97 = tpu.memref_slice %arg2[%dma_wait3A_95, %dma_wait3A_96] : memref<20000x128xf32, #tpu.memory_space<hbm>> -> memref<128x128xf32, #tpu.memory_space<hbm>>
      tpu.wait_dma2 semaphore(%arg10 : memref<!tpu.dma_semaphore, #tpu.memory_space<semaphore_mem>>) src(%dma_wait3A_97 : memref<128x128xf32, #tpu.memory_space<hbm>>) dst(%dma_wait3A_94 : memref<128x128xf32, #tpu.memory_space<vmem>>)
      "tpu.region"() ({
        %run_scoped3A_99 = tpu.sem_alloc : memref<!tpu.dma_semaphore, #tpu.memory_space<semaphore_mem>>
        %dma_start3A = arith.constant 0 : i32
        %dma_start3A_100 = arith.constant 0 : i32
        %dma_start3A_101 = tpu.memref_slice %arg8[%rem3A_62, %dma_start3A, %dma_start3A_100] : memref<2x128x128xf32, #tpu.memory_space<vmem>> -> memref<1x128x128xf32, #tpu.memory_space<vmem>>
        %dma_start3A_102 = tpu.memref_squeeze %dma_start3A_101 : memref<1x128x128xf32, #tpu.memory_space<vmem>> -> memref<128x128xf32, #tpu.memory_space<vmem>>
        %dma_start3A_103 = arith.constant 0 : i32
        %dma_start3A_104 = tpu.memref_slice %arg7[%rem3A_62, %dma_start3A_103] : memref<2x128xi32, #tpu.memory_space<vmem>> -> memref<1x128xi32, #tpu.memory_space<vmem>>
        %dma_start3A_105 = tpu.memref_squeeze %dma_start3A_104 : memref<1x128xi32, #tpu.memory_space<vmem>> -> memref<128xi32, #tpu.memory_space<vmem>>
        %dma_start3A_106 = arith.constant 0 : i32
        %dma_start3A_107 = arith.constant 0 : i32
        %dma_start3A_108 = tpu.memref_slice %arg9[%dma_start3A_106, %dma_start3A_107] : memref<10112x128xf32, #tpu.memory_space<vmem_shared>> -> memref<10112x128xf32, #tpu.memory_space<vmem_shared>>
        tpu.enqueue_indirect_dma source(%dma_start3A_102 : memref<128x128xf32, #tpu.memory_space<vmem>>) target(%dma_start3A_108 : memref<10112x128xf32, #tpu.memory_space<vmem_shared>>) offsets(%dma_start3A_105 : memref<128xi32, #tpu.memory_space<vmem>>) semaphore(%run_scoped3A_99 : memref<!tpu.dma_semaphore, #tpu.memory_space<semaphore_mem>>) {add = true}
        %dma_wait3A_109 = arith.constant 0 : i32
        %dma_wait3A_110 = arith.constant 0 : i32
        %dma_wait3A_111 = tpu.memref_slice %arg8[%rem3A_62, %dma_wait3A_109, %dma_wait3A_110] : memref<2x128x128xf32, #tpu.memory_space<vmem>> -> memref<1x128x128xf32, #tpu.memory_space<vmem>>
        %dma_wait3A_112 = tpu.memref_squeeze %dma_wait3A_111 : memref<1x128x128xf32, #tpu.memory_space<vmem>> -> memref<128x128xf32, #tpu.memory_space<vmem>>
        %dma_wait3A_113 = arith.constant 0 : i32
        %dma_wait3A_114 = tpu.memref_slice %arg7[%rem3A_62, %dma_wait3A_113] : memref<2x128xi32, #tpu.memory_space<vmem>> -> memref<1x128xi32, #tpu.memory_space<vmem>>
        %dma_wait3A_115 = tpu.memref_squeeze %dma_wait3A_114 : memref<1x128xi32, #tpu.memory_space<vmem>> -> memref<128xi32, #tpu.memory_space<vmem>>
        %dma_wait3A_116 = arith.constant 0 : i32
        %dma_wait3A_117 = arith.constant 0 : i32
        %dma_wait3A_118 = tpu.memref_slice %arg9[%dma_wait3A_116, %dma_wait3A_117] : memref<10112x128xf32, #tpu.memory_space<vmem_shared>> -> memref<10112x128xf32, #tpu.memory_space<vmem_shared>>
        tpu.wait_indirect_dma semaphore(%run_scoped3A_99 : memref<!tpu.dma_semaphore, #tpu.memory_space<semaphore_mem>>) src(%dma_wait3A_112 : memref<128x128xf32, #tpu.memory_space<vmem>>) dst(%dma_wait3A_118 : memref<10112x128xf32, #tpu.memory_space<vmem_shared>>)
        tpu.yield
      }) : () -> ()
      %while3A_98 = arith.constant 0 : i32
      scf.yield %while3A_98 : i32
    }
    %while3A_54 = arith.constant 1 : i32
    %while3A_55 = scf.for %while3A_60 = %while3A_51 to %while3A_47 step %while3A_54 iter_args(%while3A_61 = %while3A_53) -> (i32)  : i32 {
      %rem3A = arith.constant 2 : i32
      %rem3A_62 = arith.remsi %while3A_60, %rem3A : i32
      %add3A_63 = arith.constant 1 : i32
      %add3A_64 = arith.addi %while3A_60, %add3A_63 : i32
      %rem3A_65 = arith.constant 2 : i32
      %rem3A_66 = arith.remsi %add3A_64, %rem3A_65 : i32
      %add3A_67 = arith.constant 1 : i32
      %add3A_68 = arith.addi %while3A_60, %add3A_67 : i32
      %rem3A_69 = arith.constant 64 : i32
      %rem3A_70 = arith.remsi %add3A_68, %rem3A_69 : i32
      %eq3A_71 = arith.constant 0 : i32
      %eq3A_72 = arith.cmpi eq, %rem3A_70, %eq3A_71 : i32
      %add3A_73 = arith.constant 1 : i32
      %add3A_74 = arith.addi %while3A_60, %add3A_73 : i32
      %lt3A = arith.cmpi slt, %add3A_74, %select_n3A : i32
      %and3A = arith.andi %eq3A_72, %lt3A : i1
      %convert_element_type3A_75 = arith.extui %and3A : i1 to i32
      %cond3A_76 = arith.constant 0 : i32
      %cond3A_77 = arith.cmpi ne, %convert_element_type3A_75, %cond3A_76 : i32
      scf.if %cond3A_77 {
        %add3A_99 = arith.addi %select_n3A_10, %while3A_60 : i32
        %add3A_100 = arith.constant 1 : i32
        %add3A_101 = arith.addi %add3A_99, %add3A_100 : i32
        %multiple_of3A = tpu.assume_multiple %add3A_101, 8 : i32
        "tpu.region"() ({
          %run_scoped3A_102 = tpu.sem_alloc : memref<!tpu.dma_semaphore, #tpu.memory_space<semaphore_mem>>
          %dma_start3A = arith.constant 0 : i32
          %dma_start3A_103 = tpu.memref_slice %arg3[%multiple_of3A, %dma_start3A] : memref<2624x128xi32, #tpu.memory_space<hbm>> -> memref<64x128xi32, #tpu.memory_space<hbm>>
          %dma_start3A_104 = arith.constant 0 : i32
          %dma_start3A_105 = tpu.memref_slice %arg3[%multiple_of3A, %dma_start3A_104] : memref<2624x128xi32, #tpu.memory_space<hbm>> -> memref<64x128xi32, #tpu.memory_space<hbm>>
          tpu.enqueue_dma source(%dma_start3A_105 : memref<64x128xi32, #tpu.memory_space<hbm>>) target(%arg5 : memref<64x128xi32, #tpu.memory_space<vmem>>) target_semaphore(%run_scoped3A_102 : memref<!tpu.dma_semaphore, #tpu.memory_space<semaphore_mem>>)
          %dma_wait3A_106 = arith.constant 0 : i32
          %dma_wait3A_107 = tpu.memref_slice %arg3[%multiple_of3A, %dma_wait3A_106] : memref<2624x128xi32, #tpu.memory_space<hbm>> -> memref<64x128xi32, #tpu.memory_space<hbm>>
          %dma_wait3A_108 = arith.constant 0 : i32
          %dma_wait3A_109 = tpu.memref_slice %arg3[%multiple_of3A, %dma_wait3A_108] : memref<2624x128xi32, #tpu.memory_space<hbm>> -> memref<64x128xi32, #tpu.memory_space<hbm>>
          tpu.wait_dma2 semaphore(%run_scoped3A_102 : memref<!tpu.dma_semaphore, #tpu.memory_space<semaphore_mem>>) src(%dma_wait3A_109 : memref<64x128xi32, #tpu.memory_space<hbm>>) dst(%arg5 : memref<64x128xi32, #tpu.memory_space<vmem>>)
          tpu.yield
        }) : () -> ()
      } else {
      }
      %add3A_78 = arith.constant 1 : i32
      %add3A_79 = arith.addi %while3A_60, %add3A_78 : i32
      %lt3A_80 = arith.cmpi slt, %add3A_79, %select_n3A : i32
      %convert_element_type3A_81 = arith.extui %lt3A_80 : i1 to i32
      %cond3A_82 = arith.constant 0 : i32
      %cond3A_83 = arith.cmpi ne, %convert_element_type3A_81, %cond3A_82 : i32
      scf.if %cond3A_83 {
        %add3A_99 = arith.constant 1 : i32
        %add3A_100 = arith.addi %while3A_60, %add3A_99 : i32
        %rem3A_101 = arith.constant 64 : i32
        %rem3A_102 = arith.remsi %add3A_100, %rem3A_101 : i32
        %get3A = arith.index_cast %rem3A_102 : i32 to index
        %get3A_103 = arith.constant 0 : index
        %get3A_104 = tpu.vector_load %arg5[%get3A, %get3A_103] {strides = array<i32>} : memref<64x128xi32, #tpu.memory_space<vmem>>, vector<1x16xi32>,
        %get3A_105 = vector.shape_cast %get3A_104 : vector<1x16xi32> to vector<16xi32>
        %and3A_106 = arith.constant 65535 : i32
        %and3A_107 = vector.broadcast %and3A_106 : i32 to vector<16xi32>
        %and3A_108 = arith.andi %get3A_105, %and3A_107 : vector<16xi32>
        %add3A_109 = vector.broadcast %mul3A_20 : i32 to vector<16xi32>
        %add3A_110 = arith.addi %and3A_108, %add3A_109 : vector<16xi32>
        %swap3A = arith.index_cast %rem3A_66 : i32 to index
        %swap3A_111 = arith.constant 0 : index
        %swap3A_112 = tpu.vector_load %arg6[%swap3A, %swap3A_111] {strides = array<i32>} : memref<2x128xi32, #tpu.memory_space<vmem>>, vector<1x16xi32>,
        %swap3A_113 = vector.shape_cast %swap3A_112 : vector<1x16xi32> to vector<16xi32>
        %swap3A_114 = vector.shape_cast %add3A_110 : vector<16xi32> to vector<1x16xi32>
        tpu.vector_store %arg6[%swap3A, %swap3A_111], %swap3A_114 {strides = array<i32>} : memref<2x128xi32, #tpu.memory_space<vmem>>, vector<1x16xi32>,
        %shift_right_logical3A = arith.constant 16 : i32
        %shift_right_logical3A_115 = vector.broadcast %shift_right_logical3A : i32 to vector<16xi32>
        %shift_right_logical3A_116 = arith.shrui %get3A_105, %shift_right_logical3A_115 : vector<16xi32>
        %swap3A_117 = arith.index_cast %rem3A_66 : i32 to index
        %swap3A_118 = arith.constant 0 : index
        %swap3A_119 = tpu.vector_load %arg7[%swap3A_117, %swap3A_118] {strides = array<i32>} : memref<2x128xi32, #tpu.memory_space<vmem>>, vector<1x16xi32>,
        %swap3A_120 = vector.shape_cast %swap3A_119 : vector<1x16xi32> to vector<16xi32>
        %swap3A_121 = vector.shape_cast %shift_right_logical3A_116 : vector<16xi32> to vector<1x16xi32>
        tpu.vector_store %arg7[%swap3A_117, %swap3A_118], %swap3A_121 {strides = array<i32>} : memref<2x128xi32, #tpu.memory_space<vmem>>, vector<1x16xi32>,
        %get3A_122 = arith.index_cast %rem3A_102 : i32 to index
        %get3A_123 = arith.constant 16 : index
        %get3A_124 = tpu.vector_load %arg5[%get3A_122, %get3A_123] {strides = array<i32>} : memref<64x128xi32, #tpu.memory_space<vmem>>, vector<1x16xi32>,
        %get3A_125 = vector.shape_cast %get3A_124 : vector<1x16xi32> to vector<16xi32>
        %and3A_126 = arith.constant 65535 : i32
        %and3A_127 = vector.broadcast %and3A_126 : i32 to vector<16xi32>
        %and3A_128 = arith.andi %get3A_125, %and3A_127 : vector<16xi32>
        %add3A_129 = vector.broadcast %mul3A_20 : i32 to vector<16xi32>
        %add3A_130 = arith.addi %and3A_128, %add3A_129 : vector<16xi32>
        %swap3A_131 = arith.index_cast %rem3A_66 : i32 to index
        %swap3A_132 = arith.constant 16 : index
        %swap3A_133 = tpu.vector_load %arg6[%swap3A_131, %swap3A_132] {strides = array<i32>} : memref<2x128xi32, #tpu.memory_space<vmem>>, vector<1x16xi32>,
        %swap3A_134 = vector.shape_cast %swap3A_133 : vector<1x16xi32> to vector<16xi32>
        %swap3A_135 = vector.shape_cast %add3A_130 : vector<16xi32> to vector<1x16xi32>
        tpu.vector_store %arg6[%swap3A_131, %swap3A_132], %swap3A_135 {strides = array<i32>} : memref<2x128xi32, #tpu.memory_space<vmem>>, vector<1x16xi32>,
        %shift_right_logical3A_136 = arith.constant 16 : i32
        %shift_right_logical3A_137 = vector.broadcast %shift_right_logical3A_136 : i32 to vector<16xi32>
        %shift_right_logical3A_138 = arith.shrui %get3A_125, %shift_right_logical3A_137 : vector<16xi32>
        %swap3A_139 = arith.index_cast %rem3A_66 : i32 to index
        %swap3A_140 = arith.constant 16 : index
        %swap3A_141 = tpu.vector_load %arg7[%swap3A_139, %swap3A_140] {strides = array<i32>} : memref<2x128xi32, #tpu.memory_space<vmem>>, vector<1x16xi32>,
        %swap3A_142 = vector.shape_cast %swap3A_141 : vector<1x16xi32> to vector<16xi32>
        %swap3A_143 = vector.shape_cast %shift_right_logical3A_138 : vector<16xi32> to vector<1x16xi32>
        tpu.vector_store %arg7[%swap3A_139, %swap3A_140], %swap3A_143 {strides = array<i32>} : memref<2x128xi32, #tpu.memory_space<vmem>>, vector<1x16xi32>,
        %get3A_144 = arith.index_cast %rem3A_102 : i32 to index
        %get3A_145 = arith.constant 32 : index
        %get3A_146 = tpu.vector_load %arg5[%get3A_144, %get3A_145] {strides = array<i32>} : memref<64x128xi32, #tpu.memory_space<vmem>>, vector<1x16xi32>,
        %get3A_147 = vector.shape_cast %get3A_146 : vector<1x16xi32> to vector<16xi32>
        %and3A_148 = arith.constant 65535 : i32
        %and3A_149 = vector.broadcast %and3A_148 : i32 to vector<16xi32>
        %and3A_150 = arith.andi %get3A_147, %and3A_149 : vector<16xi32>
        %add3A_151 = vector.broadcast %mul3A_20 : i32 to vector<16xi32>
        %add3A_152 = arith.addi %and3A_150, %add3A_151 : vector<16xi32>
        %swap3A_153 = arith.index_cast %rem3A_66 : i32 to index
        %swap3A_154 = arith.constant 32 : index
        %swap3A_155 = tpu.vector_load %arg6[%swap3A_153, %swap3A_154] {strides = array<i32>} : memref<2x128xi32, #tpu.memory_space<vmem>>, vector<1x16xi32>,
        %swap3A_156 = vector.shape_cast %swap3A_155 : vector<1x16xi32> to vector<16xi32>
        %swap3A_157 = vector.shape_cast %add3A_152 : vector<16xi32> to vector<1x16xi32>
        tpu.vector_store %arg6[%swap3A_153, %swap3A_154], %swap3A_157 {strides = array<i32>} : memref<2x128xi32, #tpu.memory_space<vmem>>, vector<1x16xi32>,
        %shift_right_logical3A_158 = arith.constant 16 : i32
        %shift_right_logical3A_159 = vector.broadcast %shift_right_logical3A_158 : i32 to vector<16xi32>
        %shift_right_logical3A_160 = arith.shrui %get3A_147, %shift_right_logical3A_159 : vector<16xi32>
        %swap3A_161 = arith.index_cast %rem3A_66 : i32 to index
        %swap3A_162 = arith.constant 32 : index
        %swap3A_163 = tpu.vector_load %arg7[%swap3A_161, %swap3A_162] {strides = array<i32>} : memref<2x128xi32, #tpu.memory_space<vmem>>, vector<1x16xi32>,
        %swap3A_164 = vector.shape_cast %swap3A_163 : vector<1x16xi32> to vector<16xi32>
        %swap3A_165 = vector.shape_cast %shift_right_logical3A_160 : vector<16xi32> to vector<1x16xi32>
        tpu.vector_store %arg7[%swap3A_161, %swap3A_162], %swap3A_165 {strides = array<i32>} : memref<2x128xi32, #tpu.memory_space<vmem>>, vector<1x16xi32>,
        %get3A_166 = arith.index_cast %rem3A_102 : i32 to index
        %get3A_167 = arith.constant 48 : index
        %get3A_168 = tpu.vector_load %arg5[%get3A_166, %get3A_167] {strides = array<i32>} : memref<64x128xi32, #tpu.memory_space<vmem>>, vector<1x16xi32>,
        %get3A_169 = vector.shape_cast %get3A_168 : vector<1x16xi32> to vector<16xi32>
        %and3A_170 = arith.constant 65535 : i32
        %and3A_171 = vector.broadcast %and3A_170 : i32 to vector<16xi32>
        %and3A_172 = arith.andi %get3A_169, %and3A_171 : vector<16xi32>
        %add3A_173 = vector.broadcast %mul3A_20 : i32 to vector<16xi32>
        %add3A_174 = arith.addi %and3A_172, %add3A_173 : vector<16xi32>
        %swap3A_175 = arith.index_cast %rem3A_66 : i32 to index
        %swap3A_176 = arith.constant 48 : index
        %swap3A_177 = tpu.vector_load %arg6[%swap3A_175, %swap3A_176] {strides = array<i32>} : memref<2x128xi32, #tpu.memory_space<vmem>>, vector<1x16xi32>,
        %swap3A_178 = vector.shape_cast %swap3A_177 : vector<1x16xi32> to vector<16xi32>
        %swap3A_179 = vector.shape_cast %add3A_174 : vector<16xi32> to vector<1x16xi32>
        tpu.vector_store %arg6[%swap3A_175, %swap3A_176], %swap3A_179 {strides = array<i32>} : memref<2x128xi32, #tpu.memory_space<vmem>>, vector<1x16xi32>,
        %shift_right_logical3A_180 = arith.constant 16 : i32
        %shift_right_logical3A_181 = vector.broadcast %shift_right_logical3A_180 : i32 to vector<16xi32>
        %shift_right_logical3A_182 = arith.shrui %get3A_169, %shift_right_logical3A_181 : vector<16xi32>
        %swap3A_183 = arith.index_cast %rem3A_66 : i32 to index
        %swap3A_184 = arith.constant 48 : index
        %swap3A_185 = tpu.vector_load %arg7[%swap3A_183, %swap3A_184] {strides = array<i32>} : memref<2x128xi32, #tpu.memory_space<vmem>>, vector<1x16xi32>,
        %swap3A_186 = vector.shape_cast %swap3A_185 : vector<1x16xi32> to vector<16xi32>
        %swap3A_187 = vector.shape_cast %shift_right_logical3A_182 : vector<16xi32> to vector<1x16xi32>
        tpu.vector_store %arg7[%swap3A_183, %swap3A_184], %swap3A_187 {strides = array<i32>} : memref<2x128xi32, #tpu.memory_space<vmem>>, vector<1x16xi32>,
        %get3A_188 = arith.index_cast %rem3A_102 : i32 to index
        %get3A_189 = arith.constant 64 : index
        %get3A_190 = tpu.vector_load %arg5[%get3A_188, %get3A_189] {strides = array<i32>} : memref<64x128xi32, #tpu.memory_space<vmem>>, vector<1x16xi32>,
        %get3A_191 = vector.shape_cast %get3A_190 : vector<1x16xi32> to vector<16xi32>
        %and3A_192 = arith.constant 65535 : i32
        %and3A_193 = vector.broadcast %and3A_192 : i32 to vector<16xi32>
        %and3A_194 = arith.andi %get3A_191, %and3A_193 : vector<16xi32>
        %add3A_195 = vector.broadcast %mul3A_20 : i32 to vector<16xi32>
        %add3A_196 = arith.addi %and3A_194, %add3A_195 : vector<16xi32>
        %swap3A_197 = arith.index_cast %rem3A_66 : i32 to index
        %swap3A_198 = arith.constant 64 : index
        %swap3A_199 = tpu.vector_load %arg6[%swap3A_197, %swap3A_198] {strides = array<i32>} : memref<2x128xi32, #tpu.memory_space<vmem>>, vector<1x16xi32>,
        %swap3A_200 = vector.shape_cast %swap3A_199 : vector<1x16xi32> to vector<16xi32>
        %swap3A_201 = vector.shape_cast %add3A_196 : vector<16xi32> to vector<1x16xi32>
        tpu.vector_store %arg6[%swap3A_197, %swap3A_198], %swap3A_201 {strides = array<i32>} : memref<2x128xi32, #tpu.memory_space<vmem>>, vector<1x16xi32>,
        %shift_right_logical3A_202 = arith.constant 16 : i32
        %shift_right_logical3A_203 = vector.broadcast %shift_right_logical3A_202 : i32 to vector<16xi32>
        %shift_right_logical3A_204 = arith.shrui %get3A_191, %shift_right_logical3A_203 : vector<16xi32>
        %swap3A_205 = arith.index_cast %rem3A_66 : i32 to index
        %swap3A_206 = arith.constant 64 : index
        %swap3A_207 = tpu.vector_load %arg7[%swap3A_205, %swap3A_206] {strides = array<i32>} : memref<2x128xi32, #tpu.memory_space<vmem>>, vector<1x16xi32>,
        %swap3A_208 = vector.shape_cast %swap3A_207 : vector<1x16xi32> to vector<16xi32>
        %swap3A_209 = vector.shape_cast %shift_right_logical3A_204 : vector<16xi32> to vector<1x16xi32>
        tpu.vector_store %arg7[%swap3A_205, %swap3A_206], %swap3A_209 {strides = array<i32>} : memref<2x128xi32, #tpu.memory_space<vmem>>, vector<1x16xi32>,
        %get3A_210 = arith.index_cast %rem3A_102 : i32 to index
        %get3A_211 = arith.constant 80 : index
        %get3A_212 = tpu.vector_load %arg5[%get3A_210, %get3A_211] {strides = array<i32>} : memref<64x128xi32, #tpu.memory_space<vmem>>, vector<1x16xi32>,
        %get3A_213 = vector.shape_cast %get3A_212 : vector<1x16xi32> to vector<16xi32>
        %and3A_214 = arith.constant 65535 : i32
        %and3A_215 = vector.broadcast %and3A_214 : i32 to vector<16xi32>
        %and3A_216 = arith.andi %get3A_213, %and3A_215 : vector<16xi32>
        %add3A_217 = vector.broadcast %mul3A_20 : i32 to vector<16xi32>
        %add3A_218 = arith.addi %and3A_216, %add3A_217 : vector<16xi32>
        %swap3A_219 = arith.index_cast %rem3A_66 : i32 to index
        %swap3A_220 = arith.constant 80 : index
        %swap3A_221 = tpu.vector_load %arg6[%swap3A_219, %swap3A_220] {strides = array<i32>} : memref<2x128xi32, #tpu.memory_space<vmem>>, vector<1x16xi32>,
        %swap3A_222 = vector.shape_cast %swap3A_221 : vector<1x16xi32> to vector<16xi32>
        %swap3A_223 = vector.shape_cast %add3A_218 : vector<16xi32> to vector<1x16xi32>
        tpu.vector_store %arg6[%swap3A_219, %swap3A_220], %swap3A_223 {strides = array<i32>} : memref<2x128xi32, #tpu.memory_space<vmem>>, vector<1x16xi32>,
        %shift_right_logical3A_224 = arith.constant 16 : i32
        %shift_right_logical3A_225 = vector.broadcast %shift_right_logical3A_224 : i32 to vector<16xi32>
        %shift_right_logical3A_226 = arith.shrui %get3A_213, %shift_right_logical3A_225 : vector<16xi32>
        %swap3A_227 = arith.index_cast %rem3A_66 : i32 to index
        %swap3A_228 = arith.constant 80 : index
        %swap3A_229 = tpu.vector_load %arg7[%swap3A_227, %swap3A_228] {strides = array<i32>} : memref<2x128xi32, #tpu.memory_space<vmem>>, vector<1x16xi32>,
        %swap3A_230 = vector.shape_cast %swap3A_229 : vector<1x16xi32> to vector<16xi32>
        %swap3A_231 = vector.shape_cast %shift_right_logical3A_226 : vector<16xi32> to vector<1x16xi32>
        tpu.vector_store %arg7[%swap3A_227, %swap3A_228], %swap3A_231 {strides = array<i32>} : memref<2x128xi32, #tpu.memory_space<vmem>>, vector<1x16xi32>,
        %get3A_232 = arith.index_cast %rem3A_102 : i32 to index
        %get3A_233 = arith.constant 96 : index
        %get3A_234 = tpu.vector_load %arg5[%get3A_232, %get3A_233] {strides = array<i32>} : memref<64x128xi32, #tpu.memory_space<vmem>>, vector<1x16xi32>,
        %get3A_235 = vector.shape_cast %get3A_234 : vector<1x16xi32> to vector<16xi32>
        %and3A_236 = arith.constant 65535 : i32
        %and3A_237 = vector.broadcast %and3A_236 : i32 to vector<16xi32>
        %and3A_238 = arith.andi %get3A_235, %and3A_237 : vector<16xi32>
        %add3A_239 = vector.broadcast %mul3A_20 : i32 to vector<16xi32>
        %add3A_240 = arith.addi %and3A_238, %add3A_239 : vector<16xi32>
        %swap3A_241 = arith.index_cast %rem3A_66 : i32 to index
        %swap3A_242 = arith.constant 96 : index
        %swap3A_243 = tpu.vector_load %arg6[%swap3A_241, %swap3A_242] {strides = array<i32>} : memref<2x128xi32, #tpu.memory_space<vmem>>, vector<1x16xi32>,
        %swap3A_244 = vector.shape_cast %swap3A_243 : vector<1x16xi32> to vector<16xi32>
        %swap3A_245 = vector.shape_cast %add3A_240 : vector<16xi32> to vector<1x16xi32>
        tpu.vector_store %arg6[%swap3A_241, %swap3A_242], %swap3A_245 {strides = array<i32>} : memref<2x128xi32, #tpu.memory_space<vmem>>, vector<1x16xi32>,
        %shift_right_logical3A_246 = arith.constant 16 : i32
        %shift_right_logical3A_247 = vector.broadcast %shift_right_logical3A_246 : i32 to vector<16xi32>
        %shift_right_logical3A_248 = arith.shrui %get3A_235, %shift_right_logical3A_247 : vector<16xi32>
        %swap3A_249 = arith.index_cast %rem3A_66 : i32 to index
        %swap3A_250 = arith.constant 96 : index
        %swap3A_251 = tpu.vector_load %arg7[%swap3A_249, %swap3A_250] {strides = array<i32>} : memref<2x128xi32, #tpu.memory_space<vmem>>, vector<1x16xi32>,
        %swap3A_252 = vector.shape_cast %swap3A_251 : vector<1x16xi32> to vector<16xi32>
        %swap3A_253 = vector.shape_cast %shift_right_logical3A_248 : vector<16xi32> to vector<1x16xi32>
        tpu.vector_store %arg7[%swap3A_249, %swap3A_250], %swap3A_253 {strides = array<i32>} : memref<2x128xi32, #tpu.memory_space<vmem>>, vector<1x16xi32>,
        %get3A_254 = arith.index_cast %rem3A_102 : i32 to index
        %get3A_255 = arith.constant 112 : index
        %get3A_256 = tpu.vector_load %arg5[%get3A_254, %get3A_255] {strides = array<i32>} : memref<64x128xi32, #tpu.memory_space<vmem>>, vector<1x16xi32>,
        %get3A_257 = vector.shape_cast %get3A_256 : vector<1x16xi32> to vector<16xi32>
        %and3A_258 = arith.constant 65535 : i32
        %and3A_259 = vector.broadcast %and3A_258 : i32 to vector<16xi32>
        %and3A_260 = arith.andi %get3A_257, %and3A_259 : vector<16xi32>
        %add3A_261 = vector.broadcast %mul3A_20 : i32 to vector<16xi32>
        %add3A_262 = arith.addi %and3A_260, %add3A_261 : vector<16xi32>
        %swap3A_263 = arith.index_cast %rem3A_66 : i32 to index
        %swap3A_264 = arith.constant 112 : index
        %swap3A_265 = tpu.vector_load %arg6[%swap3A_263, %swap3A_264] {strides = array<i32>} : memref<2x128xi32, #tpu.memory_space<vmem>>, vector<1x16xi32>,
        %swap3A_266 = vector.shape_cast %swap3A_265 : vector<1x16xi32> to vector<16xi32>
        %swap3A_267 = vector.shape_cast %add3A_262 : vector<16xi32> to vector<1x16xi32>
        tpu.vector_store %arg6[%swap3A_263, %swap3A_264], %swap3A_267 {strides = array<i32>} : memref<2x128xi32, #tpu.memory_space<vmem>>, vector<1x16xi32>,
        %shift_right_logical3A_268 = arith.constant 16 : i32
        %shift_right_logical3A_269 = vector.broadcast %shift_right_logical3A_268 : i32 to vector<16xi32>
        %shift_right_logical3A_270 = arith.shrui %get3A_257, %shift_right_logical3A_269 : vector<16xi32>
        %swap3A_271 = arith.index_cast %rem3A_66 : i32 to index
        %swap3A_272 = arith.constant 112 : index
        %swap3A_273 = tpu.vector_load %arg7[%swap3A_271, %swap3A_272] {strides = array<i32>} : memref<2x128xi32, #tpu.memory_space<vmem>>, vector<1x16xi32>,
        %swap3A_274 = vector.shape_cast %swap3A_273 : vector<1x16xi32> to vector<16xi32>
        %swap3A_275 = vector.shape_cast %shift_right_logical3A_270 : vector<16xi32> to vector<1x16xi32>
        tpu.vector_store %arg7[%swap3A_271, %swap3A_272], %swap3A_275 {strides = array<i32>} : memref<2x128xi32, #tpu.memory_space<vmem>>, vector<1x16xi32>,
        %dma_start3A = arith.constant 0 : i32
        %dma_start3A_276 = arith.constant 0 : i32
        %dma_start3A_277 = tpu.memref_slice %arg8[%rem3A_66, %dma_start3A, %dma_start3A_276] : memref<2x128x128xf32, #tpu.memory_space<vmem>> -> memref<1x128x128xf32, #tpu.memory_space<vmem>>
        %dma_start3A_278 = tpu.memref_squeeze %dma_start3A_277 : memref<1x128x128xf32, #tpu.memory_space<vmem>> -> memref<128x128xf32, #tpu.memory_space<vmem>>
        %dma_start3A_279 = arith.constant 0 : i32
        %dma_start3A_280 = tpu.memref_slice %arg6[%rem3A_66, %dma_start3A_279] : memref<2x128xi32, #tpu.memory_space<vmem>> -> memref<1x128xi32, #tpu.memory_space<vmem>>
        %dma_start3A_281 = tpu.memref_squeeze %dma_start3A_280 : memref<1x128xi32, #tpu.memory_space<vmem>> -> memref<128xi32, #tpu.memory_space<vmem>>
        %dma_start3A_282 = arith.constant 0 : i32
        %dma_start3A_283 = arith.constant 0 : i32
        %dma_start3A_284 = tpu.memref_slice %arg2[%dma_start3A_282, %dma_start3A_283] : memref<20000x128xf32, #tpu.memory_space<hbm>> -> memref<20000x128xf32, #tpu.memory_space<hbm>>
        tpu.enqueue_indirect_dma source(%dma_start3A_284 : memref<20000x128xf32, #tpu.memory_space<hbm>>) target(%dma_start3A_278 : memref<128x128xf32, #tpu.memory_space<vmem>>) offsets(%dma_start3A_281 : memref<128xi32, #tpu.memory_space<vmem>>) semaphore(%arg10 : memref<!tpu.dma_semaphore, #tpu.memory_space<semaphore_mem>>)
      } else {
      }
      %dma_wait3A = arith.constant 0 : i32
      %dma_wait3A_84 = arith.constant 0 : i32
      %dma_wait3A_85 = arith.constant 0 : i32
      %dma_wait3A_86 = tpu.memref_slice %arg8[%dma_wait3A, %dma_wait3A_84, %dma_wait3A_85] : memref<2x128x128xf32, #tpu.memory_space<vmem>> -> memref<1x128x128xf32, #tpu.memory_space<vmem>>
      %dma_wait3A_87 = tpu.memref_squeeze %dma_wait3A_86 : memref<1x128x128xf32, #tpu.memory_space<vmem>> -> memref<128x128xf32, #tpu.memory_space<vmem>>
      %dma_wait3A_88 = arith.constant 0 : i32
      %dma_wait3A_89 = arith.constant 0 : i32
      %dma_wait3A_90 = tpu.memref_slice %arg2[%dma_wait3A_88, %dma_wait3A_89] : memref<20000x128xf32, #tpu.memory_space<hbm>> -> memref<128x128xf32, #tpu.memory_space<hbm>>
      %dma_wait3A_91 = arith.constant 0 : i32
      %dma_wait3A_92 = arith.constant 0 : i32
      %dma_wait3A_93 = tpu.memref_slice %arg8[%dma_wait3A, %dma_wait3A_91, %dma_wait3A_92] : memref<2x128x128xf32, #tpu.memory_space<vmem>> -> memref<1x128x128xf32, #tpu.memory_space<vmem>>
      %dma_wait3A_94 = tpu.memref_squeeze %dma_wait3A_93 : memref<1x128x128xf32, #tpu.memory_space<vmem>> -> memref<128x128xf32, #tpu.memory_space<vmem>>
      %dma_wait3A_95 = arith.constant 0 : i32
      %dma_wait3A_96 = arith.constant 0 : i32
      %dma_wait3A_97 = tpu.memref_slice %arg2[%dma_wait3A_95, %dma_wait3A_96] : memref<20000x128xf32, #tpu.memory_space<hbm>> -> memref<128x128xf32, #tpu.memory_space<hbm>>
      tpu.wait_dma2 semaphore(%arg10 : memref<!tpu.dma_semaphore, #tpu.memory_space<semaphore_mem>>) src(%dma_wait3A_97 : memref<128x128xf32, #tpu.memory_space<hbm>>) dst(%dma_wait3A_94 : memref<128x128xf32, #tpu.memory_space<vmem>>)
      "tpu.region"() ({
        %run_scoped3A_99 = tpu.sem_alloc : memref<!tpu.dma_semaphore, #tpu.memory_space<semaphore_mem>>
        %dma_start3A = arith.constant 0 : i32
        %dma_start3A_100 = arith.constant 0 : i32
        %dma_start3A_101 = tpu.memref_slice %arg8[%rem3A_62, %dma_start3A, %dma_start3A_100] : memref<2x128x128xf32, #tpu.memory_space<vmem>> -> memref<1x128x128xf32, #tpu.memory_space<vmem>>
        %dma_start3A_102 = tpu.memref_squeeze %dma_start3A_101 : memref<1x128x128xf32, #tpu.memory_space<vmem>> -> memref<128x128xf32, #tpu.memory_space<vmem>>
        %dma_start3A_103 = arith.constant 0 : i32
        %dma_start3A_104 = tpu.memref_slice %arg7[%rem3A_62, %dma_start3A_103] : memref<2x128xi32, #tpu.memory_space<vmem>> -> memref<1x128xi32, #tpu.memory_space<vmem>>
        %dma_start3A_105 = tpu.memref_squeeze %dma_start3A_104 : memref<1x128xi32, #tpu.memory_space<vmem>> -> memref<128xi32, #tpu.memory_space<vmem>>
        %dma_start3A_106 = arith.constant 0 : i32
        %dma_start3A_107 = arith.constant 0 : i32
        %dma_start3A_108 = tpu.memref_slice %arg9[%dma_start3A_106, %dma_start3A_107] : memref<10112x128xf32, #tpu.memory_space<vmem_shared>> -> memref<10112x128xf32, #tpu.memory_space<vmem_shared>>
        tpu.enqueue_indirect_dma source(%dma_start3A_102 : memref<128x128xf32, #tpu.memory_space<vmem>>) target(%dma_start3A_108 : memref<10112x128xf32, #tpu.memory_space<vmem_shared>>) offsets(%dma_start3A_105 : memref<128xi32, #tpu.memory_space<vmem>>) semaphore(%run_scoped3A_99 : memref<!tpu.dma_semaphore, #tpu.memory_space<semaphore_mem>>) {add = true}
        %dma_wait3A_109 = arith.constant 0 : i32
        %dma_wait3A_110 = arith.constant 0 : i32
        %dma_wait3A_111 = tpu.memref_slice %arg8[%rem3A_62, %dma_wait3A_109, %dma_wait3A_110] : memref<2x128x128xf32, #tpu.memory_space<vmem>> -> memref<1x128x128xf32, #tpu.memory_space<vmem>>
        %dma_wait3A_112 = tpu.memref_squeeze %dma_wait3A_111 : memref<1x128x128xf32, #tpu.memory_space<vmem>> -> memref<128x128xf32, #tpu.memory_space<vmem>>
        %dma_wait3A_113 = arith.constant 0 : i32
        %dma_wait3A_114 = tpu.memref_slice %arg7[%rem3A_62, %dma_wait3A_113] : memref<2x128xi32, #tpu.memory_space<vmem>> -> memref<1x128xi32, #tpu.memory_space<vmem>>
        %dma_wait3A_115 = tpu.memref_squeeze %dma_wait3A_114 : memref<1x128xi32, #tpu.memory_space<vmem>> -> memref<128xi32, #tpu.memory_space<vmem>>
        %dma_wait3A_116 = arith.constant 0 : i32
        %dma_wait3A_117 = arith.constant 0 : i32
        %dma_wait3A_118 = tpu.memref_slice %arg9[%dma_wait3A_116, %dma_wait3A_117] : memref<10112x128xf32, #tpu.memory_space<vmem_shared>> -> memref<10112x128xf32, #tpu.memory_space<vmem_shared>>
        tpu.wait_indirect_dma semaphore(%run_scoped3A_99 : memref<!tpu.dma_semaphore, #tpu.memory_space<semaphore_mem>>) src(%dma_wait3A_112 : memref<128x128xf32, #tpu.memory_space<vmem>>) dst(%dma_wait3A_118 : memref<10112x128xf32, #tpu.memory_space<vmem_shared>>)
        tpu.yield
      }) : () -> ()
      %while3A_98 = arith.constant 0 : i32
      scf.yield %while3A_98 : i32
    }
    %barrier3A_56 = arith.constant 0 : index
    tpu.barrier barrier_id(%barrier3A_56)
    %mul3A_57 = arith.constant 10112 : i32
    %mul3A_58 = arith.muli %arg0, %mul3A_57 : i32
    %add3A_59 = arith.addi %mul3A_58, %mul3A_0 : i32
    "tpu.region"() ({
      %run_scoped3A_60 = tpu.sem_alloc : memref<!tpu.dma_semaphore, #tpu.memory_space<semaphore_mem>>
      %dma_start3A = arith.constant 0 : i32
      %dma_start3A_61 = tpu.memref_slice %arg4[%add3A_59, %dma_start3A] : memref<20224x128xf32, #tpu.memory_space<hbm>> -> memref<632x128xf32, #tpu.memory_space<hbm>>
      %dma_start3A_62 = arith.constant 0 : i32
      %dma_start3A_63 = tpu.memref_slice %arg9[%mul3A_0, %dma_start3A_62] : memref<10112x128xf32, #tpu.memory_space<vmem_shared>> -> memref<632x128xf32, #tpu.memory_space<vmem_shared>>
      tpu.enqueue_dma source(%dma_start3A_63 : memref<632x128xf32, #tpu.memory_space<vmem_shared>>) target(%dma_start3A_61 : memref<632x128xf32, #tpu.memory_space<hbm>>) target_semaphore(%run_scoped3A_60 : memref<!tpu.dma_semaphore, #tpu.memory_space<semaphore_mem>>)
      %dma_wait3A = arith.constant 0 : i32
      %dma_wait3A_64 = tpu.memref_slice %arg4[%add3A_59, %dma_wait3A] : memref<20224x128xf32, #tpu.memory_space<hbm>> -> memref<632x128xf32, #tpu.memory_space<hbm>>
      %dma_wait3A_65 = arith.constant 0 : i32
      %dma_wait3A_66 = tpu.memref_slice %arg9[%mul3A_0, %dma_wait3A_65] : memref<10112x128xf32, #tpu.memory_space<vmem_shared>> -> memref<632x128xf32, #tpu.memory_space<vmem_shared>>
      tpu.wait_dma2 semaphore(%run_scoped3A_60 : memref<!tpu.dma_semaphore, #tpu.memory_space<semaphore_mem>>) src(%dma_wait3A_66 : memref<632x128xf32, #tpu.memory_space<vmem_shared>>) dst(%dma_wait3A_64 : memref<632x128xf32, #tpu.memory_space<hbm>>)
      tpu.yield
    }) : () -> ()
    return
  }
}

module attributes {stable_mosaic.version = 14 : i64} {
  func.func @_combine_body(%arg0: i32, %arg1: memref<2x400x128xf32, #tpu.memory_space<vmem>>, %arg2: memref<2x400x1xf32, #tpu.memory_space<vmem>>, %arg3: memref<400x128xf32, #tpu.memory_space<vmem>>, %arg4: memref<128x128xf32, #tpu.memory_space<vmem>>, %arg5: memref<128x128xf32, #tpu.memory_space<vmem>>, %arg6: memref<1x128xf32, #tpu.memory_space<vmem>>, %arg7: memref<2x400x128xf32, #tpu.memory_space<vmem>>) attributes {dimension_semantics = [#tpu.dimension_semantics<arbitrary>], iteration_bounds = array<i64: 25>, scalar_prefetch = 0 : i64, scratch_operands = 0 : i64, tpu.core_type = #tpu.core_type<tc>, window_params = [{transform_indices = @transform_0, window_bounds = array<i64: 2, 400, 128>}, {transform_indices = @transform_1, window_bounds = array<i64: 2, 400, 1>}, {transform_indices = @transform_2, window_bounds = array<i64: 400, 128>}, {pipeline_mode = #tpu.pipeline_mode<synchronous>, transform_indices = @transform_3, window_bounds = array<i64: 128, 128>}, {pipeline_mode = #tpu.pipeline_mode<synchronous>, transform_indices = @transform_4, window_bounds = array<i64: 128, 128>}, {pipeline_mode = #tpu.pipeline_mode<synchronous>, transform_indices = @transform_5, window_bounds = array<i64: 1, 128>}, {transform_indices = @transform_6, window_bounds = array<i64: 2, 400, 128>}]} {
    %get3A = arith.constant 0 : index
    %get3A_0 = arith.constant 0 : index
    %get3A_1 = arith.constant 0 : index
    %get3A_2 = vector.load %arg2[%get3A, %get3A_0, %get3A_1] : memref<2x400x1xf32, #tpu.memory_space<vmem>>, vector<1x400x1xf32>
    %get3A_3 = vector.shape_cast %get3A_2 : vector<1x400x1xf32> to vector<400xf32>
    %get3A_4 = arith.constant 1 : index
    %get3A_5 = arith.constant 0 : index
    %get3A_6 = arith.constant 0 : index
    %get3A_7 = vector.load %arg2[%get3A_4, %get3A_5, %get3A_6] : memref<2x400x1xf32, #tpu.memory_space<vmem>>, vector<1x400x1xf32>
    %get3A_8 = vector.shape_cast %get3A_7 : vector<1x400x1xf32> to vector<400xf32>
    %add3A = arith.addf %get3A_3, %get3A_8 : vector<400xf32>
    %max3A = arith.constant 1.000000e+00 : f32
    %max3A_9 = vector.broadcast %max3A : f32 to vector<400xf32>
    %max3A_10 = arith.maximumf %add3A, %max3A_9 : vector<400xf32>
    %get3A_11 = arith.constant 0 : index
    %get3A_12 = arith.constant 0 : index
    %get3A_13 = arith.constant 0 : index
    %get3A_14 = vector.load %arg1[%get3A_11, %get3A_12, %get3A_13] : memref<2x400x128xf32, #tpu.memory_space<vmem>>, vector<1x400x128xf32>
    %get3A_15 = vector.shape_cast %get3A_14 : vector<1x400x128xf32> to vector<400x128xf32>
    %get3A_16 = arith.constant 1 : index
    %get3A_17 = arith.constant 0 : index
    %get3A_18 = arith.constant 0 : index
    %get3A_19 = vector.load %arg1[%get3A_16, %get3A_17, %get3A_18] : memref<2x400x128xf32, #tpu.memory_space<vmem>>, vector<1x400x128xf32>
    %get3A_20 = vector.shape_cast %get3A_19 : vector<1x400x128xf32> to vector<400x128xf32>
    %add3A_21 = arith.addf %get3A_15, %get3A_20 : vector<400x128xf32>
    %broadcast_in_dim3A = vector.shape_cast %max3A_10 : vector<400xf32> to vector<400x1xf32>
    %div3A = vector.broadcast %broadcast_in_dim3A : vector<400x1xf32> to vector<400x128xf32>
    %div3A_22 = arith.divf %add3A_21, %div3A : vector<400x128xf32>
    %get3A_23 = arith.constant 0 : index
    %get3A_24 = arith.constant 0 : index
    %get3A_25 = vector.load %arg4[%get3A_23, %get3A_24] : memref<128x128xf32, #tpu.memory_space<vmem>>, vector<128x128xf32>
    %dot_general3A = arith.constant dense<0.000000e+00> : vector<400x128xf32>
    %dot_general3A_26 = tpu.matmul %div3A_22, %get3A_25, %dot_general3A {dimension_numbers = #tpu.dot_dimension_numbers<[1], [0], [0], [1], [0, 0, 1, 1], [], []>, precision = #tpu.contract_precision<fp32>, transpose_lhs_hint = false} : vector<400x128xf32>, vector<128x128xf32>, vector<400x128xf32> -> vector<400x128xf32>
    %get3A_27 = arith.constant 0 : index
    %get3A_28 = arith.constant 0 : index
    %get3A_29 = vector.load %arg3[%get3A_27, %get3A_28] : memref<400x128xf32, #tpu.memory_space<vmem>>, vector<400x128xf32>
    %get3A_30 = arith.constant 0 : index
    %get3A_31 = arith.constant 0 : index
    %get3A_32 = vector.load %arg5[%get3A_30, %get3A_31] : memref<128x128xf32, #tpu.memory_space<vmem>>, vector<128x128xf32>
    %dot_general3A_33 = arith.constant dense<0.000000e+00> : vector<400x128xf32>
    %dot_general3A_34 = tpu.matmul %get3A_29, %get3A_32, %dot_general3A_33 {dimension_numbers = #tpu.dot_dimension_numbers<[1], [0], [0], [1], [0, 0, 1, 1], [], []>, precision = #tpu.contract_precision<fp32>, transpose_lhs_hint = false} : vector<400x128xf32>, vector<128x128xf32>, vector<400x128xf32> -> vector<400x128xf32>
    %add3A_35 = arith.addf %dot_general3A_26, %dot_general3A_34 : vector<400x128xf32>
    %get3A_36 = arith.constant 0 : index
    %get3A_37 = arith.constant 0 : index
    %get3A_38 = vector.load %arg6[%get3A_36, %get3A_37] : memref<1x128xf32, #tpu.memory_space<vmem>>, vector<1x128xf32>
    %add3A_39 = vector.broadcast %get3A_38 : vector<1x128xf32> to vector<400x128xf32>
    %add3A_40 = arith.addf %add3A_35, %add3A_39 : vector<400x128xf32>
    %max3A_41 = arith.constant 0.000000e+00 : f32
    %max3A_42 = vector.broadcast %max3A_41 : f32 to vector<400x128xf32>
    %max3A_43 = arith.maximumf %add3A_40, %max3A_42 : vector<400x128xf32>
    %broadcast_in_dim3A_44 = vector.shape_cast %max3A_43 : vector<400x128xf32> to vector<1x400x128xf32>
    %broadcast_in_dim3A_45 = vector.shape_cast %broadcast_in_dim3A_44 : vector<1x400x128xf32> to vector<1x400x128xf32>
    %broadcast_in_dim3A_46 = vector.broadcast %broadcast_in_dim3A_45 : vector<1x400x128xf32> to vector<2x400x128xf32>
    %swap3A = arith.constant 0 : index
    %swap3A_47 = arith.constant 0 : index
    %swap3A_48 = arith.constant 0 : index
    %swap3A_49 = vector.load %arg7[%swap3A, %swap3A_47, %swap3A_48] : memref<2x400x128xf32, #tpu.memory_space<vmem>>, vector<2x400x128xf32>
    tpu.vector_store %arg7[%swap3A, %swap3A_47, %swap3A_48], %broadcast_in_dim3A_46 {strides = array<i32>} : memref<2x400x128xf32, #tpu.memory_space<vmem>>, vector<2x400x128xf32>,
    return
  }
  func.func @transform_0(%arg0: i32) -> (i32, i32, i32) {
    %c0_i32 = arith.constant 0 : i32
    %c0_i32_0 = arith.constant 0 : i32
    %c0_i32_1 = arith.constant 0 : i32
    return %c0_i32, %arg0, %c0_i32_0 : i32, i32, i32
  }
  func.func @transform_1(%arg0: i32) -> (i32, i32, i32) {
    %c0_i32 = arith.constant 0 : i32
    %c0_i32_0 = arith.constant 0 : i32
    %c0_i32_1 = arith.constant 0 : i32
    return %c0_i32, %arg0, %c0_i32_0 : i32, i32, i32
  }
  func.func @transform_2(%arg0: i32) -> (i32, i32) {
    %c0_i32 = arith.constant 0 : i32
    %c0_i32_0 = arith.constant 0 : i32
    return %arg0, %c0_i32 : i32, i32
  }
  func.func @transform_3(%arg0: i32) -> (i32, i32) {
    %c0_i32 = arith.constant 0 : i32
    %c0_i32_0 = arith.constant 0 : i32
    %c0_i32_1 = arith.constant 0 : i32
    return %c0_i32, %c0_i32_0 : i32, i32
  }
  func.func @transform_4(%arg0: i32) -> (i32, i32) {
    %c0_i32 = arith.constant 0 : i32
    %c0_i32_0 = arith.constant 0 : i32
    %c0_i32_1 = arith.constant 0 : i32
    return %c0_i32, %c0_i32_0 : i32, i32
  }
  func.func @transform_5(%arg0: i32) -> (i32, i32) {
    %c0_i32 = arith.constant 0 : i32
    %c0_i32_0 = arith.constant 0 : i32
    %c0_i32_1 = arith.constant 0 : i32
    return %c0_i32, %c0_i32_0 : i32, i32
  }
  func.func @transform_6(%arg0: i32) -> (i32, i32, i32) {
    %c0_i32 = arith.constant 0 : i32
    %c0_i32_0 = arith.constant 0 : i32
    %c0_i32_1 = arith.constant 0 : i32
    return %c0_i32, %arg0, %c0_i32_0 : i32, i32, i32
  }
}

module attributes {stable_mosaic.version = 14 : i64} {
  func.func @_combine_body(%arg0: i32, %arg1: memref<2x400x128xf32, #tpu.memory_space<vmem>>, %arg2: memref<2x400x1xf32, #tpu.memory_space<vmem>>, %arg3: memref<400x128xf32, #tpu.memory_space<vmem>>, %arg4: memref<128x128xf32, #tpu.memory_space<vmem>>, %arg5: memref<128x128xf32, #tpu.memory_space<vmem>>, %arg6: memref<1x128xf32, #tpu.memory_space<vmem>>, %arg7: memref<2x400x128xf32, #tpu.memory_space<vmem>>) attributes {dimension_semantics = [#tpu.dimension_semantics<arbitrary>], iteration_bounds = array<i64: 25>, scalar_prefetch = 0 : i64, scratch_operands = 0 : i64, tpu.core_type = #tpu.core_type<tc>, window_params = [{transform_indices = @transform_0, window_bounds = array<i64: 2, 400, 128>}, {transform_indices = @transform_1, window_bounds = array<i64: 2, 400, 1>}, {transform_indices = @transform_2, window_bounds = array<i64: 400, 128>}, {pipeline_mode = #tpu.pipeline_mode<synchronous>, transform_indices = @transform_3, window_bounds = array<i64: 128, 128>}, {pipeline_mode = #tpu.pipeline_mode<synchronous>, transform_indices = @transform_4, window_bounds = array<i64: 128, 128>}, {pipeline_mode = #tpu.pipeline_mode<synchronous>, transform_indices = @transform_5, window_bounds = array<i64: 1, 128>}, {transform_indices = @transform_6, window_bounds = array<i64: 2, 400, 128>}]} {
    %get3A = arith.constant 0 : index
    %get3A_0 = arith.constant 0 : index
    %get3A_1 = arith.constant 0 : index
    %get3A_2 = vector.load %arg2[%get3A, %get3A_0, %get3A_1] : memref<2x400x1xf32, #tpu.memory_space<vmem>>, vector<1x400x1xf32>
    %get3A_3 = vector.shape_cast %get3A_2 : vector<1x400x1xf32> to vector<400xf32>
    %get3A_4 = arith.constant 1 : index
    %get3A_5 = arith.constant 0 : index
    %get3A_6 = arith.constant 0 : index
    %get3A_7 = vector.load %arg2[%get3A_4, %get3A_5, %get3A_6] : memref<2x400x1xf32, #tpu.memory_space<vmem>>, vector<1x400x1xf32>
    %get3A_8 = vector.shape_cast %get3A_7 : vector<1x400x1xf32> to vector<400xf32>
    %add3A = arith.addf %get3A_3, %get3A_8 : vector<400xf32>
    %max3A = arith.constant 1.000000e+00 : f32
    %max3A_9 = vector.broadcast %max3A : f32 to vector<400xf32>
    %max3A_10 = arith.maximumf %add3A, %max3A_9 : vector<400xf32>
    %get3A_11 = arith.constant 0 : index
    %get3A_12 = arith.constant 0 : index
    %get3A_13 = arith.constant 0 : index
    %get3A_14 = vector.load %arg1[%get3A_11, %get3A_12, %get3A_13] : memref<2x400x128xf32, #tpu.memory_space<vmem>>, vector<1x400x128xf32>
    %get3A_15 = vector.shape_cast %get3A_14 : vector<1x400x128xf32> to vector<400x128xf32>
    %get3A_16 = arith.constant 1 : index
    %get3A_17 = arith.constant 0 : index
    %get3A_18 = arith.constant 0 : index
    %get3A_19 = vector.load %arg1[%get3A_16, %get3A_17, %get3A_18] : memref<2x400x128xf32, #tpu.memory_space<vmem>>, vector<1x400x128xf32>
    %get3A_20 = vector.shape_cast %get3A_19 : vector<1x400x128xf32> to vector<400x128xf32>
    %add3A_21 = arith.addf %get3A_15, %get3A_20 : vector<400x128xf32>
    %broadcast_in_dim3A = vector.shape_cast %max3A_10 : vector<400xf32> to vector<400x1xf32>
    %div3A = vector.broadcast %broadcast_in_dim3A : vector<400x1xf32> to vector<400x128xf32>
    %div3A_22 = arith.divf %add3A_21, %div3A : vector<400x128xf32>
    %get3A_23 = arith.constant 0 : index
    %get3A_24 = arith.constant 0 : index
    %get3A_25 = vector.load %arg4[%get3A_23, %get3A_24] : memref<128x128xf32, #tpu.memory_space<vmem>>, vector<128x128xf32>
    %dot_general3A = arith.constant dense<0.000000e+00> : vector<400x128xf32>
    %dot_general3A_26 = tpu.matmul %div3A_22, %get3A_25, %dot_general3A {dimension_numbers = #tpu.dot_dimension_numbers<[1], [0], [0], [1], [0, 0, 1, 1], [], []>, precision = #tpu.contract_precision<fp32>, transpose_lhs_hint = false} : vector<400x128xf32>, vector<128x128xf32>, vector<400x128xf32> -> vector<400x128xf32>
    %get3A_27 = arith.constant 0 : index
    %get3A_28 = arith.constant 0 : index
    %get3A_29 = vector.load %arg3[%get3A_27, %get3A_28] : memref<400x128xf32, #tpu.memory_space<vmem>>, vector<400x128xf32>
    %get3A_30 = arith.constant 0 : index
    %get3A_31 = arith.constant 0 : index
    %get3A_32 = vector.load %arg5[%get3A_30, %get3A_31] : memref<128x128xf32, #tpu.memory_space<vmem>>, vector<128x128xf32>
    %dot_general3A_33 = arith.constant dense<0.000000e+00> : vector<400x128xf32>
    %dot_general3A_34 = tpu.matmul %get3A_29, %get3A_32, %dot_general3A_33 {dimension_numbers = #tpu.dot_dimension_numbers<[1], [0], [0], [1], [0, 0, 1, 1], [], []>, precision = #tpu.contract_precision<fp32>, transpose_lhs_hint = false} : vector<400x128xf32>, vector<128x128xf32>, vector<400x128xf32> -> vector<400x128xf32>
    %add3A_35 = arith.addf %dot_general3A_26, %dot_general3A_34 : vector<400x128xf32>
    %get3A_36 = arith.constant 0 : index
    %get3A_37 = arith.constant 0 : index
    %get3A_38 = vector.load %arg6[%get3A_36, %get3A_37] : memref<1x128xf32, #tpu.memory_space<vmem>>, vector<1x128xf32>
    %add3A_39 = vector.broadcast %get3A_38 : vector<1x128xf32> to vector<400x128xf32>
    %add3A_40 = arith.addf %add3A_35, %add3A_39 : vector<400x128xf32>
    %max3A_41 = arith.constant 0.000000e+00 : f32
    %max3A_42 = vector.broadcast %max3A_41 : f32 to vector<400x128xf32>
    %max3A_43 = arith.maximumf %add3A_40, %max3A_42 : vector<400x128xf32>
    %broadcast_in_dim3A_44 = vector.shape_cast %max3A_43 : vector<400x128xf32> to vector<1x400x128xf32>
    %broadcast_in_dim3A_45 = vector.shape_cast %broadcast_in_dim3A_44 : vector<1x400x128xf32> to vector<1x400x128xf32>
    %broadcast_in_dim3A_46 = vector.broadcast %broadcast_in_dim3A_45 : vector<1x400x128xf32> to vector<2x400x128xf32>
    %swap3A = arith.constant 0 : index
    %swap3A_47 = arith.constant 0 : index
    %swap3A_48 = arith.constant 0 : index
    %swap3A_49 = vector.load %arg7[%swap3A, %swap3A_47, %swap3A_48] : memref<2x400x128xf32, #tpu.memory_space<vmem>>, vector<2x400x128xf32>
    tpu.vector_store %arg7[%swap3A, %swap3A_47, %swap3A_48], %broadcast_in_dim3A_46 {strides = array<i32>} : memref<2x400x128xf32, #tpu.memory_space<vmem>>, vector<2x400x128xf32>,
    return
  }
  func.func @transform_0(%arg0: i32) -> (i32, i32, i32) {
    %c0_i32 = arith.constant 0 : i32
    %c0_i32_0 = arith.constant 0 : i32
    %c0_i32_1 = arith.constant 0 : i32
    return %c0_i32, %arg0, %c0_i32_0 : i32, i32, i32
  }
  func.func @transform_1(%arg0: i32) -> (i32, i32, i32) {
    %c0_i32 = arith.constant 0 : i32
    %c0_i32_0 = arith.constant 0 : i32
    %c0_i32_1 = arith.constant 0 : i32
    return %c0_i32, %arg0, %c0_i32_0 : i32, i32, i32
  }
  func.func @transform_2(%arg0: i32) -> (i32, i32) {
    %c0_i32 = arith.constant 0 : i32
    %c0_i32_0 = arith.constant 0 : i32
    return %arg0, %c0_i32 : i32, i32
  }
  func.func @transform_3(%arg0: i32) -> (i32, i32) {
    %c0_i32 = arith.constant 0 : i32
    %c0_i32_0 = arith.constant 0 : i32
    %c0_i32_1 = arith.constant 0 : i32
    return %c0_i32, %c0_i32_0 : i32, i32
  }
  func.func @transform_4(%arg0: i32) -> (i32, i32) {
    %c0_i32 = arith.constant 0 : i32
    %c0_i32_0 = arith.constant 0 : i32
    %c0_i32_1 = arith.constant 0 : i32
    return %c0_i32, %c0_i32_0 : i32, i32
  }
  func.func @transform_5(%arg0: i32) -> (i32, i32) {
    %c0_i32 = arith.constant 0 : i32
    %c0_i32_0 = arith.constant 0 : i32
    %c0_i32_1 = arith.constant 0 : i32
    return %c0_i32, %c0_i32_0 : i32, i32
  }
  func.func @transform_6(%arg0: i32) -> (i32, i32, i32) {
    %c0_i32 = arith.constant 0 : i32
    %c0_i32_0 = arith.constant 0 : i32
    %c0_i32_1 = arith.constant 0 : i32
    return %c0_i32, %arg0, %c0_i32_0 : i32, i32, i32
  }
}

module attributes {stable_mosaic.version = 14 : i64} {
  func.func @_combine_body(%arg0: i32, %arg1: memref<2x400x128xf32, #tpu.memory_space<vmem>>, %arg2: memref<2x400x1xf32, #tpu.memory_space<vmem>>, %arg3: memref<400x128xf32, #tpu.memory_space<vmem>>, %arg4: memref<128x128xf32, #tpu.memory_space<vmem>>, %arg5: memref<128x128xf32, #tpu.memory_space<vmem>>, %arg6: memref<1x128xf32, #tpu.memory_space<vmem>>, %arg7: memref<400x128xf32, #tpu.memory_space<vmem>>) attributes {dimension_semantics = [#tpu.dimension_semantics<arbitrary>], iteration_bounds = array<i64: 25>, scalar_prefetch = 0 : i64, scratch_operands = 0 : i64, tpu.core_type = #tpu.core_type<tc>, window_params = [{transform_indices = @transform_0, window_bounds = array<i64: 2, 400, 128>}, {transform_indices = @transform_1, window_bounds = array<i64: 2, 400, 1>}, {transform_indices = @transform_2, window_bounds = array<i64: 400, 128>}, {pipeline_mode = #tpu.pipeline_mode<synchronous>, transform_indices = @transform_3, window_bounds = array<i64: 128, 128>}, {pipeline_mode = #tpu.pipeline_mode<synchronous>, transform_indices = @transform_4, window_bounds = array<i64: 128, 128>}, {pipeline_mode = #tpu.pipeline_mode<synchronous>, transform_indices = @transform_5, window_bounds = array<i64: 1, 128>}, {transform_indices = @transform_6, window_bounds = array<i64: 400, 128>}]} {
    %get3A = arith.constant 0 : index
    %get3A_0 = arith.constant 0 : index
    %get3A_1 = arith.constant 0 : index
    %get3A_2 = vector.load %arg2[%get3A, %get3A_0, %get3A_1] : memref<2x400x1xf32, #tpu.memory_space<vmem>>, vector<1x400x1xf32>
    %get3A_3 = vector.shape_cast %get3A_2 : vector<1x400x1xf32> to vector<400xf32>
    %get3A_4 = arith.constant 1 : index
    %get3A_5 = arith.constant 0 : index
    %get3A_6 = arith.constant 0 : index
    %get3A_7 = vector.load %arg2[%get3A_4, %get3A_5, %get3A_6] : memref<2x400x1xf32, #tpu.memory_space<vmem>>, vector<1x400x1xf32>
    %get3A_8 = vector.shape_cast %get3A_7 : vector<1x400x1xf32> to vector<400xf32>
    %add3A = arith.addf %get3A_3, %get3A_8 : vector<400xf32>
    %max3A = arith.constant 1.000000e+00 : f32
    %max3A_9 = vector.broadcast %max3A : f32 to vector<400xf32>
    %max3A_10 = arith.maximumf %add3A, %max3A_9 : vector<400xf32>
    %get3A_11 = arith.constant 0 : index
    %get3A_12 = arith.constant 0 : index
    %get3A_13 = arith.constant 0 : index
    %get3A_14 = vector.load %arg1[%get3A_11, %get3A_12, %get3A_13] : memref<2x400x128xf32, #tpu.memory_space<vmem>>, vector<1x400x128xf32>
    %get3A_15 = vector.shape_cast %get3A_14 : vector<1x400x128xf32> to vector<400x128xf32>
    %get3A_16 = arith.constant 1 : index
    %get3A_17 = arith.constant 0 : index
    %get3A_18 = arith.constant 0 : index
    %get3A_19 = vector.load %arg1[%get3A_16, %get3A_17, %get3A_18] : memref<2x400x128xf32, #tpu.memory_space<vmem>>, vector<1x400x128xf32>
    %get3A_20 = vector.shape_cast %get3A_19 : vector<1x400x128xf32> to vector<400x128xf32>
    %add3A_21 = arith.addf %get3A_15, %get3A_20 : vector<400x128xf32>
    %broadcast_in_dim3A = vector.shape_cast %max3A_10 : vector<400xf32> to vector<400x1xf32>
    %div3A = vector.broadcast %broadcast_in_dim3A : vector<400x1xf32> to vector<400x128xf32>
    %div3A_22 = arith.divf %add3A_21, %div3A : vector<400x128xf32>
    %get3A_23 = arith.constant 0 : index
    %get3A_24 = arith.constant 0 : index
    %get3A_25 = vector.load %arg4[%get3A_23, %get3A_24] : memref<128x128xf32, #tpu.memory_space<vmem>>, vector<128x128xf32>
    %dot_general3A = arith.constant dense<0.000000e+00> : vector<400x128xf32>
    %dot_general3A_26 = tpu.matmul %div3A_22, %get3A_25, %dot_general3A {dimension_numbers = #tpu.dot_dimension_numbers<[1], [0], [0], [1], [0, 0, 1, 1], [], []>, precision = #tpu.contract_precision<fp32>, transpose_lhs_hint = false} : vector<400x128xf32>, vector<128x128xf32>, vector<400x128xf32> -> vector<400x128xf32>
    %get3A_27 = arith.constant 0 : index
    %get3A_28 = arith.constant 0 : index
    %get3A_29 = vector.load %arg3[%get3A_27, %get3A_28] : memref<400x128xf32, #tpu.memory_space<vmem>>, vector<400x128xf32>
    %get3A_30 = arith.constant 0 : index
    %get3A_31 = arith.constant 0 : index
    %get3A_32 = vector.load %arg5[%get3A_30, %get3A_31] : memref<128x128xf32, #tpu.memory_space<vmem>>, vector<128x128xf32>
    %dot_general3A_33 = arith.constant dense<0.000000e+00> : vector<400x128xf32>
    %dot_general3A_34 = tpu.matmul %get3A_29, %get3A_32, %dot_general3A_33 {dimension_numbers = #tpu.dot_dimension_numbers<[1], [0], [0], [1], [0, 0, 1, 1], [], []>, precision = #tpu.contract_precision<fp32>, transpose_lhs_hint = false} : vector<400x128xf32>, vector<128x128xf32>, vector<400x128xf32> -> vector<400x128xf32>
    %add3A_35 = arith.addf %dot_general3A_26, %dot_general3A_34 : vector<400x128xf32>
    %get3A_36 = arith.constant 0 : index
    %get3A_37 = arith.constant 0 : index
    %get3A_38 = vector.load %arg6[%get3A_36, %get3A_37] : memref<1x128xf32, #tpu.memory_space<vmem>>, vector<1x128xf32>
    %add3A_39 = vector.broadcast %get3A_38 : vector<1x128xf32> to vector<400x128xf32>
    %add3A_40 = arith.addf %add3A_35, %add3A_39 : vector<400x128xf32>
    %swap3A = arith.constant 0 : index
    %swap3A_41 = arith.constant 0 : index
    %swap3A_42 = vector.load %arg7[%swap3A, %swap3A_41] : memref<400x128xf32, #tpu.memory_space<vmem>>, vector<400x128xf32>
    tpu.vector_store %arg7[%swap3A, %swap3A_41], %add3A_40 {strides = array<i32>} : memref<400x128xf32, #tpu.memory_space<vmem>>, vector<400x128xf32>,
    return
  }
  func.func @transform_0(%arg0: i32) -> (i32, i32, i32) {
    %c0_i32 = arith.constant 0 : i32
    %c0_i32_0 = arith.constant 0 : i32
    %c0_i32_1 = arith.constant 0 : i32
    return %c0_i32, %arg0, %c0_i32_0 : i32, i32, i32
  }
  func.func @transform_1(%arg0: i32) -> (i32, i32, i32) {
    %c0_i32 = arith.constant 0 : i32
    %c0_i32_0 = arith.constant 0 : i32
    %c0_i32_1 = arith.constant 0 : i32
    return %c0_i32, %arg0, %c0_i32_0 : i32, i32, i32
  }
  func.func @transform_2(%arg0: i32) -> (i32, i32) {
    %c0_i32 = arith.constant 0 : i32
    %c0_i32_0 = arith.constant 0 : i32
    return %arg0, %c0_i32 : i32, i32
  }
  func.func @transform_3(%arg0: i32) -> (i32, i32) {
    %c0_i32 = arith.constant 0 : i32
    %c0_i32_0 = arith.constant 0 : i32
    %c0_i32_1 = arith.constant 0 : i32
    return %c0_i32, %c0_i32_0 : i32, i32
  }
  func.func @transform_4(%arg0: i32) -> (i32, i32) {
    %c0_i32 = arith.constant 0 : i32
    %c0_i32_0 = arith.constant 0 : i32
    %c0_i32_1 = arith.constant 0 : i32
    return %c0_i32, %c0_i32_0 : i32, i32
  }
  func.func @transform_5(%arg0: i32) -> (i32, i32) {
    %c0_i32 = arith.constant 0 : i32
    %c0_i32_0 = arith.constant 0 : i32
    %c0_i32_1 = arith.constant 0 : i32
    return %c0_i32, %c0_i32_0 : i32, i32
  }
  func.func @transform_6(%arg0: i32) -> (i32, i32) {
    %c0_i32 = arith.constant 0 : i32
    %c0_i32_0 = arith.constant 0 : i32
    return %arg0, %c0_i32 : i32, i32
  }
}

</mosaic_0001>

<sc_bundles>
// kernel: kernel.11.cloned.1.call-start
scs
__scs_entry_jumppad:
0x0: {  	(pc) =	sbr.rel $0x88, $3  }
0x1: {  	(tag) =	ssettag $0x0;
	lr =	simm.s32 $0x1  }
0x2: {  	[smem:$0x3F96] =	sst lr;
	_ =	strace $0xD0000000  }
0x3: {  	_ = 	snop  }
0x4: {  	_ = 	snop  }
0x5: {  	_ = 	snop  }
0x6: {  	_ = 	snop  }
0x7: {  	_ = 	snop  }
__scs_overlays_trampoline_lowered:
0x8: {  	[smem:$0x3FA5] =	sst s0  }
0x9: {  	[smem:$0x3FA6] =	sst s1  }
0xa: {  	[smem:$0x3FA7] =	sst s2  }
0xb: {  	[smem:$0x3FA8] =	sst s3  }
0xc: {  	[smem:$0x3FA9] =	sst s4  }
0xd: {  	[smem:$0x3FAA] =	sst s5  }
0xe: {  	[smem:$0x3FAB] =	sst s6  }
0xf: {  	[smem:$0x3FAC] =	sst s7  }
0x10: {  	[smem:$0x3FAD] =	sst s8  }
0x11: {  	[smem:$0x3FAE] =	sst s9;
	s0 =	simm.s32 @!p0 $0x0  }
0x12: {  	s1 =	sld [smem:$0x3F94];
	s0 =	simm.s32 @p0 $0x1  }
0x13: {  	[smem:$0x3FAF] =	sst s0;
	s0 =	simm.s32 @!p1 $0x0  }
0x14: {  	s2 =	sld [smem:$0x3F93];
	s0 =	simm.s32 @p1 $0x1  }
0x15: {  	[smem:$0x3FB0] =	sst s0;
	s0 =	simm.s32 @!p2 $0x0  }
0x16: {  	s3 =	sld [smem:$0x3FDB];
	s0 =	simm.s32 @p2 $0x1  }
0x17: {  	s4 =	simm.s32 $0x1BF5;
	[smem:$0x3FB2] =	sst s0  }
0x18: {  	s0 =	sld [smem:$0x3F95];
	_ =	swait.ge [sflag:s4], $0x0  }
0x19: {  	s7 =	sld [smem:$0x3F96]  }
0x1a: {  	s8 =	sadd.s32 $0xFFFFE003, lr  }
0x1b: {  	s9 =	sadd.s32 $0xFFFFFEF7, lr;
	s5 =	simm.s32 $0xFFFFFFFF;
	p2 =	slt.u32 s8, $0xFFFFF086  }
0x1c: {  	p1 =	slt.u32 s9, $0xF7A;
	s5 =	simm.s32 @!p2 $0x0  }
0x1d: {  	s5 =	simm.s32 @p1 $0x1;
	p0 =	seq.s32 s7, s2  }
0x1e: {  	s7 =	smul.u32 @!p0 $0xF7A, s2;
	p2 =	seq.s32 @!p0 s5, $0x0  }
0x1f: {  	s9 =	smul.u32 $0xF7A, s1;
	s8 =	simm.s32 @!p0 $0x1BF5;
	p2 =	por !p2, p0  }
0x20: {  	[sflag:s8] =	ssyncset.s32 @!p0 $0xFFFFF086;
	s6 =	sadd.s32 @!p0 s3, s7;
	s7 =	simm.s32 @!p0 $0x108  }
0x21: {  	s3 =	sadd.s32 s3, s9;
	s6 =	sadd.s32 @!p0 $0x88, s6;
	s7 =	simm.s32 @p2 $0x1082  }
0x22: {  	[simem:s7], [sflag:s8] =	dma.local @!p0 [hbm:s6], $0xF7A  }
0x23: {  	s9 =	sor.u32 $0xD0000000, s2;
	s6 =	simm.s32 $0x108;
	_ =	swait.ge @!p0 [sflag:s8], $0x0  }
0x24: {  	s3 =	sadd.s32 $0x88, s3;
	s6 =	simm.s32 @!p1 $0x1082;
	[sflag:s4] =	ssyncset.s32 $0xFFFFF086  }
0x25: {  	[simem:s6], [sflag:s4] =	dma.local [hbm:s3], $0xF7A  }
0x26: {  	[smem:$0x3F96] =	sst s1;
	(tag) =	ssettag s2;
	_ =	strace s9  }
0x27: {  	s1 =	sld [smem:$0x3FA6]  }
0x28: {  	s2 =	sld [smem:$0x3FA7]  }
0x29: {  	s4 =	sld [smem:$0x3FA9]  }
0x2a: {  	p0 =	seq.s32 s5, $0x0;
	s5 =	sld [smem:$0x3FAA]  }
0x2b: {  	s6 =	sld [smem:$0x3FAB]  }
0x2c: {  	s7 =	sld [smem:$0x3FAC]  }
0x2d: {  	s3 =	simm.s32 $0x108;
	s8 =	sld [smem:$0x3FAD]  }
0x2e: {  	s3 =	simm.s32 @!p0 $0x1082;
	s9 =	sld [smem:$0x3FAE]  }
0x2f: {  	lr =	sadd.s32 s0, s3;
	s0 =	sld [smem:$0x3FA5]  }
0x30: {  	s3 =	sld [smem:$0x3FA8]  }
0x31: {  	[smem:$0x3FB1] =	sst s10  }
0x32: {  	s10 =	sld [smem:$0x3FAF];
	_ =	sdelay $0x3  }
0x33: {  	p0 =	seq.s32 s10, $0x1;
	s10 =	sld [smem:$0x3FB1];
	_ =	sdelay $0x3  }
0x34: {  	[smem:$0x3FB1] =	sst s10  }
0x35: {  	s10 =	sld [smem:$0x3FB0];
	_ =	sdelay $0x3  }
0x36: {  	p1 =	seq.s32 s10, $0x1;
	s10 =	sld [smem:$0x3FB1];
	_ =	sdelay $0x3  }
0x37: {  	[smem:$0x3FB1] =	sst s10  }
0x38: {  	s10 =	sld [smem:$0x3FB2]  }
0x39: {  	_ = 	snop;
	(pc) =	sbr.ind lr, $3  }
0x3a: {  	_ = 	snop  }
0x3b: {  	_ = 	snop  }
0x3c: {  	p2 =	seq.s32 s10, $0x1;
	s10 =	sld [smem:$0x3FB1]  }
0x3d: {  	_ =	shalt  }
0x3e: {  	_ =	shalt  }
0x3f: {  	_ =	shalt  }
0x40: {  	_ =	shalt  }
0x41: {  	_ =	shalt  }
0x42: {  	_ =	shalt  }
0x43: {  	_ =	shalt  }
0x44: {  	_ =	shalt  }
0x45: {  	_ =	shalt  }
0x46: {  	_ =	shalt  }
0x47: {  	_ =	shalt  }
0x48: {  	_ =	shalt  }
0x49: {  	_ =	shalt  }
0x4a: {  	_ =	shalt  }
0x4b: {  	_ =	shalt  }
0x4c: {  	_ =	shalt  }
0x4d: {  	_ =	shalt  }
0x4e: {  	_ =	shalt  }
0x4f: {  	_ =	shalt  }
0x50: {  	_ =	shalt  }
0x51: {  	_ =	shalt  }
0x52: {  	_ =	shalt  }
0x53: {  	_ =	shalt  }
0x54: {  	_ =	shalt  }
0x55: {  	_ =	shalt  }
0x56: {  	_ =	shalt  }
0x57: {  	_ =	shalt  }
0x58: {  	_ =	shalt  }
0x59: {  	_ =	shalt  }
0x5a: {  	_ =	shalt  }
0x5b: {  	_ =	shalt  }
0x5c: {  	_ =	shalt  }
0x5d: {  	_ =	shalt  }
0x5e: {  	_ =	shalt  }
0x5f: {  	_ =	shalt  }
0x60: {  	_ =	shalt  }
0x61: {  	_ =	shalt  }
0x62: {  	_ =	shalt  }
0x63: {  	_ =	shalt  }
0x64: {  	_ =	shalt  }
0x65: {  	_ =	shalt  }
0x66: {  	_ =	shalt  }
0x67: {  	_ =	shalt  }
0x68: {  	_ =	shalt  }
0x69: {  	_ =	shalt  }
0x6a: {  	_ =	shalt  }
0x6b: {  	_ =	shalt  }
0x6c: {  	_ =	shalt  }
0x6d: {  	_ =	shalt  }
0x6e: {  	_ =	shalt  }
0x6f: {  	_ =	shalt  }
0x70: {  	_ =	shalt  }
0x71: {  	_ =	shalt  }
0x72: {  	_ =	shalt  }
0x73: {  	_ =	shalt  }
0x74: {  	_ =	shalt  }
0x75: {  	_ =	shalt  }
0x76: {  	_ =	shalt  }
0x77: {  	_ =	shalt  }
0x78: {  	_ =	shalt  }
0x79: {  	_ =	shalt  }
0x7a: {  	_ =	shalt  }
0x7b: {  	_ =	shalt  }
0x7c: {  	_ =	shalt  }
0x7d: {  	_ =	shalt  }
0x7e: {  	_ =	shalt  }
0x7f: {  	_ =	shalt  }
0x80: {  	_ =	shalt  }
0x81: {  	_ =	shalt  }
0x82: {  	_ =	shalt  }
0x83: {  	_ =	shalt  }
0x84: {  	_ =	shalt  }
0x85: {  	_ =	shalt  }
0x86: {  	_ =	shalt  }
0x87: {  	_ =	shalt  }
.Lfunc_end0:
.L_simem_size_0:
called_computation.1_lowered:
.L_overlay_start_0:
0x88: {  	s2 =	sld [smem:$0x3FD9]  }
0x89: {  	s3 =	sld [smem:$0x3FFE];
	_ =	sdelay $0x1  }
0x8a: {  	s1 =	srdreg.scid  }
0x8b: {  	s0 =	sand.u32 $0x1, s1  }
0x8c: {  	s17 =	sshll.u32 s0, $0xA;
	s2 =	sadd.s32 s3, s2  }
0x8d: {  	s2 =	sadd.s32 s2, s17  }
0x8e: {  	[smem:$0x3FBD] =	sst s2  }
0x8f: {  	_ = 	snop  }
0x90: {  	s2 =	sld [smem:$0x3FD0];
	(tm) =	ssettm $0x1  }
0x91: {  	s18 =	sld [smem:$0x3FFB];
	_ =	sdelay $0x3  }
0x92: {  	_ =	strace s18  }
0x93: {  	s3 =	sld [smem:$0x3FFC];
	_ =	sdelay $0x3  }
0x94: {  	_ =	strace s3  }
0x95: {  	s3 =	sld [smem:$0x3FFD];
	_ =	sdelay $0x3  }
0x96: {  	_ =	strace s3  }
0x97: {  	_ =	strace $0x8FFFFFFF  }
0x98: {  	s19 =	sld [smem:$0x3FDB];
	_ =	sdelay $0x1  }
0x99: {  	s4 =	simm.s32 $_scs_section_size  }
0x9a: {  	s5 =	simm.s32 $_size__tile_overlayer_lowered;
	s6 =	simm.s32 $_tile_overlayer_lowered  }
0x9b: {  	s22 =	simm.s32 $0x1BFF;
	s21 =	sshll.u32 s6, $0x1;
	s3 =	sadd.s32 s4, s19  }
0x9c: {  	s7 =	simm.s32 $0x0;
	s20 =	sshll.u32 s5, $0x1;
	s5 =	sadd.s32 s21, s3  }
0x9d: {  	[timem:s7], [sflag:s22] =	dma.local [hbm:s5], s20  }
0x9e: {  	_ =	swait.ge [sflag:s22], s20  }
0x9f: {  	s4 =	ssub.s32 $0x0, s20;
	[sflag:s22] =	ssyncset.done $0x0  }
0xa0: {  	[sflag:s22] =	ssyncadd.s32 s4;
	_ =	sdelay $0x1  }
0xa1: {  	s23 =	simm.s32 $0x1B8B  }
0xa2: {  	_ =	swait.ge [sflag:s23], $0x1  }
0xa3: {  	[sflag:s23] =	ssyncset.done $0x0  }
0xa4: {  	s25 =	simm.s32 $0x1B8E;
	s24 =	sld [smem:$0x3FFE];
	[sflag:s23] =	ssyncadd.s32 $0xFFFFFFFF  }
0xa5: {  	s26 =	simm.s32 $execute0_lowered;
	[smem:$0x3FD2] =	sst s25  }
0xa6: {  	s5 =	sshll.u32 s26, $0x1;
	_ =	strace $0x80000049;
	[dreg:$0x1] =	wrdreg $0xFFFFFFFF  }
0xa7: {  	s28 =	simm.s32 $_size_execute0_lowered;
	s3 =	sadd.s32 s3, s5;
	[dreg:$0x0] =	wrdreg $0x0  }
0xa8: {  	s5 =	sshll.u32 s28, $0x1;
	[dreg:$0x2] =	wrdreg s3  }
0xa9: {  	[dreg:$0x3] =	wrdreg s5  }
0xaa: {  	[dreg:$0x4] =	wrdreg $0xC0  }
0xab: {  	_ =	task [dreg:s7], $0x5FFFF  }
0xac: {  	[dreg:$0x1] =	wrdreg $0xFFFFFFFF  }
0xad: {  	[dreg:$0x0] =	wrdreg $0x60  }
0xae: {  	[dreg:$0x2] =	wrdreg s24  }
0xaf: {  	[dreg:$0x3] =	wrdreg s2  }
0xb0: {  	[dreg:$0x4] =	wrdreg $0xA2000  }
0xb1: {  	[dreg:$0x5] =	wrdreg $0x9  }
0xb2: {  	_ =	task.clear_ibuf [dreg:s7], $0x6FFFF;
	_ =	strace $0x90000049  }
0xb3: {  	s29 =	simm.s32 $0x9;
	_ =	strace $0x8000004B  }
0xb4: {  	_ =	swait.ge [sflag:s29], $0x1  }
0xb5: {  	[sflag:s29] =	ssyncadd.s32 $0xFFFFFFFF  }
0xb6: {  	_ =	strace $0x9000004B  }
0xb7: {  	_ =	sfence  }
0xb8: {  	s30 =	sld [smem:$0x0];
	_ =	sdelay $0x2  }
0xb9: {  	s31 =	sshll.u32 s1, $0xD;
	s1 =	sshrl.u32 s1, $0x2  }
0xba: {  	s3 =	sand.u32 $0x4000, s31;
	s1 =	sadd.s32 s1, s30  }
0xbb: {  	s0 =	sor.u32 s3, s0;
	s1 =	sshll.u32 s1, $0x11  }
0xbc: {  	s0 =	sor.u32 s1, s0  }
0xbd: {  	s0 =	sadd.s32 $0x8F2B, s0  }
0xbe: {  	[sflag:s0] =	ssyncadd.remote.s32 $0x1  }
0xbf: {  	_ =	sfence.sel $0xFFFF  }
0xc0: {  	[dreg:$0x0] =	wrdreg $0xFFFFFFFF;
	(pc) =	sbr.abs _section_cstart, $3  }
0xc1: {  	[dreg:$0x1] =	wrdreg $0xFFFFFFFF  }
0xc2: {  	_ =	task.clear_ibuf [dreg:s7], $0x2FFFF;
	_ =	strace $0x9FFFFFFF  }
0xc3: {  	(tm) =	ssettm $0x7FFFFFFF  }
tec
execute0_lowered:
.L_overlay_start_1:
0x0: {  	(tag) =	ssettag $0x1  }
0x1: {  	s6 =	rddreg [dreg:$0x0]  }
0x2: {  	s2 =	rddreg [dreg:$0x1];
	s1 =	srdreg.scid  }
0x3: {  	s0 =	stileid.u32;
	s3 =	rddreg [dreg:$0x2];
	s4 =	simm.s32 $0x0  }
0x4: {  	s21 =	simm.s32 $0x1;
	s18 =	sand.u32 $0x1, s1;
	s5 =	smul.u32 $0x2780, s0  }
0x5: {  	[smem:$0x7FF] =	sst s4;
	s28 =	sshll.u32 s0, $0x5;
	s29 =	smul.u32 $0x4F000, s0  }
0x6: {  	s9 =	sshll.u32 s0, $0x7;
	s31 =	sshll.u32 s0, $0xB;
	s7 =	smul.u32 $0x27800, s18  }
0x7: {  	_ =	strace $0x8000004A;
	s8 =	ssub.s32 $0x2, s18;
	p0 =	seq.s32 s18, $0x0  }
0x8: {  	s17 =	sor.u32 $0x800, s28;
	s19 =	smul.u32 $0x2710, s18;
	s26 =	sshrl.u32 s8, $0x1  }
0x9: {  	s10 =	sshll.u32 s17, $0x4;
	s17 =	smov.u32 @p0 s9;
	s30 =	sshrl.u32 s29, $0x2  }
0xa: {  	s7 =	sadd.s32 s5, s7;
	s5 =	sadd.s32 $0x4800, s6;
	s16 =	ssub.s32 s8, s26  }
0xb: {  	s8 =	sadd.s32 s2, s10;
	s9 =	sadd.s32 s30, s3;
	s10 =	sadd.s32 s2, s31  }
0xc: {  	s17 =	sshll.u32 s17, $0x7;
	v0 =	vmov s19;
	s19 =	simm.s32 $0x2;
	s15 =	sadd.s32 s7, s6  }
0xd: {  	s6 =	simm.s32 $0x80;
	s7 =	simm.s32 $0x80;
	s11 =	sadd.s32 $0x4000, s9  }
0xe: {  	s12 =	sadd.s32 $0x8000, s9;
	s13 =	sadd.s32 $0xC000, s9;
	s14 =	sadd.s32 $0x10000, s9  }
0xf: {  	s16 =	smax.u32 s16, $0x1;
	s17 =	sor.u32 $0x80, s17;
	s7 =	simm.s32 @!p0 $0x20  }
0x10: {  	v1 =	vimm.f32 $0.0e+00;
	s15 =	sadd.s32 $0x52A00, s15;
	p0 =	sne.s32 s18, $0x0;
	s18 =	simm.s32 $0x2200  }
.LBB2_1:
0x11: {  	s22 =	simm.s32 @p0 $0x0  }
0x12: {  	[tilespmem:s22], [sflag:$0x2] =	stream.linear.gather @p0 [hbm4b:s8+s22], $0x1000, $0x38;
	[tilespmem:$0x1DE00] =	vst v63  }
0x13: {  	s22 =	simm.s32 @p0 $0x2  }
0x14: {  	_ =	swait.ge @p0 [sflag:s22], $0x1000  }
0x15: {  	[sflag:s22] =	ssyncset.done @p0 $0x0  }
0x16: {  	[sflag:s22] =	ssyncadd.s32 @p0 $0xFFFFF000;
	s22 =	simm.s32 @!p0 $0x0  }
0x17: {  	[tilespmem:s22], [sflag:$0x2] =	stream.linear.gather @!p0 [hbm4b:s10+s22], $0x2000, $0x38;
	[tilespmem:$0x1DE00] =	vst v63  }
0x18: {  	s22 =	simm.s32 @!p0 $0x2  }
0x19: {  	_ =	swait.ge @!p0 [sflag:s22], $0x2000  }
0x1a: {  	[sflag:s22] =	ssyncset.done @!p0 $0x0  }
0x1b: {  	s23 =	simm.s32 $0x200;
	[sflag:s22] =	ssyncadd.s32 @!p0 $0xFFFFE000;
	s22 =	simm.s32 $0x0  }
.LBB2_2:
0x1c: {  	p1 =	sne.s32 s23, $0xFE00;
	[tilespmem:s22+$0x2270] =	vst v1  }
0x1d: {  	[tilespmem:s22+$0x2200] =	vst v1  }
0x1e: {  	[tilespmem:s22+$0x2210] =	vst v1  }
.Ltmp0:
0x1f: {  	[tilespmem:s22+$0x2220] =	vst v1;
	(pc) =	sbr.rel @p1 .LBB2_2-.Ltmp0, $4  }
0x20: {  	[tilespmem:s22+$0x2230] =	vst v1  }
0x21: {  	[tilespmem:s22+$0x2240] =	vst v1  }
0x22: {  	[tilespmem:s22+$0x2250] =	vst v1  }
0x23: {  	[tilespmem:s22+$0x2260] =	vst v1;
	s22 =	sshra.s32 s23, $0x2;
	s23 =	sadd.s32 $0x200, s23  }
0x24: {  	[tilespmem:s22+$0x2270] =	vst v1  }
0x25: {  	[tilespmem:s22+$0x2200] =	vst v1  }
0x26: {  	[tilespmem:s22+$0x2210] =	vst v1  }
0x27: {  	[tilespmem:s22+$0x2220] =	vst v1  }
0x28: {  	[tilespmem:s22+$0x2230] =	vst v1  }
0x29: {  	[tilespmem:s22+$0x2240] =	vst v1  }
0x2a: {  	[tilespmem:s22+$0x2250] =	vst v1  }
0x2b: {  	[tilespmem:s22+$0x2260] =	vst v1  }
0x2c: {  	[spmem:s9] =	stream.linear.scatter [tilespmem:s18], [sflag:$0x2], $0x4000, $0x38;
	[tilespmem:$0x1DE00] =	vst v63  }
0x2d: {  	_ =	swait.ge [sflag:s19], $0x4000  }
0x2e: {  	[sflag:s19] =	ssyncset.done $0x0  }
0x2f: {  	[sflag:s19] =	ssyncadd.s32 $0xFFFFC000  }
0x30: {  	[spmem:s11] =	stream.linear.scatter [tilespmem:s18], [sflag:$0x2], $0x4000, $0x38;
	[tilespmem:$0x1DE00] =	vst v63  }
0x31: {  	_ =	swait.ge [sflag:s19], $0x4000  }
0x32: {  	[sflag:s19] =	ssyncset.done $0x0  }
0x33: {  	[sflag:s19] =	ssyncadd.s32 $0xFFFFC000  }
0x34: {  	[spmem:s12] =	stream.linear.scatter [tilespmem:s18], [sflag:$0x2], $0x4000, $0x38;
	[tilespmem:$0x1DE00] =	vst v63  }
0x35: {  	_ =	swait.ge [sflag:s19], $0x4000  }
0x36: {  	[sflag:s19] =	ssyncset.done $0x0  }
0x37: {  	[sflag:s19] =	ssyncadd.s32 $0xFFFFC000  }
0x38: {  	[spmem:s13] =	stream.linear.scatter [tilespmem:s18], [sflag:$0x2], $0x4000, $0x38;
	[tilespmem:$0x1DE00] =	vst v63  }
0x39: {  	_ =	swait.ge [sflag:s19], $0x4000  }
0x3a: {  	[sflag:s19] =	ssyncset.done $0x0  }
0x3b: {  	[sflag:s19] =	ssyncadd.s32 $0xFFFFC000  }
0x3c: {  	[spmem:s14] =	stream.linear.scatter [tilespmem:s18], [sflag:$0x2], $0x3C00, $0x38;
	[tilespmem:$0x1DE00] =	vst v63  }
0x3d: {  	_ =	swait.ge [sflag:s19], $0x3C00  }
0x3e: {  	[sflag:s19] =	ssyncset.done $0x0  }
0x3f: {  	[sflag:s19] =	ssyncadd.s32 $0xFFFFC400  }
0x40: {  	[bflag:$0x0] =	sbarrier.arrive $0xFFFF  }
0x41: {  	v2 =	vld [tilespmem:$0x0]  }
0x42: {  	v3 =	vld [tilespmem:$0x10];
	_ =	sdelay $0x1  }
0x43: {  	v4 =	vld [tilespmem:$0x20];
	_ =	sdelay $0x1  }
0x44: {  	v6 =	vld [tilespmem:$0x30];
	v5 =	vand.u32 $0xFFFF, v2;
	v2 =	vshrl.u32 v2, $0x10  }
0x45: {  	v57 =	vand.u32 $0xFFFF, v3;
	v5 =	vadd.s32 v0, v5;
	[tilespmem:$0x2100] =	vst v2  }
0x46: {  	v58 =	vld [tilespmem:$0x40];
	v2 =	vadd.s32 v0, v57;
	[tilespmem:$0x2000] =	vst v5  }
0x47: {  	[tilespmem:$0x2010] =	vst v2;
	v2 =	vshrl.u32 v3, $0x10;
	v3 =	vand.u32 $0xFFFF, v4  }
0x48: {  	[tilespmem:$0x2110] =	vst v2;
	v2 =	vadd.s32 v0, v3;
	v3 =	vld [tilespmem:$0x50]  }
0x49: {  	v59 =	vand.u32 $0xFFFF, v6;
	[tilespmem:$0x2020] =	vst v2;
	v2 =	vshrl.u32 v4, $0x10  }
0x4a: {  	v60 =	vld [tilespmem:$0x60];
	[tilespmem:$0x2120] =	vst v2;
	v2 =	vadd.s32 v0, v59  }
0x4b: {  	v61 =	vand.u32 $0xFFFF, v58;
	[tilespmem:$0x2030] =	vst v2;
	v2 =	vshrl.u32 v6, $0x10  }
0x4c: {  	v62 =	vld [tilespmem:$0x70];
	[tilespmem:$0x2130] =	vst v2;
	v2 =	vadd.s32 v0, v61  }
0x4d: {  	[tilespmem:$0x2040] =	vst v2;
	v2 =	vshrl.u32 v58, $0x10;
	v63 =	vand.u32 $0xFFFF, v3  }
0x4e: {  	[tilespmem:$0x2140] =	vst v2;
	v2 =	vadd.s32 v0, v63  }
0x4f: {  	s22 =	simm.s32 $0x1;
	[tilespmem:$0x2050] =	vst v2;
	v2 =	vshrl.u32 v3, $0x10;
	v3 =	vand.u32 $0xFFFF, v60  }
0x50: {  	p2 =	sle.u32 s7, $0x1;
	s23 =	sand.u32 $0x3F, s22;
	[tilespmem:$0x2150] =	vst v2;
	v2 =	vadd.s32 v0, v3  }
0x51: {  	p1 =	sne.s32 @!p2 s23, $0x0;
	v3 =	vand.u32 $0xFFFF, v62;
	[tilespmem:$0x2060] =	vst v2;
	v2 =	vshrl.u32 v60, $0x10  }
0x52: {  	p3 =	por p1, p2;
	[tilespmem:$0x2160] =	vst v2;
	v2 =	vadd.s32 v0, v3  }
0x53: {  	s24 =	sshrl.u32 @!p3 s17, $0x3;
	[tilespmem:$0x2070] =	vst v2;
	v2 =	vshrl.u32 v62, $0x10  }
0x54: {  	s0 =	simm.s32 $0x2000;
	s24 =	sand.u32 @!p3 $0x1FFFFF80, s24;
	[tilespmem:$0x2170] =	vst v2  }
0x55: {  	[tilespmem:s18], [sflag:$0x1] =	stream.indirect.gather [hbm4b:s5+s6], $0x80, s0, s6, $0xb8;
	[tilespmem:$0x1DE00] =	vst v63  }
0x56: {  	s25 =	simm.s32 @!p3 $0x2;
	s26 =	simm.s32 @!p3 $0x0;
	s24 =	sadd.s32 @!p3 s2, s24  }
0x57: {  	[tilespmem:s26], [sflag:$0x2] =	stream.linear.gather @!p3 [hbm4b:s24+s26], $0x2000, $0x38;
	[tilespmem:$0x1DE00] =	vst v63  }
0x58: {  	_ =	swait.ge @!p3 [sflag:s25], $0x2000  }
0x59: {  	p1 =	por p2, p2;
	[sflag:s25] =	ssyncset.done @!p3 $0x0  }
0x5a: {  	s30 =	sshll.u32 @!p1 s23, $0x7;
	[sflag:s25] =	ssyncadd.s32 @!p3 $0xFFFFE000  }
0x5b: {  	v2 =	vld @!p1 [tilespmem:s30+$0x0];
	_ =	sdelay $0x3  }
0x5c: {  	s25 =	sand.u32 $0x1, s22  }
0x5d: {  	s23 =	sshll.u32 @!p1 s25, $0x7;
	v3 =	vand.u32 @!p1 $0xFFFF, v2;
	v2 =	vshrl.u32 @!p1 v2, $0x10  }
0x5e: {  	v3 =	vadd.s32 @!p1 v0, v3;
	[tilespmem:s23+$0x2100] =	vst @!p1 v2  }
0x5f: {  	[tilespmem:s23+$0x2000] =	vst @!p1 v3  }
0x60: {  	v2 =	vld @!p1 [tilespmem:s30+$0x10];
	_ =	sdelay $0x4  }
0x61: {  	v3 =	vand.u32 @!p1 $0xFFFF, v2;
	v2 =	vshrl.u32 @!p1 v2, $0x10  }
0x62: {  	v3 =	vadd.s32 @!p1 v0, v3;
	[tilespmem:s23+$0x2110] =	vst @!p1 v2  }
0x63: {  	[tilespmem:s23+$0x2010] =	vst @!p1 v3  }
0x64: {  	v2 =	vld @!p1 [tilespmem:s30+$0x20];
	_ =	sdelay $0x4  }
0x65: {  	v3 =	vand.u32 @!p1 $0xFFFF, v2;
	v2 =	vshrl.u32 @!p1 v2, $0x10  }
0x66: {  	v3 =	vadd.s32 @!p1 v0, v3;
	[tilespmem:s23+$0x2120] =	vst @!p1 v2  }
0x67: {  	[tilespmem:s23+$0x2020] =	vst @!p1 v3  }
0x68: {  	v2 =	vld @!p1 [tilespmem:s30+$0x30];
	_ =	sdelay $0x4  }
0x69: {  	v3 =	vand.u32 @!p1 $0xFFFF, v2;
	v2 =	vshrl.u32 @!p1 v2, $0x10  }
0x6a: {  	v3 =	vadd.s32 @!p1 v0, v3;
	[tilespmem:s23+$0x2130] =	vst @!p1 v2  }
0x6b: {  	[tilespmem:s23+$0x2030] =	vst @!p1 v3  }
0x6c: {  	v2 =	vld @!p1 [tilespmem:s30+$0x40];
	_ =	sdelay $0x4  }
0x6d: {  	v3 =	vand.u32 @!p1 $0xFFFF, v2;
	v2 =	vshrl.u32 @!p1 v2, $0x10  }
0x6e: {  	v3 =	vadd.s32 @!p1 v0, v3;
	[tilespmem:s23+$0x2140] =	vst @!p1 v2  }
0x6f: {  	[tilespmem:s23+$0x2040] =	vst @!p1 v3  }
0x70: {  	v2 =	vld @!p1 [tilespmem:s30+$0x50];
	_ =	sdelay $0x4  }
0x71: {  	v3 =	vand.u32 @!p1 $0xFFFF, v2;
	v2 =	vshrl.u32 @!p1 v2, $0x10  }
0x72: {  	v3 =	vadd.s32 @!p1 v0, v3;
	[tilespmem:s23+$0x2150] =	vst @!p1 v2  }
0x73: {  	[tilespmem:s23+$0x2050] =	vst @!p1 v3  }
0x74: {  	v2 =	vld @!p1 [tilespmem:s30+$0x60];
	_ =	sdelay $0x2  }
0x75: {  	p3 =	sne.s32 s7, $0x1  }
.Ltmp1:
0x76: {  	_ = 	snop;
	(pc) =	sbr.rel @!p3 .LBB2_5-.Ltmp1, $4  }
0x77: {  	v3 =	vand.u32 @!p1 $0xFFFF, v2;
	v2 =	vshrl.u32 @!p1 v2, $0x10  }
0x78: {  	v3 =	vadd.s32 @!p1 v0, v3;
	[tilespmem:s23+$0x2160] =	vst @!p1 v2  }
0x79: {  	s24 =	simm.s32 $0x0;
	s26 =	simm.s32 @!p2 $0x80;
	s25 =	sshll.u32 @!p1 s25, $0xE;
	[tilespmem:s23+$0x2060] =	vst @!p1 v3  }
0x7a: {  	s28 =	sor.u32 @!p1 $0x2000, s23;
	s29 =	sor.u32 @!p1 $0x2200, s25;
	s25 =	smov.u32 s17;
	v2 =	vld @!p1 [tilespmem:s30+$0x70]  }
.LBB2_4:
0x7b: {  	_ = 	snop  }
0x7c: {  	s30 =	sand.u32 $0x1, s24;
	s24 =	smov.u32 s22;
	s22 =	sadd.s32 $0x1, s22  }
0x7d: {  	p2 =	sne.s32 s7, s22;
	s31 =	sshll.u32 s30, $0xE;
	s30 =	sshll.u32 s30, $0x7  }
0x7e: {  	s1 =	sand.u32 $0x3F, s22;
	p4 =	sge.u32 s22, s7  }
0x7f: {  	s25 =	sadd.s32 $0x80, s25;
	p3 =	sne.s32 @!p4 s1, $0x0;
	s20 =	simm.s32 @!p4 $0x80;
	v3 =	vand.u32 @!p1 $0xFFFF, v2;
	v2 =	vshrl.u32 @!p1 v2, $0x10  }
0x80: {  	s31 =	sor.u32 $0x2200, s31;
	s30 =	sor.u32 $0x2100, s30;
	p3 =	por p3, p4;
	v3 =	vadd.s32 @!p1 v0, v3;
	[tilespmem:s23+$0x2170] =	vst @!p1 v2  }
0x81: {  	s0 =	sshrl.u32 @!p3 s25, $0x3;
	[tilespmem:s23+$0x2070] =	vst @!p1 v3  }
0x82: {  	[tilespmem:s29], [sflag:$0x1] =	stream.indirect.gather @!p1 [hbm4b:s5+s26], $0x80, s28, s26, $0xb8;
	[tilespmem:$0x1DE00] =	vst v63  }
0x83: {  	s0 =	sand.u32 @!p3 $0x1FFFFF80, s0;
	s23 =	simm.s32 @!p3 $0x2;
	_ =	swait.ge [sflag:s21], $0x4000  }
0x84: {  	s0 =	sadd.s32 @!p3 s2, s0;
	s28 =	simm.s32 @!p3 $0x0;
	[sflag:s21] =	ssyncset.done $0x0  }
0x85: {  	s26 =	smov.u32 s20;
	p1 =	por p4, p4;
	[sflag:s21] =	ssyncadd.s32 $0xFFFFC000  }
0x86: {  	[spmem:s3] =	stream.indirect.scatter.add.f32 [tilespmem:s31], [sflag:$0x2], $0x80, s30, s6, $0xb8;
	[tilespmem:$0x1DE00] =	vst v63  }
0x87: {  	_ =	swait.ge [sflag:s19], $0x4000  }
0x88: {  	s30 =	sshll.u32 @!p1 s1, $0x7;
	[sflag:s19] =	ssyncset.done $0x0  }
0x89: {  	[sflag:s19] =	ssyncadd.s32 $0xFFFFC000  }
0x8a: {  	[tilespmem:s28], [sflag:$0x2] =	stream.linear.gather @!p3 [hbm4b:s0+s28], $0x2000, $0x38;
	[tilespmem:$0x1DE00] =	vst v63  }
0x8b: {  	_ =	swait.ge @!p3 [sflag:s23], $0x2000  }
0x8c: {  	[sflag:s23] =	ssyncset.done @!p3 $0x0  }
0x8d: {  	s0 =	sand.u32 $0x1, s22;
	[sflag:s23] =	ssyncadd.s32 @!p3 $0xFFFFE000  }
0x8e: {  	s23 =	sshll.u32 @!p1 s0, $0x7;
	s0 =	sshll.u32 @!p1 s0, $0xE;
	v2 =	vld @!p1 [tilespmem:s30+$0x0]  }
0x8f: {  	s28 =	sor.u32 @!p1 $0x2000, s23;
	s29 =	sor.u32 @!p1 $0x2200, s0;
	_ =	sdelay $0x3  }
0x90: {  	v3 =	vand.u32 @!p1 $0xFFFF, v2;
	v2 =	vshrl.u32 @!p1 v2, $0x10  }
0x91: {  	v3 =	vadd.s32 @!p1 v0, v3;
	[tilespmem:s23+$0x2100] =	vst @!p1 v2  }
0x92: {  	[tilespmem:s23+$0x2000] =	vst @!p1 v3  }
0x93: {  	v2 =	vld @!p1 [tilespmem:s30+$0x10];
	_ =	sdelay $0x4  }
0x94: {  	v3 =	vand.u32 @!p1 $0xFFFF, v2;
	v2 =	vshrl.u32 @!p1 v2, $0x10  }
0x95: {  	v3 =	vadd.s32 @!p1 v0, v3;
	[tilespmem:s23+$0x2110] =	vst @!p1 v2  }
0x96: {  	[tilespmem:s23+$0x2010] =	vst @!p1 v3  }
0x97: {  	v2 =	vld @!p1 [tilespmem:s30+$0x20];
	_ =	sdelay $0x4  }
0x98: {  	v3 =	vand.u32 @!p1 $0xFFFF, v2;
	v2 =	vshrl.u32 @!p1 v2, $0x10  }
0x99: {  	v3 =	vadd.s32 @!p1 v0, v3;
	[tilespmem:s23+$0x2120] =	vst @!p1 v2  }
0x9a: {  	[tilespmem:s23+$0x2020] =	vst @!p1 v3  }
0x9b: {  	v2 =	vld @!p1 [tilespmem:s30+$0x30];
	_ =	sdelay $0x4  }
0x9c: {  	v3 =	vand.u32 @!p1 $0xFFFF, v2;
	v2 =	vshrl.u32 @!p1 v2, $0x10  }
0x9d: {  	v3 =	vadd.s32 @!p1 v0, v3;
	[tilespmem:s23+$0x2130] =	vst @!p1 v2  }
0x9e: {  	[tilespmem:s23+$0x2030] =	vst @!p1 v3  }
0x9f: {  	v2 =	vld @!p1 [tilespmem:s30+$0x40];
	_ =	sdelay $0x4  }
0xa0: {  	v3 =	vand.u32 @!p1 $0xFFFF, v2;
	v2 =	vshrl.u32 @!p1 v2, $0x10  }
0xa1: {  	v3 =	vadd.s32 @!p1 v0, v3;
	[tilespmem:s23+$0x2140] =	vst @!p1 v2  }
0xa2: {  	[tilespmem:s23+$0x2040] =	vst @!p1 v3  }
0xa3: {  	v2 =	vld @!p1 [tilespmem:s30+$0x50];
	_ =	sdelay $0x4  }
0xa4: {  	v3 =	vand.u32 @!p1 $0xFFFF, v2;
	v2 =	vshrl.u32 @!p1 v2, $0x10  }
0xa5: {  	v3 =	vadd.s32 @!p1 v0, v3;
	[tilespmem:s23+$0x2150] =	vst @!p1 v2  }
0xa6: {  	[tilespmem:s23+$0x2050] =	vst @!p1 v3  }
0xa7: {  	v2 =	vld @!p1 [tilespmem:s30+$0x60];
	_ =	sdelay $0x3  }
.Ltmp2:
0xa8: {  	(pc) =	sbr.rel @p2 .LBB2_4-.Ltmp2, $4  }
0xa9: {  	v3 =	vand.u32 @!p1 $0xFFFF, v2;
	v2 =	vshrl.u32 @!p1 v2, $0x10  }
0xaa: {  	v3 =	vadd.s32 @!p1 v0, v3;
	[tilespmem:s23+$0x2160] =	vst @!p1 v2  }
0xab: {  	[tilespmem:s23+$0x2060] =	vst @!p1 v3  }
0xac: {  	v2 =	vld @!p1 [tilespmem:s30+$0x70]  }
.LBB2_5:
0xad: {  	_ =	sdelay $0x3  }
0xae: {  	v3 =	vand.u32 @!p1 $0xFFFF, v2;
	v2 =	vshrl.u32 @!p1 v2, $0x10  }
0xaf: {  	v3 =	vadd.s32 @!p1 v0, v3;
	[tilespmem:s23+$0x2170] =	vst @!p1 v2  }
0xb0: {  	[tilespmem:s23+$0x2070] =	vst @!p1 v3  }
0xb1: {  	[tilespmem:s29], [sflag:$0x1] =	stream.indirect.gather @!p1 [hbm4b:s5+s26], $0x80, s28, s26, $0xb8;
	[tilespmem:$0x1DE00] =	vst v63  }
0xb2: {  	s0 =	sand.u32 $0x1, s24;
	_ =	swait.ge [sflag:s21], $0x4000  }
0xb3: {  	s1 =	sshll.u32 s0, $0xE;
	s0 =	sshll.u32 s0, $0x7;
	[sflag:s21] =	ssyncset.done $0x0  }
0xb4: {  	s1 =	sor.u32 $0x2200, s1;
	s0 =	sor.u32 $0x2100, s0;
	[sflag:s21] =	ssyncadd.s32 $0xFFFFC000  }
0xb5: {  	[spmem:s3] =	stream.indirect.scatter.add.f32 [tilespmem:s1], [sflag:$0x2], $0x80, s0, s6, $0xb8;
	[tilespmem:$0x1DE00] =	vst v63  }
0xb6: {  	s30 =	stileid.u32;
	_ =	swait.ge [sflag:s19], $0x4000  }
0xb7: {  	s31 =	sshrl.u32 s9, $0x3;
	s4 =	sadd.s32 $0x1, s4;
	[sflag:s19] =	ssyncset.done $0x0  }
0xb8: {  	p1 =	sne.s32 s4, s16;
	s0 =	sshll.u32 s30, $0x6;
	[sflag:s19] =	ssyncadd.s32 $0xFFFFC000  }
.Ltmp3:
0xb9: {  	s0 =	sor.u32 $0x1C02, s0;
	[bflag:$0x0] =	sbarrier.arrive $0xFFFF;
	(pc) =	sbr.rel @p1 .LBB2_1-.Ltmp3, $4  }
0xba: {  	[hbm:s15], [sflag:s0] =	dma.local [spmem:s31], $0x2780  }
0xbb: {  	_ =	swait.ge [sflag:s19], $0x2780  }
0xbc: {  	[sflag:s19] =	ssyncset.done $0x0  }
0xbd: {  	[sflag:s19] =	ssyncadd.s32 $0xFFFFD880  }
0xbe: {  	_ =	sfence.sel $0x180000  }
0xbf: {  	[bflag:$0x0] =	sbarrier.arrive $0xFFFF  }
0xc0: {  	_ =	strace $0x9000004A  }
0xc1: {  	s0 =	stileid.u32;
	[bflag:$0x2] =	sbarrier.arrive $0xFFFF  }
0xc2: {  	p0 =	sne.s32 s0, $0x0;
	s0 =	rddreg [dreg:$0x3]  }
0xc3: {  	s0 =	sadd.s32 @!p0 $0x100000, s0  }
0xc4: {  	[sflag:s0] =	ssyncadd.tile.s32 @!p0 $0x1;
	_ =	shalt  }
.Lfunc_end2:
_tile_overlayer_lowered:
.L_overlay_start_2:
0xc5: {  	(tag) =	ssettag $0x2  }
0xc6: {  	s0 =	rddreg [dreg:$0x0];
	s2 =	stileid.u32  }
0xc7: {  	s1 =	rddreg [dreg:$0x1];
	p0 =	sne.s32 s2, $0x0  }
0xc8: {  	s3 =	rddreg [dreg:$0x2];
	[bflag:$0x3] =	sbarrier.arrive $0xFFFF;
	s2 =	simm.s32 @!p0 $0x1C02  }
0xc9: {  	[timem:s3], [sflag:s2] =	dma.local @!p0 [hbm:s0], s1  }
0xca: {  	s0 =	simm.s32 @!p0 $0x2  }
0xcb: {  	_ =	swait.ge @!p0 [sflag:s0], s1  }
0xcc: {  	s1 =	ssub.s32 @!p0 $0x0, s1;
	[sflag:s0] =	ssyncset.done @!p0 $0x0  }
0xcd: {  	[sflag:s0] =	ssyncadd.s32 @!p0 s1  }
0xce: {  	[bflag:$0x3] =	sbarrier.arrive $0xFFFF  }
0xcf: {  	_ =	shalt  }

// kernel: kernel.14.cloned.1.call-start
scs
__scs_entry_jumppad:
0x0: {  	(pc) =	sbr.rel $0x88, $3  }
0x1: {  	(tag) =	ssettag $0x0;
	lr =	simm.s32 $0x1  }
0x2: {  	[smem:$0x3F96] =	sst lr;
	_ =	strace $0xD0000000  }
0x3: {  	_ = 	snop  }
0x4: {  	_ = 	snop  }
0x5: {  	_ = 	snop  }
0x6: {  	_ = 	snop  }
0x7: {  	_ = 	snop  }
__scs_overlays_trampoline_lowered:
0x8: {  	[smem:$0x3FA5] =	sst s0  }
0x9: {  	[smem:$0x3FA6] =	sst s1  }
0xa: {  	[smem:$0x3FA7] =	sst s2  }
0xb: {  	[smem:$0x3FA8] =	sst s3  }
0xc: {  	[smem:$0x3FA9] =	sst s4  }
0xd: {  	[smem:$0x3FAA] =	sst s5  }
0xe: {  	[smem:$0x3FAB] =	sst s6  }
0xf: {  	[smem:$0x3FAC] =	sst s7  }
0x10: {  	[smem:$0x3FAD] =	sst s8  }
0x11: {  	[smem:$0x3FAE] =	sst s9;
	s0 =	simm.s32 @!p0 $0x0  }
0x12: {  	s1 =	sld [smem:$0x3F94];
	s0 =	simm.s32 @p0 $0x1  }
0x13: {  	[smem:$0x3FAF] =	sst s0;
	s0 =	simm.s32 @!p1 $0x0  }
0x14: {  	s2 =	sld [smem:$0x3F93];
	s0 =	simm.s32 @p1 $0x1  }
0x15: {  	[smem:$0x3FB0] =	sst s0;
	s0 =	simm.s32 @!p2 $0x0  }
0x16: {  	s3 =	sld [smem:$0x3FDB];
	s0 =	simm.s32 @p2 $0x1  }
0x17: {  	s4 =	simm.s32 $0x1BF5;
	[smem:$0x3FB2] =	sst s0  }
0x18: {  	s0 =	sld [smem:$0x3F95];
	_ =	swait.ge [sflag:s4], $0x0  }
0x19: {  	s7 =	sld [smem:$0x3F96]  }
0x1a: {  	s8 =	sadd.s32 $0xFFFFE003, lr  }
0x1b: {  	s9 =	sadd.s32 $0xFFFFFEF7, lr;
	s5 =	simm.s32 $0xFFFFFFFF;
	p2 =	slt.u32 s8, $0xFFFFF086  }
0x1c: {  	p1 =	slt.u32 s9, $0xF7A;
	s5 =	simm.s32 @!p2 $0x0  }
0x1d: {  	s5 =	simm.s32 @p1 $0x1;
	p0 =	seq.s32 s7, s2  }
0x1e: {  	s7 =	smul.u32 @!p0 $0xF7A, s2;
	p2 =	seq.s32 @!p0 s5, $0x0  }
0x1f: {  	s9 =	smul.u32 $0xF7A, s1;
	s8 =	simm.s32 @!p0 $0x1BF5;
	p2 =	por !p2, p0  }
0x20: {  	[sflag:s8] =	ssyncset.s32 @!p0 $0xFFFFF086;
	s6 =	sadd.s32 @!p0 s3, s7;
	s7 =	simm.s32 @!p0 $0x108  }
0x21: {  	s3 =	sadd.s32 s3, s9;
	s6 =	sadd.s32 @!p0 $0x88, s6;
	s7 =	simm.s32 @p2 $0x1082  }
0x22: {  	[simem:s7], [sflag:s8] =	dma.local @!p0 [hbm:s6], $0xF7A  }
0x23: {  	s9 =	sor.u32 $0xD0000000, s2;
	s6 =	simm.s32 $0x108;
	_ =	swait.ge @!p0 [sflag:s8], $0x0  }
0x24: {  	s3 =	sadd.s32 $0x88, s3;
	s6 =	simm.s32 @!p1 $0x1082;
	[sflag:s4] =	ssyncset.s32 $0xFFFFF086  }
0x25: {  	[simem:s6], [sflag:s4] =	dma.local [hbm:s3], $0xF7A  }
0x26: {  	[smem:$0x3F96] =	sst s1;
	(tag) =	ssettag s2;
	_ =	strace s9  }
0x27: {  	s1 =	sld [smem:$0x3FA6]  }
0x28: {  	s2 =	sld [smem:$0x3FA7]  }
0x29: {  	s4 =	sld [smem:$0x3FA9]  }
0x2a: {  	p0 =	seq.s32 s5, $0x0;
	s5 =	sld [smem:$0x3FAA]  }
0x2b: {  	s6 =	sld [smem:$0x3FAB]  }
0x2c: {  	s7 =	sld [smem:$0x3FAC]  }
0x2d: {  	s3 =	simm.s32 $0x108;
	s8 =	sld [smem:$0x3FAD]  }
0x2e: {  	s3 =	simm.s32 @!p0 $0x1082;
	s9 =	sld [smem:$0x3FAE]  }
0x2f: {  	lr =	sadd.s32 s0, s3;
	s0 =	sld [smem:$0x3FA5]  }
0x30: {  	s3 =	sld [smem:$0x3FA8]  }
0x31: {  	[smem:$0x3FB1] =	sst s10  }
0x32: {  	s10 =	sld [smem:$0x3FAF];
	_ =	sdelay $0x3  }
0x33: {  	p0 =	seq.s32 s10, $0x1;
	s10 =	sld [smem:$0x3FB1];
	_ =	sdelay $0x3  }
0x34: {  	[smem:$0x3FB1] =	sst s10  }
0x35: {  	s10 =	sld [smem:$0x3FB0];
	_ =	sdelay $0x3  }
0x36: {  	p1 =	seq.s32 s10, $0x1;
	s10 =	sld [smem:$0x3FB1];
	_ =	sdelay $0x3  }
0x37: {  	[smem:$0x3FB1] =	sst s10  }
0x38: {  	s10 =	sld [smem:$0x3FB2]  }
0x39: {  	_ = 	snop;
	(pc) =	sbr.ind lr, $3  }
0x3a: {  	_ = 	snop  }
0x3b: {  	_ = 	snop  }
0x3c: {  	p2 =	seq.s32 s10, $0x1;
	s10 =	sld [smem:$0x3FB1]  }
0x3d: {  	_ =	shalt  }
0x3e: {  	_ =	shalt  }
0x3f: {  	_ =	shalt  }
0x40: {  	_ =	shalt  }
0x41: {  	_ =	shalt  }
0x42: {  	_ =	shalt  }
0x43: {  	_ =	shalt  }
0x44: {  	_ =	shalt  }
0x45: {  	_ =	shalt  }
0x46: {  	_ =	shalt  }
0x47: {  	_ =	shalt  }
0x48: {  	_ =	shalt  }
0x49: {  	_ =	shalt  }
0x4a: {  	_ =	shalt  }
0x4b: {  	_ =	shalt  }
0x4c: {  	_ =	shalt  }
0x4d: {  	_ =	shalt  }
0x4e: {  	_ =	shalt  }
0x4f: {  	_ =	shalt  }
0x50: {  	_ =	shalt  }
0x51: {  	_ =	shalt  }
0x52: {  	_ =	shalt  }
0x53: {  	_ =	shalt  }
0x54: {  	_ =	shalt  }
0x55: {  	_ =	shalt  }
0x56: {  	_ =	shalt  }
0x57: {  	_ =	shalt  }
0x58: {  	_ =	shalt  }
0x59: {  	_ =	shalt  }
0x5a: {  	_ =	shalt  }
0x5b: {  	_ =	shalt  }
0x5c: {  	_ =	shalt  }
0x5d: {  	_ =	shalt  }
0x5e: {  	_ =	shalt  }
0x5f: {  	_ =	shalt  }
0x60: {  	_ =	shalt  }
0x61: {  	_ =	shalt  }
0x62: {  	_ =	shalt  }
0x63: {  	_ =	shalt  }
0x64: {  	_ =	shalt  }
0x65: {  	_ =	shalt  }
0x66: {  	_ =	shalt  }
0x67: {  	_ =	shalt  }
0x68: {  	_ =	shalt  }
0x69: {  	_ =	shalt  }
0x6a: {  	_ =	shalt  }
0x6b: {  	_ =	shalt  }
0x6c: {  	_ =	shalt  }
0x6d: {  	_ =	shalt  }
0x6e: {  	_ =	shalt  }
0x6f: {  	_ =	shalt  }
0x70: {  	_ =	shalt  }
0x71: {  	_ =	shalt  }
0x72: {  	_ =	shalt  }
0x73: {  	_ =	shalt  }
0x74: {  	_ =	shalt  }
0x75: {  	_ =	shalt  }
0x76: {  	_ =	shalt  }
0x77: {  	_ =	shalt  }
0x78: {  	_ =	shalt  }
0x79: {  	_ =	shalt  }
0x7a: {  	_ =	shalt  }
0x7b: {  	_ =	shalt  }
0x7c: {  	_ =	shalt  }
0x7d: {  	_ =	shalt  }
0x7e: {  	_ =	shalt  }
0x7f: {  	_ =	shalt  }
0x80: {  	_ =	shalt  }
0x81: {  	_ =	shalt  }
0x82: {  	_ =	shalt  }
0x83: {  	_ =	shalt  }
0x84: {  	_ =	shalt  }
0x85: {  	_ =	shalt  }
0x86: {  	_ =	shalt  }
0x87: {  	_ =	shalt  }
.Lfunc_end0:
.L_simem_size_0:
called_computation.2_lowered:
.L_overlay_start_0:
0x88: {  	s2 =	sld [smem:$0x3FD9]  }
0x89: {  	s3 =	sld [smem:$0x3FFE];
	_ =	sdelay $0x1  }
0x8a: {  	s1 =	srdreg.scid  }
0x8b: {  	s0 =	sand.u32 $0x1, s1  }
0x8c: {  	s17 =	sshll.u32 s0, $0xA;
	s2 =	sadd.s32 s3, s2  }
0x8d: {  	s2 =	sadd.s32 s2, s17  }
0x8e: {  	[smem:$0x3FBD] =	sst s2  }
0x8f: {  	_ = 	snop  }
0x90: {  	s2 =	sld [smem:$0x3FD0];
	(tm) =	ssettm $0x1  }
0x91: {  	s18 =	sld [smem:$0x3FFB];
	_ =	sdelay $0x3  }
0x92: {  	_ =	strace s18  }
0x93: {  	s3 =	sld [smem:$0x3FFC];
	_ =	sdelay $0x3  }
0x94: {  	_ =	strace s3  }
0x95: {  	s3 =	sld [smem:$0x3FFD];
	_ =	sdelay $0x3  }
0x96: {  	_ =	strace s3  }
0x97: {  	_ =	strace $0x8FFFFFFF  }
0x98: {  	s19 =	sld [smem:$0x3FDB];
	_ =	sdelay $0x1  }
0x99: {  	s4 =	simm.s32 $_scs_section_size  }
0x9a: {  	s5 =	simm.s32 $_size__tile_overlayer_lowered;
	s6 =	simm.s32 $_tile_overlayer_lowered  }
0x9b: {  	s22 =	simm.s32 $0x1BFF;
	s21 =	sshll.u32 s6, $0x1;
	s3 =	sadd.s32 s4, s19  }
0x9c: {  	s7 =	simm.s32 $0x0;
	s20 =	sshll.u32 s5, $0x1;
	s5 =	sadd.s32 s21, s3  }
0x9d: {  	[timem:s7], [sflag:s22] =	dma.local [hbm:s5], s20  }
0x9e: {  	_ =	swait.ge [sflag:s22], s20  }
0x9f: {  	s4 =	ssub.s32 $0x0, s20;
	[sflag:s22] =	ssyncset.done $0x0  }
0xa0: {  	[sflag:s22] =	ssyncadd.s32 s4;
	_ =	sdelay $0x1  }
0xa1: {  	s23 =	simm.s32 $0x1B8B  }
0xa2: {  	_ =	swait.ge [sflag:s23], $0x1  }
0xa3: {  	[sflag:s23] =	ssyncset.done $0x0  }
0xa4: {  	s25 =	simm.s32 $0x1B8E;
	s24 =	sld [smem:$0x3FFE];
	[sflag:s23] =	ssyncadd.s32 $0xFFFFFFFF  }
0xa5: {  	s26 =	simm.s32 $execute0_lowered;
	[smem:$0x3FD2] =	sst s25  }
0xa6: {  	s5 =	sshll.u32 s26, $0x1;
	_ =	strace $0x8000004C;
	[dreg:$0x1] =	wrdreg $0xFFFFFFFF  }
0xa7: {  	s28 =	simm.s32 $_size_execute0_lowered;
	s3 =	sadd.s32 s3, s5;
	[dreg:$0x0] =	wrdreg $0x0  }
0xa8: {  	s5 =	sshll.u32 s28, $0x1;
	[dreg:$0x2] =	wrdreg s3  }
0xa9: {  	[dreg:$0x3] =	wrdreg s5  }
0xaa: {  	[dreg:$0x4] =	wrdreg $0xC0  }
0xab: {  	_ =	task [dreg:s7], $0x5FFFF  }
0xac: {  	[dreg:$0x1] =	wrdreg $0xFFFFFFFF  }
0xad: {  	[dreg:$0x0] =	wrdreg $0x60  }
0xae: {  	[dreg:$0x2] =	wrdreg s24  }
0xaf: {  	[dreg:$0x3] =	wrdreg s2  }
0xb0: {  	[dreg:$0x4] =	wrdreg $0xA2000  }
0xb1: {  	[dreg:$0x5] =	wrdreg $0x9  }
0xb2: {  	_ =	task.clear_ibuf [dreg:s7], $0x6FFFF;
	_ =	strace $0x9000004C  }
0xb3: {  	s29 =	simm.s32 $0x9;
	_ =	strace $0x8000004E  }
0xb4: {  	_ =	swait.ge [sflag:s29], $0x1  }
0xb5: {  	[sflag:s29] =	ssyncadd.s32 $0xFFFFFFFF  }
0xb6: {  	_ =	strace $0x9000004E  }
0xb7: {  	_ =	sfence  }
0xb8: {  	s30 =	sld [smem:$0x0];
	_ =	sdelay $0x2  }
0xb9: {  	s31 =	sshll.u32 s1, $0xD;
	s1 =	sshrl.u32 s1, $0x2  }
0xba: {  	s3 =	sand.u32 $0x4000, s31;
	s1 =	sadd.s32 s1, s30  }
0xbb: {  	s0 =	sor.u32 s3, s0;
	s1 =	sshll.u32 s1, $0x11  }
0xbc: {  	s0 =	sor.u32 s1, s0  }
0xbd: {  	s0 =	sadd.s32 $0x8F2B, s0  }
0xbe: {  	[sflag:s0] =	ssyncadd.remote.s32 $0x1  }
0xbf: {  	_ =	sfence.sel $0xFFFF  }
0xc0: {  	[dreg:$0x0] =	wrdreg $0xFFFFFFFF;
	(pc) =	sbr.abs _section_cstart, $3  }
0xc1: {  	[dreg:$0x1] =	wrdreg $0xFFFFFFFF  }
0xc2: {  	_ =	task.clear_ibuf [dreg:s7], $0x2FFFF;
	_ =	strace $0x9FFFFFFF  }
0xc3: {  	(tm) =	ssettm $0x7FFFFFFF  }
tec
execute0_lowered:
.L_overlay_start_1:
0x0: {  	(tag) =	ssettag $0x1  }
0x1: {  	s6 =	rddreg [dreg:$0x0]  }
0x2: {  	s2 =	rddreg [dreg:$0x1];
	s1 =	srdreg.scid  }
0x3: {  	s0 =	stileid.u32;
	s3 =	rddreg [dreg:$0x2];
	s4 =	simm.s32 $0x0  }
0x4: {  	s21 =	simm.s32 $0x1;
	s18 =	sand.u32 $0x1, s1;
	s5 =	smul.u32 $0x2780, s0  }
0x5: {  	[smem:$0x7FF] =	sst s4;
	s28 =	sshll.u32 s0, $0x5;
	s29 =	smul.u32 $0x4F000, s0  }
0x6: {  	s9 =	sshll.u32 s0, $0x7;
	s31 =	sshll.u32 s0, $0xB;
	s7 =	smul.u32 $0x27800, s18  }
0x7: {  	_ =	strace $0x8000004D;
	s8 =	ssub.s32 $0x2, s18;
	p0 =	seq.s32 s18, $0x0  }
0x8: {  	s17 =	sor.u32 $0x800, s28;
	s19 =	smul.u32 $0x2710, s18;
	s26 =	sshrl.u32 s8, $0x1  }
0x9: {  	s10 =	sshll.u32 s17, $0x4;
	s17 =	smov.u32 @p0 s9;
	s30 =	sshrl.u32 s29, $0x2  }
0xa: {  	s7 =	sadd.s32 s5, s7;
	s5 =	sadd.s32 $0x4800, s6;
	s16 =	ssub.s32 s8, s26  }
0xb: {  	s8 =	sadd.s32 s2, s10;
	s9 =	sadd.s32 s30, s3;
	s10 =	sadd.s32 s2, s31  }
0xc: {  	s17 =	sshll.u32 s17, $0x7;
	v0 =	vmov s19;
	s19 =	simm.s32 $0x2;
	s15 =	sadd.s32 s7, s6  }
0xd: {  	s6 =	simm.s32 $0x80;
	s7 =	simm.s32 $0x80;
	s11 =	sadd.s32 $0x4000, s9  }
0xe: {  	s12 =	sadd.s32 $0x8000, s9;
	s13 =	sadd.s32 $0xC000, s9;
	s14 =	sadd.s32 $0x10000, s9  }
0xf: {  	s16 =	smax.u32 s16, $0x1;
	s17 =	sor.u32 $0x80, s17;
	s7 =	simm.s32 @!p0 $0x20  }
0x10: {  	v1 =	vimm.f32 $0.0e+00;
	s15 =	sadd.s32 $0x52A00, s15;
	p0 =	sne.s32 s18, $0x0;
	s18 =	simm.s32 $0x2200  }
.LBB2_1:
0x11: {  	s22 =	simm.s32 @p0 $0x0  }
0x12: {  	[tilespmem:s22], [sflag:$0x2] =	stream.linear.gather @p0 [hbm4b:s8+s22], $0x1000, $0x38;
	[tilespmem:$0x1DE00] =	vst v63  }
0x13: {  	s22 =	simm.s32 @p0 $0x2  }
0x14: {  	_ =	swait.ge @p0 [sflag:s22], $0x1000  }
0x15: {  	[sflag:s22] =	ssyncset.done @p0 $0x0  }
0x16: {  	[sflag:s22] =	ssyncadd.s32 @p0 $0xFFFFF000;
	s22 =	simm.s32 @!p0 $0x0  }
0x17: {  	[tilespmem:s22], [sflag:$0x2] =	stream.linear.gather @!p0 [hbm4b:s10+s22], $0x2000, $0x38;
	[tilespmem:$0x1DE00] =	vst v63  }
0x18: {  	s22 =	simm.s32 @!p0 $0x2  }
0x19: {  	_ =	swait.ge @!p0 [sflag:s22], $0x2000  }
0x1a: {  	[sflag:s22] =	ssyncset.done @!p0 $0x0  }
0x1b: {  	s23 =	simm.s32 $0x200;
	[sflag:s22] =	ssyncadd.s32 @!p0 $0xFFFFE000;
	s22 =	simm.s32 $0x0  }
.LBB2_2:
0x1c: {  	p1 =	sne.s32 s23, $0xFE00;
	[tilespmem:s22+$0x2270] =	vst v1  }
0x1d: {  	[tilespmem:s22+$0x2200] =	vst v1  }
0x1e: {  	[tilespmem:s22+$0x2210] =	vst v1  }
.Ltmp0:
0x1f: {  	[tilespmem:s22+$0x2220] =	vst v1;
	(pc) =	sbr.rel @p1 .LBB2_2-.Ltmp0, $4  }
0x20: {  	[tilespmem:s22+$0x2230] =	vst v1  }
0x21: {  	[tilespmem:s22+$0x2240] =	vst v1  }
0x22: {  	[tilespmem:s22+$0x2250] =	vst v1  }
0x23: {  	[tilespmem:s22+$0x2260] =	vst v1;
	s22 =	sshra.s32 s23, $0x2;
	s23 =	sadd.s32 $0x200, s23  }
0x24: {  	[tilespmem:s22+$0x2270] =	vst v1  }
0x25: {  	[tilespmem:s22+$0x2200] =	vst v1  }
0x26: {  	[tilespmem:s22+$0x2210] =	vst v1  }
0x27: {  	[tilespmem:s22+$0x2220] =	vst v1  }
0x28: {  	[tilespmem:s22+$0x2230] =	vst v1  }
0x29: {  	[tilespmem:s22+$0x2240] =	vst v1  }
0x2a: {  	[tilespmem:s22+$0x2250] =	vst v1  }
0x2b: {  	[tilespmem:s22+$0x2260] =	vst v1  }
0x2c: {  	[spmem:s9] =	stream.linear.scatter [tilespmem:s18], [sflag:$0x2], $0x4000, $0x38;
	[tilespmem:$0x1DE00] =	vst v63  }
0x2d: {  	_ =	swait.ge [sflag:s19], $0x4000  }
0x2e: {  	[sflag:s19] =	ssyncset.done $0x0  }
0x2f: {  	[sflag:s19] =	ssyncadd.s32 $0xFFFFC000  }
0x30: {  	[spmem:s11] =	stream.linear.scatter [tilespmem:s18], [sflag:$0x2], $0x4000, $0x38;
	[tilespmem:$0x1DE00] =	vst v63  }
0x31: {  	_ =	swait.ge [sflag:s19], $0x4000  }
0x32: {  	[sflag:s19] =	ssyncset.done $0x0  }
0x33: {  	[sflag:s19] =	ssyncadd.s32 $0xFFFFC000  }
0x34: {  	[spmem:s12] =	stream.linear.scatter [tilespmem:s18], [sflag:$0x2], $0x4000, $0x38;
	[tilespmem:$0x1DE00] =	vst v63  }
0x35: {  	_ =	swait.ge [sflag:s19], $0x4000  }
0x36: {  	[sflag:s19] =	ssyncset.done $0x0  }
0x37: {  	[sflag:s19] =	ssyncadd.s32 $0xFFFFC000  }
0x38: {  	[spmem:s13] =	stream.linear.scatter [tilespmem:s18], [sflag:$0x2], $0x4000, $0x38;
	[tilespmem:$0x1DE00] =	vst v63  }
0x39: {  	_ =	swait.ge [sflag:s19], $0x4000  }
0x3a: {  	[sflag:s19] =	ssyncset.done $0x0  }
0x3b: {  	[sflag:s19] =	ssyncadd.s32 $0xFFFFC000  }
0x3c: {  	[spmem:s14] =	stream.linear.scatter [tilespmem:s18], [sflag:$0x2], $0x3C00, $0x38;
	[tilespmem:$0x1DE00] =	vst v63  }
0x3d: {  	_ =	swait.ge [sflag:s19], $0x3C00  }
0x3e: {  	[sflag:s19] =	ssyncset.done $0x0  }
0x3f: {  	[sflag:s19] =	ssyncadd.s32 $0xFFFFC400  }
0x40: {  	[bflag:$0x0] =	sbarrier.arrive $0xFFFF  }
0x41: {  	v2 =	vld [tilespmem:$0x0]  }
0x42: {  	v3 =	vld [tilespmem:$0x10];
	_ =	sdelay $0x1  }
0x43: {  	v4 =	vld [tilespmem:$0x20];
	_ =	sdelay $0x1  }
0x44: {  	v6 =	vld [tilespmem:$0x30];
	v5 =	vand.u32 $0xFFFF, v2;
	v2 =	vshrl.u32 v2, $0x10  }
0x45: {  	v57 =	vand.u32 $0xFFFF, v3;
	v5 =	vadd.s32 v0, v5;
	[tilespmem:$0x2100] =	vst v2  }
0x46: {  	v58 =	vld [tilespmem:$0x40];
	v2 =	vadd.s32 v0, v57;
	[tilespmem:$0x2000] =	vst v5  }
0x47: {  	[tilespmem:$0x2010] =	vst v2;
	v2 =	vshrl.u32 v3, $0x10;
	v3 =	vand.u32 $0xFFFF, v4  }
0x48: {  	[tilespmem:$0x2110] =	vst v2;
	v2 =	vadd.s32 v0, v3;
	v3 =	vld [tilespmem:$0x50]  }
0x49: {  	v59 =	vand.u32 $0xFFFF, v6;
	[tilespmem:$0x2020] =	vst v2;
	v2 =	vshrl.u32 v4, $0x10  }
0x4a: {  	v60 =	vld [tilespmem:$0x60];
	[tilespmem:$0x2120] =	vst v2;
	v2 =	vadd.s32 v0, v59  }
0x4b: {  	v61 =	vand.u32 $0xFFFF, v58;
	[tilespmem:$0x2030] =	vst v2;
	v2 =	vshrl.u32 v6, $0x10  }
0x4c: {  	v62 =	vld [tilespmem:$0x70];
	[tilespmem:$0x2130] =	vst v2;
	v2 =	vadd.s32 v0, v61  }
0x4d: {  	[tilespmem:$0x2040] =	vst v2;
	v2 =	vshrl.u32 v58, $0x10;
	v63 =	vand.u32 $0xFFFF, v3  }
0x4e: {  	[tilespmem:$0x2140] =	vst v2;
	v2 =	vadd.s32 v0, v63  }
0x4f: {  	s22 =	simm.s32 $0x1;
	[tilespmem:$0x2050] =	vst v2;
	v2 =	vshrl.u32 v3, $0x10;
	v3 =	vand.u32 $0xFFFF, v60  }
0x50: {  	p2 =	sle.u32 s7, $0x1;
	s23 =	sand.u32 $0x3F, s22;
	[tilespmem:$0x2150] =	vst v2;
	v2 =	vadd.s32 v0, v3  }
0x51: {  	p1 =	sne.s32 @!p2 s23, $0x0;
	v3 =	vand.u32 $0xFFFF, v62;
	[tilespmem:$0x2060] =	vst v2;
	v2 =	vshrl.u32 v60, $0x10  }
0x52: {  	p3 =	por p1, p2;
	[tilespmem:$0x2160] =	vst v2;
	v2 =	vadd.s32 v0, v3  }
0x53: {  	s24 =	sshrl.u32 @!p3 s17, $0x3;
	[tilespmem:$0x2070] =	vst v2;
	v2 =	vshrl.u32 v62, $0x10  }
0x54: {  	s0 =	simm.s32 $0x2000;
	s24 =	sand.u32 @!p3 $0x1FFFFF80, s24;
	[tilespmem:$0x2170] =	vst v2  }
0x55: {  	[tilespmem:s18], [sflag:$0x1] =	stream.indirect.gather [hbm4b:s5+s6], $0x80, s0, s6, $0xb8;
	[tilespmem:$0x1DE00] =	vst v63  }
0x56: {  	s25 =	simm.s32 @!p3 $0x2;
	s26 =	simm.s32 @!p3 $0x0;
	s24 =	sadd.s32 @!p3 s2, s24  }
0x57: {  	[tilespmem:s26], [sflag:$0x2] =	stream.linear.gather @!p3 [hbm4b:s24+s26], $0x2000, $0x38;
	[tilespmem:$0x1DE00] =	vst v63  }
0x58: {  	_ =	swait.ge @!p3 [sflag:s25], $0x2000  }
0x59: {  	p1 =	por p2, p2;
	[sflag:s25] =	ssyncset.done @!p3 $0x0  }
0x5a: {  	s30 =	sshll.u32 @!p1 s23, $0x7;
	[sflag:s25] =	ssyncadd.s32 @!p3 $0xFFFFE000  }
0x5b: {  	v2 =	vld @!p1 [tilespmem:s30+$0x0];
	_ =	sdelay $0x3  }
0x5c: {  	s25 =	sand.u32 $0x1, s22  }
0x5d: {  	s23 =	sshll.u32 @!p1 s25, $0x7;
	v3 =	vand.u32 @!p1 $0xFFFF, v2;
	v2 =	vshrl.u32 @!p1 v2, $0x10  }
0x5e: {  	v3 =	vadd.s32 @!p1 v0, v3;
	[tilespmem:s23+$0x2100] =	vst @!p1 v2  }
0x5f: {  	[tilespmem:s23+$0x2000] =	vst @!p1 v3  }
0x60: {  	v2 =	vld @!p1 [tilespmem:s30+$0x10];
	_ =	sdelay $0x4  }
0x61: {  	v3 =	vand.u32 @!p1 $0xFFFF, v2;
	v2 =	vshrl.u32 @!p1 v2, $0x10  }
0x62: {  	v3 =	vadd.s32 @!p1 v0, v3;
	[tilespmem:s23+$0x2110] =	vst @!p1 v2  }
0x63: {  	[tilespmem:s23+$0x2010] =	vst @!p1 v3  }
0x64: {  	v2 =	vld @!p1 [tilespmem:s30+$0x20];
	_ =	sdelay $0x4  }
0x65: {  	v3 =	vand.u32 @!p1 $0xFFFF, v2;
	v2 =	vshrl.u32 @!p1 v2, $0x10  }
0x66: {  	v3 =	vadd.s32 @!p1 v0, v3;
	[tilespmem:s23+$0x2120] =	vst @!p1 v2  }
0x67: {  	[tilespmem:s23+$0x2020] =	vst @!p1 v3  }
0x68: {  	v2 =	vld @!p1 [tilespmem:s30+$0x30];
	_ =	sdelay $0x4  }
0x69: {  	v3 =	vand.u32 @!p1 $0xFFFF, v2;
	v2 =	vshrl.u32 @!p1 v2, $0x10  }
0x6a: {  	v3 =	vadd.s32 @!p1 v0, v3;
	[tilespmem:s23+$0x2130] =	vst @!p1 v2  }
0x6b: {  	[tilespmem:s23+$0x2030] =	vst @!p1 v3  }
0x6c: {  	v2 =	vld @!p1 [tilespmem:s30+$0x40];
	_ =	sdelay $0x4  }
0x6d: {  	v3 =	vand.u32 @!p1 $0xFFFF, v2;
	v2 =	vshrl.u32 @!p1 v2, $0x10  }
0x6e: {  	v3 =	vadd.s32 @!p1 v0, v3;
	[tilespmem:s23+$0x2140] =	vst @!p1 v2  }
0x6f: {  	[tilespmem:s23+$0x2040] =	vst @!p1 v3  }
0x70: {  	v2 =	vld @!p1 [tilespmem:s30+$0x50];
	_ =	sdelay $0x4  }
0x71: {  	v3 =	vand.u32 @!p1 $0xFFFF, v2;
	v2 =	vshrl.u32 @!p1 v2, $0x10  }
0x72: {  	v3 =	vadd.s32 @!p1 v0, v3;
	[tilespmem:s23+$0x2150] =	vst @!p1 v2  }
0x73: {  	[tilespmem:s23+$0x2050] =	vst @!p1 v3  }
0x74: {  	v2 =	vld @!p1 [tilespmem:s30+$0x60];
	_ =	sdelay $0x2  }
0x75: {  	p3 =	sne.s32 s7, $0x1  }
.Ltmp1:
0x76: {  	_ = 	snop;
	(pc) =	sbr.rel @!p3 .LBB2_5-.Ltmp1, $4  }
0x77: {  	v3 =	vand.u32 @!p1 $0xFFFF, v2;
	v2 =	vshrl.u32 @!p1 v2, $0x10  }
0x78: {  	v3 =	vadd.s32 @!p1 v0, v3;
	[tilespmem:s23+$0x2160] =	vst @!p1 v2  }
0x79: {  	s24 =	simm.s32 $0x0;
	s26 =	simm.s32 @!p2 $0x80;
	s25 =	sshll.u32 @!p1 s25, $0xE;
	[tilespmem:s23+$0x2060] =	vst @!p1 v3  }
0x7a: {  	s28 =	sor.u32 @!p1 $0x2000, s23;
	s29 =	sor.u32 @!p1 $0x2200, s25;
	s25 =	smov.u32 s17;
	v2 =	vld @!p1 [tilespmem:s30+$0x70]  }
.LBB2_4:
0x7b: {  	_ = 	snop  }
0x7c: {  	s30 =	sand.u32 $0x1, s24;
	s24 =	smov.u32 s22;
	s22 =	sadd.s32 $0x1, s22  }
0x7d: {  	p2 =	sne.s32 s7, s22;
	s31 =	sshll.u32 s30, $0xE;
	s30 =	sshll.u32 s30, $0x7  }
0x7e: {  	s1 =	sand.u32 $0x3F, s22;
	p4 =	sge.u32 s22, s7  }
0x7f: {  	s25 =	sadd.s32 $0x80, s25;
	p3 =	sne.s32 @!p4 s1, $0x0;
	s20 =	simm.s32 @!p4 $0x80;
	v3 =	vand.u32 @!p1 $0xFFFF, v2;
	v2 =	vshrl.u32 @!p1 v2, $0x10  }
0x80: {  	s31 =	sor.u32 $0x2200, s31;
	s30 =	sor.u32 $0x2100, s30;
	p3 =	por p3, p4;
	v3 =	vadd.s32 @!p1 v0, v3;
	[tilespmem:s23+$0x2170] =	vst @!p1 v2  }
0x81: {  	s0 =	sshrl.u32 @!p3 s25, $0x3;
	[tilespmem:s23+$0x2070] =	vst @!p1 v3  }
0x82: {  	[tilespmem:s29], [sflag:$0x1] =	stream.indirect.gather @!p1 [hbm4b:s5+s26], $0x80, s28, s26, $0xb8;
	[tilespmem:$0x1DE00] =	vst v63  }
0x83: {  	s0 =	sand.u32 @!p3 $0x1FFFFF80, s0;
	s23 =	simm.s32 @!p3 $0x2;
	_ =	swait.ge [sflag:s21], $0x4000  }
0x84: {  	s0 =	sadd.s32 @!p3 s2, s0;
	s28 =	simm.s32 @!p3 $0x0;
	[sflag:s21] =	ssyncset.done $0x0  }
0x85: {  	s26 =	smov.u32 s20;
	p1 =	por p4, p4;
	[sflag:s21] =	ssyncadd.s32 $0xFFFFC000  }
0x86: {  	[spmem:s3] =	stream.indirect.scatter.add.f32 [tilespmem:s31], [sflag:$0x2], $0x80, s30, s6, $0xb8;
	[tilespmem:$0x1DE00] =	vst v63  }
0x87: {  	_ =	swait.ge [sflag:s19], $0x4000  }
0x88: {  	s30 =	sshll.u32 @!p1 s1, $0x7;
	[sflag:s19] =	ssyncset.done $0x0  }
0x89: {  	[sflag:s19] =	ssyncadd.s32 $0xFFFFC000  }
0x8a: {  	[tilespmem:s28], [sflag:$0x2] =	stream.linear.gather @!p3 [hbm4b:s0+s28], $0x2000, $0x38;
	[tilespmem:$0x1DE00] =	vst v63  }
0x8b: {  	_ =	swait.ge @!p3 [sflag:s23], $0x2000  }
0x8c: {  	[sflag:s23] =	ssyncset.done @!p3 $0x0  }
0x8d: {  	s0 =	sand.u32 $0x1, s22;
	[sflag:s23] =	ssyncadd.s32 @!p3 $0xFFFFE000  }
0x8e: {  	s23 =	sshll.u32 @!p1 s0, $0x7;
	s0 =	sshll.u32 @!p1 s0, $0xE;
	v2 =	vld @!p1 [tilespmem:s30+$0x0]  }
0x8f: {  	s28 =	sor.u32 @!p1 $0x2000, s23;
	s29 =	sor.u32 @!p1 $0x2200, s0;
	_ =	sdelay $0x3  }
0x90: {  	v3 =	vand.u32 @!p1 $0xFFFF, v2;
	v2 =	vshrl.u32 @!p1 v2, $0x10  }
0x91: {  	v3 =	vadd.s32 @!p1 v0, v3;
	[tilespmem:s23+$0x2100] =	vst @!p1 v2  }
0x92: {  	[tilespmem:s23+$0x2000] =	vst @!p1 v3  }
0x93: {  	v2 =	vld @!p1 [tilespmem:s30+$0x10];
	_ =	sdelay $0x4  }
0x94: {  	v3 =	vand.u32 @!p1 $0xFFFF, v2;
	v2 =	vshrl.u32 @!p1 v2, $0x10  }
0x95: {  	v3 =	vadd.s32 @!p1 v0, v3;
	[tilespmem:s23+$0x2110] =	vst @!p1 v2  }
0x96: {  	[tilespmem:s23+$0x2010] =	vst @!p1 v3  }
0x97: {  	v2 =	vld @!p1 [tilespmem:s30+$0x20];
	_ =	sdelay $0x4  }
0x98: {  	v3 =	vand.u32 @!p1 $0xFFFF, v2;
	v2 =	vshrl.u32 @!p1 v2, $0x10  }
0x99: {  	v3 =	vadd.s32 @!p1 v0, v3;
	[tilespmem:s23+$0x2120] =	vst @!p1 v2  }
0x9a: {  	[tilespmem:s23+$0x2020] =	vst @!p1 v3  }
0x9b: {  	v2 =	vld @!p1 [tilespmem:s30+$0x30];
	_ =	sdelay $0x4  }
0x9c: {  	v3 =	vand.u32 @!p1 $0xFFFF, v2;
	v2 =	vshrl.u32 @!p1 v2, $0x10  }
0x9d: {  	v3 =	vadd.s32 @!p1 v0, v3;
	[tilespmem:s23+$0x2130] =	vst @!p1 v2  }
0x9e: {  	[tilespmem:s23+$0x2030] =	vst @!p1 v3  }
0x9f: {  	v2 =	vld @!p1 [tilespmem:s30+$0x40];
	_ =	sdelay $0x4  }
0xa0: {  	v3 =	vand.u32 @!p1 $0xFFFF, v2;
	v2 =	vshrl.u32 @!p1 v2, $0x10  }
0xa1: {  	v3 =	vadd.s32 @!p1 v0, v3;
	[tilespmem:s23+$0x2140] =	vst @!p1 v2  }
0xa2: {  	[tilespmem:s23+$0x2040] =	vst @!p1 v3  }
0xa3: {  	v2 =	vld @!p1 [tilespmem:s30+$0x50];
	_ =	sdelay $0x4  }
0xa4: {  	v3 =	vand.u32 @!p1 $0xFFFF, v2;
	v2 =	vshrl.u32 @!p1 v2, $0x10  }
0xa5: {  	v3 =	vadd.s32 @!p1 v0, v3;
	[tilespmem:s23+$0x2150] =	vst @!p1 v2  }
0xa6: {  	[tilespmem:s23+$0x2050] =	vst @!p1 v3  }
0xa7: {  	v2 =	vld @!p1 [tilespmem:s30+$0x60];
	_ =	sdelay $0x3  }
.Ltmp2:
0xa8: {  	(pc) =	sbr.rel @p2 .LBB2_4-.Ltmp2, $4  }
0xa9: {  	v3 =	vand.u32 @!p1 $0xFFFF, v2;
	v2 =	vshrl.u32 @!p1 v2, $0x10  }
0xaa: {  	v3 =	vadd.s32 @!p1 v0, v3;
	[tilespmem:s23+$0x2160] =	vst @!p1 v2  }
0xab: {  	[tilespmem:s23+$0x2060] =	vst @!p1 v3  }
0xac: {  	v2 =	vld @!p1 [tilespmem:s30+$0x70]  }
.LBB2_5:
0xad: {  	_ =	sdelay $0x3  }
0xae: {  	v3 =	vand.u32 @!p1 $0xFFFF, v2;
	v2 =	vshrl.u32 @!p1 v2, $0x10  }
0xaf: {  	v3 =	vadd.s32 @!p1 v0, v3;
	[tilespmem:s23+$0x2170] =	vst @!p1 v2  }
0xb0: {  	[tilespmem:s23+$0x2070] =	vst @!p1 v3  }
0xb1: {  	[tilespmem:s29], [sflag:$0x1] =	stream.indirect.gather @!p1 [hbm4b:s5+s26], $0x80, s28, s26, $0xb8;
	[tilespmem:$0x1DE00] =	vst v63  }
0xb2: {  	s0 =	sand.u32 $0x1, s24;
	_ =	swait.ge [sflag:s21], $0x4000  }
0xb3: {  	s1 =	sshll.u32 s0, $0xE;
	s0 =	sshll.u32 s0, $0x7;
	[sflag:s21] =	ssyncset.done $0x0  }
0xb4: {  	s1 =	sor.u32 $0x2200, s1;
	s0 =	sor.u32 $0x2100, s0;
	[sflag:s21] =	ssyncadd.s32 $0xFFFFC000  }
0xb5: {  	[spmem:s3] =	stream.indirect.scatter.add.f32 [tilespmem:s1], [sflag:$0x2], $0x80, s0, s6, $0xb8;
	[tilespmem:$0x1DE00] =	vst v63  }
0xb6: {  	s30 =	stileid.u32;
	_ =	swait.ge [sflag:s19], $0x4000  }
0xb7: {  	s31 =	sshrl.u32 s9, $0x3;
	s4 =	sadd.s32 $0x1, s4;
	[sflag:s19] =	ssyncset.done $0x0  }
0xb8: {  	p1 =	sne.s32 s4, s16;
	s0 =	sshll.u32 s30, $0x6;
	[sflag:s19] =	ssyncadd.s32 $0xFFFFC000  }
.Ltmp3:
0xb9: {  	s0 =	sor.u32 $0x1C02, s0;
	[bflag:$0x0] =	sbarrier.arrive $0xFFFF;
	(pc) =	sbr.rel @p1 .LBB2_1-.Ltmp3, $4  }
0xba: {  	[hbm:s15], [sflag:s0] =	dma.local [spmem:s31], $0x2780  }
0xbb: {  	_ =	swait.ge [sflag:s19], $0x2780  }
0xbc: {  	[sflag:s19] =	ssyncset.done $0x0  }
0xbd: {  	[sflag:s19] =	ssyncadd.s32 $0xFFFFD880  }
0xbe: {  	_ =	sfence.sel $0x180000  }
0xbf: {  	[bflag:$0x0] =	sbarrier.arrive $0xFFFF  }
0xc0: {  	_ =	strace $0x9000004D  }
0xc1: {  	s0 =	stileid.u32;
	[bflag:$0x2] =	sbarrier.arrive $0xFFFF  }
0xc2: {  	p0 =	sne.s32 s0, $0x0;
	s0 =	rddreg [dreg:$0x3]  }
0xc3: {  	s0 =	sadd.s32 @!p0 $0x100000, s0  }
0xc4: {  	[sflag:s0] =	ssyncadd.tile.s32 @!p0 $0x1;
	_ =	shalt  }
.Lfunc_end2:
_tile_overlayer_lowered:
.L_overlay_start_2:
0xc5: {  	(tag) =	ssettag $0x2  }
0xc6: {  	s0 =	rddreg [dreg:$0x0];
	s2 =	stileid.u32  }
0xc7: {  	s1 =	rddreg [dreg:$0x1];
	p0 =	sne.s32 s2, $0x0  }
0xc8: {  	s3 =	rddreg [dreg:$0x2];
	[bflag:$0x3] =	sbarrier.arrive $0xFFFF;
	s2 =	simm.s32 @!p0 $0x1C02  }
0xc9: {  	[timem:s3], [sflag:s2] =	dma.local @!p0 [hbm:s0], s1  }
0xca: {  	s0 =	simm.s32 @!p0 $0x2  }
0xcb: {  	_ =	swait.ge @!p0 [sflag:s0], s1  }
0xcc: {  	s1 =	ssub.s32 @!p0 $0x0, s1;
	[sflag:s0] =	ssyncset.done @!p0 $0x0  }
0xcd: {  	[sflag:s0] =	ssyncadd.s32 @!p0 s1  }
0xce: {  	[bflag:$0x3] =	sbarrier.arrive $0xFFFF  }
0xcf: {  	_ =	shalt  }

// kernel: kernel.8.cloned.1.call-start
scs
__scs_entry_jumppad:
0x0: {  	(pc) =	sbr.rel $0x88, $3  }
0x1: {  	(tag) =	ssettag $0x0;
	lr =	simm.s32 $0x1  }
0x2: {  	[smem:$0x3F96] =	sst lr;
	_ =	strace $0xD0000000  }
0x3: {  	_ = 	snop  }
0x4: {  	_ = 	snop  }
0x5: {  	_ = 	snop  }
0x6: {  	_ = 	snop  }
0x7: {  	_ = 	snop  }
__scs_overlays_trampoline_lowered:
0x8: {  	[smem:$0x3FA5] =	sst s0  }
0x9: {  	[smem:$0x3FA6] =	sst s1  }
0xa: {  	[smem:$0x3FA7] =	sst s2  }
0xb: {  	[smem:$0x3FA8] =	sst s3  }
0xc: {  	[smem:$0x3FA9] =	sst s4  }
0xd: {  	[smem:$0x3FAA] =	sst s5  }
0xe: {  	[smem:$0x3FAB] =	sst s6  }
0xf: {  	[smem:$0x3FAC] =	sst s7  }
0x10: {  	[smem:$0x3FAD] =	sst s8  }
0x11: {  	[smem:$0x3FAE] =	sst s9;
	s0 =	simm.s32 @!p0 $0x0  }
0x12: {  	s1 =	sld [smem:$0x3F94];
	s0 =	simm.s32 @p0 $0x1  }
0x13: {  	[smem:$0x3FAF] =	sst s0;
	s0 =	simm.s32 @!p1 $0x0  }
0x14: {  	s2 =	sld [smem:$0x3F93];
	s0 =	simm.s32 @p1 $0x1  }
0x15: {  	[smem:$0x3FB0] =	sst s0;
	s0 =	simm.s32 @!p2 $0x0  }
0x16: {  	s3 =	sld [smem:$0x3FDB];
	s0 =	simm.s32 @p2 $0x1  }
0x17: {  	s4 =	simm.s32 $0x1BF5;
	[smem:$0x3FB2] =	sst s0  }
0x18: {  	s0 =	sld [smem:$0x3F95];
	_ =	swait.ge [sflag:s4], $0x0  }
0x19: {  	s7 =	sld [smem:$0x3F96]  }
0x1a: {  	s8 =	sadd.s32 $0xFFFFE003, lr  }
0x1b: {  	s9 =	sadd.s32 $0xFFFFFEF7, lr;
	s5 =	simm.s32 $0xFFFFFFFF;
	p2 =	slt.u32 s8, $0xFFFFF086  }
0x1c: {  	p1 =	slt.u32 s9, $0xF7A;
	s5 =	simm.s32 @!p2 $0x0  }
0x1d: {  	s5 =	simm.s32 @p1 $0x1;
	p0 =	seq.s32 s7, s2  }
0x1e: {  	s7 =	smul.u32 @!p0 $0xF7A, s2;
	p2 =	seq.s32 @!p0 s5, $0x0  }
0x1f: {  	s9 =	smul.u32 $0xF7A, s1;
	s8 =	simm.s32 @!p0 $0x1BF5;
	p2 =	por !p2, p0  }
0x20: {  	[sflag:s8] =	ssyncset.s32 @!p0 $0xFFFFF086;
	s6 =	sadd.s32 @!p0 s3, s7;
	s7 =	simm.s32 @!p0 $0x108  }
0x21: {  	s3 =	sadd.s32 s3, s9;
	s6 =	sadd.s32 @!p0 $0x88, s6;
	s7 =	simm.s32 @p2 $0x1082  }
0x22: {  	[simem:s7], [sflag:s8] =	dma.local @!p0 [hbm:s6], $0xF7A  }
0x23: {  	s9 =	sor.u32 $0xD0000000, s2;
	s6 =	simm.s32 $0x108;
	_ =	swait.ge @!p0 [sflag:s8], $0x0  }
0x24: {  	s3 =	sadd.s32 $0x88, s3;
	s6 =	simm.s32 @!p1 $0x1082;
	[sflag:s4] =	ssyncset.s32 $0xFFFFF086  }
0x25: {  	[simem:s6], [sflag:s4] =	dma.local [hbm:s3], $0xF7A  }
0x26: {  	[smem:$0x3F96] =	sst s1;
	(tag) =	ssettag s2;
	_ =	strace s9  }
0x27: {  	s1 =	sld [smem:$0x3FA6]  }
0x28: {  	s2 =	sld [smem:$0x3FA7]  }
0x29: {  	s4 =	sld [smem:$0x3FA9]  }
0x2a: {  	p0 =	seq.s32 s5, $0x0;
	s5 =	sld [smem:$0x3FAA]  }
0x2b: {  	s6 =	sld [smem:$0x3FAB]  }
0x2c: {  	s7 =	sld [smem:$0x3FAC]  }
0x2d: {  	s3 =	simm.s32 $0x108;
	s8 =	sld [smem:$0x3FAD]  }
0x2e: {  	s3 =	simm.s32 @!p0 $0x1082;
	s9 =	sld [smem:$0x3FAE]  }
0x2f: {  	lr =	sadd.s32 s0, s3;
	s0 =	sld [smem:$0x3FA5]  }
0x30: {  	s3 =	sld [smem:$0x3FA8]  }
0x31: {  	[smem:$0x3FB1] =	sst s10  }
0x32: {  	s10 =	sld [smem:$0x3FAF];
	_ =	sdelay $0x3  }
0x33: {  	p0 =	seq.s32 s10, $0x1;
	s10 =	sld [smem:$0x3FB1];
	_ =	sdelay $0x3  }
0x34: {  	[smem:$0x3FB1] =	sst s10  }
0x35: {  	s10 =	sld [smem:$0x3FB0];
	_ =	sdelay $0x3  }
0x36: {  	p1 =	seq.s32 s10, $0x1;
	s10 =	sld [smem:$0x3FB1];
	_ =	sdelay $0x3  }
0x37: {  	[smem:$0x3FB1] =	sst s10  }
0x38: {  	s10 =	sld [smem:$0x3FB2]  }
0x39: {  	_ = 	snop;
	(pc) =	sbr.ind lr, $3  }
0x3a: {  	_ = 	snop  }
0x3b: {  	_ = 	snop  }
0x3c: {  	p2 =	seq.s32 s10, $0x1;
	s10 =	sld [smem:$0x3FB1]  }
0x3d: {  	_ =	shalt  }
0x3e: {  	_ =	shalt  }
0x3f: {  	_ =	shalt  }
0x40: {  	_ =	shalt  }
0x41: {  	_ =	shalt  }
0x42: {  	_ =	shalt  }
0x43: {  	_ =	shalt  }
0x44: {  	_ =	shalt  }
0x45: {  	_ =	shalt  }
0x46: {  	_ =	shalt  }
0x47: {  	_ =	shalt  }
0x48: {  	_ =	shalt  }
0x49: {  	_ =	shalt  }
0x4a: {  	_ =	shalt  }
0x4b: {  	_ =	shalt  }
0x4c: {  	_ =	shalt  }
0x4d: {  	_ =	shalt  }
0x4e: {  	_ =	shalt  }
0x4f: {  	_ =	shalt  }
0x50: {  	_ =	shalt  }
0x51: {  	_ =	shalt  }
0x52: {  	_ =	shalt  }
0x53: {  	_ =	shalt  }
0x54: {  	_ =	shalt  }
0x55: {  	_ =	shalt  }
0x56: {  	_ =	shalt  }
0x57: {  	_ =	shalt  }
0x58: {  	_ =	shalt  }
0x59: {  	_ =	shalt  }
0x5a: {  	_ =	shalt  }
0x5b: {  	_ =	shalt  }
0x5c: {  	_ =	shalt  }
0x5d: {  	_ =	shalt  }
0x5e: {  	_ =	shalt  }
0x5f: {  	_ =	shalt  }
0x60: {  	_ =	shalt  }
0x61: {  	_ =	shalt  }
0x62: {  	_ =	shalt  }
0x63: {  	_ =	shalt  }
0x64: {  	_ =	shalt  }
0x65: {  	_ =	shalt  }
0x66: {  	_ =	shalt  }
0x67: {  	_ =	shalt  }
0x68: {  	_ =	shalt  }
0x69: {  	_ =	shalt  }
0x6a: {  	_ =	shalt  }
0x6b: {  	_ =	shalt  }
0x6c: {  	_ =	shalt  }
0x6d: {  	_ =	shalt  }
0x6e: {  	_ =	shalt  }
0x6f: {  	_ =	shalt  }
0x70: {  	_ =	shalt  }
0x71: {  	_ =	shalt  }
0x72: {  	_ =	shalt  }
0x73: {  	_ =	shalt  }
0x74: {  	_ =	shalt  }
0x75: {  	_ =	shalt  }
0x76: {  	_ =	shalt  }
0x77: {  	_ =	shalt  }
0x78: {  	_ =	shalt  }
0x79: {  	_ =	shalt  }
0x7a: {  	_ =	shalt  }
0x7b: {  	_ =	shalt  }
0x7c: {  	_ =	shalt  }
0x7d: {  	_ =	shalt  }
0x7e: {  	_ =	shalt  }
0x7f: {  	_ =	shalt  }
0x80: {  	_ =	shalt  }
0x81: {  	_ =	shalt  }
0x82: {  	_ =	shalt  }
0x83: {  	_ =	shalt  }
0x84: {  	_ =	shalt  }
0x85: {  	_ =	shalt  }
0x86: {  	_ =	shalt  }
0x87: {  	_ =	shalt  }
.Lfunc_end0:
.L_simem_size_0:
called_computation_lowered:
.L_overlay_start_0:
0x88: {  	s2 =	sld [smem:$0x3FD9]  }
0x89: {  	s3 =	sld [smem:$0x3FFE];
	_ =	sdelay $0x1  }
0x8a: {  	s1 =	srdreg.scid  }
0x8b: {  	s0 =	sand.u32 $0x1, s1  }
0x8c: {  	s17 =	sshll.u32 s0, $0xA;
	s2 =	sadd.s32 s3, s2  }
0x8d: {  	s2 =	sadd.s32 s2, s17  }
0x8e: {  	[smem:$0x3FBD] =	sst s2  }
0x8f: {  	_ = 	snop  }
0x90: {  	s2 =	sld [smem:$0x3FD0];
	(tm) =	ssettm $0x1  }
0x91: {  	s18 =	sld [smem:$0x3FFB];
	_ =	sdelay $0x3  }
0x92: {  	_ =	strace s18  }
0x93: {  	s3 =	sld [smem:$0x3FFC];
	_ =	sdelay $0x3  }
0x94: {  	_ =	strace s3  }
0x95: {  	s3 =	sld [smem:$0x3FFD];
	_ =	sdelay $0x3  }
0x96: {  	_ =	strace s3  }
0x97: {  	_ =	strace $0x8FFFFFFF  }
0x98: {  	s19 =	sld [smem:$0x3FDB];
	_ =	sdelay $0x1  }
0x99: {  	s4 =	simm.s32 $_scs_section_size  }
0x9a: {  	s5 =	simm.s32 $_size__tile_overlayer_lowered;
	s6 =	simm.s32 $_tile_overlayer_lowered  }
0x9b: {  	s22 =	simm.s32 $0x1BFF;
	s21 =	sshll.u32 s6, $0x1;
	s3 =	sadd.s32 s4, s19  }
0x9c: {  	s7 =	simm.s32 $0x0;
	s20 =	sshll.u32 s5, $0x1;
	s5 =	sadd.s32 s21, s3  }
0x9d: {  	[timem:s7], [sflag:s22] =	dma.local [hbm:s5], s20  }
0x9e: {  	_ =	swait.ge [sflag:s22], s20  }
0x9f: {  	s4 =	ssub.s32 $0x0, s20;
	[sflag:s22] =	ssyncset.done $0x0  }
0xa0: {  	[sflag:s22] =	ssyncadd.s32 s4;
	_ =	sdelay $0x1  }
0xa1: {  	s23 =	simm.s32 $0x1B8B  }
0xa2: {  	_ =	swait.ge [sflag:s23], $0x1  }
0xa3: {  	[sflag:s23] =	ssyncset.done $0x0  }
0xa4: {  	s25 =	simm.s32 $0x1B8E;
	s24 =	sld [smem:$0x3FFE];
	[sflag:s23] =	ssyncadd.s32 $0xFFFFFFFF  }
0xa5: {  	s26 =	simm.s32 $execute0_lowered;
	[smem:$0x3FD2] =	sst s25  }
0xa6: {  	s5 =	sshll.u32 s26, $0x1;
	_ =	strace $0x80000046;
	[dreg:$0x1] =	wrdreg $0xFFFFFFFF  }
0xa7: {  	s28 =	simm.s32 $_size_execute0_lowered;
	s3 =	sadd.s32 s3, s5;
	[dreg:$0x0] =	wrdreg $0x0  }
0xa8: {  	s5 =	sshll.u32 s28, $0x1;
	[dreg:$0x2] =	wrdreg s3  }
0xa9: {  	[dreg:$0x3] =	wrdreg s5  }
0xaa: {  	[dreg:$0x4] =	wrdreg $0xC0  }
0xab: {  	_ =	task [dreg:s7], $0x5FFFF  }
0xac: {  	[dreg:$0x1] =	wrdreg $0xFFFFFFFF  }
0xad: {  	[dreg:$0x0] =	wrdreg $0x60  }
0xae: {  	[dreg:$0x2] =	wrdreg s24  }
0xaf: {  	[dreg:$0x3] =	wrdreg s2  }
0xb0: {  	[dreg:$0x4] =	wrdreg $0xA2000  }
0xb1: {  	[dreg:$0x5] =	wrdreg $0x1E1000  }
0xb2: {  	[dreg:$0x6] =	wrdreg $0x9  }
0xb3: {  	_ =	task.clear_ibuf [dreg:s7], $0x7FFFF;
	_ =	strace $0x90000046  }
0xb4: {  	s29 =	simm.s32 $0x9;
	_ =	strace $0x80000048  }
0xb5: {  	_ =	swait.ge [sflag:s29], $0x1  }
0xb6: {  	[sflag:s29] =	ssyncadd.s32 $0xFFFFFFFF  }
0xb7: {  	_ =	strace $0x90000048  }
0xb8: {  	_ =	sfence  }
0xb9: {  	s30 =	sld [smem:$0x0];
	_ =	sdelay $0x2  }
0xba: {  	s31 =	sshll.u32 s1, $0xD;
	s1 =	sshrl.u32 s1, $0x2  }
0xbb: {  	s3 =	sand.u32 $0x4000, s31;
	s1 =	sadd.s32 s1, s30  }
0xbc: {  	s0 =	sor.u32 s3, s0;
	s1 =	sshll.u32 s1, $0x11  }
0xbd: {  	s0 =	sor.u32 s1, s0  }
0xbe: {  	s0 =	sadd.s32 $0x8F2B, s0  }
0xbf: {  	[sflag:s0] =	ssyncadd.remote.s32 $0x1  }
0xc0: {  	_ =	sfence.sel $0xFFFF  }
0xc1: {  	[dreg:$0x0] =	wrdreg $0xFFFFFFFF;
	(pc) =	sbr.abs _section_cstart, $3  }
0xc2: {  	[dreg:$0x1] =	wrdreg $0xFFFFFFFF  }
0xc3: {  	_ =	task.clear_ibuf [dreg:s7], $0x2FFFF;
	_ =	strace $0x9FFFFFFF  }
0xc4: {  	(tm) =	ssettm $0x7FFFFFFF  }
0xc5: {  	_ =	shalt  }
tec
execute0_lowered:
.L_overlay_start_1:
0x0: {  	(tag) =	ssettag $0x1  }
0x1: {  	s0 =	rddreg [dreg:$0x0]  }
0x2: {  	s1 =	rddreg [dreg:$0x1]  }
0x3: {  	s3 =	rddreg [dreg:$0x2]  }
0x4: {  	s4 =	rddreg [dreg:$0x3];
	s19 =	stileid.u32  }
0x5: {  	s2 =	srdreg.scid;
	s5 =	simm.s32 $0x0;
	s7 =	smul.u32 $0x2780, s19  }
0x6: {  	s28 =	simm.s32 $0x1;
	s29 =	simm.s32 $0x1DE00;
	s14 =	smul.u32 $0x4F000, s19  }
0x7: {  	s2 =	sand.u32 $0x1, s2;
	[smem:$0x7FF] =	sst s5;
	s31 =	smul.u32 $0x280, s19  }
0x8: {  	s6 =	sadd.s32 $0x4800, s0;
	s11 =	sshll.u32 s19, $0x5;
	s22 =	smul.u32 $0xA00, s19  }
0x9: {  	s20 =	sshll.u32 s19, $0xB;
	p1 =	seq.s32 s19, $0xF;
	s8 =	smul.u32 $0x27800, s2  }
0xa: {  	_ =	strace $0x80000047;
	s25 =	ssub.s32 $0x2, s2;
	s15 =	smul.u32 $0x2710, s2  }
0xb: {  	p0 =	seq.s32 s2, $0x0;
	s11 =	sor.u32 $0x800, s11;
	s18 =	smul.u32 $0x2740, s2  }
0xc: {  	s10 =	sshrl.u32 s25, $0x1;
	s13 =	sshll.u32 s11, $0x4;
	s30 =	sshrl.u32 s14, $0x2  }
0xd: {  	s14 =	sadd.s32 s1, s20;
	s20 =	sadd.s32 s31, s4;
	s7 =	sadd.s32 s7, s8  }
0xe: {  	s12 =	ssub.s32 s25, s10;
	s10 =	sshll.u32 s19, $0x7;
	s8 =	simm.s32 $0x80  }
0xf: {  	s26 =	sadd.s32 s1, s13;
	[dreg:$0x6] =	wrdreg s14;
	s24 =	sadd.s32 s31, s18  }
0x10: {  	s14 =	sshrl.u32 s22, $0x2;
	s9 =	sadd.s32 s7, s0;
	s0 =	sadd.s32 $0x52A00, s0  }
0x11: {  	s7 =	simm.s32 $0x80;
	s11 =	smov.u32 @p0 s10;
	[dreg:$0x5] =	wrdreg s26  }
0x12: {  	s10 =	sadd.s32 s30, s3;
	s25 =	sshrl.u32 s24, $0x3;
	s14 =	sadd.s32 s14, s4  }
0x13: {  	s30 =	sshrl.u32 s18, $0x3;
	s18 =	sadd.s32 $0x2580, s4;
	s22 =	smax.u32 s12, $0x1  }
0x14: {  	s24 =	simm.s32 $0x2200;
	s21 =	sadd.s32 $0x4000, s10;
	[dreg:$0xb] =	wrdreg s14  }
0x15: {  	s7 =	simm.s32 @!p0 $0x20;
	s16 =	sadd.s32 $0x8000, s10;
	[dreg:$0x7] =	wrdreg s21  }
0x16: {  	s23 =	sadd.s32 $0xC000, s10;
	s17 =	sadd.s32 $0x10000, s10;
	[dreg:$0x8] =	wrdreg s16  }
0x17: {  	s26 =	sadd.s32 s0, s25;
	s0 =	sadd.s32 s0, s30;
	[dreg:$0x9] =	wrdreg s23  }
0x18: {  	s9 =	sadd.s32 $0x53400, s9;
	s31 =	sshll.u32 s11, $0x7;
	[dreg:$0xa] =	wrdreg s17  }
0x19: {  	p0 =	sne.s32 s2, $0x0;
	s25 =	simm.s32 $0x2;
	[dreg:$0xc] =	wrdreg s26  }
0x1a: {  	v1 =	vimm.f32 $0.0e+00;
	v2 =	vimm.f32 $1.000000000e+00;
	v0 =	vmov s15;
	[dreg:$0xd] =	wrdreg s9;
	s21 =	sadd.s32 $0x4B0, s0;
	s12 =	sor.u32 $0x80, s31  }
.LBB2_1:
0x1b: {  	s0 =	simm.s32 @p0 $0x0;
	s2 =	rddreg [dreg:$0x5]  }
0x1c: {  	[tilespmem:s0], [sflag:$0x2] =	stream.linear.gather @p0 [hbm4b:s2+s0], $0x1000, $0x38;
	[tilespmem:$0x1E378] =	vst v63  }
0x1d: {  	s0 =	simm.s32 @p0 $0x2  }
0x1e: {  	_ =	swait.ge @p0 [sflag:s0], $0x1000  }
0x1f: {  	[sflag:s0] =	ssyncset.done @p0 $0x0  }
0x20: {  	s2 =	rddreg [dreg:$0x6];
	[sflag:s0] =	ssyncadd.s32 @p0 $0xFFFFF000;
	s0 =	simm.s32 @!p0 $0x0  }
0x21: {  	[tilespmem:s0], [sflag:$0x2] =	stream.linear.gather @!p0 [hbm4b:s2+s0], $0x2000, $0x38;
	[tilespmem:$0x1E378] =	vst v63  }
0x22: {  	s0 =	simm.s32 @!p0 $0x2  }
0x23: {  	_ =	swait.ge @!p0 [sflag:s0], $0x2000  }
0x24: {  	[sflag:s0] =	ssyncset.done @!p0 $0x0  }
0x25: {  	s2 =	simm.s32 $0x200;
	[sflag:s0] =	ssyncadd.s32 @!p0 $0xFFFFE000;
	s0 =	simm.s32 $0x0  }
.LBB2_2:
0x26: {  	p2 =	sne.s32 s2, $0xFE00;
	[tilespmem:s0+$0x2270] =	vst v1  }
0x27: {  	[tilespmem:s0+$0x2200] =	vst v1  }
0x28: {  	[tilespmem:s0+$0x2210] =	vst v1  }
.Ltmp0:
0x29: {  	[tilespmem:s0+$0x2220] =	vst v1;
	(pc) =	sbr.rel @p2 .LBB2_2-.Ltmp0, $4  }
0x2a: {  	[tilespmem:s0+$0x2230] =	vst v1  }
0x2b: {  	[tilespmem:s0+$0x2240] =	vst v1  }
0x2c: {  	[tilespmem:s0+$0x2250] =	vst v1  }
0x2d: {  	[tilespmem:s0+$0x2260] =	vst v1;
	s0 =	sshra.s32 s2, $0x2;
	s2 =	sadd.s32 $0x200, s2  }
0x2e: {  	[tilespmem:s0+$0x2270] =	vst v1  }
0x2f: {  	[tilespmem:s0+$0x2200] =	vst v1  }
0x30: {  	[tilespmem:s0+$0x2210] =	vst v1  }
0x31: {  	[tilespmem:s0+$0x2220] =	vst v1  }
0x32: {  	[tilespmem:s0+$0x2230] =	vst v1  }
0x33: {  	[tilespmem:s0+$0x2240] =	vst v1  }
0x34: {  	[tilespmem:s0+$0x2250] =	vst v1  }
0x35: {  	[tilespmem:s0+$0x2260] =	vst v1  }
0x36: {  	[spmem:s10] =	stream.linear.scatter [tilespmem:s24], [sflag:$0x2], $0x4000, $0x38;
	[tilespmem:$0x1E378] =	vst v63  }
0x37: {  	_ =	swait.ge [sflag:s25], $0x4000  }
0x38: {  	[sflag:s25] =	ssyncset.done $0x0  }
0x39: {  	s15 =	rddreg [dreg:$0x7];
	[sflag:s25] =	ssyncadd.s32 $0xFFFFC000  }
0x3a: {  	[spmem:s15] =	stream.linear.scatter [tilespmem:s24], [sflag:$0x2], $0x4000, $0x38;
	[tilespmem:$0x1E378] =	vst v63  }
0x3b: {  	_ =	swait.ge [sflag:s25], $0x4000  }
0x3c: {  	[sflag:s25] =	ssyncset.done $0x0  }
0x3d: {  	s16 =	rddreg [dreg:$0x8];
	[sflag:s25] =	ssyncadd.s32 $0xFFFFC000  }
0x3e: {  	[spmem:s16] =	stream.linear.scatter [tilespmem:s24], [sflag:$0x2], $0x4000, $0x38;
	[tilespmem:$0x1E378] =	vst v63  }
0x3f: {  	_ =	swait.ge [sflag:s25], $0x4000  }
0x40: {  	[sflag:s25] =	ssyncset.done $0x0  }
0x41: {  	s17 =	rddreg [dreg:$0x9];
	[sflag:s25] =	ssyncadd.s32 $0xFFFFC000  }
0x42: {  	[spmem:s17] =	stream.linear.scatter [tilespmem:s24], [sflag:$0x2], $0x4000, $0x38;
	[tilespmem:$0x1E378] =	vst v63  }
0x43: {  	_ =	swait.ge [sflag:s25], $0x4000  }
0x44: {  	[sflag:s25] =	ssyncset.done $0x0  }
0x45: {  	s19 =	rddreg [dreg:$0xa];
	[sflag:s25] =	ssyncadd.s32 $0xFFFFC000  }
0x46: {  	[spmem:s19] =	stream.linear.scatter [tilespmem:s24], [sflag:$0x2], $0x3C00, $0x38;
	[tilespmem:$0x1E378] =	vst v63  }
0x47: {  	_ =	swait.ge [sflag:s25], $0x3C00  }
0x48: {  	[sflag:s25] =	ssyncset.done $0x0  }
0x49: {  	[sflag:s25] =	ssyncadd.s32 $0xFFFFC400  }
0x4a: {  	[tilespmem:$0x1DE00] =	vst v2  }
0x4b: {  	[tilespmem:$0x1DE10] =	vst v2  }
0x4c: {  	[tilespmem:$0x1DE20] =	vst v2  }
0x4d: {  	[tilespmem:$0x1DE30] =	vst v2  }
0x4e: {  	[tilespmem:$0x1DE40] =	vst v2  }
0x4f: {  	[tilespmem:$0x1DE50] =	vst v2  }
0x50: {  	[tilespmem:$0x1DE60] =	vst v2  }
0x51: {  	[tilespmem:$0x1DE70] =	vst v2  }
0x52: {  	[tilespmem:$0x1DE80] =	vst v1  }
0x53: {  	[tilespmem:$0x1DE90] =	vst v1  }
0x54: {  	[tilespmem:$0x1DEA0] =	vst v1  }
0x55: {  	[tilespmem:$0x1DEB0] =	vst v1  }
0x56: {  	[tilespmem:$0x1DEC0] =	vst v1  }
0x57: {  	[tilespmem:$0x1DED0] =	vst v1  }
0x58: {  	[tilespmem:$0x1DEE0] =	vst v1  }
0x59: {  	[tilespmem:$0x1DEF0] =	vst v1  }
0x5a: {  	[tilespmem:$0x1DF00] =	vst v1  }
0x5b: {  	[tilespmem:$0x1DF10] =	vst v1  }
0x5c: {  	[tilespmem:$0x1DF20] =	vst v1  }
0x5d: {  	[tilespmem:$0x1DF30] =	vst v1  }
0x5e: {  	[tilespmem:$0x1DF40] =	vst v1  }
0x5f: {  	[tilespmem:$0x1DF50] =	vst v1  }
0x60: {  	[tilespmem:$0x1DF60] =	vst v1  }
0x61: {  	[tilespmem:$0x1DF70] =	vst v1  }
0x62: {  	[tilespmem:$0x1DF80] =	vst v1  }
0x63: {  	[tilespmem:$0x1DF90] =	vst v1  }
0x64: {  	[tilespmem:$0x1DFA0] =	vst v1  }
0x65: {  	[tilespmem:$0x1DFB0] =	vst v1  }
0x66: {  	[tilespmem:$0x1DFC0] =	vst v1  }
0x67: {  	[tilespmem:$0x1DFD0] =	vst v1  }
0x68: {  	[tilespmem:$0x1DFE0] =	vst v1  }
0x69: {  	[tilespmem:$0x1DFF0] =	vst v1  }
0x6a: {  	[tilespmem:$0x1E000] =	vst v1  }
0x6b: {  	[tilespmem:$0x1E010] =	vst v1  }
0x6c: {  	[tilespmem:$0x1E020] =	vst v1  }
0x6d: {  	[tilespmem:$0x1E030] =	vst v1  }
0x6e: {  	[tilespmem:$0x1E040] =	vst v1  }
0x6f: {  	[tilespmem:$0x1E050] =	vst v1  }
0x70: {  	[tilespmem:$0x1E060] =	vst v1  }
0x71: {  	[tilespmem:$0x1E070] =	vst v1  }
0x72: {  	[tilespmem:$0x1E080] =	vst v1  }
0x73: {  	[tilespmem:$0x1E090] =	vst v1  }
0x74: {  	[tilespmem:$0x1E0A0] =	vst v1  }
0x75: {  	[tilespmem:$0x1E0B0] =	vst v1  }
0x76: {  	[tilespmem:$0x1E0C0] =	vst v1  }
0x77: {  	[tilespmem:$0x1E0D0] =	vst v1  }
0x78: {  	[tilespmem:$0x1E0E0] =	vst v1  }
0x79: {  	s26 =	simm.s32 @p1 $0x1DE80;
	s0 =	simm.s32 @p1 $0x2;
	[tilespmem:$0x1E0F0] =	vst v1  }
0x7a: {  	[spmem:s18] =	stream.linear.scatter @p1 [tilespmem:s26], [sflag:$0x2], $0x1C0, $0x38;
	[tilespmem:$0x1E378] =	vst v63  }
0x7b: {  	_ =	swait.ge @p1 [sflag:s0], $0x1C0  }
0x7c: {  	s31 =	simm.s32 @!p1 $0x1DE80;
	[sflag:s0] =	ssyncset.done @p1 $0x0  }
0x7d: {  	s30 =	simm.s32 @!p1 $0x2;
	s2 =	rddreg [dreg:$0xb];
	[sflag:s0] =	ssyncadd.s32 @p1 $0xFFFFFE40  }
0x7e: {  	[spmem:s2] =	stream.linear.scatter @!p1 [tilespmem:s31], [sflag:$0x2], $0x280, $0x38;
	[tilespmem:$0x1E378] =	vst v63  }
0x7f: {  	_ =	swait.ge @!p1 [sflag:s30], $0x280  }
0x80: {  	[sflag:s30] =	ssyncset.done @!p1 $0x0  }
0x81: {  	[sflag:s30] =	ssyncadd.s32 @!p1 $0xFFFFFD80  }
0x82: {  	[bflag:$0x0] =	sbarrier.arrive $0xFFFF  }
0x83: {  	v3 =	vld [tilespmem:$0x0]  }
0x84: {  	v4 =	vld [tilespmem:$0x10];
	_ =	sdelay $0x1  }
0x85: {  	v5 =	vld [tilespmem:$0x20];
	_ =	sdelay $0x1  }
0x86: {  	v7 =	vld [tilespmem:$0x30];
	v6 =	vand.u32 $0xFFFF, v3;
	v3 =	vshrl.u32 v3, $0x10  }
0x87: {  	v59 =	vand.u32 $0xFFFF, v4;
	v6 =	vadd.s32 v0, v6;
	[tilespmem:$0x2100] =	vst v3  }
0x88: {  	v60 =	vld [tilespmem:$0x40];
	v3 =	vadd.s32 v0, v59;
	[tilespmem:$0x2000] =	vst v6  }
0x89: {  	[tilespmem:$0x2010] =	vst v3;
	v3 =	vshrl.u32 v4, $0x10;
	v4 =	vand.u32 $0xFFFF, v5  }
0x8a: {  	[tilespmem:$0x2110] =	vst v3;
	v3 =	vadd.s32 v0, v4;
	v4 =	vld [tilespmem:$0x50]  }
0x8b: {  	[tilespmem:$0x2020] =	vst v3;
	v3 =	vshrl.u32 v5, $0x10;
	v5 =	vand.u32 $0xFFFF, v7  }
0x8c: {  	[tilespmem:$0x2120] =	vst v3;
	v3 =	vadd.s32 v0, v5;
	v5 =	vld [tilespmem:$0x60]  }
0x8d: {  	v61 =	vand.u32 $0xFFFF, v60;
	[tilespmem:$0x2030] =	vst v3;
	v3 =	vshrl.u32 v7, $0x10  }
0x8e: {  	v62 =	vld [tilespmem:$0x70];
	[tilespmem:$0x2130] =	vst v3;
	v3 =	vadd.s32 v0, v61  }
0x8f: {  	[tilespmem:$0x2040] =	vst v3;
	v3 =	vshrl.u32 v60, $0x10;
	v63 =	vand.u32 $0xFFFF, v4  }
0x90: {  	[tilespmem:$0x2140] =	vst v3;
	v3 =	vadd.s32 v0, v63  }
0x91: {  	s2 =	simm.s32 $0x1;
	[tilespmem:$0x2050] =	vst v3;
	v3 =	vshrl.u32 v4, $0x10;
	v4 =	vand.u32 $0xFFFF, v5  }
0x92: {  	p2 =	sle.u32 s7, $0x1;
	s9 =	sand.u32 $0x3F, s2;
	[tilespmem:$0x2150] =	vst v3;
	v3 =	vadd.s32 v0, v4  }
0x93: {  	p3 =	sne.s32 @!p2 s9, $0x0;
	v4 =	vand.u32 $0xFFFF, v62;
	[tilespmem:$0x2060] =	vst v3;
	v3 =	vshrl.u32 v5, $0x10  }
0x94: {  	p3 =	por p3, p2;
	[tilespmem:$0x2160] =	vst v3;
	v3 =	vadd.s32 v0, v4  }
0x95: {  	s11 =	sshrl.u32 @!p3 s12, $0x3;
	[tilespmem:$0x2070] =	vst v3;
	v3 =	vshrl.u32 v62, $0x10  }
0x96: {  	s23 =	simm.s32 $0x2000;
	s11 =	sand.u32 @!p3 $0x1FFFFF80, s11;
	[tilespmem:$0x2170] =	vst v3  }
0x97: {  	[tilespmem:s24], [sflag:$0x1] =	stream.indirect.gather [hbm4b:s6+s8], $0x80, s23, s8, $0xb8;
	[tilespmem:$0x1E378] =	vst v63  }
0x98: {  	s13 =	simm.s32 @!p3 $0x0;
	s14 =	simm.s32 @!p3 $0x2;
	s11 =	sadd.s32 @!p3 s1, s11  }
0x99: {  	[tilespmem:s13], [sflag:$0x2] =	stream.linear.gather @!p3 [hbm4b:s11+s13], $0x2000, $0x38;
	[tilespmem:$0x1E378] =	vst v63  }
0x9a: {  	_ =	swait.ge @!p3 [sflag:s14], $0x2000  }
0x9b: {  	[sflag:s14] =	ssyncset.done @!p3 $0x0  }
0x9c: {  	s15 =	sshll.u32 @!p2 s9, $0x7;
	[sflag:s14] =	ssyncadd.s32 @!p3 $0xFFFFE000  }
0x9d: {  	v3 =	vld @!p2 [tilespmem:s15+$0x0];
	_ =	sdelay $0x3  }
0x9e: {  	s9 =	sand.u32 $0x1, s2  }
0x9f: {  	s11 =	sshll.u32 @!p2 s9, $0x7;
	v4 =	vand.u32 @!p2 $0xFFFF, v3;
	v3 =	vshrl.u32 @!p2 v3, $0x10  }
0xa0: {  	v4 =	vadd.s32 @!p2 v0, v4;
	[tilespmem:s11+$0x2100] =	vst @!p2 v3  }
0xa1: {  	[tilespmem:s11+$0x2000] =	vst @!p2 v4  }
0xa2: {  	v3 =	vld @!p2 [tilespmem:s15+$0x10];
	_ =	sdelay $0x4  }
0xa3: {  	v4 =	vand.u32 @!p2 $0xFFFF, v3;
	v3 =	vshrl.u32 @!p2 v3, $0x10  }
0xa4: {  	v4 =	vadd.s32 @!p2 v0, v4;
	[tilespmem:s11+$0x2110] =	vst @!p2 v3  }
0xa5: {  	[tilespmem:s11+$0x2010] =	vst @!p2 v4  }
0xa6: {  	v3 =	vld @!p2 [tilespmem:s15+$0x20];
	_ =	sdelay $0x4  }
0xa7: {  	v4 =	vand.u32 @!p2 $0xFFFF, v3;
	v3 =	vshrl.u32 @!p2 v3, $0x10  }
0xa8: {  	v4 =	vadd.s32 @!p2 v0, v4;
	[tilespmem:s11+$0x2120] =	vst @!p2 v3  }
0xa9: {  	[tilespmem:s11+$0x2020] =	vst @!p2 v4  }
0xaa: {  	v3 =	vld @!p2 [tilespmem:s15+$0x30];
	_ =	sdelay $0x4  }
0xab: {  	v4 =	vand.u32 @!p2 $0xFFFF, v3;
	v3 =	vshrl.u32 @!p2 v3, $0x10  }
0xac: {  	v4 =	vadd.s32 @!p2 v0, v4;
	[tilespmem:s11+$0x2130] =	vst @!p2 v3  }
0xad: {  	[tilespmem:s11+$0x2030] =	vst @!p2 v4  }
0xae: {  	v3 =	vld @!p2 [tilespmem:s15+$0x40];
	_ =	sdelay $0x4  }
0xaf: {  	v4 =	vand.u32 @!p2 $0xFFFF, v3;
	v3 =	vshrl.u32 @!p2 v3, $0x10  }
0xb0: {  	v4 =	vadd.s32 @!p2 v0, v4;
	[tilespmem:s11+$0x2140] =	vst @!p2 v3  }
0xb1: {  	[tilespmem:s11+$0x2040] =	vst @!p2 v4  }
0xb2: {  	v3 =	vld @!p2 [tilespmem:s15+$0x50];
	_ =	sdelay $0x4  }
0xb3: {  	v4 =	vand.u32 @!p2 $0xFFFF, v3;
	v3 =	vshrl.u32 @!p2 v3, $0x10  }
0xb4: {  	v4 =	vadd.s32 @!p2 v0, v4;
	[tilespmem:s11+$0x2150] =	vst @!p2 v3  }
0xb5: {  	[tilespmem:s11+$0x2050] =	vst @!p2 v4  }
0xb6: {  	v3 =	vld @!p2 [tilespmem:s15+$0x60];
	_ =	sdelay $0x2  }
0xb7: {  	p3 =	sne.s32 s7, $0x1  }
.Ltmp1:
0xb8: {  	_ = 	snop;
	(pc) =	sbr.rel @!p3 .LBB2_5-.Ltmp1, $4  }
0xb9: {  	v4 =	vand.u32 @!p2 $0xFFFF, v3;
	v3 =	vshrl.u32 @!p2 v3, $0x10  }
0xba: {  	v4 =	vadd.s32 @!p2 v0, v4;
	[tilespmem:s11+$0x2160] =	vst @!p2 v3  }
0xbb: {  	s23 =	smov.u32 s12;
	s14 =	sshll.u32 @!p2 s9, $0xE;
	[tilespmem:s11+$0x2060] =	vst @!p2 v4  }
0xbc: {  	s13 =	sor.u32 @!p2 $0x2000, s11;
	s9 =	simm.s32 $0x0;
	s14 =	sor.u32 @!p2 $0x2200, s14;
	v3 =	vld @!p2 [tilespmem:s15+$0x70]  }
.LBB2_4:
0xbd: {  	_ =	sdelay $0x2  }
0xbe: {  	s15 =	smov.u32 s2;
	s2 =	sadd.s32 $0x1, s2  }
0xbf: {  	s16 =	sand.u32 $0x1, s9;
	p3 =	sne.s32 s7, s2;
	s9 =	smov.u32 s15;
	v4 =	vand.u32 @!p2 $0xFFFF, v3  }
0xc0: {  	s15 =	sand.u32 $0x3F, s2;
	s17 =	sshll.u32 s16, $0xE;
	s16 =	sshll.u32 s16, $0x7;
	v3 =	vshrl.u32 @!p2 v3, $0x10;
	v4 =	vadd.s32 @!p2 v0, v4  }
0xc1: {  	s19 =	simm.s32 @!p2 $0x80;
	s23 =	sadd.s32 $0x80, s23;
	[tilespmem:s11+$0x2070] =	vst @!p2 v4  }
0xc2: {  	[tilespmem:s11+$0x2170] =	vst @!p2 v3  }
0xc3: {  	[tilespmem:s14], [sflag:$0x1] =	stream.indirect.gather @!p2 [hbm4b:s6+s19], $0x80, s13, s19, $0xb8;
	[tilespmem:$0x1E378] =	vst v63  }
0xc4: {  	s11 =	sor.u32 $0x2200, s17;
	p2 =	sge.u32 s2, s7;
	_ =	swait.ge [sflag:s28], $0x4000  }
0xc5: {  	s13 =	sor.u32 $0x2100, s16;
	p4 =	sne.s32 @!p2 s15, $0x0;
	[sflag:s28] =	ssyncset.done $0x0  }
0xc6: {  	p4 =	por p4, p2;
	[sflag:s28] =	ssyncadd.s32 $0xFFFFC000  }
0xc7: {  	[spmem:s3] =	stream.indirect.scatter.add.f32 [tilespmem:s11], [sflag:$0x2], $0x80, s13, s8, $0xb8;
	[tilespmem:$0x1E378] =	vst v63  }
0xc8: {  	s11 =	sshrl.u32 @!p4 s23, $0x3;
	_ =	swait.ge [sflag:s25], $0x4000  }
0xc9: {  	s11 =	sand.u32 @!p4 $0x1FFFFF80, s11;
	[sflag:s25] =	ssyncset.done $0x0  }
0xca: {  	s11 =	sadd.s32 @!p4 s1, s11;
	[sflag:s25] =	ssyncadd.s32 $0xFFFFC000  }
0xcb: {  	[spmem:s4] =	stream.indirect.scatter.add.f32 [tilespmem:s29], [sflag:$0x2], $0x1, s13, s8, $0xb8;
	[tilespmem:$0x1E378] =	vst v63  }
0xcc: {  	_ =	swait.ge [sflag:s25], $0x80  }
0xcd: {  	[sflag:s25] =	ssyncset.done $0x0  }
0xce: {  	s14 =	simm.s32 @!p4 $0x2;
	s13 =	simm.s32 @!p4 $0x0;
	[sflag:s25] =	ssyncadd.s32 $0xFFFFFF80  }
0xcf: {  	[tilespmem:s13], [sflag:$0x2] =	stream.linear.gather @!p4 [hbm4b:s11+s13], $0x2000, $0x38;
	[tilespmem:$0x1E378] =	vst v63  }
0xd0: {  	_ =	swait.ge @!p4 [sflag:s14], $0x2000  }
0xd1: {  	[sflag:s14] =	ssyncset.done @!p4 $0x0  }
0xd2: {  	s15 =	sshll.u32 @!p2 s15, $0x7;
	[sflag:s14] =	ssyncadd.s32 @!p4 $0xFFFFE000  }
0xd3: {  	v3 =	vld @!p2 [tilespmem:s15+$0x0];
	_ =	sdelay $0x3  }
0xd4: {  	s13 =	sand.u32 $0x1, s2  }
0xd5: {  	s11 =	sshll.u32 @!p2 s13, $0x7;
	s14 =	sshll.u32 @!p2 s13, $0xE;
	v4 =	vand.u32 @!p2 $0xFFFF, v3;
	v3 =	vshrl.u32 @!p2 v3, $0x10  }
0xd6: {  	s13 =	sor.u32 @!p2 $0x2000, s11;
	s14 =	sor.u32 @!p2 $0x2200, s14;
	v4 =	vadd.s32 @!p2 v0, v4;
	[tilespmem:s11+$0x2100] =	vst @!p2 v3  }
0xd7: {  	[tilespmem:s11+$0x2000] =	vst @!p2 v4  }
0xd8: {  	v3 =	vld @!p2 [tilespmem:s15+$0x10];
	_ =	sdelay $0x4  }
0xd9: {  	v4 =	vand.u32 @!p2 $0xFFFF, v3;
	v3 =	vshrl.u32 @!p2 v3, $0x10  }
0xda: {  	v4 =	vadd.s32 @!p2 v0, v4;
	[tilespmem:s11+$0x2110] =	vst @!p2 v3  }
0xdb: {  	[tilespmem:s11+$0x2010] =	vst @!p2 v4  }
0xdc: {  	v3 =	vld @!p2 [tilespmem:s15+$0x20];
	_ =	sdelay $0x4  }
0xdd: {  	v4 =	vand.u32 @!p2 $0xFFFF, v3;
	v3 =	vshrl.u32 @!p2 v3, $0x10  }
0xde: {  	v4 =	vadd.s32 @!p2 v0, v4;
	[tilespmem:s11+$0x2120] =	vst @!p2 v3  }
0xdf: {  	[tilespmem:s11+$0x2020] =	vst @!p2 v4  }
0xe0: {  	v3 =	vld @!p2 [tilespmem:s15+$0x30];
	_ =	sdelay $0x4  }
0xe1: {  	v4 =	vand.u32 @!p2 $0xFFFF, v3;
	v3 =	vshrl.u32 @!p2 v3, $0x10  }
0xe2: {  	v4 =	vadd.s32 @!p2 v0, v4;
	[tilespmem:s11+$0x2130] =	vst @!p2 v3  }
0xe3: {  	[tilespmem:s11+$0x2030] =	vst @!p2 v4  }
0xe4: {  	v3 =	vld @!p2 [tilespmem:s15+$0x40];
	_ =	sdelay $0x4  }
0xe5: {  	v4 =	vand.u32 @!p2 $0xFFFF, v3;
	v3 =	vshrl.u32 @!p2 v3, $0x10  }
0xe6: {  	v4 =	vadd.s32 @!p2 v0, v4;
	[tilespmem:s11+$0x2140] =	vst @!p2 v3  }
0xe7: {  	[tilespmem:s11+$0x2040] =	vst @!p2 v4  }
0xe8: {  	v3 =	vld @!p2 [tilespmem:s15+$0x50];
	_ =	sdelay $0x4  }
0xe9: {  	v4 =	vand.u32 @!p2 $0xFFFF, v3;
	v3 =	vshrl.u32 @!p2 v3, $0x10  }
0xea: {  	v4 =	vadd.s32 @!p2 v0, v4;
	[tilespmem:s11+$0x2150] =	vst @!p2 v3  }
0xeb: {  	[tilespmem:s11+$0x2050] =	vst @!p2 v4  }
0xec: {  	v3 =	vld @!p2 [tilespmem:s15+$0x60];
	_ =	sdelay $0x3  }
.Ltmp2:
0xed: {  	(pc) =	sbr.rel @p3 .LBB2_4-.Ltmp2, $4  }
0xee: {  	v4 =	vand.u32 @!p2 $0xFFFF, v3;
	v3 =	vshrl.u32 @!p2 v3, $0x10  }
0xef: {  	v4 =	vadd.s32 @!p2 v0, v4;
	[tilespmem:s11+$0x2160] =	vst @!p2 v3  }
0xf0: {  	[tilespmem:s11+$0x2060] =	vst @!p2 v4  }
0xf1: {  	v3 =	vld @!p2 [tilespmem:s15+$0x70]  }
.LBB2_5:
0xf2: {  	_ =	sdelay $0x3  }
0xf3: {  	v4 =	vand.u32 @!p2 $0xFFFF, v3;
	v3 =	vshrl.u32 @!p2 v3, $0x10  }
0xf4: {  	v4 =	vadd.s32 @!p2 v0, v4;
	[tilespmem:s11+$0x2170] =	vst @!p2 v3  }
0xf5: {  	s2 =	simm.s32 @!p2 $0x80;
	[tilespmem:s11+$0x2070] =	vst @!p2 v4  }
0xf6: {  	[tilespmem:s14], [sflag:$0x1] =	stream.indirect.gather @!p2 [hbm4b:s6+s2], $0x80, s13, s2, $0xb8;
	[tilespmem:$0x1E378] =	vst v63  }
0xf7: {  	s16 =	sand.u32 $0x1, s9;
	_ =	swait.ge [sflag:s28], $0x4000  }
0xf8: {  	s9 =	sshll.u32 s16, $0xE;
	s2 =	sshll.u32 s16, $0x7;
	[sflag:s28] =	ssyncset.done $0x0  }
0xf9: {  	s9 =	sor.u32 $0x2200, s9;
	s2 =	sor.u32 $0x2100, s2;
	[sflag:s28] =	ssyncadd.s32 $0xFFFFC000  }
0xfa: {  	[spmem:s3] =	stream.indirect.scatter.add.f32 [tilespmem:s9], [sflag:$0x2], $0x80, s2, s8, $0xb8;
	[tilespmem:$0x1E378] =	vst v63  }
0xfb: {  	_ =	swait.ge [sflag:s25], $0x4000  }
0xfc: {  	[sflag:s25] =	ssyncset.done $0x0  }
0xfd: {  	[sflag:s25] =	ssyncadd.s32 $0xFFFFC000  }
0xfe: {  	[spmem:s4] =	stream.indirect.scatter.add.f32 [tilespmem:s29], [sflag:$0x2], $0x1, s2, s8, $0xb8;
	[tilespmem:$0x1E378] =	vst v63  }
0xff: {  	_ =	swait.ge [sflag:s25], $0x80  }
0x100: {  	[sflag:s25] =	ssyncset.done $0x0  }
0x101: {  	s17 =	stileid.u32;
	[sflag:s25] =	ssyncadd.s32 $0xFFFFFF80  }
0x102: {  	s2 =	sshll.u32 s17, $0x6;
	[bflag:$0x0] =	sbarrier.arrive $0xFFFF  }
0x103: {  	s19 =	sshrl.u32 s10, $0x3;
	s2 =	sor.u32 $0x1C02, s2;
	s23 =	rddreg [dreg:$0xd]  }
0x104: {  	[hbm:s23], [sflag:s2] =	dma.local [spmem:s19], $0x2780  }
0x105: {  	_ =	swait.ge [sflag:s25], $0x2780  }
0x106: {  	[sflag:s25] =	ssyncset.done $0x0  }
0x107: {  	[sflag:s25] =	ssyncadd.s32 $0xFFFFD880  }
0x108: {  	[tilespmem:s26], [sflag:$0x2] =	stream.linear.gather @p1 [spmem:s18], $0x1C0, $0x38;
	[tilespmem:$0x1E378] =	vst v63  }
0x109: {  	_ =	swait.ge @p1 [sflag:s0], $0x1C0  }
0x10a: {  	[sflag:s0] =	ssyncset.done @p1 $0x0  }
0x10b: {  	s2 =	simm.s32 @p1 $0x0;
	[sflag:s0] =	ssyncadd.s32 @p1 $0xFFFFFE40  }
0x10c: {  	[hbm4b:s21+s2] =	stream.linear.scatter @p1 [tilespmem:s26], [sflag:$0x2], $0x1C0, $0x38;
	[tilespmem:$0x1E378] =	vst v63  }
0x10d: {  	_ =	swait.ge @p1 [sflag:s0], $0x1C0  }
0x10e: {  	[sflag:s0] =	ssyncset.done @p1 $0x0  }
0x10f: {  	[sflag:s0] =	ssyncadd.s32 @p1 $0xFFFFFE40  }
0x110: {  	[tilespmem:s31], [sflag:$0x2] =	stream.linear.gather @!p1 [spmem:s20], $0x280, $0x38;
	[tilespmem:$0x1E378] =	vst v63  }
0x111: {  	s5 =	sadd.s32 $0x1, s5;
	_ =	swait.ge @!p1 [sflag:s30], $0x280  }
0x112: {  	p2 =	sne.s32 s5, s22;
	s0 =	simm.s32 @!p1 $0x0;
	[sflag:s30] =	ssyncset.done @!p1 $0x0  }
.Ltmp3:
0x113: {  	s2 =	rddreg [dreg:$0xc];
	[sflag:s30] =	ssyncadd.s32 @!p1 $0xFFFFFD80;
	(pc) =	sbr.rel @p2 .LBB2_1-.Ltmp3, $4  }
0x114: {  	[hbm4b:s2+s0] =	stream.linear.scatter @!p1 [tilespmem:s31], [sflag:$0x2], $0x280, $0x38;
	[tilespmem:$0x1E378] =	vst v63  }
0x115: {  	_ =	swait.ge @!p1 [sflag:s30], $0x280  }
0x116: {  	[sflag:s30] =	ssyncset.done @!p1 $0x0  }
0x117: {  	[sflag:s30] =	ssyncadd.s32 @!p1 $0xFFFFFD80  }
0x118: {  	_ =	sfence.sel $0x180000  }
0x119: {  	[bflag:$0x0] =	sbarrier.arrive $0xFFFF  }
0x11a: {  	_ =	strace $0x90000047  }
0x11b: {  	s0 =	stileid.u32;
	[bflag:$0x2] =	sbarrier.arrive $0xFFFF  }
0x11c: {  	p0 =	sne.s32 s0, $0x0;
	s0 =	rddreg [dreg:$0x4]  }
0x11d: {  	s0 =	sadd.s32 @!p0 $0x100000, s0  }
0x11e: {  	[sflag:s0] =	ssyncadd.tile.s32 @!p0 $0x1;
	_ =	shalt  }
.Lfunc_end2:
_tile_overlayer_lowered:
.L_overlay_start_2:
0x11f: {  	(tag) =	ssettag $0x2  }
0x120: {  	s0 =	rddreg [dreg:$0x0];
	s2 =	stileid.u32  }
0x121: {  	s1 =	rddreg [dreg:$0x1];
	p0 =	sne.s32 s2, $0x0  }
0x122: {  	s3 =	rddreg [dreg:$0x2];
	[bflag:$0x3] =	sbarrier.arrive $0xFFFF;
	s2 =	simm.s32 @!p0 $0x1C02  }
0x123: {  	[timem:s3], [sflag:s2] =	dma.local @!p0 [hbm:s0], s1  }
0x124: {  	s0 =	simm.s32 @!p0 $0x2  }
0x125: {  	_ =	swait.ge @!p0 [sflag:s0], s1  }
0x126: {  	s1 =	ssub.s32 @!p0 $0x0, s1;
	[sflag:s0] =	ssyncset.done @!p0 $0x0  }
0x127: {  	[sflag:s0] =	ssyncadd.s32 @!p0 s1  }
0x128: {  	[bflag:$0x3] =	sbarrier.arrive $0xFFFF  }
0x129: {  	_ =	shalt  }

</sc_bundles>
